<compile_context>
chip_gen: v7x
topology: tpu7x:2x2x1
jax: 0.10.2.dev20260603
libtpu: 0.0.44.dev20260713+nightly
codegen_flags: <defaults>
</compile_context>

<pallas_src>
import functools

import jax
import jax.numpy as jnp
from jax import lax
from jax.experimental import pallas as pl
from jax.experimental.pallas import tpu as pltpu
from jax.experimental.pallas import tpu_sc as plsc

N = 10000
E = 320000
D = 128
H = 256
C = 47

NC = 2
NS = 16
CW = 125
WCH = 16
NWIN = 10
CHUNKS = WCH * NWIN
EPAD = NS * CHUNKS * CW
NPAD = 10112
RPT = NPAD // NS

BN = 2000



NBLK = N // BN


def _pay_from(v, gmax, tv):
    m = jnp.maximum(v, 0.0) + 1e-7
    ex = jnp.exp(m * tv - gmax)
    mex = m * ex
    hd = D // 2
    return (jnp.concatenate([mex[:, :hd], ex[:, :hd]], axis=1),
            jnp.concatenate([mex[:, hd:], ex[:, hd:]], axis=1))


def _enc_body(x_ref, w_ref, b_ref, t_ref, h_ref, pay_ref, hs_scr, gmax_scr):
    j = pl.program_id(0)

    @pl.when(j < NBLK)
    def _():
        h = jnp.dot(x_ref[...], w_ref[...], preferred_element_type=jnp.float32)
        h = h + b_ref[...]
        h_ref[...] = h
        hs_scr[pl.ds(j * BN, BN), :] = h
        m = jnp.maximum(h, 0.0) + 1e-7
        bm = jnp.max(m * t_ref[0, 0], axis=0, keepdims=True)

        @pl.when(j == 0)
        def _():
            gmax_scr[...] = bm

        @pl.when(j > 0)
        def _():
            gmax_scr[...] = jnp.maximum(gmax_scr[...], bm)

    @pl.when(j >= NBLK)
    def _():
        i = j - NBLK
        v = hs_scr[pl.ds(i * BN, BN), :]
        p0, p1 = _pay_from(v, gmax_scr[...], t_ref[0, 0])
        pay_ref[0] = p0
        pay_ref[1] = p1


def _enc(x, w, b, t0):
    return pl.pallas_call(
        _enc_body,
        grid=(2 * NBLK,),
        in_specs=[
            pl.BlockSpec((BN, D), lambda i: (jnp.minimum(i, NBLK - 1), 0)),
            pl.BlockSpec((D, D), lambda i: (0, 0)),
            pl.BlockSpec((1, D), lambda i: (0, 0)),
            pl.BlockSpec(memory_space=pltpu.SMEM),
        ],
        out_specs=[
            pl.BlockSpec((BN, D), lambda i: (jnp.minimum(i, NBLK - 1), 0)),
            pl.BlockSpec((2, BN, D),
                         lambda i: (0, jnp.maximum(i - NBLK, 0), 0)),
        ],
        out_shape=[
            jax.ShapeDtypeStruct((N, D), jnp.float32),
            jax.ShapeDtypeStruct((2, N, D), jnp.float32),
        ],
        scratch_shapes=[
            pltpu.VMEM((N, D), jnp.float32),
            pltpu.VMEM((1, D), jnp.float32),
        ],
    )(x, w, b.reshape(1, D), t0.reshape(1, 1))


def _conv_tail(acc0, acc1, v, hp, w1_ref, b1_ref, mg_ref, mb_ref, w2_ref,
               b2_ref, s_ref):
    hd = D // 2
    num = jnp.concatenate([acc0[:, :hd], acc1[:, :hd]], axis=1)
    den = jnp.concatenate([acc0[:, hd:], acc1[:, hd:]], axis=1)
    agg = num / (den + 1e-16)
    msg = agg / jnp.sqrt(jnp.sum(agg * agg, axis=-1, keepdims=True) + 1e-24)
    xn = jnp.sqrt(jnp.sum(v * v, axis=-1, keepdims=True) + 1e-24)
    out = v + msg * xn * s_ref[0, 0]
    z = jnp.dot(out, w1_ref[...], preferred_element_type=jnp.float32)
    z = z + b1_ref[...]
    mu = jnp.mean(z, axis=-1, keepdims=True)
    var = jnp.mean(jnp.square(z - mu), axis=-1, keepdims=True)
    z = (z - mu) / jnp.sqrt(var + 1e-5) * mg_ref[...] + mb_ref[...]
    z = jnp.maximum(z, 0.0)
    r = jnp.dot(z, w2_ref[...], preferred_element_type=jnp.float32)
    return hp + r + b2_ref[...]


def _post_mid_body(acc_ref0, acc_ref1, v_ref, hp_ref, w1_ref, b1_ref, mg_ref,
                   mb_ref, w2_ref, b2_ref, g_ref, be_ref, st_ref,
                   h_ref, vn_ref, pay_ref, vs_scr, gmax_scr):
    j = pl.program_id(0)

    @pl.when(j < NBLK)
    def _():
        h = _conv_tail(acc_ref0[0], acc_ref1[0], v_ref[...], hp_ref[...],
                       w1_ref, b1_ref, mg_ref, mb_ref, w2_ref, b2_ref, st_ref)
        h_ref[...] = h
        mu = jnp.mean(h, axis=-1, keepdims=True)
        var = jnp.mean(jnp.square(h - mu), axis=-1, keepdims=True)
        vn = jnp.maximum(
            (h - mu) / jnp.sqrt(var + 1e-5) * g_ref[...] + be_ref[...], 0.0)
        vn_ref[...] = vn
        vs_scr[pl.ds(j * BN, BN), :] = vn
        bm = jnp.max((vn + 1e-7) * st_ref[0, 1], axis=0, keepdims=True)

        @pl.when(j == 0)
        def _():
            gmax_scr[...] = bm

        @pl.when(j > 0)
        def _():
            gmax_scr[...] = jnp.maximum(gmax_scr[...], bm)

    @pl.when(j >= NBLK)
    def _():
        i = j - NBLK
        v = vs_scr[pl.ds(i * BN, BN), :]
        p0, p1 = _pay_from(v, gmax_scr[...], st_ref[0, 1])
        pay_ref[0] = p0
        pay_ref[1] = p1


def _post_mid(acc, v, hprev, w1, b1, mg, mb, w2, b2, g_next, b_next, si, tn):
    st = jnp.stack([si, tn]).reshape(1, 2)
    return pl.pallas_call(
        _post_mid_body,
        grid=(2 * NBLK,),
        in_specs=[
            pl.BlockSpec((1, BN, D), lambda i: (0, jnp.minimum(i, NBLK - 1), 0)),
            pl.BlockSpec((1, BN, D), lambda i: (1, jnp.minimum(i, NBLK - 1), 0)),
            pl.BlockSpec((BN, D), lambda i: (jnp.minimum(i, NBLK - 1), 0)),
            pl.BlockSpec((BN, D), lambda i: (jnp.minimum(i, NBLK - 1), 0)),
            pl.BlockSpec((D, H), lambda i: (0, 0)),
            pl.BlockSpec((1, H), lambda i: (0, 0)),
            pl.BlockSpec((1, H), lambda i: (0, 0)),
            pl.BlockSpec((1, H), lambda i: (0, 0)),
            pl.BlockSpec((H, D), lambda i: (0, 0)),
            pl.BlockSpec((1, D), lambda i: (0, 0)),
            pl.BlockSpec((1, D), lambda i: (0, 0)),
            pl.BlockSpec((1, D), lambda i: (0, 0)),
            pl.BlockSpec(memory_space=pltpu.SMEM),
        ],
        out_specs=[
            pl.BlockSpec((BN, D), lambda i: (jnp.minimum(i, NBLK - 1), 0)),
            pl.BlockSpec((BN, D), lambda i: (jnp.minimum(i, NBLK - 1), 0)),
            pl.BlockSpec((2, BN, D),
                         lambda i: (0, jnp.maximum(i - NBLK, 0), 0)),
        ],
        out_shape=[
            jax.ShapeDtypeStruct((N, D), jnp.float32),
            jax.ShapeDtypeStruct((N, D), jnp.float32),
            jax.ShapeDtypeStruct((2, N, D), jnp.float32),
        ],
        scratch_shapes=[
            pltpu.VMEM((N, D), jnp.float32),
            pltpu.VMEM((1, D), jnp.float32),
        ],
    )(acc, acc, v, hprev, w1, b1.reshape(1, H), mg.reshape(1, H),
      mb.reshape(1, H), w2, b2.reshape(1, D), g_next.reshape(1, D),
      b_next.reshape(1, D), st)


def _post_last_body(acc_ref0, acc_ref1, v_ref, hp_ref, w1_ref, b1_ref,
                    mg_ref, mb_ref, w2_ref, b2_ref, g_ref, be_ref, wo_ref,
                    bo_ref, st_ref, out_ref):
    h = _conv_tail(acc_ref0[0], acc_ref1[0], v_ref[...], hp_ref[...], w1_ref,
                   b1_ref, mg_ref, mb_ref, w2_ref, b2_ref, st_ref)
    mu = jnp.mean(h, axis=-1, keepdims=True)
    var = jnp.mean(jnp.square(h - mu), axis=-1, keepdims=True)
    z = jnp.maximum((h - mu) / jnp.sqrt(var + 1e-5) * g_ref[...] + be_ref[...], 0.0)
    y = jnp.dot(z, wo_ref[...], preferred_element_type=jnp.float32) + bo_ref[...]
    out_ref[...] = y[:, :C]


def _post_last(acc, v, hprev, w1, b1, mg, mb, w2, b2, g0, b0, w_pad, bo_pad, si):
    st = jnp.stack([si, si]).reshape(1, 2)
    return pl.pallas_call(
        _post_last_body,
        grid=(N // BN,),
        in_specs=[
            pl.BlockSpec((1, BN, D), lambda i: (0, i, 0)),
            pl.BlockSpec((1, BN, D), lambda i: (1, i, 0)),
            pl.BlockSpec((BN, D), lambda i: (i, 0)),
            pl.BlockSpec((BN, D), lambda i: (i, 0)),
            pl.BlockSpec((D, H), lambda i: (0, 0)),
            pl.BlockSpec((1, H), lambda i: (0, 0)),
            pl.BlockSpec((1, H), lambda i: (0, 0)),
            pl.BlockSpec((1, H), lambda i: (0, 0)),
            pl.BlockSpec((H, D), lambda i: (0, 0)),
            pl.BlockSpec((1, D), lambda i: (0, 0)),
            pl.BlockSpec((1, D), lambda i: (0, 0)),
            pl.BlockSpec((1, D), lambda i: (0, 0)),
            pl.BlockSpec((D, D), lambda i: (0, 0)),
            pl.BlockSpec((1, D), lambda i: (0, 0)),
            pl.BlockSpec(memory_space=pltpu.SMEM),
        ],
        out_specs=pl.BlockSpec((BN, C), lambda i: (i, 0)),
        out_shape=jax.ShapeDtypeStruct((N, C), jnp.float32),
    )(acc, acc, v, hprev, w1, b1.reshape(1, H), mg.reshape(1, H),
      mb.reshape(1, H), w2, b2.reshape(1, D), g0.reshape(1, D),
      b0.reshape(1, D), w_pad, bo_pad, st)



def _edge_body(srcb_hbm, pay_hbm, out_hbm,
               srcw_v, dstw_v, rows_v, acc_sh, semi, sem0, sem1):
    c = lax.axis_index("c")
    s = lax.axis_index("s")

    pltpu.async_copy(srcb_hbm.at[0, s, pl.ds(0, WCH), :], srcw_v.at[0], semi)
    pltpu.async_copy(srcb_hbm.at[1, s, pl.ds(0, WCH), :], dstw_v.at[0], semi)

    zv = jnp.zeros((16,), jnp.float32)

    def zrow(r, _):
        for k in range(8):
            rows_v[0, r, pl.ds(k * 16, 16)] = zv
        return 0

    lax.fori_loop(0, CW, zrow, 0)
    for q in range(RPT // CW):
        pltpu.sync_copy(rows_v.at[0],
                        acc_sh.at[pl.ds(s * RPT + q * CW, CW)])
    rem = RPT - (RPT // CW) * CW
    pltpu.sync_copy(rows_v.at[0, pl.ds(0, rem)],
                    acc_sh.at[pl.ds(s * RPT + (RPT // CW) * CW, rem)])

    sems = (sem0, sem1)
    pltpu.make_async_copy(srcb_hbm.at[0, s, pl.ds(0, WCH), :],
                          srcw_v.at[0], semi).wait()
    pltpu.make_async_copy(srcb_hbm.at[1, s, pl.ds(0, WCH), :],
                          dstw_v.at[0], semi).wait()
    for b in range(2):
        pltpu.async_copy(pay_hbm.at[c].at[srcw_v.at[0, b]], rows_v.at[b], sems[b])
    plsc.subcore_barrier()

    def wpair(k, _):
        for wb in range(2):
            w = 2 * k + wb

            @pl.when(w + 1 < NWIN)
            def _():
                pltpu.async_copy(
                    srcb_hbm.at[0, s, pl.ds((w + 1) * WCH, WCH), :],
                    srcw_v.at[1 - wb], semi)
                pltpu.async_copy(
                    srcb_hbm.at[1, s, pl.ds((w + 1) * WCH, WCH), :],
                    dstw_v.at[1 - wb], semi)

            def cpair(kk, _):
                for b in range(2):
                    j = 2 * kk + b
                    pltpu.make_async_copy(pay_hbm.at[c].at[srcw_v.at[wb, j]],
                                          rows_v.at[b], sems[b]).wait()
                    pltpu.sync_copy(rows_v.at[b],
                                    acc_sh.at[dstw_v.at[wb, j]], add=True)

                    @pl.when(j + 2 < WCH)
                    def _():
                        pltpu.async_copy(pay_hbm.at[c].at[srcw_v.at[wb, j + 2]],
                                         rows_v.at[b], sems[b])
                return 0

            lax.fori_loop(0, WCH // 2, cpair, 0)

            @pl.when(w + 1 < NWIN)
            def _():
                pltpu.make_async_copy(
                    srcb_hbm.at[0, s, pl.ds((w + 1) * WCH, WCH), :],
                    srcw_v.at[1 - wb], semi).wait()
                pltpu.make_async_copy(
                    srcb_hbm.at[1, s, pl.ds((w + 1) * WCH, WCH), :],
                    dstw_v.at[1 - wb], semi).wait()
                for b in range(2):
                    pltpu.async_copy(pay_hbm.at[c].at[srcw_v.at[1 - wb, b]],
                                     rows_v.at[b], sems[b])
        return 0

    lax.fori_loop(0, NWIN // 2, wpair, 0)
    plsc.subcore_barrier()
    pltpu.sync_copy(acc_sh.at[pl.ds(s * RPT, RPT)],
                    out_hbm.at[c, pl.ds(s * RPT, RPT)])


_edge_kernel = functools.partial(
    pl.kernel,
    _edge_body,
    out_type=jax.ShapeDtypeStruct((NC, NPAD, D), jnp.float32),
    mesh=plsc.VectorSubcoreMesh(core_axis_name="c", subcore_axis_name="s"),
    scratch_types=[
        pltpu.VMEM((2, WCH, CW), jnp.int32),
        pltpu.VMEM((2, WCH, CW), jnp.int32),
        pltpu.VMEM((2, CW, D), jnp.float32),
        pltpu.VMEM_SHARED((NPAD, D), jnp.float32),
        pltpu.SemaphoreType.DMA,
        pltpu.SemaphoreType.DMA,
        pltpu.SemaphoreType.DMA,
    ],
)()



def kernel(x, edge_index, W_enc, b_enc, ln_g, ln_b, t, W1, b1, mg, mb,
           W2, b2, scale, W_out, b_out):
    L = W1.shape[0]
    srcdst = edge_index.astype(jnp.int32).reshape(2, NS, CHUNKS, CW)
    hzero = jnp.zeros((N, D), jnp.float32)

    w_pad = jnp.zeros((D, D), jnp.float32).at[:, :C].set(W_out)
    bo_pad = jnp.zeros((1, D), jnp.float32).at[0, :C].set(b_out)

    h, pay = _enc(x, W_enc, b_enc, t[0])
    v = h
    for i in range(L):
        acc = _edge_kernel(srcdst, pay)
        hprev = hzero if i == 0 else h
        if i + 1 < L:
            h, v, pay = _post_mid(acc, v, hprev, W1[i], b1[i], mg[i], mb[i],
                                  W2[i], b2[i], ln_g[i + 1], ln_b[i + 1],
                                  scale[i], t[i + 1])
        else:
            out = _post_last(acc, v, hprev, W1[i], b1[i], mg[i], mb[i],
                             W2[i], b2[i], ln_g[0], ln_b[0], w_pad, bo_pad,
                             scale[i])
    return out

# --- scband reference (transcript-rebuilt; emitter-appended) ---
"""Pipeline reference for scband-deeper-gcn-85933705658674 (READ-ONLY COPY).

The authoritative reference and input builder live on the scoring server;
editing this copy changes nothing except your own understanding.
"""

import jax, jax.numpy as jnp
import numpy as np

N = 10000
E = 320000
D = 128
H = 256
L = 3
C = 47


def setup_inputs(seed: int = 0) -> dict:
    key = jax.random.key(seed)
    ks = jax.random.split(key, 8)
    inp = {}
    inp["x"] = jax.random.normal(ks[0], (N, D), dtype=jnp.float32)
    inp["edge_index"] = jax.random.randint(ks[1], (2, E), 0, N)
    inp["W_enc"] = jax.random.normal(ks[2], (D, D), dtype=jnp.float32) / np.sqrt(D)
    inp["b_enc"] = jnp.zeros((D,), dtype=jnp.float32)
    inp["ln_g"] = jnp.ones((L, D), dtype=jnp.float32)
    inp["ln_b"] = jnp.zeros((L, D), dtype=jnp.float32)
    inp["t"] = jnp.ones((L,), dtype=jnp.float32)
    inp["W1"] = jax.random.normal(ks[3], (L, D, H), dtype=jnp.float32) / np.sqrt(D)
    inp["b1"] = jnp.zeros((L, H), dtype=jnp.float32)
    inp["mg"] = jnp.ones((L, H), dtype=jnp.float32)
    inp["mb"] = jnp.zeros((L, H), dtype=jnp.float32)
    inp["W2"] = jax.random.normal(ks[4], (L, H, D), dtype=jnp.float32) / np.sqrt(H)
    inp["b2"] = jnp.zeros((L, D), dtype=jnp.float32)
    inp["scale"] = jnp.ones((L,), dtype=jnp.float32)
    inp["W_out"] = jax.random.normal(ks[5], (D, C), dtype=jnp.float32) / np.sqrt(D)
    inp["b_out"] = jnp.zeros((C,), dtype=jnp.float32)
    return inp


def _layernorm(z, g, b):
    mu = jnp.mean(z, axis=-1, keepdims=True)
    var = jnp.var(z, axis=-1, keepdims=True)
    return (z - mu) / jnp.sqrt(var + 1e-5) * g + b


def _safe_norm(z):
    return jnp.sqrt(jnp.sum(z * z, axis=-1, keepdims=True) + 1e-24)


def _gen_conv(h, src, dst, t, W1, b1, mg, mb, W2, b2, scale):
    # GENConv: message = relu(x_j) + eps, softmax aggregation with temperature t,
    # MessageNorm, residual root add, then 2-layer MLP with LayerNorm.
    m = h[src]
    m = jax.nn.relu(m) + 1e-7
    logits = m * t
    smax = jax.ops.segment_max(logits, dst, num_segments=N)
    smax = jnp.where(jnp.isfinite(smax), smax, 0.0)
    ex = jnp.exp(logits - smax[dst])
    den = jax.ops.segment_sum(ex, dst, num_segments=N)
    alpha = ex / (den[dst] + 1e-16)
    agg = jax.ops.segment_sum(m * alpha, dst, num_segments=N)
    # MessageNorm: F.normalize(msg) * ||x|| * scale
    msg = agg / _safe_norm(agg)
    xn = _safe_norm(h)
    out = h + msg * xn * scale
    z = out @ W1 + b1
    z = jax.nn.relu(_layernorm(z, mg, mb))
    return z @ W2 + b2


def reference(x, edge_index, W_enc, b_enc, ln_g, ln_b, t, W1, b1, mg, mb, W2, b2, scale, W_out, b_out):
    src = edge_index[0]
    dst = edge_index[1]
    h = x @ W_enc + b_enc
    # first layer: conv only (res+ semantics of DeeperGCN forward)
    h = _gen_conv(h, src, dst, t[0], W1[0], b1[0], mg[0], mb[0], W2[0], b2[0], scale[0])
    for i in range(1, L):
        # DeepGCNLayer block='res+': x + conv(act(norm(x))) ; dropout is identity at eval
        r = jax.nn.relu(_layernorm(h, ln_g[i], ln_b[i]))
        r = _gen_conv(r, src, dst, t[i], W1[i], b1[i], mg[i], mb[i], W2[i], b2[i], scale[i])
        h = h + r
    h = jax.nn.relu(_layernorm(h, ln_g[0], ln_b[0]))
    return h @ W_out + b_out

if __name__ == "__main__":
    import jax
    _d = setup_inputs()
    print(jax.jit(kernel)(*tuple(_d.values())))

</pallas_src>

<mosaic_0001>
#map = affine_map<(d0, d1) -> (0, 0, 0, 0)>
#map1 = affine_map<(d0, d1) -> (0, 0, 0)>
module attributes {stable_mosaic.version = 14 : i64} {
  func.func @_edge_body(%arg0: i32, %arg1: i32, %arg2: memref<2x16x160x125xi32, #tpu.memory_space<hbm>>, %arg3: memref<2x10000x128xf32, #tpu.memory_space<hbm>>, %arg4: memref<2x10112x128xf32, #tpu.memory_space<hbm>>, %arg5: memref<2x16x125xi32, #tpu.memory_space<vmem>>, %arg6: memref<2x16x125xi32, #tpu.memory_space<vmem>>, %arg7: memref<2x125x128xf32, #tpu.memory_space<vmem>>, %arg8: memref<10112x128xf32, #tpu.memory_space<vmem_shared>>, %arg9: memref<!tpu.dma_semaphore, #tpu.memory_space<semaphore_mem>>, %arg10: memref<!tpu.dma_semaphore, #tpu.memory_space<semaphore_mem>>, %arg11: memref<!tpu.dma_semaphore, #tpu.memory_space<semaphore_mem>>) attributes {dimension_semantics = [#tpu.dimension_semantics<core_parallel>, #tpu.dimension_semantics<subcore_parallel>], iteration_bounds = array<i64: 2, 16>, scalar_prefetch = 0 : i64, scratch_operands = 7 : i64, tpu.core_type = #tpu.core_type<sc_vector_subcore>, window_params = [{transform_indices = #map}, {transform_indices = #map1}, {transform_indices = #map1}]} {
    %dma_start3A = arith.constant 0 : i32
    %dma_start3A_0 = arith.constant 0 : i32
    %dma_start3A_1 = arith.constant 0 : i32
    %dma_start3A_2 = arith.constant 0 : i32
    %dma_start3A_3 = tpu.memref_slice %arg5[%dma_start3A_0, %dma_start3A_1, %dma_start3A_2] : memref<2x16x125xi32, #tpu.memory_space<vmem>> -> memref<1x16x125xi32, #tpu.memory_space<vmem>>
    %dma_start3A_4 = tpu.memref_squeeze %dma_start3A_3 : memref<1x16x125xi32, #tpu.memory_space<vmem>> -> memref<16x125xi32, #tpu.memory_space<vmem>>
    %dma_start3A_5 = arith.constant 0 : i32
    %dma_start3A_6 = arith.constant 0 : i32
    %dma_start3A_7 = tpu.memref_slice %arg2[%dma_start3A, %arg1, %dma_start3A_5, %dma_start3A_6] : memref<2x16x160x125xi32, #tpu.memory_space<hbm>> -> memref<1x1x16x125xi32, #tpu.memory_space<hbm>>
    %dma_start3A_8 = tpu.memref_squeeze %dma_start3A_7 : memref<1x1x16x125xi32, #tpu.memory_space<hbm>> -> memref<16x125xi32, #tpu.memory_space<hbm>>
    %dma_start3A_9 = arith.constant 0 : i32
    %dma_start3A_10 = arith.constant 0 : i32
    %dma_start3A_11 = tpu.memref_slice %arg5[%dma_start3A_0, %dma_start3A_9, %dma_start3A_10] : memref<2x16x125xi32, #tpu.memory_space<vmem>> -> memref<1x16x125xi32, #tpu.memory_space<vmem>>
    %dma_start3A_12 = tpu.memref_squeeze %dma_start3A_11 : memref<1x16x125xi32, #tpu.memory_space<vmem>> -> memref<16x125xi32, #tpu.memory_space<vmem>>
    %dma_start3A_13 = arith.constant 0 : i32
    %dma_start3A_14 = arith.constant 0 : i32
    %dma_start3A_15 = tpu.memref_slice %arg2[%dma_start3A, %arg1, %dma_start3A_13, %dma_start3A_14] : memref<2x16x160x125xi32, #tpu.memory_space<hbm>> -> memref<1x1x16x125xi32, #tpu.memory_space<hbm>>
    %dma_start3A_16 = tpu.memref_squeeze %dma_start3A_15 : memref<1x1x16x125xi32, #tpu.memory_space<hbm>> -> memref<16x125xi32, #tpu.memory_space<hbm>>
    tpu.enqueue_dma source(%dma_start3A_16 : memref<16x125xi32, #tpu.memory_space<hbm>>) target(%dma_start3A_12 : memref<16x125xi32, #tpu.memory_space<vmem>>) target_semaphore(%arg9 : memref<!tpu.dma_semaphore, #tpu.memory_space<semaphore_mem>>)
    %dma_start3A_17 = arith.constant 1 : i32
    %dma_start3A_18 = arith.constant 0 : i32
    %dma_start3A_19 = arith.constant 0 : i32
    %dma_start3A_20 = arith.constant 0 : i32
    %dma_start3A_21 = tpu.memref_slice %arg6[%dma_start3A_18, %dma_start3A_19, %dma_start3A_20] : memref<2x16x125xi32, #tpu.memory_space<vmem>> -> memref<1x16x125xi32, #tpu.memory_space<vmem>>
    %dma_start3A_22 = tpu.memref_squeeze %dma_start3A_21 : memref<1x16x125xi32, #tpu.memory_space<vmem>> -> memref<16x125xi32, #tpu.memory_space<vmem>>
    %dma_start3A_23 = arith.constant 0 : i32
    %dma_start3A_24 = arith.constant 0 : i32
    %dma_start3A_25 = tpu.memref_slice %arg2[%dma_start3A_17, %arg1, %dma_start3A_23, %dma_start3A_24] : memref<2x16x160x125xi32, #tpu.memory_space<hbm>> -> memref<1x1x16x125xi32, #tpu.memory_space<hbm>>
    %dma_start3A_26 = tpu.memref_squeeze %dma_start3A_25 : memref<1x1x16x125xi32, #tpu.memory_space<hbm>> -> memref<16x125xi32, #tpu.memory_space<hbm>>
    %dma_start3A_27 = arith.constant 0 : i32
    %dma_start3A_28 = arith.constant 0 : i32
    %dma_start3A_29 = tpu.memref_slice %arg6[%dma_start3A_18, %dma_start3A_27, %dma_start3A_28] : memref<2x16x125xi32, #tpu.memory_space<vmem>> -> memref<1x16x125xi32, #tpu.memory_space<vmem>>
    %dma_start3A_30 = tpu.memref_squeeze %dma_start3A_29 : memref<1x16x125xi32, #tpu.memory_space<vmem>> -> memref<16x125xi32, #tpu.memory_space<vmem>>
    %dma_start3A_31 = arith.constant 0 : i32
    %dma_start3A_32 = arith.constant 0 : i32
    %dma_start3A_33 = tpu.memref_slice %arg2[%dma_start3A_17, %arg1, %dma_start3A_31, %dma_start3A_32] : memref<2x16x160x125xi32, #tpu.memory_space<hbm>> -> memref<1x1x16x125xi32, #tpu.memory_space<hbm>>
    %dma_start3A_34 = tpu.memref_squeeze %dma_start3A_33 : memref<1x1x16x125xi32, #tpu.memory_space<hbm>> -> memref<16x125xi32, #tpu.memory_space<hbm>>
    tpu.enqueue_dma source(%dma_start3A_34 : memref<16x125xi32, #tpu.memory_space<hbm>>) target(%dma_start3A_30 : memref<16x125xi32, #tpu.memory_space<vmem>>) target_semaphore(%arg9 : memref<!tpu.dma_semaphore, #tpu.memory_space<semaphore_mem>>)
    %broadcast_in_dim3A = arith.constant 0.000000e+00 : f32
    %broadcast_in_dim3A_35 = vector.broadcast %broadcast_in_dim3A : f32 to vector<16xf32>
    %scan3A = arith.constant 0 : i32
    %scan3A_36 = arith.constant 0 : i32
    %scan3A_37 = arith.constant 125 : i32
    %scan3A_38 = arith.addi %scan3A_36, %scan3A_37 : i32
    %scan3A_39 = arith.constant 1 : i32
    %scan3A_40 = scf.for %scan3A_150 = %scan3A_36 to %scan3A_38 step %scan3A_39 iter_args(%scan3A_151 = %scan3A) -> (i32)  : i32 {
      %swap3A = arith.constant 0 : i32
      %swap3A_152 = arith.index_cast %swap3A : i32 to index
      %swap3A_153 = arith.index_cast %scan3A_150 : i32 to index
      %swap3A_154 = arith.constant 0 : index
      %swap3A_155 = tpu.vector_load %arg7[%swap3A_152, %swap3A_153, %swap3A_154] {strides = array<i32>} : memref<2x125x128xf32, #tpu.memory_space<vmem>>, vector<1x1x16xf32>,
      %swap3A_156 = vector.shape_cast %swap3A_155 : vector<1x1x16xf32> to vector<16xf32>
      %swap3A_157 = vector.shape_cast %broadcast_in_dim3A_35 : vector<16xf32> to vector<1x1x16xf32>
      tpu.vector_store %arg7[%swap3A_152, %swap3A_153, %swap3A_154], %swap3A_157 {strides = array<i32>} : memref<2x125x128xf32, #tpu.memory_space<vmem>>, vector<1x1x16xf32>,
      %swap3A_158 = arith.constant 0 : i32
      %swap3A_159 = arith.index_cast %swap3A_158 : i32 to index
      %swap3A_160 = arith.index_cast %scan3A_150 : i32 to index
      %swap3A_161 = arith.constant 16 : index
      %swap3A_162 = tpu.vector_load %arg7[%swap3A_159, %swap3A_160, %swap3A_161] {strides = array<i32>} : memref<2x125x128xf32, #tpu.memory_space<vmem>>, vector<1x1x16xf32>,
      %swap3A_163 = vector.shape_cast %swap3A_162 : vector<1x1x16xf32> to vector<16xf32>
      %swap3A_164 = vector.shape_cast %broadcast_in_dim3A_35 : vector<16xf32> to vector<1x1x16xf32>
      tpu.vector_store %arg7[%swap3A_159, %swap3A_160, %swap3A_161], %swap3A_164 {strides = array<i32>} : memref<2x125x128xf32, #tpu.memory_space<vmem>>, vector<1x1x16xf32>,
      %swap3A_165 = arith.constant 0 : i32
      %swap3A_166 = arith.index_cast %swap3A_165 : i32 to index
      %swap3A_167 = arith.index_cast %scan3A_150 : i32 to index
      %swap3A_168 = arith.constant 32 : index
      %swap3A_169 = tpu.vector_load %arg7[%swap3A_166, %swap3A_167, %swap3A_168] {strides = array<i32>} : memref<2x125x128xf32, #tpu.memory_space<vmem>>, vector<1x1x16xf32>,
      %swap3A_170 = vector.shape_cast %swap3A_169 : vector<1x1x16xf32> to vector<16xf32>
      %swap3A_171 = vector.shape_cast %broadcast_in_dim3A_35 : vector<16xf32> to vector<1x1x16xf32>
      tpu.vector_store %arg7[%swap3A_166, %swap3A_167, %swap3A_168], %swap3A_171 {strides = array<i32>} : memref<2x125x128xf32, #tpu.memory_space<vmem>>, vector<1x1x16xf32>,
      %swap3A_172 = arith.constant 0 : i32
      %swap3A_173 = arith.index_cast %swap3A_172 : i32 to index
      %swap3A_174 = arith.index_cast %scan3A_150 : i32 to index
      %swap3A_175 = arith.constant 48 : index
      %swap3A_176 = tpu.vector_load %arg7[%swap3A_173, %swap3A_174, %swap3A_175] {strides = array<i32>} : memref<2x125x128xf32, #tpu.memory_space<vmem>>, vector<1x1x16xf32>,
      %swap3A_177 = vector.shape_cast %swap3A_176 : vector<1x1x16xf32> to vector<16xf32>
      %swap3A_178 = vector.shape_cast %broadcast_in_dim3A_35 : vector<16xf32> to vector<1x1x16xf32>
      tpu.vector_store %arg7[%swap3A_173, %swap3A_174, %swap3A_175], %swap3A_178 {strides = array<i32>} : memref<2x125x128xf32, #tpu.memory_space<vmem>>, vector<1x1x16xf32>,
      %swap3A_179 = arith.constant 0 : i32
      %swap3A_180 = arith.index_cast %swap3A_179 : i32 to index
      %swap3A_181 = arith.index_cast %scan3A_150 : i32 to index
      %swap3A_182 = arith.constant 64 : index
      %swap3A_183 = tpu.vector_load %arg7[%swap3A_180, %swap3A_181, %swap3A_182] {strides = array<i32>} : memref<2x125x128xf32, #tpu.memory_space<vmem>>, vector<1x1x16xf32>,
      %swap3A_184 = vector.shape_cast %swap3A_183 : vector<1x1x16xf32> to vector<16xf32>
      %swap3A_185 = vector.shape_cast %broadcast_in_dim3A_35 : vector<16xf32> to vector<1x1x16xf32>
      tpu.vector_store %arg7[%swap3A_180, %swap3A_181, %swap3A_182], %swap3A_185 {strides = array<i32>} : memref<2x125x128xf32, #tpu.memory_space<vmem>>, vector<1x1x16xf32>,
      %swap3A_186 = arith.constant 0 : i32
      %swap3A_187 = arith.index_cast %swap3A_186 : i32 to index
      %swap3A_188 = arith.index_cast %scan3A_150 : i32 to index
      %swap3A_189 = arith.constant 80 : index
      %swap3A_190 = tpu.vector_load %arg7[%swap3A_187, %swap3A_188, %swap3A_189] {strides = array<i32>} : memref<2x125x128xf32, #tpu.memory_space<vmem>>, vector<1x1x16xf32>,
      %swap3A_191 = vector.shape_cast %swap3A_190 : vector<1x1x16xf32> to vector<16xf32>
      %swap3A_192 = vector.shape_cast %broadcast_in_dim3A_35 : vector<16xf32> to vector<1x1x16xf32>
      tpu.vector_store %arg7[%swap3A_187, %swap3A_188, %swap3A_189], %swap3A_192 {strides = array<i32>} : memref<2x125x128xf32, #tpu.memory_space<vmem>>, vector<1x1x16xf32>,
      %swap3A_193 = arith.constant 0 : i32
      %swap3A_194 = arith.index_cast %swap3A_193 : i32 to index
      %swap3A_195 = arith.index_cast %scan3A_150 : i32 to index
      %swap3A_196 = arith.constant 96 : index
      %swap3A_197 = tpu.vector_load %arg7[%swap3A_194, %swap3A_195, %swap3A_196] {strides = array<i32>} : memref<2x125x128xf32, #tpu.memory_space<vmem>>, vector<1x1x16xf32>,
      %swap3A_198 = vector.shape_cast %swap3A_197 : vector<1x1x16xf32> to vector<16xf32>
      %swap3A_199 = vector.shape_cast %broadcast_in_dim3A_35 : vector<16xf32> to vector<1x1x16xf32>
      tpu.vector_store %arg7[%swap3A_194, %swap3A_195, %swap3A_196], %swap3A_199 {strides = array<i32>} : memref<2x125x128xf32, #tpu.memory_space<vmem>>, vector<1x1x16xf32>,
      %swap3A_200 = arith.constant 0 : i32
      %swap3A_201 = arith.index_cast %swap3A_200 : i32 to index
      %swap3A_202 = arith.index_cast %scan3A_150 : i32 to index
      %swap3A_203 = arith.constant 112 : index
      %swap3A_204 = tpu.vector_load %arg7[%swap3A_201, %swap3A_202, %swap3A_203] {strides = array<i32>} : memref<2x125x128xf32, #tpu.memory_space<vmem>>, vector<1x1x16xf32>,
      %swap3A_205 = vector.shape_cast %swap3A_204 : vector<1x1x16xf32> to vector<16xf32>
      %swap3A_206 = vector.shape_cast %broadcast_in_dim3A_35 : vector<16xf32> to vector<1x1x16xf32>
      tpu.vector_store %arg7[%swap3A_201, %swap3A_202, %swap3A_203], %swap3A_206 {strides = array<i32>} : memref<2x125x128xf32, #tpu.memory_space<vmem>>, vector<1x1x16xf32>,
      %scan3A_207 = arith.constant 0 : i32
      scf.yield %scan3A_207 : i32
    }
    %scan3A_41 = arith.constant 125 : i32
    %mul3A = arith.constant 632 : i32
    %mul3A_42 = arith.muli %arg1, %mul3A : i32
    %add3A = arith.constant 0 : i32
    %add3A_43 = arith.addi %mul3A_42, %add3A : i32
    %run_scoped3A = arith.constant 0 : i32
    "tpu.region"() ({
      %run_scoped3A_150 = tpu.sem_alloc : memref<!tpu.dma_semaphore, #tpu.memory_space<semaphore_mem>>
      %dma_start3A_151 = arith.constant 0 : i32
      %dma_start3A_152 = arith.constant 0 : i32
      %dma_start3A_153 = tpu.memref_slice %arg7[%run_scoped3A, %dma_start3A_151, %dma_start3A_152] : memref<2x125x128xf32, #tpu.memory_space<vmem>> -> memref<1x125x128xf32, #tpu.memory_space<vmem>>
      %dma_start3A_154 = tpu.memref_squeeze %dma_start3A_153 : memref<1x125x128xf32, #tpu.memory_space<vmem>> -> memref<125x128xf32, #tpu.memory_space<vmem>>
      %dma_start3A_155 = arith.constant 0 : i32
      %dma_start3A_156 = tpu.memref_slice %arg8[%add3A_43, %dma_start3A_155] : memref<10112x128xf32, #tpu.memory_space<vmem_shared>> -> memref<125x128xf32, #tpu.memory_space<vmem_shared>>
      %dma_start3A_157 = arith.constant 0 : i32
      %dma_start3A_158 = tpu.memref_slice %arg8[%add3A_43, %dma_start3A_157] : memref<10112x128xf32, #tpu.memory_space<vmem_shared>> -> memref<125x128xf32, #tpu.memory_space<vmem_shared>>
      %dma_start3A_159 = arith.constant 0 : i32
      %dma_start3A_160 = arith.constant 0 : i32
      %dma_start3A_161 = tpu.memref_slice %arg7[%run_scoped3A, %dma_start3A_159, %dma_start3A_160] : memref<2x125x128xf32, #tpu.memory_space<vmem>> -> memref<1x125x128xf32, #tpu.memory_space<vmem>>
      %dma_start3A_162 = tpu.memref_squeeze %dma_start3A_161 : memref<1x125x128xf32, #tpu.memory_space<vmem>> -> memref<125x128xf32, #tpu.memory_space<vmem>>
      tpu.enqueue_dma source(%dma_start3A_162 : memref<125x128xf32, #tpu.memory_space<vmem>>) target(%dma_start3A_158 : memref<125x128xf32, #tpu.memory_space<vmem_shared>>) target_semaphore(%run_scoped3A_150 : memref<!tpu.dma_semaphore, #tpu.memory_space<semaphore_mem>>)
      %dma_wait3A_163 = arith.constant 0 : i32
      %dma_wait3A_164 = arith.constant 0 : i32
      %dma_wait3A_165 = tpu.memref_slice %arg7[%run_scoped3A, %dma_wait3A_163, %dma_wait3A_164] : memref<2x125x128xf32, #tpu.memory_space<vmem>> -> memref<1x125x128xf32, #tpu.memory_space<vmem>>
      %dma_wait3A_166 = tpu.memref_squeeze %dma_wait3A_165 : memref<1x125x128xf32, #tpu.memory_space<vmem>> -> memref<125x128xf32, #tpu.memory_space<vmem>>
      %dma_wait3A_167 = arith.constant 0 : i32
      %dma_wait3A_168 = tpu.memref_slice %arg8[%add3A_43, %dma_wait3A_167] : memref<10112x128xf32, #tpu.memory_space<vmem_shared>> -> memref<125x128xf32, #tpu.memory_space<vmem_shared>>
      %dma_wait3A_169 = arith.constant 0 : i32
      %dma_wait3A_170 = tpu.memref_slice %arg8[%add3A_43, %dma_wait3A_169] : memref<10112x128xf32, #tpu.memory_space<vmem_shared>> -> memref<125x128xf32, #tpu.memory_space<vmem_shared>>
      %dma_wait3A_171 = arith.constant 0 : i32
      %dma_wait3A_172 = arith.constant 0 : i32
      %dma_wait3A_173 = tpu.memref_slice %arg7[%run_scoped3A, %dma_wait3A_171, %dma_wait3A_172] : memref<2x125x128xf32, #tpu.memory_space<vmem>> -> memref<1x125x128xf32, #tpu.memory_space<vmem>>
      %dma_wait3A_174 = tpu.memref_squeeze %dma_wait3A_173 : memref<1x125x128xf32, #tpu.memory_space<vmem>> -> memref<125x128xf32, #tpu.memory_space<vmem>>
      tpu.wait_dma2 semaphore(%run_scoped3A_150 : memref<!tpu.dma_semaphore, #tpu.memory_space<semaphore_mem>>) src(%dma_wait3A_174 : memref<125x128xf32, #tpu.memory_space<vmem>>) dst(%dma_wait3A_170 : memref<125x128xf32, #tpu.memory_space<vmem_shared>>)
      tpu.yield
    }) : () -> ()
    %mul3A_44 = arith.constant 632 : i32
    %mul3A_45 = arith.muli %arg1, %mul3A_44 : i32
    %add3A_46 = arith.constant 125 : i32
    %add3A_47 = arith.addi %mul3A_45, %add3A_46 : i32
    %run_scoped3A_48 = arith.constant 0 : i32
    "tpu.region"() ({
      %run_scoped3A_150 = tpu.sem_alloc : memref<!tpu.dma_semaphore, #tpu.memory_space<semaphore_mem>>
      %dma_start3A_151 = arith.constant 0 : i32
      %dma_start3A_152 = arith.constant 0 : i32
      %dma_start3A_153 = tpu.memref_slice %arg7[%run_scoped3A_48, %dma_start3A_151, %dma_start3A_152] : memref<2x125x128xf32, #tpu.memory_space<vmem>> -> memref<1x125x128xf32, #tpu.memory_space<vmem>>
      %dma_start3A_154 = tpu.memref_squeeze %dma_start3A_153 : memref<1x125x128xf32, #tpu.memory_space<vmem>> -> memref<125x128xf32, #tpu.memory_space<vmem>>
      %dma_start3A_155 = arith.constant 0 : i32
      %dma_start3A_156 = tpu.memref_slice %arg8[%add3A_47, %dma_start3A_155] : memref<10112x128xf32, #tpu.memory_space<vmem_shared>> -> memref<125x128xf32, #tpu.memory_space<vmem_shared>>
      %dma_start3A_157 = arith.constant 0 : i32
      %dma_start3A_158 = tpu.memref_slice %arg8[%add3A_47, %dma_start3A_157] : memref<10112x128xf32, #tpu.memory_space<vmem_shared>> -> memref<125x128xf32, #tpu.memory_space<vmem_shared>>
      %dma_start3A_159 = arith.constant 0 : i32
      %dma_start3A_160 = arith.constant 0 : i32
      %dma_start3A_161 = tpu.memref_slice %arg7[%run_scoped3A_48, %dma_start3A_159, %dma_start3A_160] : memref<2x125x128xf32, #tpu.memory_space<vmem>> -> memref<1x125x128xf32, #tpu.memory_space<vmem>>
      %dma_start3A_162 = tpu.memref_squeeze %dma_start3A_161 : memref<1x125x128xf32, #tpu.memory_space<vmem>> -> memref<125x128xf32, #tpu.memory_space<vmem>>
      tpu.enqueue_dma source(%dma_start3A_162 : memref<125x128xf32, #tpu.memory_space<vmem>>) target(%dma_start3A_158 : memref<125x128xf32, #tpu.memory_space<vmem_shared>>) target_semaphore(%run_scoped3A_150 : memref<!tpu.dma_semaphore, #tpu.memory_space<semaphore_mem>>)
      %dma_wait3A_163 = arith.constant 0 : i32
      %dma_wait3A_164 = arith.constant 0 : i32
      %dma_wait3A_165 = tpu.memref_slice %arg7[%run_scoped3A_48, %dma_wait3A_163, %dma_wait3A_164] : memref<2x125x128xf32, #tpu.memory_space<vmem>> -> memref<1x125x128xf32, #tpu.memory_space<vmem>>
      %dma_wait3A_166 = tpu.memref_squeeze %dma_wait3A_165 : memref<1x125x128xf32, #tpu.memory_space<vmem>> -> memref<125x128xf32, #tpu.memory_space<vmem>>
      %dma_wait3A_167 = arith.constant 0 : i32
      %dma_wait3A_168 = tpu.memref_slice %arg8[%add3A_47, %dma_wait3A_167] : memref<10112x128xf32, #tpu.memory_space<vmem_shared>> -> memref<125x128xf32, #tpu.memory_space<vmem_shared>>
      %dma_wait3A_169 = arith.constant 0 : i32
      %dma_wait3A_170 = tpu.memref_slice %arg8[%add3A_47, %dma_wait3A_169] : memref<10112x128xf32, #tpu.memory_space<vmem_shared>> -> memref<125x128xf32, #tpu.memory_space<vmem_shared>>
      %dma_wait3A_171 = arith.constant 0 : i32
      %dma_wait3A_172 = arith.constant 0 : i32
      %dma_wait3A_173 = tpu.memref_slice %arg7[%run_scoped3A_48, %dma_wait3A_171, %dma_wait3A_172] : memref<2x125x128xf32, #tpu.memory_space<vmem>> -> memref<1x125x128xf32, #tpu.memory_space<vmem>>
      %dma_wait3A_174 = tpu.memref_squeeze %dma_wait3A_173 : memref<1x125x128xf32, #tpu.memory_space<vmem>> -> memref<125x128xf32, #tpu.memory_space<vmem>>
      tpu.wait_dma2 semaphore(%run_scoped3A_150 : memref<!tpu.dma_semaphore, #tpu.memory_space<semaphore_mem>>) src(%dma_wait3A_174 : memref<125x128xf32, #tpu.memory_space<vmem>>) dst(%dma_wait3A_170 : memref<125x128xf32, #tpu.memory_space<vmem_shared>>)
      tpu.yield
    }) : () -> ()
    %mul3A_49 = arith.constant 632 : i32
    %mul3A_50 = arith.muli %arg1, %mul3A_49 : i32
    %add3A_51 = arith.constant 250 : i32
    %add3A_52 = arith.addi %mul3A_50, %add3A_51 : i32
    %run_scoped3A_53 = arith.constant 0 : i32
    "tpu.region"() ({
      %run_scoped3A_150 = tpu.sem_alloc : memref<!tpu.dma_semaphore, #tpu.memory_space<semaphore_mem>>
      %dma_start3A_151 = arith.constant 0 : i32
      %dma_start3A_152 = arith.constant 0 : i32
      %dma_start3A_153 = tpu.memref_slice %arg7[%run_scoped3A_53, %dma_start3A_151, %dma_start3A_152] : memref<2x125x128xf32, #tpu.memory_space<vmem>> -> memref<1x125x128xf32, #tpu.memory_space<vmem>>
      %dma_start3A_154 = tpu.memref_squeeze %dma_start3A_153 : memref<1x125x128xf32, #tpu.memory_space<vmem>> -> memref<125x128xf32, #tpu.memory_space<vmem>>
      %dma_start3A_155 = arith.constant 0 : i32
      %dma_start3A_156 = tpu.memref_slice %arg8[%add3A_52, %dma_start3A_155] : memref<10112x128xf32, #tpu.memory_space<vmem_shared>> -> memref<125x128xf32, #tpu.memory_space<vmem_shared>>
      %dma_start3A_157 = arith.constant 0 : i32
      %dma_start3A_158 = tpu.memref_slice %arg8[%add3A_52, %dma_start3A_157] : memref<10112x128xf32, #tpu.memory_space<vmem_shared>> -> memref<125x128xf32, #tpu.memory_space<vmem_shared>>
      %dma_start3A_159 = arith.constant 0 : i32
      %dma_start3A_160 = arith.constant 0 : i32
      %dma_start3A_161 = tpu.memref_slice %arg7[%run_scoped3A_53, %dma_start3A_159, %dma_start3A_160] : memref<2x125x128xf32, #tpu.memory_space<vmem>> -> memref<1x125x128xf32, #tpu.memory_space<vmem>>
      %dma_start3A_162 = tpu.memref_squeeze %dma_start3A_161 : memref<1x125x128xf32, #tpu.memory_space<vmem>> -> memref<125x128xf32, #tpu.memory_space<vmem>>
      tpu.enqueue_dma source(%dma_start3A_162 : memref<125x128xf32, #tpu.memory_space<vmem>>) target(%dma_start3A_158 : memref<125x128xf32, #tpu.memory_space<vmem_shared>>) target_semaphore(%run_scoped3A_150 : memref<!tpu.dma_semaphore, #tpu.memory_space<semaphore_mem>>)
      %dma_wait3A_163 = arith.constant 0 : i32
      %dma_wait3A_164 = arith.constant 0 : i32
      %dma_wait3A_165 = tpu.memref_slice %arg7[%run_scoped3A_53, %dma_wait3A_163, %dma_wait3A_164] : memref<2x125x128xf32, #tpu.memory_space<vmem>> -> memref<1x125x128xf32, #tpu.memory_space<vmem>>
      %dma_wait3A_166 = tpu.memref_squeeze %dma_wait3A_165 : memref<1x125x128xf32, #tpu.memory_space<vmem>> -> memref<125x128xf32, #tpu.memory_space<vmem>>
      %dma_wait3A_167 = arith.constant 0 : i32
      %dma_wait3A_168 = tpu.memref_slice %arg8[%add3A_52, %dma_wait3A_167] : memref<10112x128xf32, #tpu.memory_space<vmem_shared>> -> memref<125x128xf32, #tpu.memory_space<vmem_shared>>
      %dma_wait3A_169 = arith.constant 0 : i32
      %dma_wait3A_170 = tpu.memref_slice %arg8[%add3A_52, %dma_wait3A_169] : memref<10112x128xf32, #tpu.memory_space<vmem_shared>> -> memref<125x128xf32, #tpu.memory_space<vmem_shared>>
      %dma_wait3A_171 = arith.constant 0 : i32
      %dma_wait3A_172 = arith.constant 0 : i32
      %dma_wait3A_173 = tpu.memref_slice %arg7[%run_scoped3A_53, %dma_wait3A_171, %dma_wait3A_172] : memref<2x125x128xf32, #tpu.memory_space<vmem>> -> memref<1x125x128xf32, #tpu.memory_space<vmem>>
      %dma_wait3A_174 = tpu.memref_squeeze %dma_wait3A_173 : memref<1x125x128xf32, #tpu.memory_space<vmem>> -> memref<125x128xf32, #tpu.memory_space<vmem>>
      tpu.wait_dma2 semaphore(%run_scoped3A_150 : memref<!tpu.dma_semaphore, #tpu.memory_space<semaphore_mem>>) src(%dma_wait3A_174 : memref<125x128xf32, #tpu.memory_space<vmem>>) dst(%dma_wait3A_170 : memref<125x128xf32, #tpu.memory_space<vmem_shared>>)
      tpu.yield
    }) : () -> ()
    %mul3A_54 = arith.constant 632 : i32
    %mul3A_55 = arith.muli %arg1, %mul3A_54 : i32
    %add3A_56 = arith.constant 375 : i32
    %add3A_57 = arith.addi %mul3A_55, %add3A_56 : i32
    %run_scoped3A_58 = arith.constant 0 : i32
    "tpu.region"() ({
      %run_scoped3A_150 = tpu.sem_alloc : memref<!tpu.dma_semaphore, #tpu.memory_space<semaphore_mem>>
      %dma_start3A_151 = arith.constant 0 : i32
      %dma_start3A_152 = arith.constant 0 : i32
      %dma_start3A_153 = tpu.memref_slice %arg7[%run_scoped3A_58, %dma_start3A_151, %dma_start3A_152] : memref<2x125x128xf32, #tpu.memory_space<vmem>> -> memref<1x125x128xf32, #tpu.memory_space<vmem>>
      %dma_start3A_154 = tpu.memref_squeeze %dma_start3A_153 : memref<1x125x128xf32, #tpu.memory_space<vmem>> -> memref<125x128xf32, #tpu.memory_space<vmem>>
      %dma_start3A_155 = arith.constant 0 : i32
      %dma_start3A_156 = tpu.memref_slice %arg8[%add3A_57, %dma_start3A_155] : memref<10112x128xf32, #tpu.memory_space<vmem_shared>> -> memref<125x128xf32, #tpu.memory_space<vmem_shared>>
      %dma_start3A_157 = arith.constant 0 : i32
      %dma_start3A_158 = tpu.memref_slice %arg8[%add3A_57, %dma_start3A_157] : memref<10112x128xf32, #tpu.memory_space<vmem_shared>> -> memref<125x128xf32, #tpu.memory_space<vmem_shared>>
      %dma_start3A_159 = arith.constant 0 : i32
      %dma_start3A_160 = arith.constant 0 : i32
      %dma_start3A_161 = tpu.memref_slice %arg7[%run_scoped3A_58, %dma_start3A_159, %dma_start3A_160] : memref<2x125x128xf32, #tpu.memory_space<vmem>> -> memref<1x125x128xf32, #tpu.memory_space<vmem>>
      %dma_start3A_162 = tpu.memref_squeeze %dma_start3A_161 : memref<1x125x128xf32, #tpu.memory_space<vmem>> -> memref<125x128xf32, #tpu.memory_space<vmem>>
      tpu.enqueue_dma source(%dma_start3A_162 : memref<125x128xf32, #tpu.memory_space<vmem>>) target(%dma_start3A_158 : memref<125x128xf32, #tpu.memory_space<vmem_shared>>) target_semaphore(%run_scoped3A_150 : memref<!tpu.dma_semaphore, #tpu.memory_space<semaphore_mem>>)
      %dma_wait3A_163 = arith.constant 0 : i32
      %dma_wait3A_164 = arith.constant 0 : i32
      %dma_wait3A_165 = tpu.memref_slice %arg7[%run_scoped3A_58, %dma_wait3A_163, %dma_wait3A_164] : memref<2x125x128xf32, #tpu.memory_space<vmem>> -> memref<1x125x128xf32, #tpu.memory_space<vmem>>
      %dma_wait3A_166 = tpu.memref_squeeze %dma_wait3A_165 : memref<1x125x128xf32, #tpu.memory_space<vmem>> -> memref<125x128xf32, #tpu.memory_space<vmem>>
      %dma_wait3A_167 = arith.constant 0 : i32
      %dma_wait3A_168 = tpu.memref_slice %arg8[%add3A_57, %dma_wait3A_167] : memref<10112x128xf32, #tpu.memory_space<vmem_shared>> -> memref<125x128xf32, #tpu.memory_space<vmem_shared>>
      %dma_wait3A_169 = arith.constant 0 : i32
      %dma_wait3A_170 = tpu.memref_slice %arg8[%add3A_57, %dma_wait3A_169] : memref<10112x128xf32, #tpu.memory_space<vmem_shared>> -> memref<125x128xf32, #tpu.memory_space<vmem_shared>>
      %dma_wait3A_171 = arith.constant 0 : i32
      %dma_wait3A_172 = arith.constant 0 : i32
      %dma_wait3A_173 = tpu.memref_slice %arg7[%run_scoped3A_58, %dma_wait3A_171, %dma_wait3A_172] : memref<2x125x128xf32, #tpu.memory_space<vmem>> -> memref<1x125x128xf32, #tpu.memory_space<vmem>>
      %dma_wait3A_174 = tpu.memref_squeeze %dma_wait3A_173 : memref<1x125x128xf32, #tpu.memory_space<vmem>> -> memref<125x128xf32, #tpu.memory_space<vmem>>
      tpu.wait_dma2 semaphore(%run_scoped3A_150 : memref<!tpu.dma_semaphore, #tpu.memory_space<semaphore_mem>>) src(%dma_wait3A_174 : memref<125x128xf32, #tpu.memory_space<vmem>>) dst(%dma_wait3A_170 : memref<125x128xf32, #tpu.memory_space<vmem_shared>>)
      tpu.yield
    }) : () -> ()
    %mul3A_59 = arith.constant 632 : i32
    %mul3A_60 = arith.muli %arg1, %mul3A_59 : i32
    %add3A_61 = arith.constant 500 : i32
    %add3A_62 = arith.addi %mul3A_60, %add3A_61 : i32
    %run_scoped3A_63 = arith.constant 0 : i32
    "tpu.region"() ({
      %run_scoped3A_150 = tpu.sem_alloc : memref<!tpu.dma_semaphore, #tpu.memory_space<semaphore_mem>>
      %dma_start3A_151 = arith.constant 0 : i32
      %dma_start3A_152 = arith.constant 0 : i32
      %dma_start3A_153 = tpu.memref_slice %arg7[%run_scoped3A_63, %dma_start3A_151, %dma_start3A_152] : memref<2x125x128xf32, #tpu.memory_space<vmem>> -> memref<1x125x128xf32, #tpu.memory_space<vmem>>
      %dma_start3A_154 = tpu.memref_squeeze %dma_start3A_153 : memref<1x125x128xf32, #tpu.memory_space<vmem>> -> memref<125x128xf32, #tpu.memory_space<vmem>>
      %dma_start3A_155 = arith.constant 0 : i32
      %dma_start3A_156 = tpu.memref_slice %arg8[%add3A_62, %dma_start3A_155] : memref<10112x128xf32, #tpu.memory_space<vmem_shared>> -> memref<125x128xf32, #tpu.memory_space<vmem_shared>>
      %dma_start3A_157 = arith.constant 0 : i32
      %dma_start3A_158 = tpu.memref_slice %arg8[%add3A_62, %dma_start3A_157] : memref<10112x128xf32, #tpu.memory_space<vmem_shared>> -> memref<125x128xf32, #tpu.memory_space<vmem_shared>>
      %dma_start3A_159 = arith.constant 0 : i32
      %dma_start3A_160 = arith.constant 0 : i32
      %dma_start3A_161 = tpu.memref_slice %arg7[%run_scoped3A_63, %dma_start3A_159, %dma_start3A_160] : memref<2x125x128xf32, #tpu.memory_space<vmem>> -> memref<1x125x128xf32, #tpu.memory_space<vmem>>
      %dma_start3A_162 = tpu.memref_squeeze %dma_start3A_161 : memref<1x125x128xf32, #tpu.memory_space<vmem>> -> memref<125x128xf32, #tpu.memory_space<vmem>>
      tpu.enqueue_dma source(%dma_start3A_162 : memref<125x128xf32, #tpu.memory_space<vmem>>) target(%dma_start3A_158 : memref<125x128xf32, #tpu.memory_space<vmem_shared>>) target_semaphore(%run_scoped3A_150 : memref<!tpu.dma_semaphore, #tpu.memory_space<semaphore_mem>>)
      %dma_wait3A_163 = arith.constant 0 : i32
      %dma_wait3A_164 = arith.constant 0 : i32
      %dma_wait3A_165 = tpu.memref_slice %arg7[%run_scoped3A_63, %dma_wait3A_163, %dma_wait3A_164] : memref<2x125x128xf32, #tpu.memory_space<vmem>> -> memref<1x125x128xf32, #tpu.memory_space<vmem>>
      %dma_wait3A_166 = tpu.memref_squeeze %dma_wait3A_165 : memref<1x125x128xf32, #tpu.memory_space<vmem>> -> memref<125x128xf32, #tpu.memory_space<vmem>>
      %dma_wait3A_167 = arith.constant 0 : i32
      %dma_wait3A_168 = tpu.memref_slice %arg8[%add3A_62, %dma_wait3A_167] : memref<10112x128xf32, #tpu.memory_space<vmem_shared>> -> memref<125x128xf32, #tpu.memory_space<vmem_shared>>
      %dma_wait3A_169 = arith.constant 0 : i32
      %dma_wait3A_170 = tpu.memref_slice %arg8[%add3A_62, %dma_wait3A_169] : memref<10112x128xf32, #tpu.memory_space<vmem_shared>> -> memref<125x128xf32, #tpu.memory_space<vmem_shared>>
      %dma_wait3A_171 = arith.constant 0 : i32
      %dma_wait3A_172 = arith.constant 0 : i32
      %dma_wait3A_173 = tpu.memref_slice %arg7[%run_scoped3A_63, %dma_wait3A_171, %dma_wait3A_172] : memref<2x125x128xf32, #tpu.memory_space<vmem>> -> memref<1x125x128xf32, #tpu.memory_space<vmem>>
      %dma_wait3A_174 = tpu.memref_squeeze %dma_wait3A_173 : memref<1x125x128xf32, #tpu.memory_space<vmem>> -> memref<125x128xf32, #tpu.memory_space<vmem>>
      tpu.wait_dma2 semaphore(%run_scoped3A_150 : memref<!tpu.dma_semaphore, #tpu.memory_space<semaphore_mem>>) src(%dma_wait3A_174 : memref<125x128xf32, #tpu.memory_space<vmem>>) dst(%dma_wait3A_170 : memref<125x128xf32, #tpu.memory_space<vmem_shared>>)
      tpu.yield
    }) : () -> ()
    %mul3A_64 = arith.constant 632 : i32
    %mul3A_65 = arith.muli %arg1, %mul3A_64 : i32
    %add3A_66 = arith.constant 625 : i32
    %add3A_67 = arith.addi %mul3A_65, %add3A_66 : i32
    %run_scoped3A_68 = arith.constant 0 : i32
    "tpu.region"() ({
      %run_scoped3A_150 = tpu.sem_alloc : memref<!tpu.dma_semaphore, #tpu.memory_space<semaphore_mem>>
      %dma_start3A_151 = arith.constant 0 : i32
      %dma_start3A_152 = arith.constant 0 : i32
      %dma_start3A_153 = tpu.memref_slice %arg7[%run_scoped3A_68, %dma_start3A_151, %dma_start3A_152] : memref<2x125x128xf32, #tpu.memory_space<vmem>> -> memref<1x7x128xf32, #tpu.memory_space<vmem>>
      %dma_start3A_154 = tpu.memref_squeeze %dma_start3A_153 : memref<1x7x128xf32, #tpu.memory_space<vmem>> -> memref<7x128xf32, #tpu.memory_space<vmem>>
      %dma_start3A_155 = arith.constant 0 : i32
      %dma_start3A_156 = tpu.memref_slice %arg8[%add3A_67, %dma_start3A_155] : memref<10112x128xf32, #tpu.memory_space<vmem_shared>> -> memref<7x128xf32, #tpu.memory_space<vmem_shared>>
      %dma_start3A_157 = arith.constant 0 : i32
      %dma_start3A_158 = tpu.memref_slice %arg8[%add3A_67, %dma_start3A_157] : memref<10112x128xf32, #tpu.memory_space<vmem_shared>> -> memref<7x128xf32, #tpu.memory_space<vmem_shared>>
      %dma_start3A_159 = arith.constant 0 : i32
      %dma_start3A_160 = arith.constant 0 : i32
      %dma_start3A_161 = tpu.memref_slice %arg7[%run_scoped3A_68, %dma_start3A_159, %dma_start3A_160] : memref<2x125x128xf32, #tpu.memory_space<vmem>> -> memref<1x7x128xf32, #tpu.memory_space<vmem>>
      %dma_start3A_162 = tpu.memref_squeeze %dma_start3A_161 : memref<1x7x128xf32, #tpu.memory_space<vmem>> -> memref<7x128xf32, #tpu.memory_space<vmem>>
      tpu.enqueue_dma source(%dma_start3A_162 : memref<7x128xf32, #tpu.memory_space<vmem>>) target(%dma_start3A_158 : memref<7x128xf32, #tpu.memory_space<vmem_shared>>) target_semaphore(%run_scoped3A_150 : memref<!tpu.dma_semaphore, #tpu.memory_space<semaphore_mem>>)
      %dma_wait3A_163 = arith.constant 0 : i32
      %dma_wait3A_164 = arith.constant 0 : i32
      %dma_wait3A_165 = tpu.memref_slice %arg7[%run_scoped3A_68, %dma_wait3A_163, %dma_wait3A_164] : memref<2x125x128xf32, #tpu.memory_space<vmem>> -> memref<1x7x128xf32, #tpu.memory_space<vmem>>
      %dma_wait3A_166 = tpu.memref_squeeze %dma_wait3A_165 : memref<1x7x128xf32, #tpu.memory_space<vmem>> -> memref<7x128xf32, #tpu.memory_space<vmem>>
      %dma_wait3A_167 = arith.constant 0 : i32
      %dma_wait3A_168 = tpu.memref_slice %arg8[%add3A_67, %dma_wait3A_167] : memref<10112x128xf32, #tpu.memory_space<vmem_shared>> -> memref<7x128xf32, #tpu.memory_space<vmem_shared>>
      %dma_wait3A_169 = arith.constant 0 : i32
      %dma_wait3A_170 = tpu.memref_slice %arg8[%add3A_67, %dma_wait3A_169] : memref<10112x128xf32, #tpu.memory_space<vmem_shared>> -> memref<7x128xf32, #tpu.memory_space<vmem_shared>>
      %dma_wait3A_171 = arith.constant 0 : i32
      %dma_wait3A_172 = arith.constant 0 : i32
      %dma_wait3A_173 = tpu.memref_slice %arg7[%run_scoped3A_68, %dma_wait3A_171, %dma_wait3A_172] : memref<2x125x128xf32, #tpu.memory_space<vmem>> -> memref<1x7x128xf32, #tpu.memory_space<vmem>>
      %dma_wait3A_174 = tpu.memref_squeeze %dma_wait3A_173 : memref<1x7x128xf32, #tpu.memory_space<vmem>> -> memref<7x128xf32, #tpu.memory_space<vmem>>
      tpu.wait_dma2 semaphore(%run_scoped3A_150 : memref<!tpu.dma_semaphore, #tpu.memory_space<semaphore_mem>>) src(%dma_wait3A_174 : memref<7x128xf32, #tpu.memory_space<vmem>>) dst(%dma_wait3A_170 : memref<7x128xf32, #tpu.memory_space<vmem_shared>>)
      tpu.yield
    }) : () -> ()
    %dma_wait3A = arith.constant 0 : i32
    %dma_wait3A_69 = arith.constant 0 : i32
    %dma_wait3A_70 = arith.constant 0 : i32
    %dma_wait3A_71 = arith.constant 0 : i32
    %dma_wait3A_72 = tpu.memref_slice %arg5[%dma_wait3A_69, %dma_wait3A_70, %dma_wait3A_71] : memref<2x16x125xi32, #tpu.memory_space<vmem>> -> memref<1x16x125xi32, #tpu.memory_space<vmem>>
    %dma_wait3A_73 = tpu.memref_squeeze %dma_wait3A_72 : memref<1x16x125xi32, #tpu.memory_space<vmem>> -> memref<16x125xi32, #tpu.memory_space<vmem>>
    %dma_wait3A_74 = arith.constant 0 : i32
    %dma_wait3A_75 = arith.constant 0 : i32
    %dma_wait3A_76 = tpu.memref_slice %arg2[%dma_wait3A, %arg1, %dma_wait3A_74, %dma_wait3A_75] : memref<2x16x160x125xi32, #tpu.memory_space<hbm>> -> memref<1x1x16x125xi32, #tpu.memory_space<hbm>>
    %dma_wait3A_77 = tpu.memref_squeeze %dma_wait3A_76 : memref<1x1x16x125xi32, #tpu.memory_space<hbm>> -> memref<16x125xi32, #tpu.memory_space<hbm>>
    %dma_wait3A_78 = arith.constant 0 : i32
    %dma_wait3A_79 = arith.constant 0 : i32
    %dma_wait3A_80 = tpu.memref_slice %arg5[%dma_wait3A_69, %dma_wait3A_78, %dma_wait3A_79] : memref<2x16x125xi32, #tpu.memory_space<vmem>> -> memref<1x16x125xi32, #tpu.memory_space<vmem>>
    %dma_wait3A_81 = tpu.memref_squeeze %dma_wait3A_80 : memref<1x16x125xi32, #tpu.memory_space<vmem>> -> memref<16x125xi32, #tpu.memory_space<vmem>>
    %dma_wait3A_82 = arith.constant 0 : i32
    %dma_wait3A_83 = arith.constant 0 : i32
    %dma_wait3A_84 = tpu.memref_slice %arg2[%dma_wait3A, %arg1, %dma_wait3A_82, %dma_wait3A_83] : memref<2x16x160x125xi32, #tpu.memory_space<hbm>> -> memref<1x1x16x125xi32, #tpu.memory_space<hbm>>
    %dma_wait3A_85 = tpu.memref_squeeze %dma_wait3A_84 : memref<1x1x16x125xi32, #tpu.memory_space<hbm>> -> memref<16x125xi32, #tpu.memory_space<hbm>>
    tpu.wait_dma2 semaphore(%arg9 : memref<!tpu.dma_semaphore, #tpu.memory_space<semaphore_mem>>) src(%dma_wait3A_85 : memref<16x125xi32, #tpu.memory_space<hbm>>) dst(%dma_wait3A_81 : memref<16x125xi32, #tpu.memory_space<vmem>>)
    %dma_wait3A_86 = arith.constant 1 : i32
    %dma_wait3A_87 = arith.constant 0 : i32
    %dma_wait3A_88 = arith.constant 0 : i32
    %dma_wait3A_89 = arith.constant 0 : i32
    %dma_wait3A_90 = tpu.memref_slice %arg6[%dma_wait3A_87, %dma_wait3A_88, %dma_wait3A_89] : memref<2x16x125xi32, #tpu.memory_space<vmem>> -> memref<1x16x125xi32, #tpu.memory_space<vmem>>
    %dma_wait3A_91 = tpu.memref_squeeze %dma_wait3A_90 : memref<1x16x125xi32, #tpu.memory_space<vmem>> -> memref<16x125xi32, #tpu.memory_space<vmem>>
    %dma_wait3A_92 = arith.constant 0 : i32
    %dma_wait3A_93 = arith.constant 0 : i32
    %dma_wait3A_94 = tpu.memref_slice %arg2[%dma_wait3A_86, %arg1, %dma_wait3A_92, %dma_wait3A_93] : memref<2x16x160x125xi32, #tpu.memory_space<hbm>> -> memref<1x1x16x125xi32, #tpu.memory_space<hbm>>
    %dma_wait3A_95 = tpu.memref_squeeze %dma_wait3A_94 : memref<1x1x16x125xi32, #tpu.memory_space<hbm>> -> memref<16x125xi32, #tpu.memory_space<hbm>>
    %dma_wait3A_96 = arith.constant 0 : i32
    %dma_wait3A_97 = arith.constant 0 : i32
    %dma_wait3A_98 = tpu.memref_slice %arg6[%dma_wait3A_87, %dma_wait3A_96, %dma_wait3A_97] : memref<2x16x125xi32, #tpu.memory_space<vmem>> -> memref<1x16x125xi32, #tpu.memory_space<vmem>>
    %dma_wait3A_99 = tpu.memref_squeeze %dma_wait3A_98 : memref<1x16x125xi32, #tpu.memory_space<vmem>> -> memref<16x125xi32, #tpu.memory_space<vmem>>
    %dma_wait3A_100 = arith.constant 0 : i32
    %dma_wait3A_101 = arith.constant 0 : i32
    %dma_wait3A_102 = tpu.memref_slice %arg2[%dma_wait3A_86, %arg1, %dma_wait3A_100, %dma_wait3A_101] : memref<2x16x160x125xi32, #tpu.memory_space<hbm>> -> memref<1x1x16x125xi32, #tpu.memory_space<hbm>>
    %dma_wait3A_103 = tpu.memref_squeeze %dma_wait3A_102 : memref<1x1x16x125xi32, #tpu.memory_space<hbm>> -> memref<16x125xi32, #tpu.memory_space<hbm>>
    tpu.wait_dma2 semaphore(%arg9 : memref<!tpu.dma_semaphore, #tpu.memory_space<semaphore_mem>>) src(%dma_wait3A_103 : memref<16x125xi32, #tpu.memory_space<hbm>>) dst(%dma_wait3A_99 : memref<16x125xi32, #tpu.memory_space<vmem>>)
    %dma_start3A_104 = arith.constant 0 : i32
    %dma_start3A_105 = arith.constant 0 : i32
    %dma_start3A_106 = arith.constant 0 : i32
    %dma_start3A_107 = arith.constant 0 : i32
    %dma_start3A_108 = arith.constant 0 : i32
    %dma_start3A_109 = tpu.memref_slice %arg7[%dma_start3A_106, %dma_start3A_107, %dma_start3A_108] : memref<2x125x128xf32, #tpu.memory_space<vmem>> -> memref<1x125x128xf32, #tpu.memory_space<vmem>>
    %dma_start3A_110 = tpu.memref_squeeze %dma_start3A_109 : memref<1x125x128xf32, #tpu.memory_space<vmem>> -> memref<125x128xf32, #tpu.memory_space<vmem>>
    %dma_start3A_111 = arith.constant 0 : i32
    %dma_start3A_112 = tpu.memref_slice %arg5[%dma_start3A_104, %dma_start3A_105, %dma_start3A_111] : memref<2x16x125xi32, #tpu.memory_space<vmem>> -> memref<1x1x125xi32, #tpu.memory_space<vmem>>
    %dma_start3A_113 = tpu.memref_squeeze %dma_start3A_112 : memref<1x1x125xi32, #tpu.memory_space<vmem>> -> memref<125xi32, #tpu.memory_space<vmem>>
    %dma_start3A_114 = arith.constant 0 : i32
    %dma_start3A_115 = arith.constant 0 : i32
    %dma_start3A_116 = tpu.memref_slice %arg3[%arg0, %dma_start3A_114, %dma_start3A_115] : memref<2x10000x128xf32, #tpu.memory_space<hbm>> -> memref<1x10000x128xf32, #tpu.memory_space<hbm>>
    %dma_start3A_117 = tpu.memref_squeeze %dma_start3A_116 : memref<1x10000x128xf32, #tpu.memory_space<hbm>> -> memref<10000x128xf32, #tpu.memory_space<hbm>>
    %dma_start3A_118 = arith.constant 0 : i32
    %dma_start3A_119 = arith.constant 0 : i32
    %dma_start3A_120 = tpu.memref_slice %dma_start3A_117[%dma_start3A_118, %dma_start3A_119] : memref<10000x128xf32, #tpu.memory_space<hbm>> -> memref<10000x128xf32, #tpu.memory_space<hbm>>
    tpu.enqueue_indirect_dma source(%dma_start3A_120 : memref<10000x128xf32, #tpu.memory_space<hbm>>) target(%dma_start3A_110 : memref<125x128xf32, #tpu.memory_space<vmem>>) offsets(%dma_start3A_113 : memref<125xi32, #tpu.memory_space<vmem>>) semaphore(%arg10 : memref<!tpu.dma_semaphore, #tpu.memory_space<semaphore_mem>>)
    %dma_start3A_121 = arith.constant 0 : i32
    %dma_start3A_122 = arith.constant 1 : i32
    %dma_start3A_123 = arith.constant 1 : i32
    %dma_start3A_124 = arith.constant 0 : i32
    %dma_start3A_125 = arith.constant 0 : i32
    %dma_start3A_126 = tpu.memref_slice %arg7[%dma_start3A_123, %dma_start3A_124, %dma_start3A_125] : memref<2x125x128xf32, #tpu.memory_space<vmem>> -> memref<1x125x128xf32, #tpu.memory_space<vmem>>
    %dma_start3A_127 = tpu.memref_squeeze %dma_start3A_126 : memref<1x125x128xf32, #tpu.memory_space<vmem>> -> memref<125x128xf32, #tpu.memory_space<vmem>>
    %dma_start3A_128 = arith.constant 0 : i32
    %dma_start3A_129 = tpu.memref_slice %arg5[%dma_start3A_121, %dma_start3A_122, %dma_start3A_128] : memref<2x16x125xi32, #tpu.memory_space<vmem>> -> memref<1x1x125xi32, #tpu.memory_space<vmem>>
    %dma_start3A_130 = tpu.memref_squeeze %dma_start3A_129 : memref<1x1x125xi32, #tpu.memory_space<vmem>> -> memref<125xi32, #tpu.memory_space<vmem>>
    %dma_start3A_131 = arith.constant 0 : i32
    %dma_start3A_132 = arith.constant 0 : i32
    %dma_start3A_133 = tpu.memref_slice %arg3[%arg0, %dma_start3A_131, %dma_start3A_132] : memref<2x10000x128xf32, #tpu.memory_space<hbm>> -> memref<1x10000x128xf32, #tpu.memory_space<hbm>>
    %dma_start3A_134 = tpu.memref_squeeze %dma_start3A_133 : memref<1x10000x128xf32, #tpu.memory_space<hbm>> -> memref<10000x128xf32, #tpu.memory_space<hbm>>
    %dma_start3A_135 = arith.constant 0 : i32
    %dma_start3A_136 = arith.constant 0 : i32
    %dma_start3A_137 = tpu.memref_slice %dma_start3A_134[%dma_start3A_135, %dma_start3A_136] : memref<10000x128xf32, #tpu.memory_space<hbm>> -> memref<10000x128xf32, #tpu.memory_space<hbm>>
    tpu.enqueue_indirect_dma source(%dma_start3A_137 : memref<10000x128xf32, #tpu.memory_space<hbm>>) target(%dma_start3A_127 : memref<125x128xf32, #tpu.memory_space<vmem>>) offsets(%dma_start3A_130 : memref<125xi32, #tpu.memory_space<vmem>>) semaphore(%arg11 : memref<!tpu.dma_semaphore, #tpu.memory_space<semaphore_mem>>)
    %barrier3A = arith.constant 0 : index
    tpu.barrier barrier_id(%barrier3A)
    %scan3A_138 = arith.constant 0 : i32
    %scan3A_139 = arith.constant 0 : i32
    %scan3A_140 = arith.constant 5 : i32
    %scan3A_141 = arith.addi %scan3A_139, %scan3A_140 : i32
    %scan3A_142 = arith.constant 1 : i32
    %scan3A_143 = scf.for %scan3A_150 = %scan3A_139 to %scan3A_141 step %scan3A_142 iter_args(%scan3A_151 = %scan3A_138) -> (i32)  : i32 {
      %mul3A_152 = arith.constant 2 : i32
      %mul3A_153 = arith.muli %mul3A_152, %scan3A_150 : i32
      %add3A_154 = arith.constant 0 : i32
      %add3A_155 = arith.addi %mul3A_153, %add3A_154 : i32
      %add3A_156 = arith.constant 1 : i32
      %add3A_157 = arith.addi %add3A_155, %add3A_156 : i32
      %lt3A = arith.constant 10 : i32
      %lt3A_158 = arith.cmpi slt, %add3A_157, %lt3A : i32
      %convert_element_type3A = arith.extui %lt3A_158 : i1 to i32
      %cond3A = arith.constant 0 : i32
      %cond3A_159 = arith.cmpi ne, %convert_element_type3A, %cond3A : i32
      scf.if %cond3A_159 {
        %add3A_200 = arith.constant 1 : i32
        %add3A_201 = arith.addi %add3A_155, %add3A_200 : i32
        %mul3A_202 = arith.constant 16 : i32
        %mul3A_203 = arith.muli %add3A_201, %mul3A_202 : i32
        %dma_start3A_204 = arith.constant 0 : i32
        %dma_start3A_205 = arith.constant 1 : i32
        %dma_start3A_206 = arith.constant 0 : i32
        %dma_start3A_207 = arith.constant 0 : i32
        %dma_start3A_208 = tpu.memref_slice %arg5[%dma_start3A_205, %dma_start3A_206, %dma_start3A_207] : memref<2x16x125xi32, #tpu.memory_space<vmem>> -> memref<1x16x125xi32, #tpu.memory_space<vmem>>
        %dma_start3A_209 = tpu.memref_squeeze %dma_start3A_208 : memref<1x16x125xi32, #tpu.memory_space<vmem>> -> memref<16x125xi32, #tpu.memory_space<vmem>>
        %dma_start3A_210 = arith.constant 0 : i32
        %dma_start3A_211 = tpu.memref_slice %arg2[%dma_start3A_204, %arg1, %mul3A_203, %dma_start3A_210] : memref<2x16x160x125xi32, #tpu.memory_space<hbm>> -> memref<1x1x16x125xi32, #tpu.memory_space<hbm>>
        %dma_start3A_212 = tpu.memref_squeeze %dma_start3A_211 : memref<1x1x16x125xi32, #tpu.memory_space<hbm>> -> memref<16x125xi32, #tpu.memory_space<hbm>>
        %dma_start3A_213 = arith.constant 0 : i32
        %dma_start3A_214 = arith.constant 0 : i32
        %dma_start3A_215 = tpu.memref_slice %arg5[%dma_start3A_205, %dma_start3A_213, %dma_start3A_214] : memref<2x16x125xi32, #tpu.memory_space<vmem>> -> memref<1x16x125xi32, #tpu.memory_space<vmem>>
        %dma_start3A_216 = tpu.memref_squeeze %dma_start3A_215 : memref<1x16x125xi32, #tpu.memory_space<vmem>> -> memref<16x125xi32, #tpu.memory_space<vmem>>
        %dma_start3A_217 = arith.constant 0 : i32
        %dma_start3A_218 = tpu.memref_slice %arg2[%dma_start3A_204, %arg1, %mul3A_203, %dma_start3A_217] : memref<2x16x160x125xi32, #tpu.memory_space<hbm>> -> memref<1x1x16x125xi32, #tpu.memory_space<hbm>>
        %dma_start3A_219 = tpu.memref_squeeze %dma_start3A_218 : memref<1x1x16x125xi32, #tpu.memory_space<hbm>> -> memref<16x125xi32, #tpu.memory_space<hbm>>
        tpu.enqueue_dma source(%dma_start3A_219 : memref<16x125xi32, #tpu.memory_space<hbm>>) target(%dma_start3A_216 : memref<16x125xi32, #tpu.memory_space<vmem>>) target_semaphore(%arg9 : memref<!tpu.dma_semaphore, #tpu.memory_space<semaphore_mem>>)
        %add3A_220 = arith.constant 1 : i32
        %add3A_221 = arith.addi %add3A_155, %add3A_220 : i32
        %mul3A_222 = arith.constant 16 : i32
        %mul3A_223 = arith.muli %add3A_221, %mul3A_222 : i32
        %dma_start3A_224 = arith.constant 1 : i32
        %dma_start3A_225 = arith.constant 1 : i32
        %dma_start3A_226 = arith.constant 0 : i32
        %dma_start3A_227 = arith.constant 0 : i32
        %dma_start3A_228 = tpu.memref_slice %arg6[%dma_start3A_225, %dma_start3A_226, %dma_start3A_227] : memref<2x16x125xi32, #tpu.memory_space<vmem>> -> memref<1x16x125xi32, #tpu.memory_space<vmem>>
        %dma_start3A_229 = tpu.memref_squeeze %dma_start3A_228 : memref<1x16x125xi32, #tpu.memory_space<vmem>> -> memref<16x125xi32, #tpu.memory_space<vmem>>
        %dma_start3A_230 = arith.constant 0 : i32
        %dma_start3A_231 = tpu.memref_slice %arg2[%dma_start3A_224, %arg1, %mul3A_223, %dma_start3A_230] : memref<2x16x160x125xi32, #tpu.memory_space<hbm>> -> memref<1x1x16x125xi32, #tpu.memory_space<hbm>>
        %dma_start3A_232 = tpu.memref_squeeze %dma_start3A_231 : memref<1x1x16x125xi32, #tpu.memory_space<hbm>> -> memref<16x125xi32, #tpu.memory_space<hbm>>
        %dma_start3A_233 = arith.constant 0 : i32
        %dma_start3A_234 = arith.constant 0 : i32
        %dma_start3A_235 = tpu.memref_slice %arg6[%dma_start3A_225, %dma_start3A_233, %dma_start3A_234] : memref<2x16x125xi32, #tpu.memory_space<vmem>> -> memref<1x16x125xi32, #tpu.memory_space<vmem>>
        %dma_start3A_236 = tpu.memref_squeeze %dma_start3A_235 : memref<1x16x125xi32, #tpu.memory_space<vmem>> -> memref<16x125xi32, #tpu.memory_space<vmem>>
        %dma_start3A_237 = arith.constant 0 : i32
        %dma_start3A_238 = tpu.memref_slice %arg2[%dma_start3A_224, %arg1, %mul3A_223, %dma_start3A_237] : memref<2x16x160x125xi32, #tpu.memory_space<hbm>> -> memref<1x1x16x125xi32, #tpu.memory_space<hbm>>
        %dma_start3A_239 = tpu.memref_squeeze %dma_start3A_238 : memref<1x1x16x125xi32, #tpu.memory_space<hbm>> -> memref<16x125xi32, #tpu.memory_space<hbm>>
        tpu.enqueue_dma source(%dma_start3A_239 : memref<16x125xi32, #tpu.memory_space<hbm>>) target(%dma_start3A_236 : memref<16x125xi32, #tpu.memory_space<vmem>>) target_semaphore(%arg9 : memref<!tpu.dma_semaphore, #tpu.memory_space<semaphore_mem>>)
      } else {
      }
      %scan3A_160 = arith.constant 0 : i32
      %scan3A_161 = arith.constant 0 : i32
      %scan3A_162 = arith.constant 8 : i32
      %scan3A_163 = arith.addi %scan3A_161, %scan3A_162 : i32
      %scan3A_164 = arith.constant 1 : i32
      %scan3A_165 = scf.for %scan3A_200 = %scan3A_161 to %scan3A_163 step %scan3A_164 iter_args(%scan3A_201 = %scan3A_160) -> (i32)  : i32 {
        %mul3A_202 = arith.constant 2 : i32
        %mul3A_203 = arith.muli %mul3A_202, %scan3A_200 : i32
        %add3A_204 = arith.constant 0 : i32
        %add3A_205 = arith.addi %mul3A_203, %add3A_204 : i32
        %dma_wait3A_206 = arith.constant 0 : i32
        %dma_wait3A_207 = arith.constant 0 : i32
        %dma_wait3A_208 = arith.constant 0 : i32
        %dma_wait3A_209 = arith.constant 0 : i32
        %dma_wait3A_210 = tpu.memref_slice %arg7[%dma_wait3A_207, %dma_wait3A_208, %dma_wait3A_209] : memref<2x125x128xf32, #tpu.memory_space<vmem>> -> memref<1x125x128xf32, #tpu.memory_space<vmem>>
        %dma_wait3A_211 = tpu.memref_squeeze %dma_wait3A_210 : memref<1x125x128xf32, #tpu.memory_space<vmem>> -> memref<125x128xf32, #tpu.memory_space<vmem>>
        %dma_wait3A_212 = arith.constant 0 : i32
        %dma_wait3A_213 = tpu.memref_slice %arg5[%dma_wait3A_206, %add3A_205, %dma_wait3A_212] : memref<2x16x125xi32, #tpu.memory_space<vmem>> -> memref<1x1x125xi32, #tpu.memory_space<vmem>>
        %dma_wait3A_214 = tpu.memref_squeeze %dma_wait3A_213 : memref<1x1x125xi32, #tpu.memory_space<vmem>> -> memref<125xi32, #tpu.memory_space<vmem>>
        %dma_wait3A_215 = arith.constant 0 : i32
        %dma_wait3A_216 = arith.constant 0 : i32
        %dma_wait3A_217 = tpu.memref_slice %arg3[%arg0, %dma_wait3A_215, %dma_wait3A_216] : memref<2x10000x128xf32, #tpu.memory_space<hbm>> -> memref<1x10000x128xf32, #tpu.memory_space<hbm>>
        %dma_wait3A_218 = tpu.memref_squeeze %dma_wait3A_217 : memref<1x10000x128xf32, #tpu.memory_space<hbm>> -> memref<10000x128xf32, #tpu.memory_space<hbm>>
        %dma_wait3A_219 = arith.constant 0 : i32
        %dma_wait3A_220 = arith.constant 0 : i32
        %dma_wait3A_221 = tpu.memref_slice %dma_wait3A_218[%dma_wait3A_219, %dma_wait3A_220] : memref<10000x128xf32, #tpu.memory_space<hbm>> -> memref<10000x128xf32, #tpu.memory_space<hbm>>
        tpu.wait_indirect_dma semaphore(%arg10 : memref<!tpu.dma_semaphore, #tpu.memory_space<semaphore_mem>>) src(%dma_wait3A_221 : memref<10000x128xf32, #tpu.memory_space<hbm>>) dst(%dma_wait3A_211 : memref<125x128xf32, #tpu.memory_space<vmem>>)
        %run_scoped3A_222 = arith.constant 0 : i32
        %run_scoped3A_223 = arith.constant 0 : i32
        "tpu.region"() ({
          %run_scoped3A_261 = tpu.sem_alloc : memref<!tpu.dma_semaphore, #tpu.memory_space<semaphore_mem>>
          %dma_start3A_262 = arith.constant 0 : i32
          %dma_start3A_263 = arith.constant 0 : i32
          %dma_start3A_264 = tpu.memref_slice %arg7[%run_scoped3A_222, %dma_start3A_262, %dma_start3A_263] : memref<2x125x128xf32, #tpu.memory_space<vmem>> -> memref<1x125x128xf32, #tpu.memory_space<vmem>>
          %dma_start3A_265 = tpu.memref_squeeze %dma_start3A_264 : memref<1x125x128xf32, #tpu.memory_space<vmem>> -> memref<125x128xf32, #tpu.memory_space<vmem>>
          %dma_start3A_266 = arith.constant 0 : i32
          %dma_start3A_267 = tpu.memref_slice %arg6[%run_scoped3A_223, %add3A_205, %dma_start3A_266] : memref<2x16x125xi32, #tpu.memory_space<vmem>> -> memref<1x1x125xi32, #tpu.memory_space<vmem>>
          %dma_start3A_268 = tpu.memref_squeeze %dma_start3A_267 : memref<1x1x125xi32, #tpu.memory_space<vmem>> -> memref<125xi32, #tpu.memory_space<vmem>>
          %dma_start3A_269 = arith.constant 0 : i32
          %dma_start3A_270 = arith.constant 0 : i32
          %dma_start3A_271 = tpu.memref_slice %arg8[%dma_start3A_269, %dma_start3A_270] : memref<10112x128xf32, #tpu.memory_space<vmem_shared>> -> memref<10112x128xf32, #tpu.memory_space<vmem_shared>>
          tpu.enqueue_indirect_dma source(%dma_start3A_265 : memref<125x128xf32, #tpu.memory_space<vmem>>) target(%dma_start3A_271 : memref<10112x128xf32, #tpu.memory_space<vmem_shared>>) offsets(%dma_start3A_268 : memref<125xi32, #tpu.memory_space<vmem>>) semaphore(%run_scoped3A_261 : memref<!tpu.dma_semaphore, #tpu.memory_space<semaphore_mem>>) {add = true}
          %dma_wait3A_272 = arith.constant 0 : i32
          %dma_wait3A_273 = arith.constant 0 : i32
          %dma_wait3A_274 = tpu.memref_slice %arg7[%run_scoped3A_222, %dma_wait3A_272, %dma_wait3A_273] : memref<2x125x128xf32, #tpu.memory_space<vmem>> -> memref<1x125x128xf32, #tpu.memory_space<vmem>>
          %dma_wait3A_275 = tpu.memref_squeeze %dma_wait3A_274 : memref<1x125x128xf32, #tpu.memory_space<vmem>> -> memref<125x128xf32, #tpu.memory_space<vmem>>
          %dma_wait3A_276 = arith.constant 0 : i32
          %dma_wait3A_277 = tpu.memref_slice %arg6[%run_scoped3A_223, %add3A_205, %dma_wait3A_276] : memref<2x16x125xi32, #tpu.memory_space<vmem>> -> memref<1x1x125xi32, #tpu.memory_space<vmem>>
          %dma_wait3A_278 = tpu.memref_squeeze %dma_wait3A_277 : memref<1x1x125xi32, #tpu.memory_space<vmem>> -> memref<125xi32, #tpu.memory_space<vmem>>
          %dma_wait3A_279 = arith.constant 0 : i32
          %dma_wait3A_280 = arith.constant 0 : i32
          %dma_wait3A_281 = tpu.memref_slice %arg8[%dma_wait3A_279, %dma_wait3A_280] : memref<10112x128xf32, #tpu.memory_space<vmem_shared>> -> memref<10112x128xf32, #tpu.memory_space<vmem_shared>>
          tpu.wait_indirect_dma semaphore(%run_scoped3A_261 : memref<!tpu.dma_semaphore, #tpu.memory_space<semaphore_mem>>) src(%dma_wait3A_275 : memref<125x128xf32, #tpu.memory_space<vmem>>) dst(%dma_wait3A_281 : memref<10112x128xf32, #tpu.memory_space<vmem_shared>>)
          tpu.yield
        }) : () -> ()
        %add3A_224 = arith.constant 2 : i32
        %add3A_225 = arith.addi %add3A_205, %add3A_224 : i32
        %lt3A_226 = arith.constant 16 : i32
        %lt3A_227 = arith.cmpi slt, %add3A_225, %lt3A_226 : i32
        %convert_element_type3A_228 = arith.extui %lt3A_227 : i1 to i32
        %cond3A_229 = arith.constant 0 : i32
        %cond3A_230 = arith.cmpi ne, %convert_element_type3A_228, %cond3A_229 : i32
        scf.if %cond3A_230 {
          %add3A_261 = arith.constant 2 : i32
          %add3A_262 = arith.addi %add3A_205, %add3A_261 : i32
          %dma_start3A_263 = arith.constant 0 : i32
          %dma_start3A_264 = arith.constant 0 : i32
          %dma_start3A_265 = arith.constant 0 : i32
          %dma_start3A_266 = arith.constant 0 : i32
          %dma_start3A_267 = tpu.memref_slice %arg7[%dma_start3A_264, %dma_start3A_265, %dma_start3A_266] : memref<2x125x128xf32, #tpu.memory_space<vmem>> -> memref<1x125x128xf32, #tpu.memory_space<vmem>>
          %dma_start3A_268 = tpu.memref_squeeze %dma_start3A_267 : memref<1x125x128xf32, #tpu.memory_space<vmem>> -> memref<125x128xf32, #tpu.memory_space<vmem>>
          %dma_start3A_269 = arith.constant 0 : i32
          %dma_start3A_270 = tpu.memref_slice %arg5[%dma_start3A_263, %add3A_262, %dma_start3A_269] : memref<2x16x125xi32, #tpu.memory_space<vmem>> -> memref<1x1x125xi32, #tpu.memory_space<vmem>>
          %dma_start3A_271 = tpu.memref_squeeze %dma_start3A_270 : memref<1x1x125xi32, #tpu.memory_space<vmem>> -> memref<125xi32, #tpu.memory_space<vmem>>
          %dma_start3A_272 = arith.constant 0 : i32
          %dma_start3A_273 = arith.constant 0 : i32
          %dma_start3A_274 = tpu.memref_slice %arg3[%arg0, %dma_start3A_272, %dma_start3A_273] : memref<2x10000x128xf32, #tpu.memory_space<hbm>> -> memref<1x10000x128xf32, #tpu.memory_space<hbm>>
          %dma_start3A_275 = tpu.memref_squeeze %dma_start3A_274 : memref<1x10000x128xf32, #tpu.memory_space<hbm>> -> memref<10000x128xf32, #tpu.memory_space<hbm>>
          %dma_start3A_276 = arith.constant 0 : i32
          %dma_start3A_277 = arith.constant 0 : i32
          %dma_start3A_278 = tpu.memref_slice %dma_start3A_275[%dma_start3A_276, %dma_start3A_277] : memref<10000x128xf32, #tpu.memory_space<hbm>> -> memref<10000x128xf32, #tpu.memory_space<hbm>>
          tpu.enqueue_indirect_dma source(%dma_start3A_278 : memref<10000x128xf32, #tpu.memory_space<hbm>>) target(%dma_start3A_268 : memref<125x128xf32, #tpu.memory_space<vmem>>) offsets(%dma_start3A_271 : memref<125xi32, #tpu.memory_space<vmem>>) semaphore(%arg10 : memref<!tpu.dma_semaphore, #tpu.memory_space<semaphore_mem>>)
        } else {
        }
        %mul3A_231 = arith.constant 2 : i32
        %mul3A_232 = arith.muli %mul3A_231, %scan3A_200 : i32
        %add3A_233 = arith.constant 1 : i32
        %add3A_234 = arith.addi %mul3A_232, %add3A_233 : i32
        %dma_wait3A_235 = arith.constant 0 : i32
        %dma_wait3A_236 = arith.constant 1 : i32
        %dma_wait3A_237 = arith.constant 0 : i32
        %dma_wait3A_238 = arith.constant 0 : i32
        %dma_wait3A_239 = tpu.memref_slice %arg7[%dma_wait3A_236, %dma_wait3A_237, %dma_wait3A_238] : memref<2x125x128xf32, #tpu.memory_space<vmem>> -> memref<1x125x128xf32, #tpu.memory_space<vmem>>
        %dma_wait3A_240 = tpu.memref_squeeze %dma_wait3A_239 : memref<1x125x128xf32, #tpu.memory_space<vmem>> -> memref<125x128xf32, #tpu.memory_space<vmem>>
        %dma_wait3A_241 = arith.constant 0 : i32
        %dma_wait3A_242 = tpu.memref_slice %arg5[%dma_wait3A_235, %add3A_234, %dma_wait3A_241] : memref<2x16x125xi32, #tpu.memory_space<vmem>> -> memref<1x1x125xi32, #tpu.memory_space<vmem>>
        %dma_wait3A_243 = tpu.memref_squeeze %dma_wait3A_242 : memref<1x1x125xi32, #tpu.memory_space<vmem>> -> memref<125xi32, #tpu.memory_space<vmem>>
        %dma_wait3A_244 = arith.constant 0 : i32
        %dma_wait3A_245 = arith.constant 0 : i32
        %dma_wait3A_246 = tpu.memref_slice %arg3[%arg0, %dma_wait3A_244, %dma_wait3A_245] : memref<2x10000x128xf32, #tpu.memory_space<hbm>> -> memref<1x10000x128xf32, #tpu.memory_space<hbm>>
        %dma_wait3A_247 = tpu.memref_squeeze %dma_wait3A_246 : memref<1x10000x128xf32, #tpu.memory_space<hbm>> -> memref<10000x128xf32, #tpu.memory_space<hbm>>
        %dma_wait3A_248 = arith.constant 0 : i32
        %dma_wait3A_249 = arith.constant 0 : i32
        %dma_wait3A_250 = tpu.memref_slice %dma_wait3A_247[%dma_wait3A_248, %dma_wait3A_249] : memref<10000x128xf32, #tpu.memory_space<hbm>> -> memref<10000x128xf32, #tpu.memory_space<hbm>>
        tpu.wait_indirect_dma semaphore(%arg11 : memref<!tpu.dma_semaphore, #tpu.memory_space<semaphore_mem>>) src(%dma_wait3A_250 : memref<10000x128xf32, #tpu.memory_space<hbm>>) dst(%dma_wait3A_240 : memref<125x128xf32, #tpu.memory_space<vmem>>)
        %run_scoped3A_251 = arith.constant 1 : i32
        %run_scoped3A_252 = arith.constant 0 : i32
        "tpu.region"() ({
          %run_scoped3A_261 = tpu.sem_alloc : memref<!tpu.dma_semaphore, #tpu.memory_space<semaphore_mem>>
          %dma_start3A_262 = arith.constant 0 : i32
          %dma_start3A_263 = arith.constant 0 : i32
          %dma_start3A_264 = tpu.memref_slice %arg7[%run_scoped3A_251, %dma_start3A_262, %dma_start3A_263] : memref<2x125x128xf32, #tpu.memory_space<vmem>> -> memref<1x125x128xf32, #tpu.memory_space<vmem>>
          %dma_start3A_265 = tpu.memref_squeeze %dma_start3A_264 : memref<1x125x128xf32, #tpu.memory_space<vmem>> -> memref<125x128xf32, #tpu.memory_space<vmem>>
          %dma_start3A_266 = arith.constant 0 : i32
          %dma_start3A_267 = tpu.memref_slice %arg6[%run_scoped3A_252, %add3A_234, %dma_start3A_266] : memref<2x16x125xi32, #tpu.memory_space<vmem>> -> memref<1x1x125xi32, #tpu.memory_space<vmem>>
          %dma_start3A_268 = tpu.memref_squeeze %dma_start3A_267 : memref<1x1x125xi32, #tpu.memory_space<vmem>> -> memref<125xi32, #tpu.memory_space<vmem>>
          %dma_start3A_269 = arith.constant 0 : i32
          %dma_start3A_270 = arith.constant 0 : i32
          %dma_start3A_271 = tpu.memref_slice %arg8[%dma_start3A_269, %dma_start3A_270] : memref<10112x128xf32, #tpu.memory_space<vmem_shared>> -> memref<10112x128xf32, #tpu.memory_space<vmem_shared>>
          tpu.enqueue_indirect_dma source(%dma_start3A_265 : memref<125x128xf32, #tpu.memory_space<vmem>>) target(%dma_start3A_271 : memref<10112x128xf32, #tpu.memory_space<vmem_shared>>) offsets(%dma_start3A_268 : memref<125xi32, #tpu.memory_space<vmem>>) semaphore(%run_scoped3A_261 : memref<!tpu.dma_semaphore, #tpu.memory_space<semaphore_mem>>) {add = true}
          %dma_wait3A_272 = arith.constant 0 : i32
          %dma_wait3A_273 = arith.constant 0 : i32
          %dma_wait3A_274 = tpu.memref_slice %arg7[%run_scoped3A_251, %dma_wait3A_272, %dma_wait3A_273] : memref<2x125x128xf32, #tpu.memory_space<vmem>> -> memref<1x125x128xf32, #tpu.memory_space<vmem>>
          %dma_wait3A_275 = tpu.memref_squeeze %dma_wait3A_274 : memref<1x125x128xf32, #tpu.memory_space<vmem>> -> memref<125x128xf32, #tpu.memory_space<vmem>>
          %dma_wait3A_276 = arith.constant 0 : i32
          %dma_wait3A_277 = tpu.memref_slice %arg6[%run_scoped3A_252, %add3A_234, %dma_wait3A_276] : memref<2x16x125xi32, #tpu.memory_space<vmem>> -> memref<1x1x125xi32, #tpu.memory_space<vmem>>
          %dma_wait3A_278 = tpu.memref_squeeze %dma_wait3A_277 : memref<1x1x125xi32, #tpu.memory_space<vmem>> -> memref<125xi32, #tpu.memory_space<vmem>>
          %dma_wait3A_279 = arith.constant 0 : i32
          %dma_wait3A_280 = arith.constant 0 : i32
          %dma_wait3A_281 = tpu.memref_slice %arg8[%dma_wait3A_279, %dma_wait3A_280] : memref<10112x128xf32, #tpu.memory_space<vmem_shared>> -> memref<10112x128xf32, #tpu.memory_space<vmem_shared>>
          tpu.wait_indirect_dma semaphore(%run_scoped3A_261 : memref<!tpu.dma_semaphore, #tpu.memory_space<semaphore_mem>>) src(%dma_wait3A_275 : memref<125x128xf32, #tpu.memory_space<vmem>>) dst(%dma_wait3A_281 : memref<10112x128xf32, #tpu.memory_space<vmem_shared>>)
          tpu.yield
        }) : () -> ()
        %add3A_253 = arith.constant 2 : i32
        %add3A_254 = arith.addi %add3A_234, %add3A_253 : i32
        %lt3A_255 = arith.constant 16 : i32
        %lt3A_256 = arith.cmpi slt, %add3A_254, %lt3A_255 : i32
        %convert_element_type3A_257 = arith.extui %lt3A_256 : i1 to i32
        %cond3A_258 = arith.constant 0 : i32
        %cond3A_259 = arith.cmpi ne, %convert_element_type3A_257, %cond3A_258 : i32
        scf.if %cond3A_259 {
          %add3A_261 = arith.constant 2 : i32
          %add3A_262 = arith.addi %add3A_234, %add3A_261 : i32
          %dma_start3A_263 = arith.constant 0 : i32
          %dma_start3A_264 = arith.constant 1 : i32
          %dma_start3A_265 = arith.constant 0 : i32
          %dma_start3A_266 = arith.constant 0 : i32
          %dma_start3A_267 = tpu.memref_slice %arg7[%dma_start3A_264, %dma_start3A_265, %dma_start3A_266] : memref<2x125x128xf32, #tpu.memory_space<vmem>> -> memref<1x125x128xf32, #tpu.memory_space<vmem>>
          %dma_start3A_268 = tpu.memref_squeeze %dma_start3A_267 : memref<1x125x128xf32, #tpu.memory_space<vmem>> -> memref<125x128xf32, #tpu.memory_space<vmem>>
          %dma_start3A_269 = arith.constant 0 : i32
          %dma_start3A_270 = tpu.memref_slice %arg5[%dma_start3A_263, %add3A_262, %dma_start3A_269] : memref<2x16x125xi32, #tpu.memory_space<vmem>> -> memref<1x1x125xi32, #tpu.memory_space<vmem>>
          %dma_start3A_271 = tpu.memref_squeeze %dma_start3A_270 : memref<1x1x125xi32, #tpu.memory_space<vmem>> -> memref<125xi32, #tpu.memory_space<vmem>>
          %dma_start3A_272 = arith.constant 0 : i32
          %dma_start3A_273 = arith.constant 0 : i32
          %dma_start3A_274 = tpu.memref_slice %arg3[%arg0, %dma_start3A_272, %dma_start3A_273] : memref<2x10000x128xf32, #tpu.memory_space<hbm>> -> memref<1x10000x128xf32, #tpu.memory_space<hbm>>
          %dma_start3A_275 = tpu.memref_squeeze %dma_start3A_274 : memref<1x10000x128xf32, #tpu.memory_space<hbm>> -> memref<10000x128xf32, #tpu.memory_space<hbm>>
          %dma_start3A_276 = arith.constant 0 : i32
          %dma_start3A_277 = arith.constant 0 : i32
          %dma_start3A_278 = tpu.memref_slice %dma_start3A_275[%dma_start3A_276, %dma_start3A_277] : memref<10000x128xf32, #tpu.memory_space<hbm>> -> memref<10000x128xf32, #tpu.memory_space<hbm>>
          tpu.enqueue_indirect_dma source(%dma_start3A_278 : memref<10000x128xf32, #tpu.memory_space<hbm>>) target(%dma_start3A_268 : memref<125x128xf32, #tpu.memory_space<vmem>>) offsets(%dma_start3A_271 : memref<125xi32, #tpu.memory_space<vmem>>) semaphore(%arg11 : memref<!tpu.dma_semaphore, #tpu.memory_space<semaphore_mem>>)
        } else {
        }
        %scan3A_260 = arith.constant 0 : i32
        scf.yield %scan3A_260 : i32
      }
      %scan3A_166 = arith.constant 8 : i32
      %add3A_167 = arith.constant 1 : i32
      %add3A_168 = arith.addi %add3A_155, %add3A_167 : i32
      %lt3A_169 = arith.constant 10 : i32
      %lt3A_170 = arith.cmpi slt, %add3A_168, %lt3A_169 : i32
      %convert_element_type3A_171 = arith.extui %lt3A_170 : i1 to i32
      %cond3A_172 = arith.constant 0 : i32
      %cond3A_173 = arith.cmpi ne, %convert_element_type3A_171, %cond3A_172 : i32
      scf.if %cond3A_173 {
        %add3A_200 = arith.constant 1 : i32
        %add3A_201 = arith.addi %add3A_155, %add3A_200 : i32
        %mul3A_202 = arith.constant 16 : i32
        %mul3A_203 = arith.muli %add3A_201, %mul3A_202 : i32
        %dma_wait3A_204 = arith.constant 0 : i32
        %dma_wait3A_205 = arith.constant 1 : i32
        %dma_wait3A_206 = arith.constant 0 : i32
        %dma_wait3A_207 = arith.constant 0 : i32
        %dma_wait3A_208 = tpu.memref_slice %arg5[%dma_wait3A_205, %dma_wait3A_206, %dma_wait3A_207] : memref<2x16x125xi32, #tpu.memory_space<vmem>> -> memref<1x16x125xi32, #tpu.memory_space<vmem>>
        %dma_wait3A_209 = tpu.memref_squeeze %dma_wait3A_208 : memref<1x16x125xi32, #tpu.memory_space<vmem>> -> memref<16x125xi32, #tpu.memory_space<vmem>>
        %dma_wait3A_210 = arith.constant 0 : i32
        %dma_wait3A_211 = tpu.memref_slice %arg2[%dma_wait3A_204, %arg1, %mul3A_203, %dma_wait3A_210] : memref<2x16x160x125xi32, #tpu.memory_space<hbm>> -> memref<1x1x16x125xi32, #tpu.memory_space<hbm>>
        %dma_wait3A_212 = tpu.memref_squeeze %dma_wait3A_211 : memref<1x1x16x125xi32, #tpu.memory_space<hbm>> -> memref<16x125xi32, #tpu.memory_space<hbm>>
        %dma_wait3A_213 = arith.constant 0 : i32
        %dma_wait3A_214 = arith.constant 0 : i32
        %dma_wait3A_215 = tpu.memref_slice %arg5[%dma_wait3A_205, %dma_wait3A_213, %dma_wait3A_214] : memref<2x16x125xi32, #tpu.memory_space<vmem>> -> memref<1x16x125xi32, #tpu.memory_space<vmem>>
        %dma_wait3A_216 = tpu.memref_squeeze %dma_wait3A_215 : memref<1x16x125xi32, #tpu.memory_space<vmem>> -> memref<16x125xi32, #tpu.memory_space<vmem>>
        %dma_wait3A_217 = arith.constant 0 : i32
        %dma_wait3A_218 = tpu.memref_slice %arg2[%dma_wait3A_204, %arg1, %mul3A_203, %dma_wait3A_217] : memref<2x16x160x125xi32, #tpu.memory_space<hbm>> -> memref<1x1x16x125xi32, #tpu.memory_space<hbm>>
        %dma_wait3A_219 = tpu.memref_squeeze %dma_wait3A_218 : memref<1x1x16x125xi32, #tpu.memory_space<hbm>> -> memref<16x125xi32, #tpu.memory_space<hbm>>
        tpu.wait_dma2 semaphore(%arg9 : memref<!tpu.dma_semaphore, #tpu.memory_space<semaphore_mem>>) src(%dma_wait3A_219 : memref<16x125xi32, #tpu.memory_space<hbm>>) dst(%dma_wait3A_216 : memref<16x125xi32, #tpu.memory_space<vmem>>)
        %add3A_220 = arith.constant 1 : i32
        %add3A_221 = arith.addi %add3A_155, %add3A_220 : i32
        %mul3A_222 = arith.constant 16 : i32
        %mul3A_223 = arith.muli %add3A_221, %mul3A_222 : i32
        %dma_wait3A_224 = arith.constant 1 : i32
        %dma_wait3A_225 = arith.constant 1 : i32
        %dma_wait3A_226 = arith.constant 0 : i32
        %dma_wait3A_227 = arith.constant 0 : i32
        %dma_wait3A_228 = tpu.memref_slice %arg6[%dma_wait3A_225, %dma_wait3A_226, %dma_wait3A_227] : memref<2x16x125xi32, #tpu.memory_space<vmem>> -> memref<1x16x125xi32, #tpu.memory_space<vmem>>
        %dma_wait3A_229 = tpu.memref_squeeze %dma_wait3A_228 : memref<1x16x125xi32, #tpu.memory_space<vmem>> -> memref<16x125xi32, #tpu.memory_space<vmem>>
        %dma_wait3A_230 = arith.constant 0 : i32
        %dma_wait3A_231 = tpu.memref_slice %arg2[%dma_wait3A_224, %arg1, %mul3A_223, %dma_wait3A_230] : memref<2x16x160x125xi32, #tpu.memory_space<hbm>> -> memref<1x1x16x125xi32, #tpu.memory_space<hbm>>
        %dma_wait3A_232 = tpu.memref_squeeze %dma_wait3A_231 : memref<1x1x16x125xi32, #tpu.memory_space<hbm>> -> memref<16x125xi32, #tpu.memory_space<hbm>>
        %dma_wait3A_233 = arith.constant 0 : i32
        %dma_wait3A_234 = arith.constant 0 : i32
        %dma_wait3A_235 = tpu.memref_slice %arg6[%dma_wait3A_225, %dma_wait3A_233, %dma_wait3A_234] : memref<2x16x125xi32, #tpu.memory_space<vmem>> -> memref<1x16x125xi32, #tpu.memory_space<vmem>>
        %dma_wait3A_236 = tpu.memref_squeeze %dma_wait3A_235 : memref<1x16x125xi32, #tpu.memory_space<vmem>> -> memref<16x125xi32, #tpu.memory_space<vmem>>
        %dma_wait3A_237 = arith.constant 0 : i32
        %dma_wait3A_238 = tpu.memref_slice %arg2[%dma_wait3A_224, %arg1, %mul3A_223, %dma_wait3A_237] : memref<2x16x160x125xi32, #tpu.memory_space<hbm>> -> memref<1x1x16x125xi32, #tpu.memory_space<hbm>>
        %dma_wait3A_239 = tpu.memref_squeeze %dma_wait3A_238 : memref<1x1x16x125xi32, #tpu.memory_space<hbm>> -> memref<16x125xi32, #tpu.memory_space<hbm>>
        tpu.wait_dma2 semaphore(%arg9 : memref<!tpu.dma_semaphore, #tpu.memory_space<semaphore_mem>>) src(%dma_wait3A_239 : memref<16x125xi32, #tpu.memory_space<hbm>>) dst(%dma_wait3A_236 : memref<16x125xi32, #tpu.memory_space<vmem>>)
        %dma_start3A_240 = arith.constant 1 : i32
        %dma_start3A_241 = arith.constant 0 : i32
        %dma_start3A_242 = arith.constant 0 : i32
        %dma_start3A_243 = arith.constant 0 : i32
        %dma_start3A_244 = arith.constant 0 : i32
        %dma_start3A_245 = tpu.memref_slice %arg7[%dma_start3A_242, %dma_start3A_243, %dma_start3A_244] : memref<2x125x128xf32, #tpu.memory_space<vmem>> -> memref<1x125x128xf32, #tpu.memory_space<vmem>>
        %dma_start3A_246 = tpu.memref_squeeze %dma_start3A_245 : memref<1x125x128xf32, #tpu.memory_space<vmem>> -> memref<125x128xf32, #tpu.memory_space<vmem>>
        %dma_start3A_247 = arith.constant 0 : i32
        %dma_start3A_248 = tpu.memref_slice %arg5[%dma_start3A_240, %dma_start3A_241, %dma_start3A_247] : memref<2x16x125xi32, #tpu.memory_space<vmem>> -> memref<1x1x125xi32, #tpu.memory_space<vmem>>
        %dma_start3A_249 = tpu.memref_squeeze %dma_start3A_248 : memref<1x1x125xi32, #tpu.memory_space<vmem>> -> memref<125xi32, #tpu.memory_space<vmem>>
        %dma_start3A_250 = arith.constant 0 : i32
        %dma_start3A_251 = arith.constant 0 : i32
        %dma_start3A_252 = tpu.memref_slice %arg3[%arg0, %dma_start3A_250, %dma_start3A_251] : memref<2x10000x128xf32, #tpu.memory_space<hbm>> -> memref<1x10000x128xf32, #tpu.memory_space<hbm>>
        %dma_start3A_253 = tpu.memref_squeeze %dma_start3A_252 : memref<1x10000x128xf32, #tpu.memory_space<hbm>> -> memref<10000x128xf32, #tpu.memory_space<hbm>>
        %dma_start3A_254 = arith.constant 0 : i32
        %dma_start3A_255 = arith.constant 0 : i32
        %dma_start3A_256 = tpu.memref_slice %dma_start3A_253[%dma_start3A_254, %dma_start3A_255] : memref<10000x128xf32, #tpu.memory_space<hbm>> -> memref<10000x128xf32, #tpu.memory_space<hbm>>
        tpu.enqueue_indirect_dma source(%dma_start3A_256 : memref<10000x128xf32, #tpu.memory_space<hbm>>) target(%dma_start3A_246 : memref<125x128xf32, #tpu.memory_space<vmem>>) offsets(%dma_start3A_249 : memref<125xi32, #tpu.memory_space<vmem>>) semaphore(%arg10 : memref<!tpu.dma_semaphore, #tpu.memory_space<semaphore_mem>>)
        %dma_start3A_257 = arith.constant 1 : i32
        %dma_start3A_258 = arith.constant 1 : i32
        %dma_start3A_259 = arith.constant 1 : i32
        %dma_start3A_260 = arith.constant 0 : i32
        %dma_start3A_261 = arith.constant 0 : i32
        %dma_start3A_262 = tpu.memref_slice %arg7[%dma_start3A_259, %dma_start3A_260, %dma_start3A_261] : memref<2x125x128xf32, #tpu.memory_space<vmem>> -> memref<1x125x128xf32, #tpu.memory_space<vmem>>
        %dma_start3A_263 = tpu.memref_squeeze %dma_start3A_262 : memref<1x125x128xf32, #tpu.memory_space<vmem>> -> memref<125x128xf32, #tpu.memory_space<vmem>>
        %dma_start3A_264 = arith.constant 0 : i32
        %dma_start3A_265 = tpu.memref_slice %arg5[%dma_start3A_257, %dma_start3A_258, %dma_start3A_264] : memref<2x16x125xi32, #tpu.memory_space<vmem>> -> memref<1x1x125xi32, #tpu.memory_space<vmem>>
        %dma_start3A_266 = tpu.memref_squeeze %dma_start3A_265 : memref<1x1x125xi32, #tpu.memory_space<vmem>> -> memref<125xi32, #tpu.memory_space<vmem>>
        %dma_start3A_267 = arith.constant 0 : i32
        %dma_start3A_268 = arith.constant 0 : i32
        %dma_start3A_269 = tpu.memref_slice %arg3[%arg0, %dma_start3A_267, %dma_start3A_268] : memref<2x10000x128xf32, #tpu.memory_space<hbm>> -> memref<1x10000x128xf32, #tpu.memory_space<hbm>>
        %dma_start3A_270 = tpu.memref_squeeze %dma_start3A_269 : memref<1x10000x128xf32, #tpu.memory_space<hbm>> -> memref<10000x128xf32, #tpu.memory_space<hbm>>
        %dma_start3A_271 = arith.constant 0 : i32
        %dma_start3A_272 = arith.constant 0 : i32
        %dma_start3A_273 = tpu.memref_slice %dma_start3A_270[%dma_start3A_271, %dma_start3A_272] : memref<10000x128xf32, #tpu.memory_space<hbm>> -> memref<10000x128xf32, #tpu.memory_space<hbm>>
        tpu.enqueue_indirect_dma source(%dma_start3A_273 : memref<10000x128xf32, #tpu.memory_space<hbm>>) target(%dma_start3A_263 : memref<125x128xf32, #tpu.memory_space<vmem>>) offsets(%dma_start3A_266 : memref<125xi32, #tpu.memory_space<vmem>>) semaphore(%arg11 : memref<!tpu.dma_semaphore, #tpu.memory_space<semaphore_mem>>)
      } else {
      }
      %mul3A_174 = arith.constant 2 : i32
      %mul3A_175 = arith.muli %mul3A_174, %scan3A_150 : i32
      %add3A_176 = arith.constant 1 : i32
      %add3A_177 = arith.addi %mul3A_175, %add3A_176 : i32
      %add3A_178 = arith.constant 1 : i32
      %add3A_179 = arith.addi %add3A_177, %add3A_178 : i32
      %lt3A_180 = arith.constant 10 : i32
      %lt3A_181 = arith.cmpi slt, %add3A_179, %lt3A_180 : i32
      %convert_element_type3A_182 = arith.extui %lt3A_181 : i1 to i32
      %cond3A_183 = arith.constant 0 : i32
      %cond3A_184 = arith.cmpi ne, %convert_element_type3A_182, %cond3A_183 : i32
      scf.if %cond3A_184 {
        %add3A_200 = arith.constant 1 : i32
        %add3A_201 = arith.addi %add3A_177, %add3A_200 : i32
        %mul3A_202 = arith.constant 16 : i32
        %mul3A_203 = arith.muli %add3A_201, %mul3A_202 : i32
        %dma_start3A_204 = arith.constant 0 : i32
        %dma_start3A_205 = arith.constant 0 : i32
        %dma_start3A_206 = arith.constant 0 : i32
        %dma_start3A_207 = arith.constant 0 : i32
        %dma_start3A_208 = tpu.memref_slice %arg5[%dma_start3A_205, %dma_start3A_206, %dma_start3A_207] : memref<2x16x125xi32, #tpu.memory_space<vmem>> -> memref<1x16x125xi32, #tpu.memory_space<vmem>>
        %dma_start3A_209 = tpu.memref_squeeze %dma_start3A_208 : memref<1x16x125xi32, #tpu.memory_space<vmem>> -> memref<16x125xi32, #tpu.memory_space<vmem>>
        %dma_start3A_210 = arith.constant 0 : i32
        %dma_start3A_211 = tpu.memref_slice %arg2[%dma_start3A_204, %arg1, %mul3A_203, %dma_start3A_210] : memref<2x16x160x125xi32, #tpu.memory_space<hbm>> -> memref<1x1x16x125xi32, #tpu.memory_space<hbm>>
        %dma_start3A_212 = tpu.memref_squeeze %dma_start3A_211 : memref<1x1x16x125xi32, #tpu.memory_space<hbm>> -> memref<16x125xi32, #tpu.memory_space<hbm>>
        %dma_start3A_213 = arith.constant 0 : i32
        %dma_start3A_214 = arith.constant 0 : i32
        %dma_start3A_215 = tpu.memref_slice %arg5[%dma_start3A_205, %dma_start3A_213, %dma_start3A_214] : memref<2x16x125xi32, #tpu.memory_space<vmem>> -> memref<1x16x125xi32, #tpu.memory_space<vmem>>
        %dma_start3A_216 = tpu.memref_squeeze %dma_start3A_215 : memref<1x16x125xi32, #tpu.memory_space<vmem>> -> memref<16x125xi32, #tpu.memory_space<vmem>>
        %dma_start3A_217 = arith.constant 0 : i32
        %dma_start3A_218 = tpu.memref_slice %arg2[%dma_start3A_204, %arg1, %mul3A_203, %dma_start3A_217] : memref<2x16x160x125xi32, #tpu.memory_space<hbm>> -> memref<1x1x16x125xi32, #tpu.memory_space<hbm>>
        %dma_start3A_219 = tpu.memref_squeeze %dma_start3A_218 : memref<1x1x16x125xi32, #tpu.memory_space<hbm>> -> memref<16x125xi32, #tpu.memory_space<hbm>>
        tpu.enqueue_dma source(%dma_start3A_219 : memref<16x125xi32, #tpu.memory_space<hbm>>) target(%dma_start3A_216 : memref<16x125xi32, #tpu.memory_space<vmem>>) target_semaphore(%arg9 : memref<!tpu.dma_semaphore, #tpu.memory_space<semaphore_mem>>)
        %add3A_220 = arith.constant 1 : i32
        %add3A_221 = arith.addi %add3A_177, %add3A_220 : i32
        %mul3A_222 = arith.constant 16 : i32
        %mul3A_223 = arith.muli %add3A_221, %mul3A_222 : i32
        %dma_start3A_224 = arith.constant 1 : i32
        %dma_start3A_225 = arith.constant 0 : i32
        %dma_start3A_226 = arith.constant 0 : i32
        %dma_start3A_227 = arith.constant 0 : i32
        %dma_start3A_228 = tpu.memref_slice %arg6[%dma_start3A_225, %dma_start3A_226, %dma_start3A_227] : memref<2x16x125xi32, #tpu.memory_space<vmem>> -> memref<1x16x125xi32, #tpu.memory_space<vmem>>
        %dma_start3A_229 = tpu.memref_squeeze %dma_start3A_228 : memref<1x16x125xi32, #tpu.memory_space<vmem>> -> memref<16x125xi32, #tpu.memory_space<vmem>>
        %dma_start3A_230 = arith.constant 0 : i32
        %dma_start3A_231 = tpu.memref_slice %arg2[%dma_start3A_224, %arg1, %mul3A_223, %dma_start3A_230] : memref<2x16x160x125xi32, #tpu.memory_space<hbm>> -> memref<1x1x16x125xi32, #tpu.memory_space<hbm>>
        %dma_start3A_232 = tpu.memref_squeeze %dma_start3A_231 : memref<1x1x16x125xi32, #tpu.memory_space<hbm>> -> memref<16x125xi32, #tpu.memory_space<hbm>>
        %dma_start3A_233 = arith.constant 0 : i32
        %dma_start3A_234 = arith.constant 0 : i32
        %dma_start3A_235 = tpu.memref_slice %arg6[%dma_start3A_225, %dma_start3A_233, %dma_start3A_234] : memref<2x16x125xi32, #tpu.memory_space<vmem>> -> memref<1x16x125xi32, #tpu.memory_space<vmem>>
        %dma_start3A_236 = tpu.memref_squeeze %dma_start3A_235 : memref<1x16x125xi32, #tpu.memory_space<vmem>> -> memref<16x125xi32, #tpu.memory_space<vmem>>
        %dma_start3A_237 = arith.constant 0 : i32
        %dma_start3A_238 = tpu.memref_slice %arg2[%dma_start3A_224, %arg1, %mul3A_223, %dma_start3A_237] : memref<2x16x160x125xi32, #tpu.memory_space<hbm>> -> memref<1x1x16x125xi32, #tpu.memory_space<hbm>>
        %dma_start3A_239 = tpu.memref_squeeze %dma_start3A_238 : memref<1x1x16x125xi32, #tpu.memory_space<hbm>> -> memref<16x125xi32, #tpu.memory_space<hbm>>
        tpu.enqueue_dma source(%dma_start3A_239 : memref<16x125xi32, #tpu.memory_space<hbm>>) target(%dma_start3A_236 : memref<16x125xi32, #tpu.memory_space<vmem>>) target_semaphore(%arg9 : memref<!tpu.dma_semaphore, #tpu.memory_space<semaphore_mem>>)
      } else {
      }
      %scan3A_185 = arith.constant 0 : i32
      %scan3A_186 = arith.constant 0 : i32
      %scan3A_187 = arith.constant 8 : i32
      %scan3A_188 = arith.addi %scan3A_186, %scan3A_187 : i32
      %scan3A_189 = arith.constant 1 : i32
      %scan3A_190 = scf.for %scan3A_200 = %scan3A_186 to %scan3A_188 step %scan3A_189 iter_args(%scan3A_201 = %scan3A_185) -> (i32)  : i32 {
        %mul3A_202 = arith.constant 2 : i32
        %mul3A_203 = arith.muli %mul3A_202, %scan3A_200 : i32
        %add3A_204 = arith.constant 0 : i32
        %add3A_205 = arith.addi %mul3A_203, %add3A_204 : i32
        %dma_wait3A_206 = arith.constant 1 : i32
        %dma_wait3A_207 = arith.constant 0 : i32
        %dma_wait3A_208 = arith.constant 0 : i32
        %dma_wait3A_209 = arith.constant 0 : i32
        %dma_wait3A_210 = tpu.memref_slice %arg7[%dma_wait3A_207, %dma_wait3A_208, %dma_wait3A_209] : memref<2x125x128xf32, #tpu.memory_space<vmem>> -> memref<1x125x128xf32, #tpu.memory_space<vmem>>
        %dma_wait3A_211 = tpu.memref_squeeze %dma_wait3A_210 : memref<1x125x128xf32, #tpu.memory_space<vmem>> -> memref<125x128xf32, #tpu.memory_space<vmem>>
        %dma_wait3A_212 = arith.constant 0 : i32
        %dma_wait3A_213 = tpu.memref_slice %arg5[%dma_wait3A_206, %add3A_205, %dma_wait3A_212] : memref<2x16x125xi32, #tpu.memory_space<vmem>> -> memref<1x1x125xi32, #tpu.memory_space<vmem>>
        %dma_wait3A_214 = tpu.memref_squeeze %dma_wait3A_213 : memref<1x1x125xi32, #tpu.memory_space<vmem>> -> memref<125xi32, #tpu.memory_space<vmem>>
        %dma_wait3A_215 = arith.constant 0 : i32
        %dma_wait3A_216 = arith.constant 0 : i32
        %dma_wait3A_217 = tpu.memref_slice %arg3[%arg0, %dma_wait3A_215, %dma_wait3A_216] : memref<2x10000x128xf32, #tpu.memory_space<hbm>> -> memref<1x10000x128xf32, #tpu.memory_space<hbm>>
        %dma_wait3A_218 = tpu.memref_squeeze %dma_wait3A_217 : memref<1x10000x128xf32, #tpu.memory_space<hbm>> -> memref<10000x128xf32, #tpu.memory_space<hbm>>
        %dma_wait3A_219 = arith.constant 0 : i32
        %dma_wait3A_220 = arith.constant 0 : i32
        %dma_wait3A_221 = tpu.memref_slice %dma_wait3A_218[%dma_wait3A_219, %dma_wait3A_220] : memref<10000x128xf32, #tpu.memory_space<hbm>> -> memref<10000x128xf32, #tpu.memory_space<hbm>>
        tpu.wait_indirect_dma semaphore(%arg10 : memref<!tpu.dma_semaphore, #tpu.memory_space<semaphore_mem>>) src(%dma_wait3A_221 : memref<10000x128xf32, #tpu.memory_space<hbm>>) dst(%dma_wait3A_211 : memref<125x128xf32, #tpu.memory_space<vmem>>)
        %run_scoped3A_222 = arith.constant 0 : i32
        %run_scoped3A_223 = arith.constant 1 : i32
        "tpu.region"() ({
          %run_scoped3A_261 = tpu.sem_alloc : memref<!tpu.dma_semaphore, #tpu.memory_space<semaphore_mem>>
          %dma_start3A_262 = arith.constant 0 : i32
          %dma_start3A_263 = arith.constant 0 : i32
          %dma_start3A_264 = tpu.memref_slice %arg7[%run_scoped3A_222, %dma_start3A_262, %dma_start3A_263] : memref<2x125x128xf32, #tpu.memory_space<vmem>> -> memref<1x125x128xf32, #tpu.memory_space<vmem>>
          %dma_start3A_265 = tpu.memref_squeeze %dma_start3A_264 : memref<1x125x128xf32, #tpu.memory_space<vmem>> -> memref<125x128xf32, #tpu.memory_space<vmem>>
          %dma_start3A_266 = arith.constant 0 : i32
          %dma_start3A_267 = tpu.memref_slice %arg6[%run_scoped3A_223, %add3A_205, %dma_start3A_266] : memref<2x16x125xi32, #tpu.memory_space<vmem>> -> memref<1x1x125xi32, #tpu.memory_space<vmem>>
          %dma_start3A_268 = tpu.memref_squeeze %dma_start3A_267 : memref<1x1x125xi32, #tpu.memory_space<vmem>> -> memref<125xi32, #tpu.memory_space<vmem>>
          %dma_start3A_269 = arith.constant 0 : i32
          %dma_start3A_270 = arith.constant 0 : i32
          %dma_start3A_271 = tpu.memref_slice %arg8[%dma_start3A_269, %dma_start3A_270] : memref<10112x128xf32, #tpu.memory_space<vmem_shared>> -> memref<10112x128xf32, #tpu.memory_space<vmem_shared>>
          tpu.enqueue_indirect_dma source(%dma_start3A_265 : memref<125x128xf32, #tpu.memory_space<vmem>>) target(%dma_start3A_271 : memref<10112x128xf32, #tpu.memory_space<vmem_shared>>) offsets(%dma_start3A_268 : memref<125xi32, #tpu.memory_space<vmem>>) semaphore(%run_scoped3A_261 : memref<!tpu.dma_semaphore, #tpu.memory_space<semaphore_mem>>) {add = true}
          %dma_wait3A_272 = arith.constant 0 : i32
          %dma_wait3A_273 = arith.constant 0 : i32
          %dma_wait3A_274 = tpu.memref_slice %arg7[%run_scoped3A_222, %dma_wait3A_272, %dma_wait3A_273] : memref<2x125x128xf32, #tpu.memory_space<vmem>> -> memref<1x125x128xf32, #tpu.memory_space<vmem>>
          %dma_wait3A_275 = tpu.memref_squeeze %dma_wait3A_274 : memref<1x125x128xf32, #tpu.memory_space<vmem>> -> memref<125x128xf32, #tpu.memory_space<vmem>>
          %dma_wait3A_276 = arith.constant 0 : i32
          %dma_wait3A_277 = tpu.memref_slice %arg6[%run_scoped3A_223, %add3A_205, %dma_wait3A_276] : memref<2x16x125xi32, #tpu.memory_space<vmem>> -> memref<1x1x125xi32, #tpu.memory_space<vmem>>
          %dma_wait3A_278 = tpu.memref_squeeze %dma_wait3A_277 : memref<1x1x125xi32, #tpu.memory_space<vmem>> -> memref<125xi32, #tpu.memory_space<vmem>>
          %dma_wait3A_279 = arith.constant 0 : i32
          %dma_wait3A_280 = arith.constant 0 : i32
          %dma_wait3A_281 = tpu.memref_slice %arg8[%dma_wait3A_279, %dma_wait3A_280] : memref<10112x128xf32, #tpu.memory_space<vmem_shared>> -> memref<10112x128xf32, #tpu.memory_space<vmem_shared>>
          tpu.wait_indirect_dma semaphore(%run_scoped3A_261 : memref<!tpu.dma_semaphore, #tpu.memory_space<semaphore_mem>>) src(%dma_wait3A_275 : memref<125x128xf32, #tpu.memory_space<vmem>>) dst(%dma_wait3A_281 : memref<10112x128xf32, #tpu.memory_space<vmem_shared>>)
          tpu.yield
        }) : () -> ()
        %add3A_224 = arith.constant 2 : i32
        %add3A_225 = arith.addi %add3A_205, %add3A_224 : i32
        %lt3A_226 = arith.constant 16 : i32
        %lt3A_227 = arith.cmpi slt, %add3A_225, %lt3A_226 : i32
        %convert_element_type3A_228 = arith.extui %lt3A_227 : i1 to i32
        %cond3A_229 = arith.constant 0 : i32
        %cond3A_230 = arith.cmpi ne, %convert_element_type3A_228, %cond3A_229 : i32
        scf.if %cond3A_230 {
          %add3A_261 = arith.constant 2 : i32
          %add3A_262 = arith.addi %add3A_205, %add3A_261 : i32
          %dma_start3A_263 = arith.constant 1 : i32
          %dma_start3A_264 = arith.constant 0 : i32
          %dma_start3A_265 = arith.constant 0 : i32
          %dma_start3A_266 = arith.constant 0 : i32
          %dma_start3A_267 = tpu.memref_slice %arg7[%dma_start3A_264, %dma_start3A_265, %dma_start3A_266] : memref<2x125x128xf32, #tpu.memory_space<vmem>> -> memref<1x125x128xf32, #tpu.memory_space<vmem>>
          %dma_start3A_268 = tpu.memref_squeeze %dma_start3A_267 : memref<1x125x128xf32, #tpu.memory_space<vmem>> -> memref<125x128xf32, #tpu.memory_space<vmem>>
          %dma_start3A_269 = arith.constant 0 : i32
          %dma_start3A_270 = tpu.memref_slice %arg5[%dma_start3A_263, %add3A_262, %dma_start3A_269] : memref<2x16x125xi32, #tpu.memory_space<vmem>> -> memref<1x1x125xi32, #tpu.memory_space<vmem>>
          %dma_start3A_271 = tpu.memref_squeeze %dma_start3A_270 : memref<1x1x125xi32, #tpu.memory_space<vmem>> -> memref<125xi32, #tpu.memory_space<vmem>>
          %dma_start3A_272 = arith.constant 0 : i32
          %dma_start3A_273 = arith.constant 0 : i32
          %dma_start3A_274 = tpu.memref_slice %arg3[%arg0, %dma_start3A_272, %dma_start3A_273] : memref<2x10000x128xf32, #tpu.memory_space<hbm>> -> memref<1x10000x128xf32, #tpu.memory_space<hbm>>
          %dma_start3A_275 = tpu.memref_squeeze %dma_start3A_274 : memref<1x10000x128xf32, #tpu.memory_space<hbm>> -> memref<10000x128xf32, #tpu.memory_space<hbm>>
          %dma_start3A_276 = arith.constant 0 : i32
          %dma_start3A_277 = arith.constant 0 : i32
          %dma_start3A_278 = tpu.memref_slice %dma_start3A_275[%dma_start3A_276, %dma_start3A_277] : memref<10000x128xf32, #tpu.memory_space<hbm>> -> memref<10000x128xf32, #tpu.memory_space<hbm>>
          tpu.enqueue_indirect_dma source(%dma_start3A_278 : memref<10000x128xf32, #tpu.memory_space<hbm>>) target(%dma_start3A_268 : memref<125x128xf32, #tpu.memory_space<vmem>>) offsets(%dma_start3A_271 : memref<125xi32, #tpu.memory_space<vmem>>) semaphore(%arg10 : memref<!tpu.dma_semaphore, #tpu.memory_space<semaphore_mem>>)
        } else {
        }
        %mul3A_231 = arith.constant 2 : i32
        %mul3A_232 = arith.muli %mul3A_231, %scan3A_200 : i32
        %add3A_233 = arith.constant 1 : i32
        %add3A_234 = arith.addi %mul3A_232, %add3A_233 : i32
        %dma_wait3A_235 = arith.constant 1 : i32
        %dma_wait3A_236 = arith.constant 1 : i32
        %dma_wait3A_237 = arith.constant 0 : i32
        %dma_wait3A_238 = arith.constant 0 : i32
        %dma_wait3A_239 = tpu.memref_slice %arg7[%dma_wait3A_236, %dma_wait3A_237, %dma_wait3A_238] : memref<2x125x128xf32, #tpu.memory_space<vmem>> -> memref<1x125x128xf32, #tpu.memory_space<vmem>>
        %dma_wait3A_240 = tpu.memref_squeeze %dma_wait3A_239 : memref<1x125x128xf32, #tpu.memory_space<vmem>> -> memref<125x128xf32, #tpu.memory_space<vmem>>
        %dma_wait3A_241 = arith.constant 0 : i32
        %dma_wait3A_242 = tpu.memref_slice %arg5[%dma_wait3A_235, %add3A_234, %dma_wait3A_241] : memref<2x16x125xi32, #tpu.memory_space<vmem>> -> memref<1x1x125xi32, #tpu.memory_space<vmem>>
        %dma_wait3A_243 = tpu.memref_squeeze %dma_wait3A_242 : memref<1x1x125xi32, #tpu.memory_space<vmem>> -> memref<125xi32, #tpu.memory_space<vmem>>
        %dma_wait3A_244 = arith.constant 0 : i32
        %dma_wait3A_245 = arith.constant 0 : i32
        %dma_wait3A_246 = tpu.memref_slice %arg3[%arg0, %dma_wait3A_244, %dma_wait3A_245] : memref<2x10000x128xf32, #tpu.memory_space<hbm>> -> memref<1x10000x128xf32, #tpu.memory_space<hbm>>
        %dma_wait3A_247 = tpu.memref_squeeze %dma_wait3A_246 : memref<1x10000x128xf32, #tpu.memory_space<hbm>> -> memref<10000x128xf32, #tpu.memory_space<hbm>>
        %dma_wait3A_248 = arith.constant 0 : i32
        %dma_wait3A_249 = arith.constant 0 : i32
        %dma_wait3A_250 = tpu.memref_slice %dma_wait3A_247[%dma_wait3A_248, %dma_wait3A_249] : memref<10000x128xf32, #tpu.memory_space<hbm>> -> memref<10000x128xf32, #tpu.memory_space<hbm>>
        tpu.wait_indirect_dma semaphore(%arg11 : memref<!tpu.dma_semaphore, #tpu.memory_space<semaphore_mem>>) src(%dma_wait3A_250 : memref<10000x128xf32, #tpu.memory_space<hbm>>) dst(%dma_wait3A_240 : memref<125x128xf32, #tpu.memory_space<vmem>>)
        %run_scoped3A_251 = arith.constant 1 : i32
        %run_scoped3A_252 = arith.constant 1 : i32
        "tpu.region"() ({
          %run_scoped3A_261 = tpu.sem_alloc : memref<!tpu.dma_semaphore, #tpu.memory_space<semaphore_mem>>
          %dma_start3A_262 = arith.constant 0 : i32
          %dma_start3A_263 = arith.constant 0 : i32
          %dma_start3A_264 = tpu.memref_slice %arg7[%run_scoped3A_251, %dma_start3A_262, %dma_start3A_263] : memref<2x125x128xf32, #tpu.memory_space<vmem>> -> memref<1x125x128xf32, #tpu.memory_space<vmem>>
          %dma_start3A_265 = tpu.memref_squeeze %dma_start3A_264 : memref<1x125x128xf32, #tpu.memory_space<vmem>> -> memref<125x128xf32, #tpu.memory_space<vmem>>
          %dma_start3A_266 = arith.constant 0 : i32
          %dma_start3A_267 = tpu.memref_slice %arg6[%run_scoped3A_252, %add3A_234, %dma_start3A_266] : memref<2x16x125xi32, #tpu.memory_space<vmem>> -> memref<1x1x125xi32, #tpu.memory_space<vmem>>
          %dma_start3A_268 = tpu.memref_squeeze %dma_start3A_267 : memref<1x1x125xi32, #tpu.memory_space<vmem>> -> memref<125xi32, #tpu.memory_space<vmem>>
          %dma_start3A_269 = arith.constant 0 : i32
          %dma_start3A_270 = arith.constant 0 : i32
          %dma_start3A_271 = tpu.memref_slice %arg8[%dma_start3A_269, %dma_start3A_270] : memref<10112x128xf32, #tpu.memory_space<vmem_shared>> -> memref<10112x128xf32, #tpu.memory_space<vmem_shared>>
          tpu.enqueue_indirect_dma source(%dma_start3A_265 : memref<125x128xf32, #tpu.memory_space<vmem>>) target(%dma_start3A_271 : memref<10112x128xf32, #tpu.memory_space<vmem_shared>>) offsets(%dma_start3A_268 : memref<125xi32, #tpu.memory_space<vmem>>) semaphore(%run_scoped3A_261 : memref<!tpu.dma_semaphore, #tpu.memory_space<semaphore_mem>>) {add = true}
          %dma_wait3A_272 = arith.constant 0 : i32
          %dma_wait3A_273 = arith.constant 0 : i32
          %dma_wait3A_274 = tpu.memref_slice %arg7[%run_scoped3A_251, %dma_wait3A_272, %dma_wait3A_273] : memref<2x125x128xf32, #tpu.memory_space<vmem>> -> memref<1x125x128xf32, #tpu.memory_space<vmem>>
          %dma_wait3A_275 = tpu.memref_squeeze %dma_wait3A_274 : memref<1x125x128xf32, #tpu.memory_space<vmem>> -> memref<125x128xf32, #tpu.memory_space<vmem>>
          %dma_wait3A_276 = arith.constant 0 : i32
          %dma_wait3A_277 = tpu.memref_slice %arg6[%run_scoped3A_252, %add3A_234, %dma_wait3A_276] : memref<2x16x125xi32, #tpu.memory_space<vmem>> -> memref<1x1x125xi32, #tpu.memory_space<vmem>>
          %dma_wait3A_278 = tpu.memref_squeeze %dma_wait3A_277 : memref<1x1x125xi32, #tpu.memory_space<vmem>> -> memref<125xi32, #tpu.memory_space<vmem>>
          %dma_wait3A_279 = arith.constant 0 : i32
          %dma_wait3A_280 = arith.constant 0 : i32
          %dma_wait3A_281 = tpu.memref_slice %arg8[%dma_wait3A_279, %dma_wait3A_280] : memref<10112x128xf32, #tpu.memory_space<vmem_shared>> -> memref<10112x128xf32, #tpu.memory_space<vmem_shared>>
          tpu.wait_indirect_dma semaphore(%run_scoped3A_261 : memref<!tpu.dma_semaphore, #tpu.memory_space<semaphore_mem>>) src(%dma_wait3A_275 : memref<125x128xf32, #tpu.memory_space<vmem>>) dst(%dma_wait3A_281 : memref<10112x128xf32, #tpu.memory_space<vmem_shared>>)
          tpu.yield
        }) : () -> ()
        %add3A_253 = arith.constant 2 : i32
        %add3A_254 = arith.addi %add3A_234, %add3A_253 : i32
        %lt3A_255 = arith.constant 16 : i32
        %lt3A_256 = arith.cmpi slt, %add3A_254, %lt3A_255 : i32
        %convert_element_type3A_257 = arith.extui %lt3A_256 : i1 to i32
        %cond3A_258 = arith.constant 0 : i32
        %cond3A_259 = arith.cmpi ne, %convert_element_type3A_257, %cond3A_258 : i32
        scf.if %cond3A_259 {
          %add3A_261 = arith.constant 2 : i32
          %add3A_262 = arith.addi %add3A_234, %add3A_261 : i32
          %dma_start3A_263 = arith.constant 1 : i32
          %dma_start3A_264 = arith.constant 1 : i32
          %dma_start3A_265 = arith.constant 0 : i32
          %dma_start3A_266 = arith.constant 0 : i32
          %dma_start3A_267 = tpu.memref_slice %arg7[%dma_start3A_264, %dma_start3A_265, %dma_start3A_266] : memref<2x125x128xf32, #tpu.memory_space<vmem>> -> memref<1x125x128xf32, #tpu.memory_space<vmem>>
          %dma_start3A_268 = tpu.memref_squeeze %dma_start3A_267 : memref<1x125x128xf32, #tpu.memory_space<vmem>> -> memref<125x128xf32, #tpu.memory_space<vmem>>
          %dma_start3A_269 = arith.constant 0 : i32
          %dma_start3A_270 = tpu.memref_slice %arg5[%dma_start3A_263, %add3A_262, %dma_start3A_269] : memref<2x16x125xi32, #tpu.memory_space<vmem>> -> memref<1x1x125xi32, #tpu.memory_space<vmem>>
          %dma_start3A_271 = tpu.memref_squeeze %dma_start3A_270 : memref<1x1x125xi32, #tpu.memory_space<vmem>> -> memref<125xi32, #tpu.memory_space<vmem>>
          %dma_start3A_272 = arith.constant 0 : i32
          %dma_start3A_273 = arith.constant 0 : i32
          %dma_start3A_274 = tpu.memref_slice %arg3[%arg0, %dma_start3A_272, %dma_start3A_273] : memref<2x10000x128xf32, #tpu.memory_space<hbm>> -> memref<1x10000x128xf32, #tpu.memory_space<hbm>>
          %dma_start3A_275 = tpu.memref_squeeze %dma_start3A_274 : memref<1x10000x128xf32, #tpu.memory_space<hbm>> -> memref<10000x128xf32, #tpu.memory_space<hbm>>
          %dma_start3A_276 = arith.constant 0 : i32
          %dma_start3A_277 = arith.constant 0 : i32
          %dma_start3A_278 = tpu.memref_slice %dma_start3A_275[%dma_start3A_276, %dma_start3A_277] : memref<10000x128xf32, #tpu.memory_space<hbm>> -> memref<10000x128xf32, #tpu.memory_space<hbm>>
          tpu.enqueue_indirect_dma source(%dma_start3A_278 : memref<10000x128xf32, #tpu.memory_space<hbm>>) target(%dma_start3A_268 : memref<125x128xf32, #tpu.memory_space<vmem>>) offsets(%dma_start3A_271 : memref<125xi32, #tpu.memory_space<vmem>>) semaphore(%arg11 : memref<!tpu.dma_semaphore, #tpu.memory_space<semaphore_mem>>)
        } else {
        }
        %scan3A_260 = arith.constant 0 : i32
        scf.yield %scan3A_260 : i32
      }
      %scan3A_191 = arith.constant 8 : i32
      %add3A_192 = arith.constant 1 : i32
      %add3A_193 = arith.addi %add3A_177, %add3A_192 : i32
      %lt3A_194 = arith.constant 10 : i32
      %lt3A_195 = arith.cmpi slt, %add3A_193, %lt3A_194 : i32
      %convert_element_type3A_196 = arith.extui %lt3A_195 : i1 to i32
      %cond3A_197 = arith.constant 0 : i32
      %cond3A_198 = arith.cmpi ne, %convert_element_type3A_196, %cond3A_197 : i32
      scf.if %cond3A_198 {
        %add3A_200 = arith.constant 1 : i32
        %add3A_201 = arith.addi %add3A_177, %add3A_200 : i32
        %mul3A_202 = arith.constant 16 : i32
        %mul3A_203 = arith.muli %add3A_201, %mul3A_202 : i32
        %dma_wait3A_204 = arith.constant 0 : i32
        %dma_wait3A_205 = arith.constant 0 : i32
        %dma_wait3A_206 = arith.constant 0 : i32
        %dma_wait3A_207 = arith.constant 0 : i32
        %dma_wait3A_208 = tpu.memref_slice %arg5[%dma_wait3A_205, %dma_wait3A_206, %dma_wait3A_207] : memref<2x16x125xi32, #tpu.memory_space<vmem>> -> memref<1x16x125xi32, #tpu.memory_space<vmem>>
        %dma_wait3A_209 = tpu.memref_squeeze %dma_wait3A_208 : memref<1x16x125xi32, #tpu.memory_space<vmem>> -> memref<16x125xi32, #tpu.memory_space<vmem>>
        %dma_wait3A_210 = arith.constant 0 : i32
        %dma_wait3A_211 = tpu.memref_slice %arg2[%dma_wait3A_204, %arg1, %mul3A_203, %dma_wait3A_210] : memref<2x16x160x125xi32, #tpu.memory_space<hbm>> -> memref<1x1x16x125xi32, #tpu.memory_space<hbm>>
        %dma_wait3A_212 = tpu.memref_squeeze %dma_wait3A_211 : memref<1x1x16x125xi32, #tpu.memory_space<hbm>> -> memref<16x125xi32, #tpu.memory_space<hbm>>
        %dma_wait3A_213 = arith.constant 0 : i32
        %dma_wait3A_214 = arith.constant 0 : i32
        %dma_wait3A_215 = tpu.memref_slice %arg5[%dma_wait3A_205, %dma_wait3A_213, %dma_wait3A_214] : memref<2x16x125xi32, #tpu.memory_space<vmem>> -> memref<1x16x125xi32, #tpu.memory_space<vmem>>
        %dma_wait3A_216 = tpu.memref_squeeze %dma_wait3A_215 : memref<1x16x125xi32, #tpu.memory_space<vmem>> -> memref<16x125xi32, #tpu.memory_space<vmem>>
        %dma_wait3A_217 = arith.constant 0 : i32
        %dma_wait3A_218 = tpu.memref_slice %arg2[%dma_wait3A_204, %arg1, %mul3A_203, %dma_wait3A_217] : memref<2x16x160x125xi32, #tpu.memory_space<hbm>> -> memref<1x1x16x125xi32, #tpu.memory_space<hbm>>
        %dma_wait3A_219 = tpu.memref_squeeze %dma_wait3A_218 : memref<1x1x16x125xi32, #tpu.memory_space<hbm>> -> memref<16x125xi32, #tpu.memory_space<hbm>>
        tpu.wait_dma2 semaphore(%arg9 : memref<!tpu.dma_semaphore, #tpu.memory_space<semaphore_mem>>) src(%dma_wait3A_219 : memref<16x125xi32, #tpu.memory_space<hbm>>) dst(%dma_wait3A_216 : memref<16x125xi32, #tpu.memory_space<vmem>>)
        %add3A_220 = arith.constant 1 : i32
        %add3A_221 = arith.addi %add3A_177, %add3A_220 : i32
        %mul3A_222 = arith.constant 16 : i32
        %mul3A_223 = arith.muli %add3A_221, %mul3A_222 : i32
        %dma_wait3A_224 = arith.constant 1 : i32
        %dma_wait3A_225 = arith.constant 0 : i32
        %dma_wait3A_226 = arith.constant 0 : i32
        %dma_wait3A_227 = arith.constant 0 : i32
        %dma_wait3A_228 = tpu.memref_slice %arg6[%dma_wait3A_225, %dma_wait3A_226, %dma_wait3A_227] : memref<2x16x125xi32, #tpu.memory_space<vmem>> -> memref<1x16x125xi32, #tpu.memory_space<vmem>>
        %dma_wait3A_229 = tpu.memref_squeeze %dma_wait3A_228 : memref<1x16x125xi32, #tpu.memory_space<vmem>> -> memref<16x125xi32, #tpu.memory_space<vmem>>
        %dma_wait3A_230 = arith.constant 0 : i32
        %dma_wait3A_231 = tpu.memref_slice %arg2[%dma_wait3A_224, %arg1, %mul3A_223, %dma_wait3A_230] : memref<2x16x160x125xi32, #tpu.memory_space<hbm>> -> memref<1x1x16x125xi32, #tpu.memory_space<hbm>>
        %dma_wait3A_232 = tpu.memref_squeeze %dma_wait3A_231 : memref<1x1x16x125xi32, #tpu.memory_space<hbm>> -> memref<16x125xi32, #tpu.memory_space<hbm>>
        %dma_wait3A_233 = arith.constant 0 : i32
        %dma_wait3A_234 = arith.constant 0 : i32
        %dma_wait3A_235 = tpu.memref_slice %arg6[%dma_wait3A_225, %dma_wait3A_233, %dma_wait3A_234] : memref<2x16x125xi32, #tpu.memory_space<vmem>> -> memref<1x16x125xi32, #tpu.memory_space<vmem>>
        %dma_wait3A_236 = tpu.memref_squeeze %dma_wait3A_235 : memref<1x16x125xi32, #tpu.memory_space<vmem>> -> memref<16x125xi32, #tpu.memory_space<vmem>>
        %dma_wait3A_237 = arith.constant 0 : i32
        %dma_wait3A_238 = tpu.memref_slice %arg2[%dma_wait3A_224, %arg1, %mul3A_223, %dma_wait3A_237] : memref<2x16x160x125xi32, #tpu.memory_space<hbm>> -> memref<1x1x16x125xi32, #tpu.memory_space<hbm>>
        %dma_wait3A_239 = tpu.memref_squeeze %dma_wait3A_238 : memref<1x1x16x125xi32, #tpu.memory_space<hbm>> -> memref<16x125xi32, #tpu.memory_space<hbm>>
        tpu.wait_dma2 semaphore(%arg9 : memref<!tpu.dma_semaphore, #tpu.memory_space<semaphore_mem>>) src(%dma_wait3A_239 : memref<16x125xi32, #tpu.memory_space<hbm>>) dst(%dma_wait3A_236 : memref<16x125xi32, #tpu.memory_space<vmem>>)
        %dma_start3A_240 = arith.constant 0 : i32
        %dma_start3A_241 = arith.constant 0 : i32
        %dma_start3A_242 = arith.constant 0 : i32
        %dma_start3A_243 = arith.constant 0 : i32
        %dma_start3A_244 = arith.constant 0 : i32
        %dma_start3A_245 = tpu.memref_slice %arg7[%dma_start3A_242, %dma_start3A_243, %dma_start3A_244] : memref<2x125x128xf32, #tpu.memory_space<vmem>> -> memref<1x125x128xf32, #tpu.memory_space<vmem>>
        %dma_start3A_246 = tpu.memref_squeeze %dma_start3A_245 : memref<1x125x128xf32, #tpu.memory_space<vmem>> -> memref<125x128xf32, #tpu.memory_space<vmem>>
        %dma_start3A_247 = arith.constant 0 : i32
        %dma_start3A_248 = tpu.memref_slice %arg5[%dma_start3A_240, %dma_start3A_241, %dma_start3A_247] : memref<2x16x125xi32, #tpu.memory_space<vmem>> -> memref<1x1x125xi32, #tpu.memory_space<vmem>>
        %dma_start3A_249 = tpu.memref_squeeze %dma_start3A_248 : memref<1x1x125xi32, #tpu.memory_space<vmem>> -> memref<125xi32, #tpu.memory_space<vmem>>
        %dma_start3A_250 = arith.constant 0 : i32
        %dma_start3A_251 = arith.constant 0 : i32
        %dma_start3A_252 = tpu.memref_slice %arg3[%arg0, %dma_start3A_250, %dma_start3A_251] : memref<2x10000x128xf32, #tpu.memory_space<hbm>> -> memref<1x10000x128xf32, #tpu.memory_space<hbm>>
        %dma_start3A_253 = tpu.memref_squeeze %dma_start3A_252 : memref<1x10000x128xf32, #tpu.memory_space<hbm>> -> memref<10000x128xf32, #tpu.memory_space<hbm>>
        %dma_start3A_254 = arith.constant 0 : i32
        %dma_start3A_255 = arith.constant 0 : i32
        %dma_start3A_256 = tpu.memref_slice %dma_start3A_253[%dma_start3A_254, %dma_start3A_255] : memref<10000x128xf32, #tpu.memory_space<hbm>> -> memref<10000x128xf32, #tpu.memory_space<hbm>>
        tpu.enqueue_indirect_dma source(%dma_start3A_256 : memref<10000x128xf32, #tpu.memory_space<hbm>>) target(%dma_start3A_246 : memref<125x128xf32, #tpu.memory_space<vmem>>) offsets(%dma_start3A_249 : memref<125xi32, #tpu.memory_space<vmem>>) semaphore(%arg10 : memref<!tpu.dma_semaphore, #tpu.memory_space<semaphore_mem>>)
        %dma_start3A_257 = arith.constant 0 : i32
        %dma_start3A_258 = arith.constant 1 : i32
        %dma_start3A_259 = arith.constant 1 : i32
        %dma_start3A_260 = arith.constant 0 : i32
        %dma_start3A_261 = arith.constant 0 : i32
        %dma_start3A_262 = tpu.memref_slice %arg7[%dma_start3A_259, %dma_start3A_260, %dma_start3A_261] : memref<2x125x128xf32, #tpu.memory_space<vmem>> -> memref<1x125x128xf32, #tpu.memory_space<vmem>>
        %dma_start3A_263 = tpu.memref_squeeze %dma_start3A_262 : memref<1x125x128xf32, #tpu.memory_space<vmem>> -> memref<125x128xf32, #tpu.memory_space<vmem>>
        %dma_start3A_264 = arith.constant 0 : i32
        %dma_start3A_265 = tpu.memref_slice %arg5[%dma_start3A_257, %dma_start3A_258, %dma_start3A_264] : memref<2x16x125xi32, #tpu.memory_space<vmem>> -> memref<1x1x125xi32, #tpu.memory_space<vmem>>
        %dma_start3A_266 = tpu.memref_squeeze %dma_start3A_265 : memref<1x1x125xi32, #tpu.memory_space<vmem>> -> memref<125xi32, #tpu.memory_space<vmem>>
        %dma_start3A_267 = arith.constant 0 : i32
        %dma_start3A_268 = arith.constant 0 : i32
        %dma_start3A_269 = tpu.memref_slice %arg3[%arg0, %dma_start3A_267, %dma_start3A_268] : memref<2x10000x128xf32, #tpu.memory_space<hbm>> -> memref<1x10000x128xf32, #tpu.memory_space<hbm>>
        %dma_start3A_270 = tpu.memref_squeeze %dma_start3A_269 : memref<1x10000x128xf32, #tpu.memory_space<hbm>> -> memref<10000x128xf32, #tpu.memory_space<hbm>>
        %dma_start3A_271 = arith.constant 0 : i32
        %dma_start3A_272 = arith.constant 0 : i32
        %dma_start3A_273 = tpu.memref_slice %dma_start3A_270[%dma_start3A_271, %dma_start3A_272] : memref<10000x128xf32, #tpu.memory_space<hbm>> -> memref<10000x128xf32, #tpu.memory_space<hbm>>
        tpu.enqueue_indirect_dma source(%dma_start3A_273 : memref<10000x128xf32, #tpu.memory_space<hbm>>) target(%dma_start3A_263 : memref<125x128xf32, #tpu.memory_space<vmem>>) offsets(%dma_start3A_266 : memref<125xi32, #tpu.memory_space<vmem>>) semaphore(%arg11 : memref<!tpu.dma_semaphore, #tpu.memory_space<semaphore_mem>>)
      } else {
      }
      %scan3A_199 = arith.constant 0 : i32
      scf.yield %scan3A_199 : i32
    }
    %scan3A_144 = arith.constant 5 : i32
    %barrier3A_145 = arith.constant 0 : index
    tpu.barrier barrier_id(%barrier3A_145)
    %mul3A_146 = arith.constant 632 : i32
    %mul3A_147 = arith.muli %arg1, %mul3A_146 : i32
    %mul3A_148 = arith.constant 632 : i32
    %mul3A_149 = arith.muli %arg1, %mul3A_148 : i32
    "tpu.region"() ({
      %run_scoped3A_150 = tpu.sem_alloc : memref<!tpu.dma_semaphore, #tpu.memory_space<semaphore_mem>>
      %dma_start3A_151 = arith.constant 0 : i32
      %dma_start3A_152 = tpu.memref_slice %arg4[%arg0, %mul3A_149, %dma_start3A_151] : memref<2x10112x128xf32, #tpu.memory_space<hbm>> -> memref<1x632x128xf32, #tpu.memory_space<hbm>>
      %dma_start3A_153 = tpu.memref_squeeze %dma_start3A_152 : memref<1x632x128xf32, #tpu.memory_space<hbm>> -> memref<632x128xf32, #tpu.memory_space<hbm>>
      %dma_start3A_154 = arith.constant 0 : i32
      %dma_start3A_155 = tpu.memref_slice %arg8[%mul3A_147, %dma_start3A_154] : memref<10112x128xf32, #tpu.memory_space<vmem_shared>> -> memref<632x128xf32, #tpu.memory_space<vmem_shared>>
      tpu.enqueue_dma source(%dma_start3A_155 : memref<632x128xf32, #tpu.memory_space<vmem_shared>>) target(%dma_start3A_153 : memref<632x128xf32, #tpu.memory_space<hbm>>) target_semaphore(%run_scoped3A_150 : memref<!tpu.dma_semaphore, #tpu.memory_space<semaphore_mem>>)
      %dma_wait3A_156 = arith.constant 0 : i32
      %dma_wait3A_157 = tpu.memref_slice %arg4[%arg0, %mul3A_149, %dma_wait3A_156] : memref<2x10112x128xf32, #tpu.memory_space<hbm>> -> memref<1x632x128xf32, #tpu.memory_space<hbm>>
      %dma_wait3A_158 = tpu.memref_squeeze %dma_wait3A_157 : memref<1x632x128xf32, #tpu.memory_space<hbm>> -> memref<632x128xf32, #tpu.memory_space<hbm>>
      %dma_wait3A_159 = arith.constant 0 : i32
      %dma_wait3A_160 = tpu.memref_slice %arg8[%mul3A_147, %dma_wait3A_159] : memref<10112x128xf32, #tpu.memory_space<vmem_shared>> -> memref<632x128xf32, #tpu.memory_space<vmem_shared>>
      tpu.wait_dma2 semaphore(%run_scoped3A_150 : memref<!tpu.dma_semaphore, #tpu.memory_space<semaphore_mem>>) src(%dma_wait3A_160 : memref<632x128xf32, #tpu.memory_space<vmem_shared>>) dst(%dma_wait3A_158 : memref<632x128xf32, #tpu.memory_space<hbm>>)
      tpu.yield
    }) : () -> ()
    return
  }
}

#map = affine_map<(d0, d1) -> (0, 0, 0, 0)>
#map1 = affine_map<(d0, d1) -> (0, 0, 0)>
module attributes {stable_mosaic.version = 14 : i64} {
  func.func @_edge_body(%arg0: i32, %arg1: i32, %arg2: memref<2x16x160x125xi32, #tpu.memory_space<hbm>>, %arg3: memref<2x10000x128xf32, #tpu.memory_space<hbm>>, %arg4: memref<2x10112x128xf32, #tpu.memory_space<hbm>>, %arg5: memref<2x16x125xi32, #tpu.memory_space<vmem>>, %arg6: memref<2x16x125xi32, #tpu.memory_space<vmem>>, %arg7: memref<2x125x128xf32, #tpu.memory_space<vmem>>, %arg8: memref<10112x128xf32, #tpu.memory_space<vmem_shared>>, %arg9: memref<!tpu.dma_semaphore, #tpu.memory_space<semaphore_mem>>, %arg10: memref<!tpu.dma_semaphore, #tpu.memory_space<semaphore_mem>>, %arg11: memref<!tpu.dma_semaphore, #tpu.memory_space<semaphore_mem>>) attributes {dimension_semantics = [#tpu.dimension_semantics<core_parallel>, #tpu.dimension_semantics<subcore_parallel>], iteration_bounds = array<i64: 2, 16>, scalar_prefetch = 0 : i64, scratch_operands = 7 : i64, tpu.core_type = #tpu.core_type<sc_vector_subcore>, window_params = [{transform_indices = #map}, {transform_indices = #map1}, {transform_indices = #map1}]} {
    %dma_start3A = arith.constant 0 : i32
    %dma_start3A_0 = arith.constant 0 : i32
    %dma_start3A_1 = arith.constant 0 : i32
    %dma_start3A_2 = arith.constant 0 : i32
    %dma_start3A_3 = tpu.memref_slice %arg5[%dma_start3A_0, %dma_start3A_1, %dma_start3A_2] : memref<2x16x125xi32, #tpu.memory_space<vmem>> -> memref<1x16x125xi32, #tpu.memory_space<vmem>>
    %dma_start3A_4 = tpu.memref_squeeze %dma_start3A_3 : memref<1x16x125xi32, #tpu.memory_space<vmem>> -> memref<16x125xi32, #tpu.memory_space<vmem>>
    %dma_start3A_5 = arith.constant 0 : i32
    %dma_start3A_6 = arith.constant 0 : i32
    %dma_start3A_7 = tpu.memref_slice %arg2[%dma_start3A, %arg1, %dma_start3A_5, %dma_start3A_6] : memref<2x16x160x125xi32, #tpu.memory_space<hbm>> -> memref<1x1x16x125xi32, #tpu.memory_space<hbm>>
    %dma_start3A_8 = tpu.memref_squeeze %dma_start3A_7 : memref<1x1x16x125xi32, #tpu.memory_space<hbm>> -> memref<16x125xi32, #tpu.memory_space<hbm>>
    %dma_start3A_9 = arith.constant 0 : i32
    %dma_start3A_10 = arith.constant 0 : i32
    %dma_start3A_11 = tpu.memref_slice %arg5[%dma_start3A_0, %dma_start3A_9, %dma_start3A_10] : memref<2x16x125xi32, #tpu.memory_space<vmem>> -> memref<1x16x125xi32, #tpu.memory_space<vmem>>
    %dma_start3A_12 = tpu.memref_squeeze %dma_start3A_11 : memref<1x16x125xi32, #tpu.memory_space<vmem>> -> memref<16x125xi32, #tpu.memory_space<vmem>>
    %dma_start3A_13 = arith.constant 0 : i32
    %dma_start3A_14 = arith.constant 0 : i32
    %dma_start3A_15 = tpu.memref_slice %arg2[%dma_start3A, %arg1, %dma_start3A_13, %dma_start3A_14] : memref<2x16x160x125xi32, #tpu.memory_space<hbm>> -> memref<1x1x16x125xi32, #tpu.memory_space<hbm>>
    %dma_start3A_16 = tpu.memref_squeeze %dma_start3A_15 : memref<1x1x16x125xi32, #tpu.memory_space<hbm>> -> memref<16x125xi32, #tpu.memory_space<hbm>>
    tpu.enqueue_dma source(%dma_start3A_16 : memref<16x125xi32, #tpu.memory_space<hbm>>) target(%dma_start3A_12 : memref<16x125xi32, #tpu.memory_space<vmem>>) target_semaphore(%arg9 : memref<!tpu.dma_semaphore, #tpu.memory_space<semaphore_mem>>)
    %dma_start3A_17 = arith.constant 1 : i32
    %dma_start3A_18 = arith.constant 0 : i32
    %dma_start3A_19 = arith.constant 0 : i32
    %dma_start3A_20 = arith.constant 0 : i32
    %dma_start3A_21 = tpu.memref_slice %arg6[%dma_start3A_18, %dma_start3A_19, %dma_start3A_20] : memref<2x16x125xi32, #tpu.memory_space<vmem>> -> memref<1x16x125xi32, #tpu.memory_space<vmem>>
    %dma_start3A_22 = tpu.memref_squeeze %dma_start3A_21 : memref<1x16x125xi32, #tpu.memory_space<vmem>> -> memref<16x125xi32, #tpu.memory_space<vmem>>
    %dma_start3A_23 = arith.constant 0 : i32
    %dma_start3A_24 = arith.constant 0 : i32
    %dma_start3A_25 = tpu.memref_slice %arg2[%dma_start3A_17, %arg1, %dma_start3A_23, %dma_start3A_24] : memref<2x16x160x125xi32, #tpu.memory_space<hbm>> -> memref<1x1x16x125xi32, #tpu.memory_space<hbm>>
    %dma_start3A_26 = tpu.memref_squeeze %dma_start3A_25 : memref<1x1x16x125xi32, #tpu.memory_space<hbm>> -> memref<16x125xi32, #tpu.memory_space<hbm>>
    %dma_start3A_27 = arith.constant 0 : i32
    %dma_start3A_28 = arith.constant 0 : i32
    %dma_start3A_29 = tpu.memref_slice %arg6[%dma_start3A_18, %dma_start3A_27, %dma_start3A_28] : memref<2x16x125xi32, #tpu.memory_space<vmem>> -> memref<1x16x125xi32, #tpu.memory_space<vmem>>
    %dma_start3A_30 = tpu.memref_squeeze %dma_start3A_29 : memref<1x16x125xi32, #tpu.memory_space<vmem>> -> memref<16x125xi32, #tpu.memory_space<vmem>>
    %dma_start3A_31 = arith.constant 0 : i32
    %dma_start3A_32 = arith.constant 0 : i32
    %dma_start3A_33 = tpu.memref_slice %arg2[%dma_start3A_17, %arg1, %dma_start3A_31, %dma_start3A_32] : memref<2x16x160x125xi32, #tpu.memory_space<hbm>> -> memref<1x1x16x125xi32, #tpu.memory_space<hbm>>
    %dma_start3A_34 = tpu.memref_squeeze %dma_start3A_33 : memref<1x1x16x125xi32, #tpu.memory_space<hbm>> -> memref<16x125xi32, #tpu.memory_space<hbm>>
    tpu.enqueue_dma source(%dma_start3A_34 : memref<16x125xi32, #tpu.memory_space<hbm>>) target(%dma_start3A_30 : memref<16x125xi32, #tpu.memory_space<vmem>>) target_semaphore(%arg9 : memref<!tpu.dma_semaphore, #tpu.memory_space<semaphore_mem>>)
    %broadcast_in_dim3A = arith.constant 0.000000e+00 : f32
    %broadcast_in_dim3A_35 = vector.broadcast %broadcast_in_dim3A : f32 to vector<16xf32>
    %scan3A = arith.constant 0 : i32
    %scan3A_36 = arith.constant 0 : i32
    %scan3A_37 = arith.constant 125 : i32
    %scan3A_38 = arith.addi %scan3A_36, %scan3A_37 : i32
    %scan3A_39 = arith.constant 1 : i32
    %scan3A_40 = scf.for %scan3A_150 = %scan3A_36 to %scan3A_38 step %scan3A_39 iter_args(%scan3A_151 = %scan3A) -> (i32)  : i32 {
      %swap3A = arith.constant 0 : i32
      %swap3A_152 = arith.index_cast %swap3A : i32 to index
      %swap3A_153 = arith.index_cast %scan3A_150 : i32 to index
      %swap3A_154 = arith.constant 0 : index
      %swap3A_155 = tpu.vector_load %arg7[%swap3A_152, %swap3A_153, %swap3A_154] {strides = array<i32>} : memref<2x125x128xf32, #tpu.memory_space<vmem>>, vector<1x1x16xf32>,
      %swap3A_156 = vector.shape_cast %swap3A_155 : vector<1x1x16xf32> to vector<16xf32>
      %swap3A_157 = vector.shape_cast %broadcast_in_dim3A_35 : vector<16xf32> to vector<1x1x16xf32>
      tpu.vector_store %arg7[%swap3A_152, %swap3A_153, %swap3A_154], %swap3A_157 {strides = array<i32>} : memref<2x125x128xf32, #tpu.memory_space<vmem>>, vector<1x1x16xf32>,
      %swap3A_158 = arith.constant 0 : i32
      %swap3A_159 = arith.index_cast %swap3A_158 : i32 to index
      %swap3A_160 = arith.index_cast %scan3A_150 : i32 to index
      %swap3A_161 = arith.constant 16 : index
      %swap3A_162 = tpu.vector_load %arg7[%swap3A_159, %swap3A_160, %swap3A_161] {strides = array<i32>} : memref<2x125x128xf32, #tpu.memory_space<vmem>>, vector<1x1x16xf32>,
      %swap3A_163 = vector.shape_cast %swap3A_162 : vector<1x1x16xf32> to vector<16xf32>
      %swap3A_164 = vector.shape_cast %broadcast_in_dim3A_35 : vector<16xf32> to vector<1x1x16xf32>
      tpu.vector_store %arg7[%swap3A_159, %swap3A_160, %swap3A_161], %swap3A_164 {strides = array<i32>} : memref<2x125x128xf32, #tpu.memory_space<vmem>>, vector<1x1x16xf32>,
      %swap3A_165 = arith.constant 0 : i32
      %swap3A_166 = arith.index_cast %swap3A_165 : i32 to index
      %swap3A_167 = arith.index_cast %scan3A_150 : i32 to index
      %swap3A_168 = arith.constant 32 : index
      %swap3A_169 = tpu.vector_load %arg7[%swap3A_166, %swap3A_167, %swap3A_168] {strides = array<i32>} : memref<2x125x128xf32, #tpu.memory_space<vmem>>, vector<1x1x16xf32>,
      %swap3A_170 = vector.shape_cast %swap3A_169 : vector<1x1x16xf32> to vector<16xf32>
      %swap3A_171 = vector.shape_cast %broadcast_in_dim3A_35 : vector<16xf32> to vector<1x1x16xf32>
      tpu.vector_store %arg7[%swap3A_166, %swap3A_167, %swap3A_168], %swap3A_171 {strides = array<i32>} : memref<2x125x128xf32, #tpu.memory_space<vmem>>, vector<1x1x16xf32>,
      %swap3A_172 = arith.constant 0 : i32
      %swap3A_173 = arith.index_cast %swap3A_172 : i32 to index
      %swap3A_174 = arith.index_cast %scan3A_150 : i32 to index
      %swap3A_175 = arith.constant 48 : index
      %swap3A_176 = tpu.vector_load %arg7[%swap3A_173, %swap3A_174, %swap3A_175] {strides = array<i32>} : memref<2x125x128xf32, #tpu.memory_space<vmem>>, vector<1x1x16xf32>,
      %swap3A_177 = vector.shape_cast %swap3A_176 : vector<1x1x16xf32> to vector<16xf32>
      %swap3A_178 = vector.shape_cast %broadcast_in_dim3A_35 : vector<16xf32> to vector<1x1x16xf32>
      tpu.vector_store %arg7[%swap3A_173, %swap3A_174, %swap3A_175], %swap3A_178 {strides = array<i32>} : memref<2x125x128xf32, #tpu.memory_space<vmem>>, vector<1x1x16xf32>,
      %swap3A_179 = arith.constant 0 : i32
      %swap3A_180 = arith.index_cast %swap3A_179 : i32 to index
      %swap3A_181 = arith.index_cast %scan3A_150 : i32 to index
      %swap3A_182 = arith.constant 64 : index
      %swap3A_183 = tpu.vector_load %arg7[%swap3A_180, %swap3A_181, %swap3A_182] {strides = array<i32>} : memref<2x125x128xf32, #tpu.memory_space<vmem>>, vector<1x1x16xf32>,
      %swap3A_184 = vector.shape_cast %swap3A_183 : vector<1x1x16xf32> to vector<16xf32>
      %swap3A_185 = vector.shape_cast %broadcast_in_dim3A_35 : vector<16xf32> to vector<1x1x16xf32>
      tpu.vector_store %arg7[%swap3A_180, %swap3A_181, %swap3A_182], %swap3A_185 {strides = array<i32>} : memref<2x125x128xf32, #tpu.memory_space<vmem>>, vector<1x1x16xf32>,
      %swap3A_186 = arith.constant 0 : i32
      %swap3A_187 = arith.index_cast %swap3A_186 : i32 to index
      %swap3A_188 = arith.index_cast %scan3A_150 : i32 to index
      %swap3A_189 = arith.constant 80 : index
      %swap3A_190 = tpu.vector_load %arg7[%swap3A_187, %swap3A_188, %swap3A_189] {strides = array<i32>} : memref<2x125x128xf32, #tpu.memory_space<vmem>>, vector<1x1x16xf32>,
      %swap3A_191 = vector.shape_cast %swap3A_190 : vector<1x1x16xf32> to vector<16xf32>
      %swap3A_192 = vector.shape_cast %broadcast_in_dim3A_35 : vector<16xf32> to vector<1x1x16xf32>
      tpu.vector_store %arg7[%swap3A_187, %swap3A_188, %swap3A_189], %swap3A_192 {strides = array<i32>} : memref<2x125x128xf32, #tpu.memory_space<vmem>>, vector<1x1x16xf32>,
      %swap3A_193 = arith.constant 0 : i32
      %swap3A_194 = arith.index_cast %swap3A_193 : i32 to index
      %swap3A_195 = arith.index_cast %scan3A_150 : i32 to index
      %swap3A_196 = arith.constant 96 : index
      %swap3A_197 = tpu.vector_load %arg7[%swap3A_194, %swap3A_195, %swap3A_196] {strides = array<i32>} : memref<2x125x128xf32, #tpu.memory_space<vmem>>, vector<1x1x16xf32>,
      %swap3A_198 = vector.shape_cast %swap3A_197 : vector<1x1x16xf32> to vector<16xf32>
      %swap3A_199 = vector.shape_cast %broadcast_in_dim3A_35 : vector<16xf32> to vector<1x1x16xf32>
      tpu.vector_store %arg7[%swap3A_194, %swap3A_195, %swap3A_196], %swap3A_199 {strides = array<i32>} : memref<2x125x128xf32, #tpu.memory_space<vmem>>, vector<1x1x16xf32>,
      %swap3A_200 = arith.constant 0 : i32
      %swap3A_201 = arith.index_cast %swap3A_200 : i32 to index
      %swap3A_202 = arith.index_cast %scan3A_150 : i32 to index
      %swap3A_203 = arith.constant 112 : index
      %swap3A_204 = tpu.vector_load %arg7[%swap3A_201, %swap3A_202, %swap3A_203] {strides = array<i32>} : memref<2x125x128xf32, #tpu.memory_space<vmem>>, vector<1x1x16xf32>,
      %swap3A_205 = vector.shape_cast %swap3A_204 : vector<1x1x16xf32> to vector<16xf32>
      %swap3A_206 = vector.shape_cast %broadcast_in_dim3A_35 : vector<16xf32> to vector<1x1x16xf32>
      tpu.vector_store %arg7[%swap3A_201, %swap3A_202, %swap3A_203], %swap3A_206 {strides = array<i32>} : memref<2x125x128xf32, #tpu.memory_space<vmem>>, vector<1x1x16xf32>,
      %scan3A_207 = arith.constant 0 : i32
      scf.yield %scan3A_207 : i32
    }
    %scan3A_41 = arith.constant 125 : i32
    %mul3A = arith.constant 632 : i32
    %mul3A_42 = arith.muli %arg1, %mul3A : i32
    %add3A = arith.constant 0 : i32
    %add3A_43 = arith.addi %mul3A_42, %add3A : i32
    %run_scoped3A = arith.constant 0 : i32
    "tpu.region"() ({
      %run_scoped3A_150 = tpu.sem_alloc : memref<!tpu.dma_semaphore, #tpu.memory_space<semaphore_mem>>
      %dma_start3A_151 = arith.constant 0 : i32
      %dma_start3A_152 = arith.constant 0 : i32
      %dma_start3A_153 = tpu.memref_slice %arg7[%run_scoped3A, %dma_start3A_151, %dma_start3A_152] : memref<2x125x128xf32, #tpu.memory_space<vmem>> -> memref<1x125x128xf32, #tpu.memory_space<vmem>>
      %dma_start3A_154 = tpu.memref_squeeze %dma_start3A_153 : memref<1x125x128xf32, #tpu.memory_space<vmem>> -> memref<125x128xf32, #tpu.memory_space<vmem>>
      %dma_start3A_155 = arith.constant 0 : i32
      %dma_start3A_156 = tpu.memref_slice %arg8[%add3A_43, %dma_start3A_155] : memref<10112x128xf32, #tpu.memory_space<vmem_shared>> -> memref<125x128xf32, #tpu.memory_space<vmem_shared>>
      %dma_start3A_157 = arith.constant 0 : i32
      %dma_start3A_158 = tpu.memref_slice %arg8[%add3A_43, %dma_start3A_157] : memref<10112x128xf32, #tpu.memory_space<vmem_shared>> -> memref<125x128xf32, #tpu.memory_space<vmem_shared>>
      %dma_start3A_159 = arith.constant 0 : i32
      %dma_start3A_160 = arith.constant 0 : i32
      %dma_start3A_161 = tpu.memref_slice %arg7[%run_scoped3A, %dma_start3A_159, %dma_start3A_160] : memref<2x125x128xf32, #tpu.memory_space<vmem>> -> memref<1x125x128xf32, #tpu.memory_space<vmem>>
      %dma_start3A_162 = tpu.memref_squeeze %dma_start3A_161 : memref<1x125x128xf32, #tpu.memory_space<vmem>> -> memref<125x128xf32, #tpu.memory_space<vmem>>
      tpu.enqueue_dma source(%dma_start3A_162 : memref<125x128xf32, #tpu.memory_space<vmem>>) target(%dma_start3A_158 : memref<125x128xf32, #tpu.memory_space<vmem_shared>>) target_semaphore(%run_scoped3A_150 : memref<!tpu.dma_semaphore, #tpu.memory_space<semaphore_mem>>)
      %dma_wait3A_163 = arith.constant 0 : i32
      %dma_wait3A_164 = arith.constant 0 : i32
      %dma_wait3A_165 = tpu.memref_slice %arg7[%run_scoped3A, %dma_wait3A_163, %dma_wait3A_164] : memref<2x125x128xf32, #tpu.memory_space<vmem>> -> memref<1x125x128xf32, #tpu.memory_space<vmem>>
      %dma_wait3A_166 = tpu.memref_squeeze %dma_wait3A_165 : memref<1x125x128xf32, #tpu.memory_space<vmem>> -> memref<125x128xf32, #tpu.memory_space<vmem>>
      %dma_wait3A_167 = arith.constant 0 : i32
      %dma_wait3A_168 = tpu.memref_slice %arg8[%add3A_43, %dma_wait3A_167] : memref<10112x128xf32, #tpu.memory_space<vmem_shared>> -> memref<125x128xf32, #tpu.memory_space<vmem_shared>>
      %dma_wait3A_169 = arith.constant 0 : i32
      %dma_wait3A_170 = tpu.memref_slice %arg8[%add3A_43, %dma_wait3A_169] : memref<10112x128xf32, #tpu.memory_space<vmem_shared>> -> memref<125x128xf32, #tpu.memory_space<vmem_shared>>
      %dma_wait3A_171 = arith.constant 0 : i32
      %dma_wait3A_172 = arith.constant 0 : i32
      %dma_wait3A_173 = tpu.memref_slice %arg7[%run_scoped3A, %dma_wait3A_171, %dma_wait3A_172] : memref<2x125x128xf32, #tpu.memory_space<vmem>> -> memref<1x125x128xf32, #tpu.memory_space<vmem>>
      %dma_wait3A_174 = tpu.memref_squeeze %dma_wait3A_173 : memref<1x125x128xf32, #tpu.memory_space<vmem>> -> memref<125x128xf32, #tpu.memory_space<vmem>>
      tpu.wait_dma2 semaphore(%run_scoped3A_150 : memref<!tpu.dma_semaphore, #tpu.memory_space<semaphore_mem>>) src(%dma_wait3A_174 : memref<125x128xf32, #tpu.memory_space<vmem>>) dst(%dma_wait3A_170 : memref<125x128xf32, #tpu.memory_space<vmem_shared>>)
      tpu.yield
    }) : () -> ()
    %mul3A_44 = arith.constant 632 : i32
    %mul3A_45 = arith.muli %arg1, %mul3A_44 : i32
    %add3A_46 = arith.constant 125 : i32
    %add3A_47 = arith.addi %mul3A_45, %add3A_46 : i32
    %run_scoped3A_48 = arith.constant 0 : i32
    "tpu.region"() ({
      %run_scoped3A_150 = tpu.sem_alloc : memref<!tpu.dma_semaphore, #tpu.memory_space<semaphore_mem>>
      %dma_start3A_151 = arith.constant 0 : i32
      %dma_start3A_152 = arith.constant 0 : i32
      %dma_start3A_153 = tpu.memref_slice %arg7[%run_scoped3A_48, %dma_start3A_151, %dma_start3A_152] : memref<2x125x128xf32, #tpu.memory_space<vmem>> -> memref<1x125x128xf32, #tpu.memory_space<vmem>>
      %dma_start3A_154 = tpu.memref_squeeze %dma_start3A_153 : memref<1x125x128xf32, #tpu.memory_space<vmem>> -> memref<125x128xf32, #tpu.memory_space<vmem>>
      %dma_start3A_155 = arith.constant 0 : i32
      %dma_start3A_156 = tpu.memref_slice %arg8[%add3A_47, %dma_start3A_155] : memref<10112x128xf32, #tpu.memory_space<vmem_shared>> -> memref<125x128xf32, #tpu.memory_space<vmem_shared>>
      %dma_start3A_157 = arith.constant 0 : i32
      %dma_start3A_158 = tpu.memref_slice %arg8[%add3A_47, %dma_start3A_157] : memref<10112x128xf32, #tpu.memory_space<vmem_shared>> -> memref<125x128xf32, #tpu.memory_space<vmem_shared>>
      %dma_start3A_159 = arith.constant 0 : i32
      %dma_start3A_160 = arith.constant 0 : i32
      %dma_start3A_161 = tpu.memref_slice %arg7[%run_scoped3A_48, %dma_start3A_159, %dma_start3A_160] : memref<2x125x128xf32, #tpu.memory_space<vmem>> -> memref<1x125x128xf32, #tpu.memory_space<vmem>>
      %dma_start3A_162 = tpu.memref_squeeze %dma_start3A_161 : memref<1x125x128xf32, #tpu.memory_space<vmem>> -> memref<125x128xf32, #tpu.memory_space<vmem>>
      tpu.enqueue_dma source(%dma_start3A_162 : memref<125x128xf32, #tpu.memory_space<vmem>>) target(%dma_start3A_158 : memref<125x128xf32, #tpu.memory_space<vmem_shared>>) target_semaphore(%run_scoped3A_150 : memref<!tpu.dma_semaphore, #tpu.memory_space<semaphore_mem>>)
      %dma_wait3A_163 = arith.constant 0 : i32
      %dma_wait3A_164 = arith.constant 0 : i32
      %dma_wait3A_165 = tpu.memref_slice %arg7[%run_scoped3A_48, %dma_wait3A_163, %dma_wait3A_164] : memref<2x125x128xf32, #tpu.memory_space<vmem>> -> memref<1x125x128xf32, #tpu.memory_space<vmem>>
      %dma_wait3A_166 = tpu.memref_squeeze %dma_wait3A_165 : memref<1x125x128xf32, #tpu.memory_space<vmem>> -> memref<125x128xf32, #tpu.memory_space<vmem>>
      %dma_wait3A_167 = arith.constant 0 : i32
      %dma_wait3A_168 = tpu.memref_slice %arg8[%add3A_47, %dma_wait3A_167] : memref<10112x128xf32, #tpu.memory_space<vmem_shared>> -> memref<125x128xf32, #tpu.memory_space<vmem_shared>>
      %dma_wait3A_169 = arith.constant 0 : i32
      %dma_wait3A_170 = tpu.memref_slice %arg8[%add3A_47, %dma_wait3A_169] : memref<10112x128xf32, #tpu.memory_space<vmem_shared>> -> memref<125x128xf32, #tpu.memory_space<vmem_shared>>
      %dma_wait3A_171 = arith.constant 0 : i32
      %dma_wait3A_172 = arith.constant 0 : i32
      %dma_wait3A_173 = tpu.memref_slice %arg7[%run_scoped3A_48, %dma_wait3A_171, %dma_wait3A_172] : memref<2x125x128xf32, #tpu.memory_space<vmem>> -> memref<1x125x128xf32, #tpu.memory_space<vmem>>
      %dma_wait3A_174 = tpu.memref_squeeze %dma_wait3A_173 : memref<1x125x128xf32, #tpu.memory_space<vmem>> -> memref<125x128xf32, #tpu.memory_space<vmem>>
      tpu.wait_dma2 semaphore(%run_scoped3A_150 : memref<!tpu.dma_semaphore, #tpu.memory_space<semaphore_mem>>) src(%dma_wait3A_174 : memref<125x128xf32, #tpu.memory_space<vmem>>) dst(%dma_wait3A_170 : memref<125x128xf32, #tpu.memory_space<vmem_shared>>)
      tpu.yield
    }) : () -> ()
    %mul3A_49 = arith.constant 632 : i32
    %mul3A_50 = arith.muli %arg1, %mul3A_49 : i32
    %add3A_51 = arith.constant 250 : i32
    %add3A_52 = arith.addi %mul3A_50, %add3A_51 : i32
    %run_scoped3A_53 = arith.constant 0 : i32
    "tpu.region"() ({
      %run_scoped3A_150 = tpu.sem_alloc : memref<!tpu.dma_semaphore, #tpu.memory_space<semaphore_mem>>
      %dma_start3A_151 = arith.constant 0 : i32
      %dma_start3A_152 = arith.constant 0 : i32
      %dma_start3A_153 = tpu.memref_slice %arg7[%run_scoped3A_53, %dma_start3A_151, %dma_start3A_152] : memref<2x125x128xf32, #tpu.memory_space<vmem>> -> memref<1x125x128xf32, #tpu.memory_space<vmem>>
      %dma_start3A_154 = tpu.memref_squeeze %dma_start3A_153 : memref<1x125x128xf32, #tpu.memory_space<vmem>> -> memref<125x128xf32, #tpu.memory_space<vmem>>
      %dma_start3A_155 = arith.constant 0 : i32
      %dma_start3A_156 = tpu.memref_slice %arg8[%add3A_52, %dma_start3A_155] : memref<10112x128xf32, #tpu.memory_space<vmem_shared>> -> memref<125x128xf32, #tpu.memory_space<vmem_shared>>
      %dma_start3A_157 = arith.constant 0 : i32
      %dma_start3A_158 = tpu.memref_slice %arg8[%add3A_52, %dma_start3A_157] : memref<10112x128xf32, #tpu.memory_space<vmem_shared>> -> memref<125x128xf32, #tpu.memory_space<vmem_shared>>
      %dma_start3A_159 = arith.constant 0 : i32
      %dma_start3A_160 = arith.constant 0 : i32
      %dma_start3A_161 = tpu.memref_slice %arg7[%run_scoped3A_53, %dma_start3A_159, %dma_start3A_160] : memref<2x125x128xf32, #tpu.memory_space<vmem>> -> memref<1x125x128xf32, #tpu.memory_space<vmem>>
      %dma_start3A_162 = tpu.memref_squeeze %dma_start3A_161 : memref<1x125x128xf32, #tpu.memory_space<vmem>> -> memref<125x128xf32, #tpu.memory_space<vmem>>
      tpu.enqueue_dma source(%dma_start3A_162 : memref<125x128xf32, #tpu.memory_space<vmem>>) target(%dma_start3A_158 : memref<125x128xf32, #tpu.memory_space<vmem_shared>>) target_semaphore(%run_scoped3A_150 : memref<!tpu.dma_semaphore, #tpu.memory_space<semaphore_mem>>)
      %dma_wait3A_163 = arith.constant 0 : i32
      %dma_wait3A_164 = arith.constant 0 : i32
      %dma_wait3A_165 = tpu.memref_slice %arg7[%run_scoped3A_53, %dma_wait3A_163, %dma_wait3A_164] : memref<2x125x128xf32, #tpu.memory_space<vmem>> -> memref<1x125x128xf32, #tpu.memory_space<vmem>>
      %dma_wait3A_166 = tpu.memref_squeeze %dma_wait3A_165 : memref<1x125x128xf32, #tpu.memory_space<vmem>> -> memref<125x128xf32, #tpu.memory_space<vmem>>
      %dma_wait3A_167 = arith.constant 0 : i32
      %dma_wait3A_168 = tpu.memref_slice %arg8[%add3A_52, %dma_wait3A_167] : memref<10112x128xf32, #tpu.memory_space<vmem_shared>> -> memref<125x128xf32, #tpu.memory_space<vmem_shared>>
      %dma_wait3A_169 = arith.constant 0 : i32
      %dma_wait3A_170 = tpu.memref_slice %arg8[%add3A_52, %dma_wait3A_169] : memref<10112x128xf32, #tpu.memory_space<vmem_shared>> -> memref<125x128xf32, #tpu.memory_space<vmem_shared>>
      %dma_wait3A_171 = arith.constant 0 : i32
      %dma_wait3A_172 = arith.constant 0 : i32
      %dma_wait3A_173 = tpu.memref_slice %arg7[%run_scoped3A_53, %dma_wait3A_171, %dma_wait3A_172] : memref<2x125x128xf32, #tpu.memory_space<vmem>> -> memref<1x125x128xf32, #tpu.memory_space<vmem>>
      %dma_wait3A_174 = tpu.memref_squeeze %dma_wait3A_173 : memref<1x125x128xf32, #tpu.memory_space<vmem>> -> memref<125x128xf32, #tpu.memory_space<vmem>>
      tpu.wait_dma2 semaphore(%run_scoped3A_150 : memref<!tpu.dma_semaphore, #tpu.memory_space<semaphore_mem>>) src(%dma_wait3A_174 : memref<125x128xf32, #tpu.memory_space<vmem>>) dst(%dma_wait3A_170 : memref<125x128xf32, #tpu.memory_space<vmem_shared>>)
      tpu.yield
    }) : () -> ()
    %mul3A_54 = arith.constant 632 : i32
    %mul3A_55 = arith.muli %arg1, %mul3A_54 : i32
    %add3A_56 = arith.constant 375 : i32
    %add3A_57 = arith.addi %mul3A_55, %add3A_56 : i32
    %run_scoped3A_58 = arith.constant 0 : i32
    "tpu.region"() ({
      %run_scoped3A_150 = tpu.sem_alloc : memref<!tpu.dma_semaphore, #tpu.memory_space<semaphore_mem>>
      %dma_start3A_151 = arith.constant 0 : i32
      %dma_start3A_152 = arith.constant 0 : i32
      %dma_start3A_153 = tpu.memref_slice %arg7[%run_scoped3A_58, %dma_start3A_151, %dma_start3A_152] : memref<2x125x128xf32, #tpu.memory_space<vmem>> -> memref<1x125x128xf32, #tpu.memory_space<vmem>>
      %dma_start3A_154 = tpu.memref_squeeze %dma_start3A_153 : memref<1x125x128xf32, #tpu.memory_space<vmem>> -> memref<125x128xf32, #tpu.memory_space<vmem>>
      %dma_start3A_155 = arith.constant 0 : i32
      %dma_start3A_156 = tpu.memref_slice %arg8[%add3A_57, %dma_start3A_155] : memref<10112x128xf32, #tpu.memory_space<vmem_shared>> -> memref<125x128xf32, #tpu.memory_space<vmem_shared>>
      %dma_start3A_157 = arith.constant 0 : i32
      %dma_start3A_158 = tpu.memref_slice %arg8[%add3A_57, %dma_start3A_157] : memref<10112x128xf32, #tpu.memory_space<vmem_shared>> -> memref<125x128xf32, #tpu.memory_space<vmem_shared>>
      %dma_start3A_159 = arith.constant 0 : i32
      %dma_start3A_160 = arith.constant 0 : i32
      %dma_start3A_161 = tpu.memref_slice %arg7[%run_scoped3A_58, %dma_start3A_159, %dma_start3A_160] : memref<2x125x128xf32, #tpu.memory_space<vmem>> -> memref<1x125x128xf32, #tpu.memory_space<vmem>>
      %dma_start3A_162 = tpu.memref_squeeze %dma_start3A_161 : memref<1x125x128xf32, #tpu.memory_space<vmem>> -> memref<125x128xf32, #tpu.memory_space<vmem>>
      tpu.enqueue_dma source(%dma_start3A_162 : memref<125x128xf32, #tpu.memory_space<vmem>>) target(%dma_start3A_158 : memref<125x128xf32, #tpu.memory_space<vmem_shared>>) target_semaphore(%run_scoped3A_150 : memref<!tpu.dma_semaphore, #tpu.memory_space<semaphore_mem>>)
      %dma_wait3A_163 = arith.constant 0 : i32
      %dma_wait3A_164 = arith.constant 0 : i32
      %dma_wait3A_165 = tpu.memref_slice %arg7[%run_scoped3A_58, %dma_wait3A_163, %dma_wait3A_164] : memref<2x125x128xf32, #tpu.memory_space<vmem>> -> memref<1x125x128xf32, #tpu.memory_space<vmem>>
      %dma_wait3A_166 = tpu.memref_squeeze %dma_wait3A_165 : memref<1x125x128xf32, #tpu.memory_space<vmem>> -> memref<125x128xf32, #tpu.memory_space<vmem>>
      %dma_wait3A_167 = arith.constant 0 : i32
      %dma_wait3A_168 = tpu.memref_slice %arg8[%add3A_57, %dma_wait3A_167] : memref<10112x128xf32, #tpu.memory_space<vmem_shared>> -> memref<125x128xf32, #tpu.memory_space<vmem_shared>>
      %dma_wait3A_169 = arith.constant 0 : i32
      %dma_wait3A_170 = tpu.memref_slice %arg8[%add3A_57, %dma_wait3A_169] : memref<10112x128xf32, #tpu.memory_space<vmem_shared>> -> memref<125x128xf32, #tpu.memory_space<vmem_shared>>
      %dma_wait3A_171 = arith.constant 0 : i32
      %dma_wait3A_172 = arith.constant 0 : i32
      %dma_wait3A_173 = tpu.memref_slice %arg7[%run_scoped3A_58, %dma_wait3A_171, %dma_wait3A_172] : memref<2x125x128xf32, #tpu.memory_space<vmem>> -> memref<1x125x128xf32, #tpu.memory_space<vmem>>
      %dma_wait3A_174 = tpu.memref_squeeze %dma_wait3A_173 : memref<1x125x128xf32, #tpu.memory_space<vmem>> -> memref<125x128xf32, #tpu.memory_space<vmem>>
      tpu.wait_dma2 semaphore(%run_scoped3A_150 : memref<!tpu.dma_semaphore, #tpu.memory_space<semaphore_mem>>) src(%dma_wait3A_174 : memref<125x128xf32, #tpu.memory_space<vmem>>) dst(%dma_wait3A_170 : memref<125x128xf32, #tpu.memory_space<vmem_shared>>)
      tpu.yield
    }) : () -> ()
    %mul3A_59 = arith.constant 632 : i32
    %mul3A_60 = arith.muli %arg1, %mul3A_59 : i32
    %add3A_61 = arith.constant 500 : i32
    %add3A_62 = arith.addi %mul3A_60, %add3A_61 : i32
    %run_scoped3A_63 = arith.constant 0 : i32
    "tpu.region"() ({
      %run_scoped3A_150 = tpu.sem_alloc : memref<!tpu.dma_semaphore, #tpu.memory_space<semaphore_mem>>
      %dma_start3A_151 = arith.constant 0 : i32
      %dma_start3A_152 = arith.constant 0 : i32
      %dma_start3A_153 = tpu.memref_slice %arg7[%run_scoped3A_63, %dma_start3A_151, %dma_start3A_152] : memref<2x125x128xf32, #tpu.memory_space<vmem>> -> memref<1x125x128xf32, #tpu.memory_space<vmem>>
      %dma_start3A_154 = tpu.memref_squeeze %dma_start3A_153 : memref<1x125x128xf32, #tpu.memory_space<vmem>> -> memref<125x128xf32, #tpu.memory_space<vmem>>
      %dma_start3A_155 = arith.constant 0 : i32
      %dma_start3A_156 = tpu.memref_slice %arg8[%add3A_62, %dma_start3A_155] : memref<10112x128xf32, #tpu.memory_space<vmem_shared>> -> memref<125x128xf32, #tpu.memory_space<vmem_shared>>
      %dma_start3A_157 = arith.constant 0 : i32
      %dma_start3A_158 = tpu.memref_slice %arg8[%add3A_62, %dma_start3A_157] : memref<10112x128xf32, #tpu.memory_space<vmem_shared>> -> memref<125x128xf32, #tpu.memory_space<vmem_shared>>
      %dma_start3A_159 = arith.constant 0 : i32
      %dma_start3A_160 = arith.constant 0 : i32
      %dma_start3A_161 = tpu.memref_slice %arg7[%run_scoped3A_63, %dma_start3A_159, %dma_start3A_160] : memref<2x125x128xf32, #tpu.memory_space<vmem>> -> memref<1x125x128xf32, #tpu.memory_space<vmem>>
      %dma_start3A_162 = tpu.memref_squeeze %dma_start3A_161 : memref<1x125x128xf32, #tpu.memory_space<vmem>> -> memref<125x128xf32, #tpu.memory_space<vmem>>
      tpu.enqueue_dma source(%dma_start3A_162 : memref<125x128xf32, #tpu.memory_space<vmem>>) target(%dma_start3A_158 : memref<125x128xf32, #tpu.memory_space<vmem_shared>>) target_semaphore(%run_scoped3A_150 : memref<!tpu.dma_semaphore, #tpu.memory_space<semaphore_mem>>)
      %dma_wait3A_163 = arith.constant 0 : i32
      %dma_wait3A_164 = arith.constant 0 : i32
      %dma_wait3A_165 = tpu.memref_slice %arg7[%run_scoped3A_63, %dma_wait3A_163, %dma_wait3A_164] : memref<2x125x128xf32, #tpu.memory_space<vmem>> -> memref<1x125x128xf32, #tpu.memory_space<vmem>>
      %dma_wait3A_166 = tpu.memref_squeeze %dma_wait3A_165 : memref<1x125x128xf32, #tpu.memory_space<vmem>> -> memref<125x128xf32, #tpu.memory_space<vmem>>
      %dma_wait3A_167 = arith.constant 0 : i32
      %dma_wait3A_168 = tpu.memref_slice %arg8[%add3A_62, %dma_wait3A_167] : memref<10112x128xf32, #tpu.memory_space<vmem_shared>> -> memref<125x128xf32, #tpu.memory_space<vmem_shared>>
      %dma_wait3A_169 = arith.constant 0 : i32
      %dma_wait3A_170 = tpu.memref_slice %arg8[%add3A_62, %dma_wait3A_169] : memref<10112x128xf32, #tpu.memory_space<vmem_shared>> -> memref<125x128xf32, #tpu.memory_space<vmem_shared>>
      %dma_wait3A_171 = arith.constant 0 : i32
      %dma_wait3A_172 = arith.constant 0 : i32
      %dma_wait3A_173 = tpu.memref_slice %arg7[%run_scoped3A_63, %dma_wait3A_171, %dma_wait3A_172] : memref<2x125x128xf32, #tpu.memory_space<vmem>> -> memref<1x125x128xf32, #tpu.memory_space<vmem>>
      %dma_wait3A_174 = tpu.memref_squeeze %dma_wait3A_173 : memref<1x125x128xf32, #tpu.memory_space<vmem>> -> memref<125x128xf32, #tpu.memory_space<vmem>>
      tpu.wait_dma2 semaphore(%run_scoped3A_150 : memref<!tpu.dma_semaphore, #tpu.memory_space<semaphore_mem>>) src(%dma_wait3A_174 : memref<125x128xf32, #tpu.memory_space<vmem>>) dst(%dma_wait3A_170 : memref<125x128xf32, #tpu.memory_space<vmem_shared>>)
      tpu.yield
    }) : () -> ()
    %mul3A_64 = arith.constant 632 : i32
    %mul3A_65 = arith.muli %arg1, %mul3A_64 : i32
    %add3A_66 = arith.constant 625 : i32
    %add3A_67 = arith.addi %mul3A_65, %add3A_66 : i32
    %run_scoped3A_68 = arith.constant 0 : i32
    "tpu.region"() ({
      %run_scoped3A_150 = tpu.sem_alloc : memref<!tpu.dma_semaphore, #tpu.memory_space<semaphore_mem>>
      %dma_start3A_151 = arith.constant 0 : i32
      %dma_start3A_152 = arith.constant 0 : i32
      %dma_start3A_153 = tpu.memref_slice %arg7[%run_scoped3A_68, %dma_start3A_151, %dma_start3A_152] : memref<2x125x128xf32, #tpu.memory_space<vmem>> -> memref<1x7x128xf32, #tpu.memory_space<vmem>>
      %dma_start3A_154 = tpu.memref_squeeze %dma_start3A_153 : memref<1x7x128xf32, #tpu.memory_space<vmem>> -> memref<7x128xf32, #tpu.memory_space<vmem>>
      %dma_start3A_155 = arith.constant 0 : i32
      %dma_start3A_156 = tpu.memref_slice %arg8[%add3A_67, %dma_start3A_155] : memref<10112x128xf32, #tpu.memory_space<vmem_shared>> -> memref<7x128xf32, #tpu.memory_space<vmem_shared>>
      %dma_start3A_157 = arith.constant 0 : i32
      %dma_start3A_158 = tpu.memref_slice %arg8[%add3A_67, %dma_start3A_157] : memref<10112x128xf32, #tpu.memory_space<vmem_shared>> -> memref<7x128xf32, #tpu.memory_space<vmem_shared>>
      %dma_start3A_159 = arith.constant 0 : i32
      %dma_start3A_160 = arith.constant 0 : i32
      %dma_start3A_161 = tpu.memref_slice %arg7[%run_scoped3A_68, %dma_start3A_159, %dma_start3A_160] : memref<2x125x128xf32, #tpu.memory_space<vmem>> -> memref<1x7x128xf32, #tpu.memory_space<vmem>>
      %dma_start3A_162 = tpu.memref_squeeze %dma_start3A_161 : memref<1x7x128xf32, #tpu.memory_space<vmem>> -> memref<7x128xf32, #tpu.memory_space<vmem>>
      tpu.enqueue_dma source(%dma_start3A_162 : memref<7x128xf32, #tpu.memory_space<vmem>>) target(%dma_start3A_158 : memref<7x128xf32, #tpu.memory_space<vmem_shared>>) target_semaphore(%run_scoped3A_150 : memref<!tpu.dma_semaphore, #tpu.memory_space<semaphore_mem>>)
      %dma_wait3A_163 = arith.constant 0 : i32
      %dma_wait3A_164 = arith.constant 0 : i32
      %dma_wait3A_165 = tpu.memref_slice %arg7[%run_scoped3A_68, %dma_wait3A_163, %dma_wait3A_164] : memref<2x125x128xf32, #tpu.memory_space<vmem>> -> memref<1x7x128xf32, #tpu.memory_space<vmem>>
      %dma_wait3A_166 = tpu.memref_squeeze %dma_wait3A_165 : memref<1x7x128xf32, #tpu.memory_space<vmem>> -> memref<7x128xf32, #tpu.memory_space<vmem>>
      %dma_wait3A_167 = arith.constant 0 : i32
      %dma_wait3A_168 = tpu.memref_slice %arg8[%add3A_67, %dma_wait3A_167] : memref<10112x128xf32, #tpu.memory_space<vmem_shared>> -> memref<7x128xf32, #tpu.memory_space<vmem_shared>>
      %dma_wait3A_169 = arith.constant 0 : i32
      %dma_wait3A_170 = tpu.memref_slice %arg8[%add3A_67, %dma_wait3A_169] : memref<10112x128xf32, #tpu.memory_space<vmem_shared>> -> memref<7x128xf32, #tpu.memory_space<vmem_shared>>
      %dma_wait3A_171 = arith.constant 0 : i32
      %dma_wait3A_172 = arith.constant 0 : i32
      %dma_wait3A_173 = tpu.memref_slice %arg7[%run_scoped3A_68, %dma_wait3A_171, %dma_wait3A_172] : memref<2x125x128xf32, #tpu.memory_space<vmem>> -> memref<1x7x128xf32, #tpu.memory_space<vmem>>
      %dma_wait3A_174 = tpu.memref_squeeze %dma_wait3A_173 : memref<1x7x128xf32, #tpu.memory_space<vmem>> -> memref<7x128xf32, #tpu.memory_space<vmem>>
      tpu.wait_dma2 semaphore(%run_scoped3A_150 : memref<!tpu.dma_semaphore, #tpu.memory_space<semaphore_mem>>) src(%dma_wait3A_174 : memref<7x128xf32, #tpu.memory_space<vmem>>) dst(%dma_wait3A_170 : memref<7x128xf32, #tpu.memory_space<vmem_shared>>)
      tpu.yield
    }) : () -> ()
    %dma_wait3A = arith.constant 0 : i32
    %dma_wait3A_69 = arith.constant 0 : i32
    %dma_wait3A_70 = arith.constant 0 : i32
    %dma_wait3A_71 = arith.constant 0 : i32
    %dma_wait3A_72 = tpu.memref_slice %arg5[%dma_wait3A_69, %dma_wait3A_70, %dma_wait3A_71] : memref<2x16x125xi32, #tpu.memory_space<vmem>> -> memref<1x16x125xi32, #tpu.memory_space<vmem>>
    %dma_wait3A_73 = tpu.memref_squeeze %dma_wait3A_72 : memref<1x16x125xi32, #tpu.memory_space<vmem>> -> memref<16x125xi32, #tpu.memory_space<vmem>>
    %dma_wait3A_74 = arith.constant 0 : i32
    %dma_wait3A_75 = arith.constant 0 : i32
    %dma_wait3A_76 = tpu.memref_slice %arg2[%dma_wait3A, %arg1, %dma_wait3A_74, %dma_wait3A_75] : memref<2x16x160x125xi32, #tpu.memory_space<hbm>> -> memref<1x1x16x125xi32, #tpu.memory_space<hbm>>
    %dma_wait3A_77 = tpu.memref_squeeze %dma_wait3A_76 : memref<1x1x16x125xi32, #tpu.memory_space<hbm>> -> memref<16x125xi32, #tpu.memory_space<hbm>>
    %dma_wait3A_78 = arith.constant 0 : i32
    %dma_wait3A_79 = arith.constant 0 : i32
    %dma_wait3A_80 = tpu.memref_slice %arg5[%dma_wait3A_69, %dma_wait3A_78, %dma_wait3A_79] : memref<2x16x125xi32, #tpu.memory_space<vmem>> -> memref<1x16x125xi32, #tpu.memory_space<vmem>>
    %dma_wait3A_81 = tpu.memref_squeeze %dma_wait3A_80 : memref<1x16x125xi32, #tpu.memory_space<vmem>> -> memref<16x125xi32, #tpu.memory_space<vmem>>
    %dma_wait3A_82 = arith.constant 0 : i32
    %dma_wait3A_83 = arith.constant 0 : i32
    %dma_wait3A_84 = tpu.memref_slice %arg2[%dma_wait3A, %arg1, %dma_wait3A_82, %dma_wait3A_83] : memref<2x16x160x125xi32, #tpu.memory_space<hbm>> -> memref<1x1x16x125xi32, #tpu.memory_space<hbm>>
    %dma_wait3A_85 = tpu.memref_squeeze %dma_wait3A_84 : memref<1x1x16x125xi32, #tpu.memory_space<hbm>> -> memref<16x125xi32, #tpu.memory_space<hbm>>
    tpu.wait_dma2 semaphore(%arg9 : memref<!tpu.dma_semaphore, #tpu.memory_space<semaphore_mem>>) src(%dma_wait3A_85 : memref<16x125xi32, #tpu.memory_space<hbm>>) dst(%dma_wait3A_81 : memref<16x125xi32, #tpu.memory_space<vmem>>)
    %dma_wait3A_86 = arith.constant 1 : i32
    %dma_wait3A_87 = arith.constant 0 : i32
    %dma_wait3A_88 = arith.constant 0 : i32
    %dma_wait3A_89 = arith.constant 0 : i32
    %dma_wait3A_90 = tpu.memref_slice %arg6[%dma_wait3A_87, %dma_wait3A_88, %dma_wait3A_89] : memref<2x16x125xi32, #tpu.memory_space<vmem>> -> memref<1x16x125xi32, #tpu.memory_space<vmem>>
    %dma_wait3A_91 = tpu.memref_squeeze %dma_wait3A_90 : memref<1x16x125xi32, #tpu.memory_space<vmem>> -> memref<16x125xi32, #tpu.memory_space<vmem>>
    %dma_wait3A_92 = arith.constant 0 : i32
    %dma_wait3A_93 = arith.constant 0 : i32
    %dma_wait3A_94 = tpu.memref_slice %arg2[%dma_wait3A_86, %arg1, %dma_wait3A_92, %dma_wait3A_93] : memref<2x16x160x125xi32, #tpu.memory_space<hbm>> -> memref<1x1x16x125xi32, #tpu.memory_space<hbm>>
    %dma_wait3A_95 = tpu.memref_squeeze %dma_wait3A_94 : memref<1x1x16x125xi32, #tpu.memory_space<hbm>> -> memref<16x125xi32, #tpu.memory_space<hbm>>
    %dma_wait3A_96 = arith.constant 0 : i32
    %dma_wait3A_97 = arith.constant 0 : i32
    %dma_wait3A_98 = tpu.memref_slice %arg6[%dma_wait3A_87, %dma_wait3A_96, %dma_wait3A_97] : memref<2x16x125xi32, #tpu.memory_space<vmem>> -> memref<1x16x125xi32, #tpu.memory_space<vmem>>
    %dma_wait3A_99 = tpu.memref_squeeze %dma_wait3A_98 : memref<1x16x125xi32, #tpu.memory_space<vmem>> -> memref<16x125xi32, #tpu.memory_space<vmem>>
    %dma_wait3A_100 = arith.constant 0 : i32
    %dma_wait3A_101 = arith.constant 0 : i32
    %dma_wait3A_102 = tpu.memref_slice %arg2[%dma_wait3A_86, %arg1, %dma_wait3A_100, %dma_wait3A_101] : memref<2x16x160x125xi32, #tpu.memory_space<hbm>> -> memref<1x1x16x125xi32, #tpu.memory_space<hbm>>
    %dma_wait3A_103 = tpu.memref_squeeze %dma_wait3A_102 : memref<1x1x16x125xi32, #tpu.memory_space<hbm>> -> memref<16x125xi32, #tpu.memory_space<hbm>>
    tpu.wait_dma2 semaphore(%arg9 : memref<!tpu.dma_semaphore, #tpu.memory_space<semaphore_mem>>) src(%dma_wait3A_103 : memref<16x125xi32, #tpu.memory_space<hbm>>) dst(%dma_wait3A_99 : memref<16x125xi32, #tpu.memory_space<vmem>>)
    %dma_start3A_104 = arith.constant 0 : i32
    %dma_start3A_105 = arith.constant 0 : i32
    %dma_start3A_106 = arith.constant 0 : i32
    %dma_start3A_107 = arith.constant 0 : i32
    %dma_start3A_108 = arith.constant 0 : i32
    %dma_start3A_109 = tpu.memref_slice %arg7[%dma_start3A_106, %dma_start3A_107, %dma_start3A_108] : memref<2x125x128xf32, #tpu.memory_space<vmem>> -> memref<1x125x128xf32, #tpu.memory_space<vmem>>
    %dma_start3A_110 = tpu.memref_squeeze %dma_start3A_109 : memref<1x125x128xf32, #tpu.memory_space<vmem>> -> memref<125x128xf32, #tpu.memory_space<vmem>>
    %dma_start3A_111 = arith.constant 0 : i32
    %dma_start3A_112 = tpu.memref_slice %arg5[%dma_start3A_104, %dma_start3A_105, %dma_start3A_111] : memref<2x16x125xi32, #tpu.memory_space<vmem>> -> memref<1x1x125xi32, #tpu.memory_space<vmem>>
    %dma_start3A_113 = tpu.memref_squeeze %dma_start3A_112 : memref<1x1x125xi32, #tpu.memory_space<vmem>> -> memref<125xi32, #tpu.memory_space<vmem>>
    %dma_start3A_114 = arith.constant 0 : i32
    %dma_start3A_115 = arith.constant 0 : i32
    %dma_start3A_116 = tpu.memref_slice %arg3[%arg0, %dma_start3A_114, %dma_start3A_115] : memref<2x10000x128xf32, #tpu.memory_space<hbm>> -> memref<1x10000x128xf32, #tpu.memory_space<hbm>>
    %dma_start3A_117 = tpu.memref_squeeze %dma_start3A_116 : memref<1x10000x128xf32, #tpu.memory_space<hbm>> -> memref<10000x128xf32, #tpu.memory_space<hbm>>
    %dma_start3A_118 = arith.constant 0 : i32
    %dma_start3A_119 = arith.constant 0 : i32
    %dma_start3A_120 = tpu.memref_slice %dma_start3A_117[%dma_start3A_118, %dma_start3A_119] : memref<10000x128xf32, #tpu.memory_space<hbm>> -> memref<10000x128xf32, #tpu.memory_space<hbm>>
    tpu.enqueue_indirect_dma source(%dma_start3A_120 : memref<10000x128xf32, #tpu.memory_space<hbm>>) target(%dma_start3A_110 : memref<125x128xf32, #tpu.memory_space<vmem>>) offsets(%dma_start3A_113 : memref<125xi32, #tpu.memory_space<vmem>>) semaphore(%arg10 : memref<!tpu.dma_semaphore, #tpu.memory_space<semaphore_mem>>)
    %dma_start3A_121 = arith.constant 0 : i32
    %dma_start3A_122 = arith.constant 1 : i32
    %dma_start3A_123 = arith.constant 1 : i32
    %dma_start3A_124 = arith.constant 0 : i32
    %dma_start3A_125 = arith.constant 0 : i32
    %dma_start3A_126 = tpu.memref_slice %arg7[%dma_start3A_123, %dma_start3A_124, %dma_start3A_125] : memref<2x125x128xf32, #tpu.memory_space<vmem>> -> memref<1x125x128xf32, #tpu.memory_space<vmem>>
    %dma_start3A_127 = tpu.memref_squeeze %dma_start3A_126 : memref<1x125x128xf32, #tpu.memory_space<vmem>> -> memref<125x128xf32, #tpu.memory_space<vmem>>
    %dma_start3A_128 = arith.constant 0 : i32
    %dma_start3A_129 = tpu.memref_slice %arg5[%dma_start3A_121, %dma_start3A_122, %dma_start3A_128] : memref<2x16x125xi32, #tpu.memory_space<vmem>> -> memref<1x1x125xi32, #tpu.memory_space<vmem>>
    %dma_start3A_130 = tpu.memref_squeeze %dma_start3A_129 : memref<1x1x125xi32, #tpu.memory_space<vmem>> -> memref<125xi32, #tpu.memory_space<vmem>>
    %dma_start3A_131 = arith.constant 0 : i32
    %dma_start3A_132 = arith.constant 0 : i32
    %dma_start3A_133 = tpu.memref_slice %arg3[%arg0, %dma_start3A_131, %dma_start3A_132] : memref<2x10000x128xf32, #tpu.memory_space<hbm>> -> memref<1x10000x128xf32, #tpu.memory_space<hbm>>
    %dma_start3A_134 = tpu.memref_squeeze %dma_start3A_133 : memref<1x10000x128xf32, #tpu.memory_space<hbm>> -> memref<10000x128xf32, #tpu.memory_space<hbm>>
    %dma_start3A_135 = arith.constant 0 : i32
    %dma_start3A_136 = arith.constant 0 : i32
    %dma_start3A_137 = tpu.memref_slice %dma_start3A_134[%dma_start3A_135, %dma_start3A_136] : memref<10000x128xf32, #tpu.memory_space<hbm>> -> memref<10000x128xf32, #tpu.memory_space<hbm>>
    tpu.enqueue_indirect_dma source(%dma_start3A_137 : memref<10000x128xf32, #tpu.memory_space<hbm>>) target(%dma_start3A_127 : memref<125x128xf32, #tpu.memory_space<vmem>>) offsets(%dma_start3A_130 : memref<125xi32, #tpu.memory_space<vmem>>) semaphore(%arg11 : memref<!tpu.dma_semaphore, #tpu.memory_space<semaphore_mem>>)
    %barrier3A = arith.constant 0 : index
    tpu.barrier barrier_id(%barrier3A)
    %scan3A_138 = arith.constant 0 : i32
    %scan3A_139 = arith.constant 0 : i32
    %scan3A_140 = arith.constant 5 : i32
    %scan3A_141 = arith.addi %scan3A_139, %scan3A_140 : i32
    %scan3A_142 = arith.constant 1 : i32
    %scan3A_143 = scf.for %scan3A_150 = %scan3A_139 to %scan3A_141 step %scan3A_142 iter_args(%scan3A_151 = %scan3A_138) -> (i32)  : i32 {
      %mul3A_152 = arith.constant 2 : i32
      %mul3A_153 = arith.muli %mul3A_152, %scan3A_150 : i32
      %add3A_154 = arith.constant 0 : i32
      %add3A_155 = arith.addi %mul3A_153, %add3A_154 : i32
      %add3A_156 = arith.constant 1 : i32
      %add3A_157 = arith.addi %add3A_155, %add3A_156 : i32
      %lt3A = arith.constant 10 : i32
      %lt3A_158 = arith.cmpi slt, %add3A_157, %lt3A : i32
      %convert_element_type3A = arith.extui %lt3A_158 : i1 to i32
      %cond3A = arith.constant 0 : i32
      %cond3A_159 = arith.cmpi ne, %convert_element_type3A, %cond3A : i32
      scf.if %cond3A_159 {
        %add3A_200 = arith.constant 1 : i32
        %add3A_201 = arith.addi %add3A_155, %add3A_200 : i32
        %mul3A_202 = arith.constant 16 : i32
        %mul3A_203 = arith.muli %add3A_201, %mul3A_202 : i32
        %dma_start3A_204 = arith.constant 0 : i32
        %dma_start3A_205 = arith.constant 1 : i32
        %dma_start3A_206 = arith.constant 0 : i32
        %dma_start3A_207 = arith.constant 0 : i32
        %dma_start3A_208 = tpu.memref_slice %arg5[%dma_start3A_205, %dma_start3A_206, %dma_start3A_207] : memref<2x16x125xi32, #tpu.memory_space<vmem>> -> memref<1x16x125xi32, #tpu.memory_space<vmem>>
        %dma_start3A_209 = tpu.memref_squeeze %dma_start3A_208 : memref<1x16x125xi32, #tpu.memory_space<vmem>> -> memref<16x125xi32, #tpu.memory_space<vmem>>
        %dma_start3A_210 = arith.constant 0 : i32
        %dma_start3A_211 = tpu.memref_slice %arg2[%dma_start3A_204, %arg1, %mul3A_203, %dma_start3A_210] : memref<2x16x160x125xi32, #tpu.memory_space<hbm>> -> memref<1x1x16x125xi32, #tpu.memory_space<hbm>>
        %dma_start3A_212 = tpu.memref_squeeze %dma_start3A_211 : memref<1x1x16x125xi32, #tpu.memory_space<hbm>> -> memref<16x125xi32, #tpu.memory_space<hbm>>
        %dma_start3A_213 = arith.constant 0 : i32
        %dma_start3A_214 = arith.constant 0 : i32
        %dma_start3A_215 = tpu.memref_slice %arg5[%dma_start3A_205, %dma_start3A_213, %dma_start3A_214] : memref<2x16x125xi32, #tpu.memory_space<vmem>> -> memref<1x16x125xi32, #tpu.memory_space<vmem>>
        %dma_start3A_216 = tpu.memref_squeeze %dma_start3A_215 : memref<1x16x125xi32, #tpu.memory_space<vmem>> -> memref<16x125xi32, #tpu.memory_space<vmem>>
        %dma_start3A_217 = arith.constant 0 : i32
        %dma_start3A_218 = tpu.memref_slice %arg2[%dma_start3A_204, %arg1, %mul3A_203, %dma_start3A_217] : memref<2x16x160x125xi32, #tpu.memory_space<hbm>> -> memref<1x1x16x125xi32, #tpu.memory_space<hbm>>
        %dma_start3A_219 = tpu.memref_squeeze %dma_start3A_218 : memref<1x1x16x125xi32, #tpu.memory_space<hbm>> -> memref<16x125xi32, #tpu.memory_space<hbm>>
        tpu.enqueue_dma source(%dma_start3A_219 : memref<16x125xi32, #tpu.memory_space<hbm>>) target(%dma_start3A_216 : memref<16x125xi32, #tpu.memory_space<vmem>>) target_semaphore(%arg9 : memref<!tpu.dma_semaphore, #tpu.memory_space<semaphore_mem>>)
        %add3A_220 = arith.constant 1 : i32
        %add3A_221 = arith.addi %add3A_155, %add3A_220 : i32
        %mul3A_222 = arith.constant 16 : i32
        %mul3A_223 = arith.muli %add3A_221, %mul3A_222 : i32
        %dma_start3A_224 = arith.constant 1 : i32
        %dma_start3A_225 = arith.constant 1 : i32
        %dma_start3A_226 = arith.constant 0 : i32
        %dma_start3A_227 = arith.constant 0 : i32
        %dma_start3A_228 = tpu.memref_slice %arg6[%dma_start3A_225, %dma_start3A_226, %dma_start3A_227] : memref<2x16x125xi32, #tpu.memory_space<vmem>> -> memref<1x16x125xi32, #tpu.memory_space<vmem>>
        %dma_start3A_229 = tpu.memref_squeeze %dma_start3A_228 : memref<1x16x125xi32, #tpu.memory_space<vmem>> -> memref<16x125xi32, #tpu.memory_space<vmem>>
        %dma_start3A_230 = arith.constant 0 : i32
        %dma_start3A_231 = tpu.memref_slice %arg2[%dma_start3A_224, %arg1, %mul3A_223, %dma_start3A_230] : memref<2x16x160x125xi32, #tpu.memory_space<hbm>> -> memref<1x1x16x125xi32, #tpu.memory_space<hbm>>
        %dma_start3A_232 = tpu.memref_squeeze %dma_start3A_231 : memref<1x1x16x125xi32, #tpu.memory_space<hbm>> -> memref<16x125xi32, #tpu.memory_space<hbm>>
        %dma_start3A_233 = arith.constant 0 : i32
        %dma_start3A_234 = arith.constant 0 : i32
        %dma_start3A_235 = tpu.memref_slice %arg6[%dma_start3A_225, %dma_start3A_233, %dma_start3A_234] : memref<2x16x125xi32, #tpu.memory_space<vmem>> -> memref<1x16x125xi32, #tpu.memory_space<vmem>>
        %dma_start3A_236 = tpu.memref_squeeze %dma_start3A_235 : memref<1x16x125xi32, #tpu.memory_space<vmem>> -> memref<16x125xi32, #tpu.memory_space<vmem>>
        %dma_start3A_237 = arith.constant 0 : i32
        %dma_start3A_238 = tpu.memref_slice %arg2[%dma_start3A_224, %arg1, %mul3A_223, %dma_start3A_237] : memref<2x16x160x125xi32, #tpu.memory_space<hbm>> -> memref<1x1x16x125xi32, #tpu.memory_space<hbm>>
        %dma_start3A_239 = tpu.memref_squeeze %dma_start3A_238 : memref<1x1x16x125xi32, #tpu.memory_space<hbm>> -> memref<16x125xi32, #tpu.memory_space<hbm>>
        tpu.enqueue_dma source(%dma_start3A_239 : memref<16x125xi32, #tpu.memory_space<hbm>>) target(%dma_start3A_236 : memref<16x125xi32, #tpu.memory_space<vmem>>) target_semaphore(%arg9 : memref<!tpu.dma_semaphore, #tpu.memory_space<semaphore_mem>>)
      } else {
      }
      %scan3A_160 = arith.constant 0 : i32
      %scan3A_161 = arith.constant 0 : i32
      %scan3A_162 = arith.constant 8 : i32
      %scan3A_163 = arith.addi %scan3A_161, %scan3A_162 : i32
      %scan3A_164 = arith.constant 1 : i32
      %scan3A_165 = scf.for %scan3A_200 = %scan3A_161 to %scan3A_163 step %scan3A_164 iter_args(%scan3A_201 = %scan3A_160) -> (i32)  : i32 {
        %mul3A_202 = arith.constant 2 : i32
        %mul3A_203 = arith.muli %mul3A_202, %scan3A_200 : i32
        %add3A_204 = arith.constant 0 : i32
        %add3A_205 = arith.addi %mul3A_203, %add3A_204 : i32
        %dma_wait3A_206 = arith.constant 0 : i32
        %dma_wait3A_207 = arith.constant 0 : i32
        %dma_wait3A_208 = arith.constant 0 : i32
        %dma_wait3A_209 = arith.constant 0 : i32
        %dma_wait3A_210 = tpu.memref_slice %arg7[%dma_wait3A_207, %dma_wait3A_208, %dma_wait3A_209] : memref<2x125x128xf32, #tpu.memory_space<vmem>> -> memref<1x125x128xf32, #tpu.memory_space<vmem>>
        %dma_wait3A_211 = tpu.memref_squeeze %dma_wait3A_210 : memref<1x125x128xf32, #tpu.memory_space<vmem>> -> memref<125x128xf32, #tpu.memory_space<vmem>>
        %dma_wait3A_212 = arith.constant 0 : i32
        %dma_wait3A_213 = tpu.memref_slice %arg5[%dma_wait3A_206, %add3A_205, %dma_wait3A_212] : memref<2x16x125xi32, #tpu.memory_space<vmem>> -> memref<1x1x125xi32, #tpu.memory_space<vmem>>
        %dma_wait3A_214 = tpu.memref_squeeze %dma_wait3A_213 : memref<1x1x125xi32, #tpu.memory_space<vmem>> -> memref<125xi32, #tpu.memory_space<vmem>>
        %dma_wait3A_215 = arith.constant 0 : i32
        %dma_wait3A_216 = arith.constant 0 : i32
        %dma_wait3A_217 = tpu.memref_slice %arg3[%arg0, %dma_wait3A_215, %dma_wait3A_216] : memref<2x10000x128xf32, #tpu.memory_space<hbm>> -> memref<1x10000x128xf32, #tpu.memory_space<hbm>>
        %dma_wait3A_218 = tpu.memref_squeeze %dma_wait3A_217 : memref<1x10000x128xf32, #tpu.memory_space<hbm>> -> memref<10000x128xf32, #tpu.memory_space<hbm>>
        %dma_wait3A_219 = arith.constant 0 : i32
        %dma_wait3A_220 = arith.constant 0 : i32
        %dma_wait3A_221 = tpu.memref_slice %dma_wait3A_218[%dma_wait3A_219, %dma_wait3A_220] : memref<10000x128xf32, #tpu.memory_space<hbm>> -> memref<10000x128xf32, #tpu.memory_space<hbm>>
        tpu.wait_indirect_dma semaphore(%arg10 : memref<!tpu.dma_semaphore, #tpu.memory_space<semaphore_mem>>) src(%dma_wait3A_221 : memref<10000x128xf32, #tpu.memory_space<hbm>>) dst(%dma_wait3A_211 : memref<125x128xf32, #tpu.memory_space<vmem>>)
        %run_scoped3A_222 = arith.constant 0 : i32
        %run_scoped3A_223 = arith.constant 0 : i32
        "tpu.region"() ({
          %run_scoped3A_261 = tpu.sem_alloc : memref<!tpu.dma_semaphore, #tpu.memory_space<semaphore_mem>>
          %dma_start3A_262 = arith.constant 0 : i32
          %dma_start3A_263 = arith.constant 0 : i32
          %dma_start3A_264 = tpu.memref_slice %arg7[%run_scoped3A_222, %dma_start3A_262, %dma_start3A_263] : memref<2x125x128xf32, #tpu.memory_space<vmem>> -> memref<1x125x128xf32, #tpu.memory_space<vmem>>
          %dma_start3A_265 = tpu.memref_squeeze %dma_start3A_264 : memref<1x125x128xf32, #tpu.memory_space<vmem>> -> memref<125x128xf32, #tpu.memory_space<vmem>>
          %dma_start3A_266 = arith.constant 0 : i32
          %dma_start3A_267 = tpu.memref_slice %arg6[%run_scoped3A_223, %add3A_205, %dma_start3A_266] : memref<2x16x125xi32, #tpu.memory_space<vmem>> -> memref<1x1x125xi32, #tpu.memory_space<vmem>>
          %dma_start3A_268 = tpu.memref_squeeze %dma_start3A_267 : memref<1x1x125xi32, #tpu.memory_space<vmem>> -> memref<125xi32, #tpu.memory_space<vmem>>
          %dma_start3A_269 = arith.constant 0 : i32
          %dma_start3A_270 = arith.constant 0 : i32
          %dma_start3A_271 = tpu.memref_slice %arg8[%dma_start3A_269, %dma_start3A_270] : memref<10112x128xf32, #tpu.memory_space<vmem_shared>> -> memref<10112x128xf32, #tpu.memory_space<vmem_shared>>
          tpu.enqueue_indirect_dma source(%dma_start3A_265 : memref<125x128xf32, #tpu.memory_space<vmem>>) target(%dma_start3A_271 : memref<10112x128xf32, #tpu.memory_space<vmem_shared>>) offsets(%dma_start3A_268 : memref<125xi32, #tpu.memory_space<vmem>>) semaphore(%run_scoped3A_261 : memref<!tpu.dma_semaphore, #tpu.memory_space<semaphore_mem>>) {add = true}
          %dma_wait3A_272 = arith.constant 0 : i32
          %dma_wait3A_273 = arith.constant 0 : i32
          %dma_wait3A_274 = tpu.memref_slice %arg7[%run_scoped3A_222, %dma_wait3A_272, %dma_wait3A_273] : memref<2x125x128xf32, #tpu.memory_space<vmem>> -> memref<1x125x128xf32, #tpu.memory_space<vmem>>
          %dma_wait3A_275 = tpu.memref_squeeze %dma_wait3A_274 : memref<1x125x128xf32, #tpu.memory_space<vmem>> -> memref<125x128xf32, #tpu.memory_space<vmem>>
          %dma_wait3A_276 = arith.constant 0 : i32
          %dma_wait3A_277 = tpu.memref_slice %arg6[%run_scoped3A_223, %add3A_205, %dma_wait3A_276] : memref<2x16x125xi32, #tpu.memory_space<vmem>> -> memref<1x1x125xi32, #tpu.memory_space<vmem>>
          %dma_wait3A_278 = tpu.memref_squeeze %dma_wait3A_277 : memref<1x1x125xi32, #tpu.memory_space<vmem>> -> memref<125xi32, #tpu.memory_space<vmem>>
          %dma_wait3A_279 = arith.constant 0 : i32
          %dma_wait3A_280 = arith.constant 0 : i32
          %dma_wait3A_281 = tpu.memref_slice %arg8[%dma_wait3A_279, %dma_wait3A_280] : memref<10112x128xf32, #tpu.memory_space<vmem_shared>> -> memref<10112x128xf32, #tpu.memory_space<vmem_shared>>
          tpu.wait_indirect_dma semaphore(%run_scoped3A_261 : memref<!tpu.dma_semaphore, #tpu.memory_space<semaphore_mem>>) src(%dma_wait3A_275 : memref<125x128xf32, #tpu.memory_space<vmem>>) dst(%dma_wait3A_281 : memref<10112x128xf32, #tpu.memory_space<vmem_shared>>)
          tpu.yield
        }) : () -> ()
        %add3A_224 = arith.constant 2 : i32
        %add3A_225 = arith.addi %add3A_205, %add3A_224 : i32
        %lt3A_226 = arith.constant 16 : i32
        %lt3A_227 = arith.cmpi slt, %add3A_225, %lt3A_226 : i32
        %convert_element_type3A_228 = arith.extui %lt3A_227 : i1 to i32
        %cond3A_229 = arith.constant 0 : i32
        %cond3A_230 = arith.cmpi ne, %convert_element_type3A_228, %cond3A_229 : i32
        scf.if %cond3A_230 {
          %add3A_261 = arith.constant 2 : i32
          %add3A_262 = arith.addi %add3A_205, %add3A_261 : i32
          %dma_start3A_263 = arith.constant 0 : i32
          %dma_start3A_264 = arith.constant 0 : i32
          %dma_start3A_265 = arith.constant 0 : i32
          %dma_start3A_266 = arith.constant 0 : i32
          %dma_start3A_267 = tpu.memref_slice %arg7[%dma_start3A_264, %dma_start3A_265, %dma_start3A_266] : memref<2x125x128xf32, #tpu.memory_space<vmem>> -> memref<1x125x128xf32, #tpu.memory_space<vmem>>
          %dma_start3A_268 = tpu.memref_squeeze %dma_start3A_267 : memref<1x125x128xf32, #tpu.memory_space<vmem>> -> memref<125x128xf32, #tpu.memory_space<vmem>>
          %dma_start3A_269 = arith.constant 0 : i32
          %dma_start3A_270 = tpu.memref_slice %arg5[%dma_start3A_263, %add3A_262, %dma_start3A_269] : memref<2x16x125xi32, #tpu.memory_space<vmem>> -> memref<1x1x125xi32, #tpu.memory_space<vmem>>
          %dma_start3A_271 = tpu.memref_squeeze %dma_start3A_270 : memref<1x1x125xi32, #tpu.memory_space<vmem>> -> memref<125xi32, #tpu.memory_space<vmem>>
          %dma_start3A_272 = arith.constant 0 : i32
          %dma_start3A_273 = arith.constant 0 : i32
          %dma_start3A_274 = tpu.memref_slice %arg3[%arg0, %dma_start3A_272, %dma_start3A_273] : memref<2x10000x128xf32, #tpu.memory_space<hbm>> -> memref<1x10000x128xf32, #tpu.memory_space<hbm>>
          %dma_start3A_275 = tpu.memref_squeeze %dma_start3A_274 : memref<1x10000x128xf32, #tpu.memory_space<hbm>> -> memref<10000x128xf32, #tpu.memory_space<hbm>>
          %dma_start3A_276 = arith.constant 0 : i32
          %dma_start3A_277 = arith.constant 0 : i32
          %dma_start3A_278 = tpu.memref_slice %dma_start3A_275[%dma_start3A_276, %dma_start3A_277] : memref<10000x128xf32, #tpu.memory_space<hbm>> -> memref<10000x128xf32, #tpu.memory_space<hbm>>
          tpu.enqueue_indirect_dma source(%dma_start3A_278 : memref<10000x128xf32, #tpu.memory_space<hbm>>) target(%dma_start3A_268 : memref<125x128xf32, #tpu.memory_space<vmem>>) offsets(%dma_start3A_271 : memref<125xi32, #tpu.memory_space<vmem>>) semaphore(%arg10 : memref<!tpu.dma_semaphore, #tpu.memory_space<semaphore_mem>>)
        } else {
        }
        %mul3A_231 = arith.constant 2 : i32
        %mul3A_232 = arith.muli %mul3A_231, %scan3A_200 : i32
        %add3A_233 = arith.constant 1 : i32
        %add3A_234 = arith.addi %mul3A_232, %add3A_233 : i32
        %dma_wait3A_235 = arith.constant 0 : i32
        %dma_wait3A_236 = arith.constant 1 : i32
        %dma_wait3A_237 = arith.constant 0 : i32
        %dma_wait3A_238 = arith.constant 0 : i32
        %dma_wait3A_239 = tpu.memref_slice %arg7[%dma_wait3A_236, %dma_wait3A_237, %dma_wait3A_238] : memref<2x125x128xf32, #tpu.memory_space<vmem>> -> memref<1x125x128xf32, #tpu.memory_space<vmem>>
        %dma_wait3A_240 = tpu.memref_squeeze %dma_wait3A_239 : memref<1x125x128xf32, #tpu.memory_space<vmem>> -> memref<125x128xf32, #tpu.memory_space<vmem>>
        %dma_wait3A_241 = arith.constant 0 : i32
        %dma_wait3A_242 = tpu.memref_slice %arg5[%dma_wait3A_235, %add3A_234, %dma_wait3A_241] : memref<2x16x125xi32, #tpu.memory_space<vmem>> -> memref<1x1x125xi32, #tpu.memory_space<vmem>>
        %dma_wait3A_243 = tpu.memref_squeeze %dma_wait3A_242 : memref<1x1x125xi32, #tpu.memory_space<vmem>> -> memref<125xi32, #tpu.memory_space<vmem>>
        %dma_wait3A_244 = arith.constant 0 : i32
        %dma_wait3A_245 = arith.constant 0 : i32
        %dma_wait3A_246 = tpu.memref_slice %arg3[%arg0, %dma_wait3A_244, %dma_wait3A_245] : memref<2x10000x128xf32, #tpu.memory_space<hbm>> -> memref<1x10000x128xf32, #tpu.memory_space<hbm>>
        %dma_wait3A_247 = tpu.memref_squeeze %dma_wait3A_246 : memref<1x10000x128xf32, #tpu.memory_space<hbm>> -> memref<10000x128xf32, #tpu.memory_space<hbm>>
        %dma_wait3A_248 = arith.constant 0 : i32
        %dma_wait3A_249 = arith.constant 0 : i32
        %dma_wait3A_250 = tpu.memref_slice %dma_wait3A_247[%dma_wait3A_248, %dma_wait3A_249] : memref<10000x128xf32, #tpu.memory_space<hbm>> -> memref<10000x128xf32, #tpu.memory_space<hbm>>
        tpu.wait_indirect_dma semaphore(%arg11 : memref<!tpu.dma_semaphore, #tpu.memory_space<semaphore_mem>>) src(%dma_wait3A_250 : memref<10000x128xf32, #tpu.memory_space<hbm>>) dst(%dma_wait3A_240 : memref<125x128xf32, #tpu.memory_space<vmem>>)
        %run_scoped3A_251 = arith.constant 1 : i32
        %run_scoped3A_252 = arith.constant 0 : i32
        "tpu.region"() ({
          %run_scoped3A_261 = tpu.sem_alloc : memref<!tpu.dma_semaphore, #tpu.memory_space<semaphore_mem>>
          %dma_start3A_262 = arith.constant 0 : i32
          %dma_start3A_263 = arith.constant 0 : i32
          %dma_start3A_264 = tpu.memref_slice %arg7[%run_scoped3A_251, %dma_start3A_262, %dma_start3A_263] : memref<2x125x128xf32, #tpu.memory_space<vmem>> -> memref<1x125x128xf32, #tpu.memory_space<vmem>>
          %dma_start3A_265 = tpu.memref_squeeze %dma_start3A_264 : memref<1x125x128xf32, #tpu.memory_space<vmem>> -> memref<125x128xf32, #tpu.memory_space<vmem>>
          %dma_start3A_266 = arith.constant 0 : i32
          %dma_start3A_267 = tpu.memref_slice %arg6[%run_scoped3A_252, %add3A_234, %dma_start3A_266] : memref<2x16x125xi32, #tpu.memory_space<vmem>> -> memref<1x1x125xi32, #tpu.memory_space<vmem>>
          %dma_start3A_268 = tpu.memref_squeeze %dma_start3A_267 : memref<1x1x125xi32, #tpu.memory_space<vmem>> -> memref<125xi32, #tpu.memory_space<vmem>>
          %dma_start3A_269 = arith.constant 0 : i32
          %dma_start3A_270 = arith.constant 0 : i32
          %dma_start3A_271 = tpu.memref_slice %arg8[%dma_start3A_269, %dma_start3A_270] : memref<10112x128xf32, #tpu.memory_space<vmem_shared>> -> memref<10112x128xf32, #tpu.memory_space<vmem_shared>>
          tpu.enqueue_indirect_dma source(%dma_start3A_265 : memref<125x128xf32, #tpu.memory_space<vmem>>) target(%dma_start3A_271 : memref<10112x128xf32, #tpu.memory_space<vmem_shared>>) offsets(%dma_start3A_268 : memref<125xi32, #tpu.memory_space<vmem>>) semaphore(%run_scoped3A_261 : memref<!tpu.dma_semaphore, #tpu.memory_space<semaphore_mem>>) {add = true}
          %dma_wait3A_272 = arith.constant 0 : i32
          %dma_wait3A_273 = arith.constant 0 : i32
          %dma_wait3A_274 = tpu.memref_slice %arg7[%run_scoped3A_251, %dma_wait3A_272, %dma_wait3A_273] : memref<2x125x128xf32, #tpu.memory_space<vmem>> -> memref<1x125x128xf32, #tpu.memory_space<vmem>>
          %dma_wait3A_275 = tpu.memref_squeeze %dma_wait3A_274 : memref<1x125x128xf32, #tpu.memory_space<vmem>> -> memref<125x128xf32, #tpu.memory_space<vmem>>
          %dma_wait3A_276 = arith.constant 0 : i32
          %dma_wait3A_277 = tpu.memref_slice %arg6[%run_scoped3A_252, %add3A_234, %dma_wait3A_276] : memref<2x16x125xi32, #tpu.memory_space<vmem>> -> memref<1x1x125xi32, #tpu.memory_space<vmem>>
          %dma_wait3A_278 = tpu.memref_squeeze %dma_wait3A_277 : memref<1x1x125xi32, #tpu.memory_space<vmem>> -> memref<125xi32, #tpu.memory_space<vmem>>
          %dma_wait3A_279 = arith.constant 0 : i32
          %dma_wait3A_280 = arith.constant 0 : i32
          %dma_wait3A_281 = tpu.memref_slice %arg8[%dma_wait3A_279, %dma_wait3A_280] : memref<10112x128xf32, #tpu.memory_space<vmem_shared>> -> memref<10112x128xf32, #tpu.memory_space<vmem_shared>>
          tpu.wait_indirect_dma semaphore(%run_scoped3A_261 : memref<!tpu.dma_semaphore, #tpu.memory_space<semaphore_mem>>) src(%dma_wait3A_275 : memref<125x128xf32, #tpu.memory_space<vmem>>) dst(%dma_wait3A_281 : memref<10112x128xf32, #tpu.memory_space<vmem_shared>>)
          tpu.yield
        }) : () -> ()
        %add3A_253 = arith.constant 2 : i32
        %add3A_254 = arith.addi %add3A_234, %add3A_253 : i32
        %lt3A_255 = arith.constant 16 : i32
        %lt3A_256 = arith.cmpi slt, %add3A_254, %lt3A_255 : i32
        %convert_element_type3A_257 = arith.extui %lt3A_256 : i1 to i32
        %cond3A_258 = arith.constant 0 : i32
        %cond3A_259 = arith.cmpi ne, %convert_element_type3A_257, %cond3A_258 : i32
        scf.if %cond3A_259 {
          %add3A_261 = arith.constant 2 : i32
          %add3A_262 = arith.addi %add3A_234, %add3A_261 : i32
          %dma_start3A_263 = arith.constant 0 : i32
          %dma_start3A_264 = arith.constant 1 : i32
          %dma_start3A_265 = arith.constant 0 : i32
          %dma_start3A_266 = arith.constant 0 : i32
          %dma_start3A_267 = tpu.memref_slice %arg7[%dma_start3A_264, %dma_start3A_265, %dma_start3A_266] : memref<2x125x128xf32, #tpu.memory_space<vmem>> -> memref<1x125x128xf32, #tpu.memory_space<vmem>>
          %dma_start3A_268 = tpu.memref_squeeze %dma_start3A_267 : memref<1x125x128xf32, #tpu.memory_space<vmem>> -> memref<125x128xf32, #tpu.memory_space<vmem>>
          %dma_start3A_269 = arith.constant 0 : i32
          %dma_start3A_270 = tpu.memref_slice %arg5[%dma_start3A_263, %add3A_262, %dma_start3A_269] : memref<2x16x125xi32, #tpu.memory_space<vmem>> -> memref<1x1x125xi32, #tpu.memory_space<vmem>>
          %dma_start3A_271 = tpu.memref_squeeze %dma_start3A_270 : memref<1x1x125xi32, #tpu.memory_space<vmem>> -> memref<125xi32, #tpu.memory_space<vmem>>
          %dma_start3A_272 = arith.constant 0 : i32
          %dma_start3A_273 = arith.constant 0 : i32
          %dma_start3A_274 = tpu.memref_slice %arg3[%arg0, %dma_start3A_272, %dma_start3A_273] : memref<2x10000x128xf32, #tpu.memory_space<hbm>> -> memref<1x10000x128xf32, #tpu.memory_space<hbm>>
          %dma_start3A_275 = tpu.memref_squeeze %dma_start3A_274 : memref<1x10000x128xf32, #tpu.memory_space<hbm>> -> memref<10000x128xf32, #tpu.memory_space<hbm>>
          %dma_start3A_276 = arith.constant 0 : i32
          %dma_start3A_277 = arith.constant 0 : i32
          %dma_start3A_278 = tpu.memref_slice %dma_start3A_275[%dma_start3A_276, %dma_start3A_277] : memref<10000x128xf32, #tpu.memory_space<hbm>> -> memref<10000x128xf32, #tpu.memory_space<hbm>>
          tpu.enqueue_indirect_dma source(%dma_start3A_278 : memref<10000x128xf32, #tpu.memory_space<hbm>>) target(%dma_start3A_268 : memref<125x128xf32, #tpu.memory_space<vmem>>) offsets(%dma_start3A_271 : memref<125xi32, #tpu.memory_space<vmem>>) semaphore(%arg11 : memref<!tpu.dma_semaphore, #tpu.memory_space<semaphore_mem>>)
        } else {
        }
        %scan3A_260 = arith.constant 0 : i32
        scf.yield %scan3A_260 : i32
      }
      %scan3A_166 = arith.constant 8 : i32
      %add3A_167 = arith.constant 1 : i32
      %add3A_168 = arith.addi %add3A_155, %add3A_167 : i32
      %lt3A_169 = arith.constant 10 : i32
      %lt3A_170 = arith.cmpi slt, %add3A_168, %lt3A_169 : i32
      %convert_element_type3A_171 = arith.extui %lt3A_170 : i1 to i32
      %cond3A_172 = arith.constant 0 : i32
      %cond3A_173 = arith.cmpi ne, %convert_element_type3A_171, %cond3A_172 : i32
      scf.if %cond3A_173 {
        %add3A_200 = arith.constant 1 : i32
        %add3A_201 = arith.addi %add3A_155, %add3A_200 : i32
        %mul3A_202 = arith.constant 16 : i32
        %mul3A_203 = arith.muli %add3A_201, %mul3A_202 : i32
        %dma_wait3A_204 = arith.constant 0 : i32
        %dma_wait3A_205 = arith.constant 1 : i32
        %dma_wait3A_206 = arith.constant 0 : i32
        %dma_wait3A_207 = arith.constant 0 : i32
        %dma_wait3A_208 = tpu.memref_slice %arg5[%dma_wait3A_205, %dma_wait3A_206, %dma_wait3A_207] : memref<2x16x125xi32, #tpu.memory_space<vmem>> -> memref<1x16x125xi32, #tpu.memory_space<vmem>>
        %dma_wait3A_209 = tpu.memref_squeeze %dma_wait3A_208 : memref<1x16x125xi32, #tpu.memory_space<vmem>> -> memref<16x125xi32, #tpu.memory_space<vmem>>
        %dma_wait3A_210 = arith.constant 0 : i32
        %dma_wait3A_211 = tpu.memref_slice %arg2[%dma_wait3A_204, %arg1, %mul3A_203, %dma_wait3A_210] : memref<2x16x160x125xi32, #tpu.memory_space<hbm>> -> memref<1x1x16x125xi32, #tpu.memory_space<hbm>>
        %dma_wait3A_212 = tpu.memref_squeeze %dma_wait3A_211 : memref<1x1x16x125xi32, #tpu.memory_space<hbm>> -> memref<16x125xi32, #tpu.memory_space<hbm>>
        %dma_wait3A_213 = arith.constant 0 : i32
        %dma_wait3A_214 = arith.constant 0 : i32
        %dma_wait3A_215 = tpu.memref_slice %arg5[%dma_wait3A_205, %dma_wait3A_213, %dma_wait3A_214] : memref<2x16x125xi32, #tpu.memory_space<vmem>> -> memref<1x16x125xi32, #tpu.memory_space<vmem>>
        %dma_wait3A_216 = tpu.memref_squeeze %dma_wait3A_215 : memref<1x16x125xi32, #tpu.memory_space<vmem>> -> memref<16x125xi32, #tpu.memory_space<vmem>>
        %dma_wait3A_217 = arith.constant 0 : i32
        %dma_wait3A_218 = tpu.memref_slice %arg2[%dma_wait3A_204, %arg1, %mul3A_203, %dma_wait3A_217] : memref<2x16x160x125xi32, #tpu.memory_space<hbm>> -> memref<1x1x16x125xi32, #tpu.memory_space<hbm>>
        %dma_wait3A_219 = tpu.memref_squeeze %dma_wait3A_218 : memref<1x1x16x125xi32, #tpu.memory_space<hbm>> -> memref<16x125xi32, #tpu.memory_space<hbm>>
        tpu.wait_dma2 semaphore(%arg9 : memref<!tpu.dma_semaphore, #tpu.memory_space<semaphore_mem>>) src(%dma_wait3A_219 : memref<16x125xi32, #tpu.memory_space<hbm>>) dst(%dma_wait3A_216 : memref<16x125xi32, #tpu.memory_space<vmem>>)
        %add3A_220 = arith.constant 1 : i32
        %add3A_221 = arith.addi %add3A_155, %add3A_220 : i32
        %mul3A_222 = arith.constant 16 : i32
        %mul3A_223 = arith.muli %add3A_221, %mul3A_222 : i32
        %dma_wait3A_224 = arith.constant 1 : i32
        %dma_wait3A_225 = arith.constant 1 : i32
        %dma_wait3A_226 = arith.constant 0 : i32
        %dma_wait3A_227 = arith.constant 0 : i32
        %dma_wait3A_228 = tpu.memref_slice %arg6[%dma_wait3A_225, %dma_wait3A_226, %dma_wait3A_227] : memref<2x16x125xi32, #tpu.memory_space<vmem>> -> memref<1x16x125xi32, #tpu.memory_space<vmem>>
        %dma_wait3A_229 = tpu.memref_squeeze %dma_wait3A_228 : memref<1x16x125xi32, #tpu.memory_space<vmem>> -> memref<16x125xi32, #tpu.memory_space<vmem>>
        %dma_wait3A_230 = arith.constant 0 : i32
        %dma_wait3A_231 = tpu.memref_slice %arg2[%dma_wait3A_224, %arg1, %mul3A_223, %dma_wait3A_230] : memref<2x16x160x125xi32, #tpu.memory_space<hbm>> -> memref<1x1x16x125xi32, #tpu.memory_space<hbm>>
        %dma_wait3A_232 = tpu.memref_squeeze %dma_wait3A_231 : memref<1x1x16x125xi32, #tpu.memory_space<hbm>> -> memref<16x125xi32, #tpu.memory_space<hbm>>
        %dma_wait3A_233 = arith.constant 0 : i32
        %dma_wait3A_234 = arith.constant 0 : i32
        %dma_wait3A_235 = tpu.memref_slice %arg6[%dma_wait3A_225, %dma_wait3A_233, %dma_wait3A_234] : memref<2x16x125xi32, #tpu.memory_space<vmem>> -> memref<1x16x125xi32, #tpu.memory_space<vmem>>
        %dma_wait3A_236 = tpu.memref_squeeze %dma_wait3A_235 : memref<1x16x125xi32, #tpu.memory_space<vmem>> -> memref<16x125xi32, #tpu.memory_space<vmem>>
        %dma_wait3A_237 = arith.constant 0 : i32
        %dma_wait3A_238 = tpu.memref_slice %arg2[%dma_wait3A_224, %arg1, %mul3A_223, %dma_wait3A_237] : memref<2x16x160x125xi32, #tpu.memory_space<hbm>> -> memref<1x1x16x125xi32, #tpu.memory_space<hbm>>
        %dma_wait3A_239 = tpu.memref_squeeze %dma_wait3A_238 : memref<1x1x16x125xi32, #tpu.memory_space<hbm>> -> memref<16x125xi32, #tpu.memory_space<hbm>>
        tpu.wait_dma2 semaphore(%arg9 : memref<!tpu.dma_semaphore, #tpu.memory_space<semaphore_mem>>) src(%dma_wait3A_239 : memref<16x125xi32, #tpu.memory_space<hbm>>) dst(%dma_wait3A_236 : memref<16x125xi32, #tpu.memory_space<vmem>>)
        %dma_start3A_240 = arith.constant 1 : i32
        %dma_start3A_241 = arith.constant 0 : i32
        %dma_start3A_242 = arith.constant 0 : i32
        %dma_start3A_243 = arith.constant 0 : i32
        %dma_start3A_244 = arith.constant 0 : i32
        %dma_start3A_245 = tpu.memref_slice %arg7[%dma_start3A_242, %dma_start3A_243, %dma_start3A_244] : memref<2x125x128xf32, #tpu.memory_space<vmem>> -> memref<1x125x128xf32, #tpu.memory_space<vmem>>
        %dma_start3A_246 = tpu.memref_squeeze %dma_start3A_245 : memref<1x125x128xf32, #tpu.memory_space<vmem>> -> memref<125x128xf32, #tpu.memory_space<vmem>>
        %dma_start3A_247 = arith.constant 0 : i32
        %dma_start3A_248 = tpu.memref_slice %arg5[%dma_start3A_240, %dma_start3A_241, %dma_start3A_247] : memref<2x16x125xi32, #tpu.memory_space<vmem>> -> memref<1x1x125xi32, #tpu.memory_space<vmem>>
        %dma_start3A_249 = tpu.memref_squeeze %dma_start3A_248 : memref<1x1x125xi32, #tpu.memory_space<vmem>> -> memref<125xi32, #tpu.memory_space<vmem>>
        %dma_start3A_250 = arith.constant 0 : i32
        %dma_start3A_251 = arith.constant 0 : i32
        %dma_start3A_252 = tpu.memref_slice %arg3[%arg0, %dma_start3A_250, %dma_start3A_251] : memref<2x10000x128xf32, #tpu.memory_space<hbm>> -> memref<1x10000x128xf32, #tpu.memory_space<hbm>>
        %dma_start3A_253 = tpu.memref_squeeze %dma_start3A_252 : memref<1x10000x128xf32, #tpu.memory_space<hbm>> -> memref<10000x128xf32, #tpu.memory_space<hbm>>
        %dma_start3A_254 = arith.constant 0 : i32
        %dma_start3A_255 = arith.constant 0 : i32
        %dma_start3A_256 = tpu.memref_slice %dma_start3A_253[%dma_start3A_254, %dma_start3A_255] : memref<10000x128xf32, #tpu.memory_space<hbm>> -> memref<10000x128xf32, #tpu.memory_space<hbm>>
        tpu.enqueue_indirect_dma source(%dma_start3A_256 : memref<10000x128xf32, #tpu.memory_space<hbm>>) target(%dma_start3A_246 : memref<125x128xf32, #tpu.memory_space<vmem>>) offsets(%dma_start3A_249 : memref<125xi32, #tpu.memory_space<vmem>>) semaphore(%arg10 : memref<!tpu.dma_semaphore, #tpu.memory_space<semaphore_mem>>)
        %dma_start3A_257 = arith.constant 1 : i32
        %dma_start3A_258 = arith.constant 1 : i32
        %dma_start3A_259 = arith.constant 1 : i32
        %dma_start3A_260 = arith.constant 0 : i32
        %dma_start3A_261 = arith.constant 0 : i32
        %dma_start3A_262 = tpu.memref_slice %arg7[%dma_start3A_259, %dma_start3A_260, %dma_start3A_261] : memref<2x125x128xf32, #tpu.memory_space<vmem>> -> memref<1x125x128xf32, #tpu.memory_space<vmem>>
        %dma_start3A_263 = tpu.memref_squeeze %dma_start3A_262 : memref<1x125x128xf32, #tpu.memory_space<vmem>> -> memref<125x128xf32, #tpu.memory_space<vmem>>
        %dma_start3A_264 = arith.constant 0 : i32
        %dma_start3A_265 = tpu.memref_slice %arg5[%dma_start3A_257, %dma_start3A_258, %dma_start3A_264] : memref<2x16x125xi32, #tpu.memory_space<vmem>> -> memref<1x1x125xi32, #tpu.memory_space<vmem>>
        %dma_start3A_266 = tpu.memref_squeeze %dma_start3A_265 : memref<1x1x125xi32, #tpu.memory_space<vmem>> -> memref<125xi32, #tpu.memory_space<vmem>>
        %dma_start3A_267 = arith.constant 0 : i32
        %dma_start3A_268 = arith.constant 0 : i32
        %dma_start3A_269 = tpu.memref_slice %arg3[%arg0, %dma_start3A_267, %dma_start3A_268] : memref<2x10000x128xf32, #tpu.memory_space<hbm>> -> memref<1x10000x128xf32, #tpu.memory_space<hbm>>
        %dma_start3A_270 = tpu.memref_squeeze %dma_start3A_269 : memref<1x10000x128xf32, #tpu.memory_space<hbm>> -> memref<10000x128xf32, #tpu.memory_space<hbm>>
        %dma_start3A_271 = arith.constant 0 : i32
        %dma_start3A_272 = arith.constant 0 : i32
        %dma_start3A_273 = tpu.memref_slice %dma_start3A_270[%dma_start3A_271, %dma_start3A_272] : memref<10000x128xf32, #tpu.memory_space<hbm>> -> memref<10000x128xf32, #tpu.memory_space<hbm>>
        tpu.enqueue_indirect_dma source(%dma_start3A_273 : memref<10000x128xf32, #tpu.memory_space<hbm>>) target(%dma_start3A_263 : memref<125x128xf32, #tpu.memory_space<vmem>>) offsets(%dma_start3A_266 : memref<125xi32, #tpu.memory_space<vmem>>) semaphore(%arg11 : memref<!tpu.dma_semaphore, #tpu.memory_space<semaphore_mem>>)
      } else {
      }
      %mul3A_174 = arith.constant 2 : i32
      %mul3A_175 = arith.muli %mul3A_174, %scan3A_150 : i32
      %add3A_176 = arith.constant 1 : i32
      %add3A_177 = arith.addi %mul3A_175, %add3A_176 : i32
      %add3A_178 = arith.constant 1 : i32
      %add3A_179 = arith.addi %add3A_177, %add3A_178 : i32
      %lt3A_180 = arith.constant 10 : i32
      %lt3A_181 = arith.cmpi slt, %add3A_179, %lt3A_180 : i32
      %convert_element_type3A_182 = arith.extui %lt3A_181 : i1 to i32
      %cond3A_183 = arith.constant 0 : i32
      %cond3A_184 = arith.cmpi ne, %convert_element_type3A_182, %cond3A_183 : i32
      scf.if %cond3A_184 {
        %add3A_200 = arith.constant 1 : i32
        %add3A_201 = arith.addi %add3A_177, %add3A_200 : i32
        %mul3A_202 = arith.constant 16 : i32
        %mul3A_203 = arith.muli %add3A_201, %mul3A_202 : i32
        %dma_start3A_204 = arith.constant 0 : i32
        %dma_start3A_205 = arith.constant 0 : i32
        %dma_start3A_206 = arith.constant 0 : i32
        %dma_start3A_207 = arith.constant 0 : i32
        %dma_start3A_208 = tpu.memref_slice %arg5[%dma_start3A_205, %dma_start3A_206, %dma_start3A_207] : memref<2x16x125xi32, #tpu.memory_space<vmem>> -> memref<1x16x125xi32, #tpu.memory_space<vmem>>
        %dma_start3A_209 = tpu.memref_squeeze %dma_start3A_208 : memref<1x16x125xi32, #tpu.memory_space<vmem>> -> memref<16x125xi32, #tpu.memory_space<vmem>>
        %dma_start3A_210 = arith.constant 0 : i32
        %dma_start3A_211 = tpu.memref_slice %arg2[%dma_start3A_204, %arg1, %mul3A_203, %dma_start3A_210] : memref<2x16x160x125xi32, #tpu.memory_space<hbm>> -> memref<1x1x16x125xi32, #tpu.memory_space<hbm>>
        %dma_start3A_212 = tpu.memref_squeeze %dma_start3A_211 : memref<1x1x16x125xi32, #tpu.memory_space<hbm>> -> memref<16x125xi32, #tpu.memory_space<hbm>>
        %dma_start3A_213 = arith.constant 0 : i32
        %dma_start3A_214 = arith.constant 0 : i32
        %dma_start3A_215 = tpu.memref_slice %arg5[%dma_start3A_205, %dma_start3A_213, %dma_start3A_214] : memref<2x16x125xi32, #tpu.memory_space<vmem>> -> memref<1x16x125xi32, #tpu.memory_space<vmem>>
        %dma_start3A_216 = tpu.memref_squeeze %dma_start3A_215 : memref<1x16x125xi32, #tpu.memory_space<vmem>> -> memref<16x125xi32, #tpu.memory_space<vmem>>
        %dma_start3A_217 = arith.constant 0 : i32
        %dma_start3A_218 = tpu.memref_slice %arg2[%dma_start3A_204, %arg1, %mul3A_203, %dma_start3A_217] : memref<2x16x160x125xi32, #tpu.memory_space<hbm>> -> memref<1x1x16x125xi32, #tpu.memory_space<hbm>>
        %dma_start3A_219 = tpu.memref_squeeze %dma_start3A_218 : memref<1x1x16x125xi32, #tpu.memory_space<hbm>> -> memref<16x125xi32, #tpu.memory_space<hbm>>
        tpu.enqueue_dma source(%dma_start3A_219 : memref<16x125xi32, #tpu.memory_space<hbm>>) target(%dma_start3A_216 : memref<16x125xi32, #tpu.memory_space<vmem>>) target_semaphore(%arg9 : memref<!tpu.dma_semaphore, #tpu.memory_space<semaphore_mem>>)
        %add3A_220 = arith.constant 1 : i32
        %add3A_221 = arith.addi %add3A_177, %add3A_220 : i32
        %mul3A_222 = arith.constant 16 : i32
        %mul3A_223 = arith.muli %add3A_221, %mul3A_222 : i32
        %dma_start3A_224 = arith.constant 1 : i32
        %dma_start3A_225 = arith.constant 0 : i32
        %dma_start3A_226 = arith.constant 0 : i32
        %dma_start3A_227 = arith.constant 0 : i32
        %dma_start3A_228 = tpu.memref_slice %arg6[%dma_start3A_225, %dma_start3A_226, %dma_start3A_227] : memref<2x16x125xi32, #tpu.memory_space<vmem>> -> memref<1x16x125xi32, #tpu.memory_space<vmem>>
        %dma_start3A_229 = tpu.memref_squeeze %dma_start3A_228 : memref<1x16x125xi32, #tpu.memory_space<vmem>> -> memref<16x125xi32, #tpu.memory_space<vmem>>
        %dma_start3A_230 = arith.constant 0 : i32
        %dma_start3A_231 = tpu.memref_slice %arg2[%dma_start3A_224, %arg1, %mul3A_223, %dma_start3A_230] : memref<2x16x160x125xi32, #tpu.memory_space<hbm>> -> memref<1x1x16x125xi32, #tpu.memory_space<hbm>>
        %dma_start3A_232 = tpu.memref_squeeze %dma_start3A_231 : memref<1x1x16x125xi32, #tpu.memory_space<hbm>> -> memref<16x125xi32, #tpu.memory_space<hbm>>
        %dma_start3A_233 = arith.constant 0 : i32
        %dma_start3A_234 = arith.constant 0 : i32
        %dma_start3A_235 = tpu.memref_slice %arg6[%dma_start3A_225, %dma_start3A_233, %dma_start3A_234] : memref<2x16x125xi32, #tpu.memory_space<vmem>> -> memref<1x16x125xi32, #tpu.memory_space<vmem>>
        %dma_start3A_236 = tpu.memref_squeeze %dma_start3A_235 : memref<1x16x125xi32, #tpu.memory_space<vmem>> -> memref<16x125xi32, #tpu.memory_space<vmem>>
        %dma_start3A_237 = arith.constant 0 : i32
        %dma_start3A_238 = tpu.memref_slice %arg2[%dma_start3A_224, %arg1, %mul3A_223, %dma_start3A_237] : memref<2x16x160x125xi32, #tpu.memory_space<hbm>> -> memref<1x1x16x125xi32, #tpu.memory_space<hbm>>
        %dma_start3A_239 = tpu.memref_squeeze %dma_start3A_238 : memref<1x1x16x125xi32, #tpu.memory_space<hbm>> -> memref<16x125xi32, #tpu.memory_space<hbm>>
        tpu.enqueue_dma source(%dma_start3A_239 : memref<16x125xi32, #tpu.memory_space<hbm>>) target(%dma_start3A_236 : memref<16x125xi32, #tpu.memory_space<vmem>>) target_semaphore(%arg9 : memref<!tpu.dma_semaphore, #tpu.memory_space<semaphore_mem>>)
      } else {
      }
      %scan3A_185 = arith.constant 0 : i32
      %scan3A_186 = arith.constant 0 : i32
      %scan3A_187 = arith.constant 8 : i32
      %scan3A_188 = arith.addi %scan3A_186, %scan3A_187 : i32
      %scan3A_189 = arith.constant 1 : i32
      %scan3A_190 = scf.for %scan3A_200 = %scan3A_186 to %scan3A_188 step %scan3A_189 iter_args(%scan3A_201 = %scan3A_185) -> (i32)  : i32 {
        %mul3A_202 = arith.constant 2 : i32
        %mul3A_203 = arith.muli %mul3A_202, %scan3A_200 : i32
        %add3A_204 = arith.constant 0 : i32
        %add3A_205 = arith.addi %mul3A_203, %add3A_204 : i32
        %dma_wait3A_206 = arith.constant 1 : i32
        %dma_wait3A_207 = arith.constant 0 : i32
        %dma_wait3A_208 = arith.constant 0 : i32
        %dma_wait3A_209 = arith.constant 0 : i32
        %dma_wait3A_210 = tpu.memref_slice %arg7[%dma_wait3A_207, %dma_wait3A_208, %dma_wait3A_209] : memref<2x125x128xf32, #tpu.memory_space<vmem>> -> memref<1x125x128xf32, #tpu.memory_space<vmem>>
        %dma_wait3A_211 = tpu.memref_squeeze %dma_wait3A_210 : memref<1x125x128xf32, #tpu.memory_space<vmem>> -> memref<125x128xf32, #tpu.memory_space<vmem>>
        %dma_wait3A_212 = arith.constant 0 : i32
        %dma_wait3A_213 = tpu.memref_slice %arg5[%dma_wait3A_206, %add3A_205, %dma_wait3A_212] : memref<2x16x125xi32, #tpu.memory_space<vmem>> -> memref<1x1x125xi32, #tpu.memory_space<vmem>>
        %dma_wait3A_214 = tpu.memref_squeeze %dma_wait3A_213 : memref<1x1x125xi32, #tpu.memory_space<vmem>> -> memref<125xi32, #tpu.memory_space<vmem>>
        %dma_wait3A_215 = arith.constant 0 : i32
        %dma_wait3A_216 = arith.constant 0 : i32
        %dma_wait3A_217 = tpu.memref_slice %arg3[%arg0, %dma_wait3A_215, %dma_wait3A_216] : memref<2x10000x128xf32, #tpu.memory_space<hbm>> -> memref<1x10000x128xf32, #tpu.memory_space<hbm>>
        %dma_wait3A_218 = tpu.memref_squeeze %dma_wait3A_217 : memref<1x10000x128xf32, #tpu.memory_space<hbm>> -> memref<10000x128xf32, #tpu.memory_space<hbm>>
        %dma_wait3A_219 = arith.constant 0 : i32
        %dma_wait3A_220 = arith.constant 0 : i32
        %dma_wait3A_221 = tpu.memref_slice %dma_wait3A_218[%dma_wait3A_219, %dma_wait3A_220] : memref<10000x128xf32, #tpu.memory_space<hbm>> -> memref<10000x128xf32, #tpu.memory_space<hbm>>
        tpu.wait_indirect_dma semaphore(%arg10 : memref<!tpu.dma_semaphore, #tpu.memory_space<semaphore_mem>>) src(%dma_wait3A_221 : memref<10000x128xf32, #tpu.memory_space<hbm>>) dst(%dma_wait3A_211 : memref<125x128xf32, #tpu.memory_space<vmem>>)
        %run_scoped3A_222 = arith.constant 0 : i32
        %run_scoped3A_223 = arith.constant 1 : i32
        "tpu.region"() ({
          %run_scoped3A_261 = tpu.sem_alloc : memref<!tpu.dma_semaphore, #tpu.memory_space<semaphore_mem>>
          %dma_start3A_262 = arith.constant 0 : i32
          %dma_start3A_263 = arith.constant 0 : i32
          %dma_start3A_264 = tpu.memref_slice %arg7[%run_scoped3A_222, %dma_start3A_262, %dma_start3A_263] : memref<2x125x128xf32, #tpu.memory_space<vmem>> -> memref<1x125x128xf32, #tpu.memory_space<vmem>>
          %dma_start3A_265 = tpu.memref_squeeze %dma_start3A_264 : memref<1x125x128xf32, #tpu.memory_space<vmem>> -> memref<125x128xf32, #tpu.memory_space<vmem>>
          %dma_start3A_266 = arith.constant 0 : i32
          %dma_start3A_267 = tpu.memref_slice %arg6[%run_scoped3A_223, %add3A_205, %dma_start3A_266] : memref<2x16x125xi32, #tpu.memory_space<vmem>> -> memref<1x1x125xi32, #tpu.memory_space<vmem>>
          %dma_start3A_268 = tpu.memref_squeeze %dma_start3A_267 : memref<1x1x125xi32, #tpu.memory_space<vmem>> -> memref<125xi32, #tpu.memory_space<vmem>>
          %dma_start3A_269 = arith.constant 0 : i32
          %dma_start3A_270 = arith.constant 0 : i32
          %dma_start3A_271 = tpu.memref_slice %arg8[%dma_start3A_269, %dma_start3A_270] : memref<10112x128xf32, #tpu.memory_space<vmem_shared>> -> memref<10112x128xf32, #tpu.memory_space<vmem_shared>>
          tpu.enqueue_indirect_dma source(%dma_start3A_265 : memref<125x128xf32, #tpu.memory_space<vmem>>) target(%dma_start3A_271 : memref<10112x128xf32, #tpu.memory_space<vmem_shared>>) offsets(%dma_start3A_268 : memref<125xi32, #tpu.memory_space<vmem>>) semaphore(%run_scoped3A_261 : memref<!tpu.dma_semaphore, #tpu.memory_space<semaphore_mem>>) {add = true}
          %dma_wait3A_272 = arith.constant 0 : i32
          %dma_wait3A_273 = arith.constant 0 : i32
          %dma_wait3A_274 = tpu.memref_slice %arg7[%run_scoped3A_222, %dma_wait3A_272, %dma_wait3A_273] : memref<2x125x128xf32, #tpu.memory_space<vmem>> -> memref<1x125x128xf32, #tpu.memory_space<vmem>>
          %dma_wait3A_275 = tpu.memref_squeeze %dma_wait3A_274 : memref<1x125x128xf32, #tpu.memory_space<vmem>> -> memref<125x128xf32, #tpu.memory_space<vmem>>
          %dma_wait3A_276 = arith.constant 0 : i32
          %dma_wait3A_277 = tpu.memref_slice %arg6[%run_scoped3A_223, %add3A_205, %dma_wait3A_276] : memref<2x16x125xi32, #tpu.memory_space<vmem>> -> memref<1x1x125xi32, #tpu.memory_space<vmem>>
          %dma_wait3A_278 = tpu.memref_squeeze %dma_wait3A_277 : memref<1x1x125xi32, #tpu.memory_space<vmem>> -> memref<125xi32, #tpu.memory_space<vmem>>
          %dma_wait3A_279 = arith.constant 0 : i32
          %dma_wait3A_280 = arith.constant 0 : i32
          %dma_wait3A_281 = tpu.memref_slice %arg8[%dma_wait3A_279, %dma_wait3A_280] : memref<10112x128xf32, #tpu.memory_space<vmem_shared>> -> memref<10112x128xf32, #tpu.memory_space<vmem_shared>>
          tpu.wait_indirect_dma semaphore(%run_scoped3A_261 : memref<!tpu.dma_semaphore, #tpu.memory_space<semaphore_mem>>) src(%dma_wait3A_275 : memref<125x128xf32, #tpu.memory_space<vmem>>) dst(%dma_wait3A_281 : memref<10112x128xf32, #tpu.memory_space<vmem_shared>>)
          tpu.yield
        }) : () -> ()
        %add3A_224 = arith.constant 2 : i32
        %add3A_225 = arith.addi %add3A_205, %add3A_224 : i32
        %lt3A_226 = arith.constant 16 : i32
        %lt3A_227 = arith.cmpi slt, %add3A_225, %lt3A_226 : i32
        %convert_element_type3A_228 = arith.extui %lt3A_227 : i1 to i32
        %cond3A_229 = arith.constant 0 : i32
        %cond3A_230 = arith.cmpi ne, %convert_element_type3A_228, %cond3A_229 : i32
        scf.if %cond3A_230 {
          %add3A_261 = arith.constant 2 : i32
          %add3A_262 = arith.addi %add3A_205, %add3A_261 : i32
          %dma_start3A_263 = arith.constant 1 : i32
          %dma_start3A_264 = arith.constant 0 : i32
          %dma_start3A_265 = arith.constant 0 : i32
          %dma_start3A_266 = arith.constant 0 : i32
          %dma_start3A_267 = tpu.memref_slice %arg7[%dma_start3A_264, %dma_start3A_265, %dma_start3A_266] : memref<2x125x128xf32, #tpu.memory_space<vmem>> -> memref<1x125x128xf32, #tpu.memory_space<vmem>>
          %dma_start3A_268 = tpu.memref_squeeze %dma_start3A_267 : memref<1x125x128xf32, #tpu.memory_space<vmem>> -> memref<125x128xf32, #tpu.memory_space<vmem>>
          %dma_start3A_269 = arith.constant 0 : i32
          %dma_start3A_270 = tpu.memref_slice %arg5[%dma_start3A_263, %add3A_262, %dma_start3A_269] : memref<2x16x125xi32, #tpu.memory_space<vmem>> -> memref<1x1x125xi32, #tpu.memory_space<vmem>>
          %dma_start3A_271 = tpu.memref_squeeze %dma_start3A_270 : memref<1x1x125xi32, #tpu.memory_space<vmem>> -> memref<125xi32, #tpu.memory_space<vmem>>
          %dma_start3A_272 = arith.constant 0 : i32
          %dma_start3A_273 = arith.constant 0 : i32
          %dma_start3A_274 = tpu.memref_slice %arg3[%arg0, %dma_start3A_272, %dma_start3A_273] : memref<2x10000x128xf32, #tpu.memory_space<hbm>> -> memref<1x10000x128xf32, #tpu.memory_space<hbm>>
          %dma_start3A_275 = tpu.memref_squeeze %dma_start3A_274 : memref<1x10000x128xf32, #tpu.memory_space<hbm>> -> memref<10000x128xf32, #tpu.memory_space<hbm>>
          %dma_start3A_276 = arith.constant 0 : i32
          %dma_start3A_277 = arith.constant 0 : i32
          %dma_start3A_278 = tpu.memref_slice %dma_start3A_275[%dma_start3A_276, %dma_start3A_277] : memref<10000x128xf32, #tpu.memory_space<hbm>> -> memref<10000x128xf32, #tpu.memory_space<hbm>>
          tpu.enqueue_indirect_dma source(%dma_start3A_278 : memref<10000x128xf32, #tpu.memory_space<hbm>>) target(%dma_start3A_268 : memref<125x128xf32, #tpu.memory_space<vmem>>) offsets(%dma_start3A_271 : memref<125xi32, #tpu.memory_space<vmem>>) semaphore(%arg10 : memref<!tpu.dma_semaphore, #tpu.memory_space<semaphore_mem>>)
        } else {
        }
        %mul3A_231 = arith.constant 2 : i32
        %mul3A_232 = arith.muli %mul3A_231, %scan3A_200 : i32
        %add3A_233 = arith.constant 1 : i32
        %add3A_234 = arith.addi %mul3A_232, %add3A_233 : i32
        %dma_wait3A_235 = arith.constant 1 : i32
        %dma_wait3A_236 = arith.constant 1 : i32
        %dma_wait3A_237 = arith.constant 0 : i32
        %dma_wait3A_238 = arith.constant 0 : i32
        %dma_wait3A_239 = tpu.memref_slice %arg7[%dma_wait3A_236, %dma_wait3A_237, %dma_wait3A_238] : memref<2x125x128xf32, #tpu.memory_space<vmem>> -> memref<1x125x128xf32, #tpu.memory_space<vmem>>
        %dma_wait3A_240 = tpu.memref_squeeze %dma_wait3A_239 : memref<1x125x128xf32, #tpu.memory_space<vmem>> -> memref<125x128xf32, #tpu.memory_space<vmem>>
        %dma_wait3A_241 = arith.constant 0 : i32
        %dma_wait3A_242 = tpu.memref_slice %arg5[%dma_wait3A_235, %add3A_234, %dma_wait3A_241] : memref<2x16x125xi32, #tpu.memory_space<vmem>> -> memref<1x1x125xi32, #tpu.memory_space<vmem>>
        %dma_wait3A_243 = tpu.memref_squeeze %dma_wait3A_242 : memref<1x1x125xi32, #tpu.memory_space<vmem>> -> memref<125xi32, #tpu.memory_space<vmem>>
        %dma_wait3A_244 = arith.constant 0 : i32
        %dma_wait3A_245 = arith.constant 0 : i32
        %dma_wait3A_246 = tpu.memref_slice %arg3[%arg0, %dma_wait3A_244, %dma_wait3A_245] : memref<2x10000x128xf32, #tpu.memory_space<hbm>> -> memref<1x10000x128xf32, #tpu.memory_space<hbm>>
        %dma_wait3A_247 = tpu.memref_squeeze %dma_wait3A_246 : memref<1x10000x128xf32, #tpu.memory_space<hbm>> -> memref<10000x128xf32, #tpu.memory_space<hbm>>
        %dma_wait3A_248 = arith.constant 0 : i32
        %dma_wait3A_249 = arith.constant 0 : i32
        %dma_wait3A_250 = tpu.memref_slice %dma_wait3A_247[%dma_wait3A_248, %dma_wait3A_249] : memref<10000x128xf32, #tpu.memory_space<hbm>> -> memref<10000x128xf32, #tpu.memory_space<hbm>>
        tpu.wait_indirect_dma semaphore(%arg11 : memref<!tpu.dma_semaphore, #tpu.memory_space<semaphore_mem>>) src(%dma_wait3A_250 : memref<10000x128xf32, #tpu.memory_space<hbm>>) dst(%dma_wait3A_240 : memref<125x128xf32, #tpu.memory_space<vmem>>)
        %run_scoped3A_251 = arith.constant 1 : i32
        %run_scoped3A_252 = arith.constant 1 : i32
        "tpu.region"() ({
          %run_scoped3A_261 = tpu.sem_alloc : memref<!tpu.dma_semaphore, #tpu.memory_space<semaphore_mem>>
          %dma_start3A_262 = arith.constant 0 : i32
          %dma_start3A_263 = arith.constant 0 : i32
          %dma_start3A_264 = tpu.memref_slice %arg7[%run_scoped3A_251, %dma_start3A_262, %dma_start3A_263] : memref<2x125x128xf32, #tpu.memory_space<vmem>> -> memref<1x125x128xf32, #tpu.memory_space<vmem>>
          %dma_start3A_265 = tpu.memref_squeeze %dma_start3A_264 : memref<1x125x128xf32, #tpu.memory_space<vmem>> -> memref<125x128xf32, #tpu.memory_space<vmem>>
          %dma_start3A_266 = arith.constant 0 : i32
          %dma_start3A_267 = tpu.memref_slice %arg6[%run_scoped3A_252, %add3A_234, %dma_start3A_266] : memref<2x16x125xi32, #tpu.memory_space<vmem>> -> memref<1x1x125xi32, #tpu.memory_space<vmem>>
          %dma_start3A_268 = tpu.memref_squeeze %dma_start3A_267 : memref<1x1x125xi32, #tpu.memory_space<vmem>> -> memref<125xi32, #tpu.memory_space<vmem>>
          %dma_start3A_269 = arith.constant 0 : i32
          %dma_start3A_270 = arith.constant 0 : i32
          %dma_start3A_271 = tpu.memref_slice %arg8[%dma_start3A_269, %dma_start3A_270] : memref<10112x128xf32, #tpu.memory_space<vmem_shared>> -> memref<10112x128xf32, #tpu.memory_space<vmem_shared>>
          tpu.enqueue_indirect_dma source(%dma_start3A_265 : memref<125x128xf32, #tpu.memory_space<vmem>>) target(%dma_start3A_271 : memref<10112x128xf32, #tpu.memory_space<vmem_shared>>) offsets(%dma_start3A_268 : memref<125xi32, #tpu.memory_space<vmem>>) semaphore(%run_scoped3A_261 : memref<!tpu.dma_semaphore, #tpu.memory_space<semaphore_mem>>) {add = true}
          %dma_wait3A_272 = arith.constant 0 : i32
          %dma_wait3A_273 = arith.constant 0 : i32
          %dma_wait3A_274 = tpu.memref_slice %arg7[%run_scoped3A_251, %dma_wait3A_272, %dma_wait3A_273] : memref<2x125x128xf32, #tpu.memory_space<vmem>> -> memref<1x125x128xf32, #tpu.memory_space<vmem>>
          %dma_wait3A_275 = tpu.memref_squeeze %dma_wait3A_274 : memref<1x125x128xf32, #tpu.memory_space<vmem>> -> memref<125x128xf32, #tpu.memory_space<vmem>>
          %dma_wait3A_276 = arith.constant 0 : i32
          %dma_wait3A_277 = tpu.memref_slice %arg6[%run_scoped3A_252, %add3A_234, %dma_wait3A_276] : memref<2x16x125xi32, #tpu.memory_space<vmem>> -> memref<1x1x125xi32, #tpu.memory_space<vmem>>
          %dma_wait3A_278 = tpu.memref_squeeze %dma_wait3A_277 : memref<1x1x125xi32, #tpu.memory_space<vmem>> -> memref<125xi32, #tpu.memory_space<vmem>>
          %dma_wait3A_279 = arith.constant 0 : i32
          %dma_wait3A_280 = arith.constant 0 : i32
          %dma_wait3A_281 = tpu.memref_slice %arg8[%dma_wait3A_279, %dma_wait3A_280] : memref<10112x128xf32, #tpu.memory_space<vmem_shared>> -> memref<10112x128xf32, #tpu.memory_space<vmem_shared>>
          tpu.wait_indirect_dma semaphore(%run_scoped3A_261 : memref<!tpu.dma_semaphore, #tpu.memory_space<semaphore_mem>>) src(%dma_wait3A_275 : memref<125x128xf32, #tpu.memory_space<vmem>>) dst(%dma_wait3A_281 : memref<10112x128xf32, #tpu.memory_space<vmem_shared>>)
          tpu.yield
        }) : () -> ()
        %add3A_253 = arith.constant 2 : i32
        %add3A_254 = arith.addi %add3A_234, %add3A_253 : i32
        %lt3A_255 = arith.constant 16 : i32
        %lt3A_256 = arith.cmpi slt, %add3A_254, %lt3A_255 : i32
        %convert_element_type3A_257 = arith.extui %lt3A_256 : i1 to i32
        %cond3A_258 = arith.constant 0 : i32
        %cond3A_259 = arith.cmpi ne, %convert_element_type3A_257, %cond3A_258 : i32
        scf.if %cond3A_259 {
          %add3A_261 = arith.constant 2 : i32
          %add3A_262 = arith.addi %add3A_234, %add3A_261 : i32
          %dma_start3A_263 = arith.constant 1 : i32
          %dma_start3A_264 = arith.constant 1 : i32
          %dma_start3A_265 = arith.constant 0 : i32
          %dma_start3A_266 = arith.constant 0 : i32
          %dma_start3A_267 = tpu.memref_slice %arg7[%dma_start3A_264, %dma_start3A_265, %dma_start3A_266] : memref<2x125x128xf32, #tpu.memory_space<vmem>> -> memref<1x125x128xf32, #tpu.memory_space<vmem>>
          %dma_start3A_268 = tpu.memref_squeeze %dma_start3A_267 : memref<1x125x128xf32, #tpu.memory_space<vmem>> -> memref<125x128xf32, #tpu.memory_space<vmem>>
          %dma_start3A_269 = arith.constant 0 : i32
          %dma_start3A_270 = tpu.memref_slice %arg5[%dma_start3A_263, %add3A_262, %dma_start3A_269] : memref<2x16x125xi32, #tpu.memory_space<vmem>> -> memref<1x1x125xi32, #tpu.memory_space<vmem>>
          %dma_start3A_271 = tpu.memref_squeeze %dma_start3A_270 : memref<1x1x125xi32, #tpu.memory_space<vmem>> -> memref<125xi32, #tpu.memory_space<vmem>>
          %dma_start3A_272 = arith.constant 0 : i32
          %dma_start3A_273 = arith.constant 0 : i32
          %dma_start3A_274 = tpu.memref_slice %arg3[%arg0, %dma_start3A_272, %dma_start3A_273] : memref<2x10000x128xf32, #tpu.memory_space<hbm>> -> memref<1x10000x128xf32, #tpu.memory_space<hbm>>
          %dma_start3A_275 = tpu.memref_squeeze %dma_start3A_274 : memref<1x10000x128xf32, #tpu.memory_space<hbm>> -> memref<10000x128xf32, #tpu.memory_space<hbm>>
          %dma_start3A_276 = arith.constant 0 : i32
          %dma_start3A_277 = arith.constant 0 : i32
          %dma_start3A_278 = tpu.memref_slice %dma_start3A_275[%dma_start3A_276, %dma_start3A_277] : memref<10000x128xf32, #tpu.memory_space<hbm>> -> memref<10000x128xf32, #tpu.memory_space<hbm>>
          tpu.enqueue_indirect_dma source(%dma_start3A_278 : memref<10000x128xf32, #tpu.memory_space<hbm>>) target(%dma_start3A_268 : memref<125x128xf32, #tpu.memory_space<vmem>>) offsets(%dma_start3A_271 : memref<125xi32, #tpu.memory_space<vmem>>) semaphore(%arg11 : memref<!tpu.dma_semaphore, #tpu.memory_space<semaphore_mem>>)
        } else {
        }
        %scan3A_260 = arith.constant 0 : i32
        scf.yield %scan3A_260 : i32
      }
      %scan3A_191 = arith.constant 8 : i32
      %add3A_192 = arith.constant 1 : i32
      %add3A_193 = arith.addi %add3A_177, %add3A_192 : i32
      %lt3A_194 = arith.constant 10 : i32
      %lt3A_195 = arith.cmpi slt, %add3A_193, %lt3A_194 : i32
      %convert_element_type3A_196 = arith.extui %lt3A_195 : i1 to i32
      %cond3A_197 = arith.constant 0 : i32
      %cond3A_198 = arith.cmpi ne, %convert_element_type3A_196, %cond3A_197 : i32
      scf.if %cond3A_198 {
        %add3A_200 = arith.constant 1 : i32
        %add3A_201 = arith.addi %add3A_177, %add3A_200 : i32
        %mul3A_202 = arith.constant 16 : i32
        %mul3A_203 = arith.muli %add3A_201, %mul3A_202 : i32
        %dma_wait3A_204 = arith.constant 0 : i32
        %dma_wait3A_205 = arith.constant 0 : i32
        %dma_wait3A_206 = arith.constant 0 : i32
        %dma_wait3A_207 = arith.constant 0 : i32
        %dma_wait3A_208 = tpu.memref_slice %arg5[%dma_wait3A_205, %dma_wait3A_206, %dma_wait3A_207] : memref<2x16x125xi32, #tpu.memory_space<vmem>> -> memref<1x16x125xi32, #tpu.memory_space<vmem>>
        %dma_wait3A_209 = tpu.memref_squeeze %dma_wait3A_208 : memref<1x16x125xi32, #tpu.memory_space<vmem>> -> memref<16x125xi32, #tpu.memory_space<vmem>>
        %dma_wait3A_210 = arith.constant 0 : i32
        %dma_wait3A_211 = tpu.memref_slice %arg2[%dma_wait3A_204, %arg1, %mul3A_203, %dma_wait3A_210] : memref<2x16x160x125xi32, #tpu.memory_space<hbm>> -> memref<1x1x16x125xi32, #tpu.memory_space<hbm>>
        %dma_wait3A_212 = tpu.memref_squeeze %dma_wait3A_211 : memref<1x1x16x125xi32, #tpu.memory_space<hbm>> -> memref<16x125xi32, #tpu.memory_space<hbm>>
        %dma_wait3A_213 = arith.constant 0 : i32
        %dma_wait3A_214 = arith.constant 0 : i32
        %dma_wait3A_215 = tpu.memref_slice %arg5[%dma_wait3A_205, %dma_wait3A_213, %dma_wait3A_214] : memref<2x16x125xi32, #tpu.memory_space<vmem>> -> memref<1x16x125xi32, #tpu.memory_space<vmem>>
        %dma_wait3A_216 = tpu.memref_squeeze %dma_wait3A_215 : memref<1x16x125xi32, #tpu.memory_space<vmem>> -> memref<16x125xi32, #tpu.memory_space<vmem>>
        %dma_wait3A_217 = arith.constant 0 : i32
        %dma_wait3A_218 = tpu.memref_slice %arg2[%dma_wait3A_204, %arg1, %mul3A_203, %dma_wait3A_217] : memref<2x16x160x125xi32, #tpu.memory_space<hbm>> -> memref<1x1x16x125xi32, #tpu.memory_space<hbm>>
        %dma_wait3A_219 = tpu.memref_squeeze %dma_wait3A_218 : memref<1x1x16x125xi32, #tpu.memory_space<hbm>> -> memref<16x125xi32, #tpu.memory_space<hbm>>
        tpu.wait_dma2 semaphore(%arg9 : memref<!tpu.dma_semaphore, #tpu.memory_space<semaphore_mem>>) src(%dma_wait3A_219 : memref<16x125xi32, #tpu.memory_space<hbm>>) dst(%dma_wait3A_216 : memref<16x125xi32, #tpu.memory_space<vmem>>)
        %add3A_220 = arith.constant 1 : i32
        %add3A_221 = arith.addi %add3A_177, %add3A_220 : i32
        %mul3A_222 = arith.constant 16 : i32
        %mul3A_223 = arith.muli %add3A_221, %mul3A_222 : i32
        %dma_wait3A_224 = arith.constant 1 : i32
        %dma_wait3A_225 = arith.constant 0 : i32
        %dma_wait3A_226 = arith.constant 0 : i32
        %dma_wait3A_227 = arith.constant 0 : i32
        %dma_wait3A_228 = tpu.memref_slice %arg6[%dma_wait3A_225, %dma_wait3A_226, %dma_wait3A_227] : memref<2x16x125xi32, #tpu.memory_space<vmem>> -> memref<1x16x125xi32, #tpu.memory_space<vmem>>
        %dma_wait3A_229 = tpu.memref_squeeze %dma_wait3A_228 : memref<1x16x125xi32, #tpu.memory_space<vmem>> -> memref<16x125xi32, #tpu.memory_space<vmem>>
        %dma_wait3A_230 = arith.constant 0 : i32
        %dma_wait3A_231 = tpu.memref_slice %arg2[%dma_wait3A_224, %arg1, %mul3A_223, %dma_wait3A_230] : memref<2x16x160x125xi32, #tpu.memory_space<hbm>> -> memref<1x1x16x125xi32, #tpu.memory_space<hbm>>
        %dma_wait3A_232 = tpu.memref_squeeze %dma_wait3A_231 : memref<1x1x16x125xi32, #tpu.memory_space<hbm>> -> memref<16x125xi32, #tpu.memory_space<hbm>>
        %dma_wait3A_233 = arith.constant 0 : i32
        %dma_wait3A_234 = arith.constant 0 : i32
        %dma_wait3A_235 = tpu.memref_slice %arg6[%dma_wait3A_225, %dma_wait3A_233, %dma_wait3A_234] : memref<2x16x125xi32, #tpu.memory_space<vmem>> -> memref<1x16x125xi32, #tpu.memory_space<vmem>>
        %dma_wait3A_236 = tpu.memref_squeeze %dma_wait3A_235 : memref<1x16x125xi32, #tpu.memory_space<vmem>> -> memref<16x125xi32, #tpu.memory_space<vmem>>
        %dma_wait3A_237 = arith.constant 0 : i32
        %dma_wait3A_238 = tpu.memref_slice %arg2[%dma_wait3A_224, %arg1, %mul3A_223, %dma_wait3A_237] : memref<2x16x160x125xi32, #tpu.memory_space<hbm>> -> memref<1x1x16x125xi32, #tpu.memory_space<hbm>>
        %dma_wait3A_239 = tpu.memref_squeeze %dma_wait3A_238 : memref<1x1x16x125xi32, #tpu.memory_space<hbm>> -> memref<16x125xi32, #tpu.memory_space<hbm>>
        tpu.wait_dma2 semaphore(%arg9 : memref<!tpu.dma_semaphore, #tpu.memory_space<semaphore_mem>>) src(%dma_wait3A_239 : memref<16x125xi32, #tpu.memory_space<hbm>>) dst(%dma_wait3A_236 : memref<16x125xi32, #tpu.memory_space<vmem>>)
        %dma_start3A_240 = arith.constant 0 : i32
        %dma_start3A_241 = arith.constant 0 : i32
        %dma_start3A_242 = arith.constant 0 : i32
        %dma_start3A_243 = arith.constant 0 : i32
        %dma_start3A_244 = arith.constant 0 : i32
        %dma_start3A_245 = tpu.memref_slice %arg7[%dma_start3A_242, %dma_start3A_243, %dma_start3A_244] : memref<2x125x128xf32, #tpu.memory_space<vmem>> -> memref<1x125x128xf32, #tpu.memory_space<vmem>>
        %dma_start3A_246 = tpu.memref_squeeze %dma_start3A_245 : memref<1x125x128xf32, #tpu.memory_space<vmem>> -> memref<125x128xf32, #tpu.memory_space<vmem>>
        %dma_start3A_247 = arith.constant 0 : i32
        %dma_start3A_248 = tpu.memref_slice %arg5[%dma_start3A_240, %dma_start3A_241, %dma_start3A_247] : memref<2x16x125xi32, #tpu.memory_space<vmem>> -> memref<1x1x125xi32, #tpu.memory_space<vmem>>
        %dma_start3A_249 = tpu.memref_squeeze %dma_start3A_248 : memref<1x1x125xi32, #tpu.memory_space<vmem>> -> memref<125xi32, #tpu.memory_space<vmem>>
        %dma_start3A_250 = arith.constant 0 : i32
        %dma_start3A_251 = arith.constant 0 : i32
        %dma_start3A_252 = tpu.memref_slice %arg3[%arg0, %dma_start3A_250, %dma_start3A_251] : memref<2x10000x128xf32, #tpu.memory_space<hbm>> -> memref<1x10000x128xf32, #tpu.memory_space<hbm>>
        %dma_start3A_253 = tpu.memref_squeeze %dma_start3A_252 : memref<1x10000x128xf32, #tpu.memory_space<hbm>> -> memref<10000x128xf32, #tpu.memory_space<hbm>>
        %dma_start3A_254 = arith.constant 0 : i32
        %dma_start3A_255 = arith.constant 0 : i32
        %dma_start3A_256 = tpu.memref_slice %dma_start3A_253[%dma_start3A_254, %dma_start3A_255] : memref<10000x128xf32, #tpu.memory_space<hbm>> -> memref<10000x128xf32, #tpu.memory_space<hbm>>
        tpu.enqueue_indirect_dma source(%dma_start3A_256 : memref<10000x128xf32, #tpu.memory_space<hbm>>) target(%dma_start3A_246 : memref<125x128xf32, #tpu.memory_space<vmem>>) offsets(%dma_start3A_249 : memref<125xi32, #tpu.memory_space<vmem>>) semaphore(%arg10 : memref<!tpu.dma_semaphore, #tpu.memory_space<semaphore_mem>>)
        %dma_start3A_257 = arith.constant 0 : i32
        %dma_start3A_258 = arith.constant 1 : i32
        %dma_start3A_259 = arith.constant 1 : i32
        %dma_start3A_260 = arith.constant 0 : i32
        %dma_start3A_261 = arith.constant 0 : i32
        %dma_start3A_262 = tpu.memref_slice %arg7[%dma_start3A_259, %dma_start3A_260, %dma_start3A_261] : memref<2x125x128xf32, #tpu.memory_space<vmem>> -> memref<1x125x128xf32, #tpu.memory_space<vmem>>
        %dma_start3A_263 = tpu.memref_squeeze %dma_start3A_262 : memref<1x125x128xf32, #tpu.memory_space<vmem>> -> memref<125x128xf32, #tpu.memory_space<vmem>>
        %dma_start3A_264 = arith.constant 0 : i32
        %dma_start3A_265 = tpu.memref_slice %arg5[%dma_start3A_257, %dma_start3A_258, %dma_start3A_264] : memref<2x16x125xi32, #tpu.memory_space<vmem>> -> memref<1x1x125xi32, #tpu.memory_space<vmem>>
        %dma_start3A_266 = tpu.memref_squeeze %dma_start3A_265 : memref<1x1x125xi32, #tpu.memory_space<vmem>> -> memref<125xi32, #tpu.memory_space<vmem>>
        %dma_start3A_267 = arith.constant 0 : i32
        %dma_start3A_268 = arith.constant 0 : i32
        %dma_start3A_269 = tpu.memref_slice %arg3[%arg0, %dma_start3A_267, %dma_start3A_268] : memref<2x10000x128xf32, #tpu.memory_space<hbm>> -> memref<1x10000x128xf32, #tpu.memory_space<hbm>>
        %dma_start3A_270 = tpu.memref_squeeze %dma_start3A_269 : memref<1x10000x128xf32, #tpu.memory_space<hbm>> -> memref<10000x128xf32, #tpu.memory_space<hbm>>
        %dma_start3A_271 = arith.constant 0 : i32
        %dma_start3A_272 = arith.constant 0 : i32
        %dma_start3A_273 = tpu.memref_slice %dma_start3A_270[%dma_start3A_271, %dma_start3A_272] : memref<10000x128xf32, #tpu.memory_space<hbm>> -> memref<10000x128xf32, #tpu.memory_space<hbm>>
        tpu.enqueue_indirect_dma source(%dma_start3A_273 : memref<10000x128xf32, #tpu.memory_space<hbm>>) target(%dma_start3A_263 : memref<125x128xf32, #tpu.memory_space<vmem>>) offsets(%dma_start3A_266 : memref<125xi32, #tpu.memory_space<vmem>>) semaphore(%arg11 : memref<!tpu.dma_semaphore, #tpu.memory_space<semaphore_mem>>)
      } else {
      }
      %scan3A_199 = arith.constant 0 : i32
      scf.yield %scan3A_199 : i32
    }
    %scan3A_144 = arith.constant 5 : i32
    %barrier3A_145 = arith.constant 0 : index
    tpu.barrier barrier_id(%barrier3A_145)
    %mul3A_146 = arith.constant 632 : i32
    %mul3A_147 = arith.muli %arg1, %mul3A_146 : i32
    %mul3A_148 = arith.constant 632 : i32
    %mul3A_149 = arith.muli %arg1, %mul3A_148 : i32
    "tpu.region"() ({
      %run_scoped3A_150 = tpu.sem_alloc : memref<!tpu.dma_semaphore, #tpu.memory_space<semaphore_mem>>
      %dma_start3A_151 = arith.constant 0 : i32
      %dma_start3A_152 = tpu.memref_slice %arg4[%arg0, %mul3A_149, %dma_start3A_151] : memref<2x10112x128xf32, #tpu.memory_space<hbm>> -> memref<1x632x128xf32, #tpu.memory_space<hbm>>
      %dma_start3A_153 = tpu.memref_squeeze %dma_start3A_152 : memref<1x632x128xf32, #tpu.memory_space<hbm>> -> memref<632x128xf32, #tpu.memory_space<hbm>>
      %dma_start3A_154 = arith.constant 0 : i32
      %dma_start3A_155 = tpu.memref_slice %arg8[%mul3A_147, %dma_start3A_154] : memref<10112x128xf32, #tpu.memory_space<vmem_shared>> -> memref<632x128xf32, #tpu.memory_space<vmem_shared>>
      tpu.enqueue_dma source(%dma_start3A_155 : memref<632x128xf32, #tpu.memory_space<vmem_shared>>) target(%dma_start3A_153 : memref<632x128xf32, #tpu.memory_space<hbm>>) target_semaphore(%run_scoped3A_150 : memref<!tpu.dma_semaphore, #tpu.memory_space<semaphore_mem>>)
      %dma_wait3A_156 = arith.constant 0 : i32
      %dma_wait3A_157 = tpu.memref_slice %arg4[%arg0, %mul3A_149, %dma_wait3A_156] : memref<2x10112x128xf32, #tpu.memory_space<hbm>> -> memref<1x632x128xf32, #tpu.memory_space<hbm>>
      %dma_wait3A_158 = tpu.memref_squeeze %dma_wait3A_157 : memref<1x632x128xf32, #tpu.memory_space<hbm>> -> memref<632x128xf32, #tpu.memory_space<hbm>>
      %dma_wait3A_159 = arith.constant 0 : i32
      %dma_wait3A_160 = tpu.memref_slice %arg8[%mul3A_147, %dma_wait3A_159] : memref<10112x128xf32, #tpu.memory_space<vmem_shared>> -> memref<632x128xf32, #tpu.memory_space<vmem_shared>>
      tpu.wait_dma2 semaphore(%run_scoped3A_150 : memref<!tpu.dma_semaphore, #tpu.memory_space<semaphore_mem>>) src(%dma_wait3A_160 : memref<632x128xf32, #tpu.memory_space<vmem_shared>>) dst(%dma_wait3A_158 : memref<632x128xf32, #tpu.memory_space<hbm>>)
      tpu.yield
    }) : () -> ()
    return
  }
}

#map = affine_map<(d0, d1) -> (0, 0, 0, 0)>
#map1 = affine_map<(d0, d1) -> (0, 0, 0)>
module attributes {stable_mosaic.version = 14 : i64} {
  func.func @_edge_body(%arg0: i32, %arg1: i32, %arg2: memref<2x16x160x125xi32, #tpu.memory_space<hbm>>, %arg3: memref<2x10000x128xf32, #tpu.memory_space<hbm>>, %arg4: memref<2x10112x128xf32, #tpu.memory_space<hbm>>, %arg5: memref<2x16x125xi32, #tpu.memory_space<vmem>>, %arg6: memref<2x16x125xi32, #tpu.memory_space<vmem>>, %arg7: memref<2x125x128xf32, #tpu.memory_space<vmem>>, %arg8: memref<10112x128xf32, #tpu.memory_space<vmem_shared>>, %arg9: memref<!tpu.dma_semaphore, #tpu.memory_space<semaphore_mem>>, %arg10: memref<!tpu.dma_semaphore, #tpu.memory_space<semaphore_mem>>, %arg11: memref<!tpu.dma_semaphore, #tpu.memory_space<semaphore_mem>>) attributes {dimension_semantics = [#tpu.dimension_semantics<core_parallel>, #tpu.dimension_semantics<subcore_parallel>], iteration_bounds = array<i64: 2, 16>, scalar_prefetch = 0 : i64, scratch_operands = 7 : i64, tpu.core_type = #tpu.core_type<sc_vector_subcore>, window_params = [{transform_indices = #map}, {transform_indices = #map1}, {transform_indices = #map1}]} {
    %dma_start3A = arith.constant 0 : i32
    %dma_start3A_0 = arith.constant 0 : i32
    %dma_start3A_1 = arith.constant 0 : i32
    %dma_start3A_2 = arith.constant 0 : i32
    %dma_start3A_3 = tpu.memref_slice %arg5[%dma_start3A_0, %dma_start3A_1, %dma_start3A_2] : memref<2x16x125xi32, #tpu.memory_space<vmem>> -> memref<1x16x125xi32, #tpu.memory_space<vmem>>
    %dma_start3A_4 = tpu.memref_squeeze %dma_start3A_3 : memref<1x16x125xi32, #tpu.memory_space<vmem>> -> memref<16x125xi32, #tpu.memory_space<vmem>>
    %dma_start3A_5 = arith.constant 0 : i32
    %dma_start3A_6 = arith.constant 0 : i32
    %dma_start3A_7 = tpu.memref_slice %arg2[%dma_start3A, %arg1, %dma_start3A_5, %dma_start3A_6] : memref<2x16x160x125xi32, #tpu.memory_space<hbm>> -> memref<1x1x16x125xi32, #tpu.memory_space<hbm>>
    %dma_start3A_8 = tpu.memref_squeeze %dma_start3A_7 : memref<1x1x16x125xi32, #tpu.memory_space<hbm>> -> memref<16x125xi32, #tpu.memory_space<hbm>>
    %dma_start3A_9 = arith.constant 0 : i32
    %dma_start3A_10 = arith.constant 0 : i32
    %dma_start3A_11 = tpu.memref_slice %arg5[%dma_start3A_0, %dma_start3A_9, %dma_start3A_10] : memref<2x16x125xi32, #tpu.memory_space<vmem>> -> memref<1x16x125xi32, #tpu.memory_space<vmem>>
    %dma_start3A_12 = tpu.memref_squeeze %dma_start3A_11 : memref<1x16x125xi32, #tpu.memory_space<vmem>> -> memref<16x125xi32, #tpu.memory_space<vmem>>
    %dma_start3A_13 = arith.constant 0 : i32
    %dma_start3A_14 = arith.constant 0 : i32
    %dma_start3A_15 = tpu.memref_slice %arg2[%dma_start3A, %arg1, %dma_start3A_13, %dma_start3A_14] : memref<2x16x160x125xi32, #tpu.memory_space<hbm>> -> memref<1x1x16x125xi32, #tpu.memory_space<hbm>>
    %dma_start3A_16 = tpu.memref_squeeze %dma_start3A_15 : memref<1x1x16x125xi32, #tpu.memory_space<hbm>> -> memref<16x125xi32, #tpu.memory_space<hbm>>
    tpu.enqueue_dma source(%dma_start3A_16 : memref<16x125xi32, #tpu.memory_space<hbm>>) target(%dma_start3A_12 : memref<16x125xi32, #tpu.memory_space<vmem>>) target_semaphore(%arg9 : memref<!tpu.dma_semaphore, #tpu.memory_space<semaphore_mem>>)
    %dma_start3A_17 = arith.constant 1 : i32
    %dma_start3A_18 = arith.constant 0 : i32
    %dma_start3A_19 = arith.constant 0 : i32
    %dma_start3A_20 = arith.constant 0 : i32
    %dma_start3A_21 = tpu.memref_slice %arg6[%dma_start3A_18, %dma_start3A_19, %dma_start3A_20] : memref<2x16x125xi32, #tpu.memory_space<vmem>> -> memref<1x16x125xi32, #tpu.memory_space<vmem>>
    %dma_start3A_22 = tpu.memref_squeeze %dma_start3A_21 : memref<1x16x125xi32, #tpu.memory_space<vmem>> -> memref<16x125xi32, #tpu.memory_space<vmem>>
    %dma_start3A_23 = arith.constant 0 : i32
    %dma_start3A_24 = arith.constant 0 : i32
    %dma_start3A_25 = tpu.memref_slice %arg2[%dma_start3A_17, %arg1, %dma_start3A_23, %dma_start3A_24] : memref<2x16x160x125xi32, #tpu.memory_space<hbm>> -> memref<1x1x16x125xi32, #tpu.memory_space<hbm>>
    %dma_start3A_26 = tpu.memref_squeeze %dma_start3A_25 : memref<1x1x16x125xi32, #tpu.memory_space<hbm>> -> memref<16x125xi32, #tpu.memory_space<hbm>>
    %dma_start3A_27 = arith.constant 0 : i32
    %dma_start3A_28 = arith.constant 0 : i32
    %dma_start3A_29 = tpu.memref_slice %arg6[%dma_start3A_18, %dma_start3A_27, %dma_start3A_28] : memref<2x16x125xi32, #tpu.memory_space<vmem>> -> memref<1x16x125xi32, #tpu.memory_space<vmem>>
    %dma_start3A_30 = tpu.memref_squeeze %dma_start3A_29 : memref<1x16x125xi32, #tpu.memory_space<vmem>> -> memref<16x125xi32, #tpu.memory_space<vmem>>
    %dma_start3A_31 = arith.constant 0 : i32
    %dma_start3A_32 = arith.constant 0 : i32
    %dma_start3A_33 = tpu.memref_slice %arg2[%dma_start3A_17, %arg1, %dma_start3A_31, %dma_start3A_32] : memref<2x16x160x125xi32, #tpu.memory_space<hbm>> -> memref<1x1x16x125xi32, #tpu.memory_space<hbm>>
    %dma_start3A_34 = tpu.memref_squeeze %dma_start3A_33 : memref<1x1x16x125xi32, #tpu.memory_space<hbm>> -> memref<16x125xi32, #tpu.memory_space<hbm>>
    tpu.enqueue_dma source(%dma_start3A_34 : memref<16x125xi32, #tpu.memory_space<hbm>>) target(%dma_start3A_30 : memref<16x125xi32, #tpu.memory_space<vmem>>) target_semaphore(%arg9 : memref<!tpu.dma_semaphore, #tpu.memory_space<semaphore_mem>>)
    %broadcast_in_dim3A = arith.constant 0.000000e+00 : f32
    %broadcast_in_dim3A_35 = vector.broadcast %broadcast_in_dim3A : f32 to vector<16xf32>
    %scan3A = arith.constant 0 : i32
    %scan3A_36 = arith.constant 0 : i32
    %scan3A_37 = arith.constant 125 : i32
    %scan3A_38 = arith.addi %scan3A_36, %scan3A_37 : i32
    %scan3A_39 = arith.constant 1 : i32
    %scan3A_40 = scf.for %scan3A_150 = %scan3A_36 to %scan3A_38 step %scan3A_39 iter_args(%scan3A_151 = %scan3A) -> (i32)  : i32 {
      %swap3A = arith.constant 0 : i32
      %swap3A_152 = arith.index_cast %swap3A : i32 to index
      %swap3A_153 = arith.index_cast %scan3A_150 : i32 to index
      %swap3A_154 = arith.constant 0 : index
      %swap3A_155 = tpu.vector_load %arg7[%swap3A_152, %swap3A_153, %swap3A_154] {strides = array<i32>} : memref<2x125x128xf32, #tpu.memory_space<vmem>>, vector<1x1x16xf32>,
      %swap3A_156 = vector.shape_cast %swap3A_155 : vector<1x1x16xf32> to vector<16xf32>
      %swap3A_157 = vector.shape_cast %broadcast_in_dim3A_35 : vector<16xf32> to vector<1x1x16xf32>
      tpu.vector_store %arg7[%swap3A_152, %swap3A_153, %swap3A_154], %swap3A_157 {strides = array<i32>} : memref<2x125x128xf32, #tpu.memory_space<vmem>>, vector<1x1x16xf32>,
      %swap3A_158 = arith.constant 0 : i32
      %swap3A_159 = arith.index_cast %swap3A_158 : i32 to index
      %swap3A_160 = arith.index_cast %scan3A_150 : i32 to index
      %swap3A_161 = arith.constant 16 : index
      %swap3A_162 = tpu.vector_load %arg7[%swap3A_159, %swap3A_160, %swap3A_161] {strides = array<i32>} : memref<2x125x128xf32, #tpu.memory_space<vmem>>, vector<1x1x16xf32>,
      %swap3A_163 = vector.shape_cast %swap3A_162 : vector<1x1x16xf32> to vector<16xf32>
      %swap3A_164 = vector.shape_cast %broadcast_in_dim3A_35 : vector<16xf32> to vector<1x1x16xf32>
      tpu.vector_store %arg7[%swap3A_159, %swap3A_160, %swap3A_161], %swap3A_164 {strides = array<i32>} : memref<2x125x128xf32, #tpu.memory_space<vmem>>, vector<1x1x16xf32>,
      %swap3A_165 = arith.constant 0 : i32
      %swap3A_166 = arith.index_cast %swap3A_165 : i32 to index
      %swap3A_167 = arith.index_cast %scan3A_150 : i32 to index
      %swap3A_168 = arith.constant 32 : index
      %swap3A_169 = tpu.vector_load %arg7[%swap3A_166, %swap3A_167, %swap3A_168] {strides = array<i32>} : memref<2x125x128xf32, #tpu.memory_space<vmem>>, vector<1x1x16xf32>,
      %swap3A_170 = vector.shape_cast %swap3A_169 : vector<1x1x16xf32> to vector<16xf32>
      %swap3A_171 = vector.shape_cast %broadcast_in_dim3A_35 : vector<16xf32> to vector<1x1x16xf32>
      tpu.vector_store %arg7[%swap3A_166, %swap3A_167, %swap3A_168], %swap3A_171 {strides = array<i32>} : memref<2x125x128xf32, #tpu.memory_space<vmem>>, vector<1x1x16xf32>,
      %swap3A_172 = arith.constant 0 : i32
      %swap3A_173 = arith.index_cast %swap3A_172 : i32 to index
      %swap3A_174 = arith.index_cast %scan3A_150 : i32 to index
      %swap3A_175 = arith.constant 48 : index
      %swap3A_176 = tpu.vector_load %arg7[%swap3A_173, %swap3A_174, %swap3A_175] {strides = array<i32>} : memref<2x125x128xf32, #tpu.memory_space<vmem>>, vector<1x1x16xf32>,
      %swap3A_177 = vector.shape_cast %swap3A_176 : vector<1x1x16xf32> to vector<16xf32>
      %swap3A_178 = vector.shape_cast %broadcast_in_dim3A_35 : vector<16xf32> to vector<1x1x16xf32>
      tpu.vector_store %arg7[%swap3A_173, %swap3A_174, %swap3A_175], %swap3A_178 {strides = array<i32>} : memref<2x125x128xf32, #tpu.memory_space<vmem>>, vector<1x1x16xf32>,
      %swap3A_179 = arith.constant 0 : i32
      %swap3A_180 = arith.index_cast %swap3A_179 : i32 to index
      %swap3A_181 = arith.index_cast %scan3A_150 : i32 to index
      %swap3A_182 = arith.constant 64 : index
      %swap3A_183 = tpu.vector_load %arg7[%swap3A_180, %swap3A_181, %swap3A_182] {strides = array<i32>} : memref<2x125x128xf32, #tpu.memory_space<vmem>>, vector<1x1x16xf32>,
      %swap3A_184 = vector.shape_cast %swap3A_183 : vector<1x1x16xf32> to vector<16xf32>
      %swap3A_185 = vector.shape_cast %broadcast_in_dim3A_35 : vector<16xf32> to vector<1x1x16xf32>
      tpu.vector_store %arg7[%swap3A_180, %swap3A_181, %swap3A_182], %swap3A_185 {strides = array<i32>} : memref<2x125x128xf32, #tpu.memory_space<vmem>>, vector<1x1x16xf32>,
      %swap3A_186 = arith.constant 0 : i32
      %swap3A_187 = arith.index_cast %swap3A_186 : i32 to index
      %swap3A_188 = arith.index_cast %scan3A_150 : i32 to index
      %swap3A_189 = arith.constant 80 : index
      %swap3A_190 = tpu.vector_load %arg7[%swap3A_187, %swap3A_188, %swap3A_189] {strides = array<i32>} : memref<2x125x128xf32, #tpu.memory_space<vmem>>, vector<1x1x16xf32>,
      %swap3A_191 = vector.shape_cast %swap3A_190 : vector<1x1x16xf32> to vector<16xf32>
      %swap3A_192 = vector.shape_cast %broadcast_in_dim3A_35 : vector<16xf32> to vector<1x1x16xf32>
      tpu.vector_store %arg7[%swap3A_187, %swap3A_188, %swap3A_189], %swap3A_192 {strides = array<i32>} : memref<2x125x128xf32, #tpu.memory_space<vmem>>, vector<1x1x16xf32>,
      %swap3A_193 = arith.constant 0 : i32
      %swap3A_194 = arith.index_cast %swap3A_193 : i32 to index
      %swap3A_195 = arith.index_cast %scan3A_150 : i32 to index
      %swap3A_196 = arith.constant 96 : index
      %swap3A_197 = tpu.vector_load %arg7[%swap3A_194, %swap3A_195, %swap3A_196] {strides = array<i32>} : memref<2x125x128xf32, #tpu.memory_space<vmem>>, vector<1x1x16xf32>,
      %swap3A_198 = vector.shape_cast %swap3A_197 : vector<1x1x16xf32> to vector<16xf32>
      %swap3A_199 = vector.shape_cast %broadcast_in_dim3A_35 : vector<16xf32> to vector<1x1x16xf32>
      tpu.vector_store %arg7[%swap3A_194, %swap3A_195, %swap3A_196], %swap3A_199 {strides = array<i32>} : memref<2x125x128xf32, #tpu.memory_space<vmem>>, vector<1x1x16xf32>,
      %swap3A_200 = arith.constant 0 : i32
      %swap3A_201 = arith.index_cast %swap3A_200 : i32 to index
      %swap3A_202 = arith.index_cast %scan3A_150 : i32 to index
      %swap3A_203 = arith.constant 112 : index
      %swap3A_204 = tpu.vector_load %arg7[%swap3A_201, %swap3A_202, %swap3A_203] {strides = array<i32>} : memref<2x125x128xf32, #tpu.memory_space<vmem>>, vector<1x1x16xf32>,
      %swap3A_205 = vector.shape_cast %swap3A_204 : vector<1x1x16xf32> to vector<16xf32>
      %swap3A_206 = vector.shape_cast %broadcast_in_dim3A_35 : vector<16xf32> to vector<1x1x16xf32>
      tpu.vector_store %arg7[%swap3A_201, %swap3A_202, %swap3A_203], %swap3A_206 {strides = array<i32>} : memref<2x125x128xf32, #tpu.memory_space<vmem>>, vector<1x1x16xf32>,
      %scan3A_207 = arith.constant 0 : i32
      scf.yield %scan3A_207 : i32
    }
    %scan3A_41 = arith.constant 125 : i32
    %mul3A = arith.constant 632 : i32
    %mul3A_42 = arith.muli %arg1, %mul3A : i32
    %add3A = arith.constant 0 : i32
    %add3A_43 = arith.addi %mul3A_42, %add3A : i32
    %run_scoped3A = arith.constant 0 : i32
    "tpu.region"() ({
      %run_scoped3A_150 = tpu.sem_alloc : memref<!tpu.dma_semaphore, #tpu.memory_space<semaphore_mem>>
      %dma_start3A_151 = arith.constant 0 : i32
      %dma_start3A_152 = arith.constant 0 : i32
      %dma_start3A_153 = tpu.memref_slice %arg7[%run_scoped3A, %dma_start3A_151, %dma_start3A_152] : memref<2x125x128xf32, #tpu.memory_space<vmem>> -> memref<1x125x128xf32, #tpu.memory_space<vmem>>
      %dma_start3A_154 = tpu.memref_squeeze %dma_start3A_153 : memref<1x125x128xf32, #tpu.memory_space<vmem>> -> memref<125x128xf32, #tpu.memory_space<vmem>>
      %dma_start3A_155 = arith.constant 0 : i32
      %dma_start3A_156 = tpu.memref_slice %arg8[%add3A_43, %dma_start3A_155] : memref<10112x128xf32, #tpu.memory_space<vmem_shared>> -> memref<125x128xf32, #tpu.memory_space<vmem_shared>>
      %dma_start3A_157 = arith.constant 0 : i32
      %dma_start3A_158 = tpu.memref_slice %arg8[%add3A_43, %dma_start3A_157] : memref<10112x128xf32, #tpu.memory_space<vmem_shared>> -> memref<125x128xf32, #tpu.memory_space<vmem_shared>>
      %dma_start3A_159 = arith.constant 0 : i32
      %dma_start3A_160 = arith.constant 0 : i32
      %dma_start3A_161 = tpu.memref_slice %arg7[%run_scoped3A, %dma_start3A_159, %dma_start3A_160] : memref<2x125x128xf32, #tpu.memory_space<vmem>> -> memref<1x125x128xf32, #tpu.memory_space<vmem>>
      %dma_start3A_162 = tpu.memref_squeeze %dma_start3A_161 : memref<1x125x128xf32, #tpu.memory_space<vmem>> -> memref<125x128xf32, #tpu.memory_space<vmem>>
      tpu.enqueue_dma source(%dma_start3A_162 : memref<125x128xf32, #tpu.memory_space<vmem>>) target(%dma_start3A_158 : memref<125x128xf32, #tpu.memory_space<vmem_shared>>) target_semaphore(%run_scoped3A_150 : memref<!tpu.dma_semaphore, #tpu.memory_space<semaphore_mem>>)
      %dma_wait3A_163 = arith.constant 0 : i32
      %dma_wait3A_164 = arith.constant 0 : i32
      %dma_wait3A_165 = tpu.memref_slice %arg7[%run_scoped3A, %dma_wait3A_163, %dma_wait3A_164] : memref<2x125x128xf32, #tpu.memory_space<vmem>> -> memref<1x125x128xf32, #tpu.memory_space<vmem>>
      %dma_wait3A_166 = tpu.memref_squeeze %dma_wait3A_165 : memref<1x125x128xf32, #tpu.memory_space<vmem>> -> memref<125x128xf32, #tpu.memory_space<vmem>>
      %dma_wait3A_167 = arith.constant 0 : i32
      %dma_wait3A_168 = tpu.memref_slice %arg8[%add3A_43, %dma_wait3A_167] : memref<10112x128xf32, #tpu.memory_space<vmem_shared>> -> memref<125x128xf32, #tpu.memory_space<vmem_shared>>
      %dma_wait3A_169 = arith.constant 0 : i32
      %dma_wait3A_170 = tpu.memref_slice %arg8[%add3A_43, %dma_wait3A_169] : memref<10112x128xf32, #tpu.memory_space<vmem_shared>> -> memref<125x128xf32, #tpu.memory_space<vmem_shared>>
      %dma_wait3A_171 = arith.constant 0 : i32
      %dma_wait3A_172 = arith.constant 0 : i32
      %dma_wait3A_173 = tpu.memref_slice %arg7[%run_scoped3A, %dma_wait3A_171, %dma_wait3A_172] : memref<2x125x128xf32, #tpu.memory_space<vmem>> -> memref<1x125x128xf32, #tpu.memory_space<vmem>>
      %dma_wait3A_174 = tpu.memref_squeeze %dma_wait3A_173 : memref<1x125x128xf32, #tpu.memory_space<vmem>> -> memref<125x128xf32, #tpu.memory_space<vmem>>
      tpu.wait_dma2 semaphore(%run_scoped3A_150 : memref<!tpu.dma_semaphore, #tpu.memory_space<semaphore_mem>>) src(%dma_wait3A_174 : memref<125x128xf32, #tpu.memory_space<vmem>>) dst(%dma_wait3A_170 : memref<125x128xf32, #tpu.memory_space<vmem_shared>>)
      tpu.yield
    }) : () -> ()
    %mul3A_44 = arith.constant 632 : i32
    %mul3A_45 = arith.muli %arg1, %mul3A_44 : i32
    %add3A_46 = arith.constant 125 : i32
    %add3A_47 = arith.addi %mul3A_45, %add3A_46 : i32
    %run_scoped3A_48 = arith.constant 0 : i32
    "tpu.region"() ({
      %run_scoped3A_150 = tpu.sem_alloc : memref<!tpu.dma_semaphore, #tpu.memory_space<semaphore_mem>>
      %dma_start3A_151 = arith.constant 0 : i32
      %dma_start3A_152 = arith.constant 0 : i32
      %dma_start3A_153 = tpu.memref_slice %arg7[%run_scoped3A_48, %dma_start3A_151, %dma_start3A_152] : memref<2x125x128xf32, #tpu.memory_space<vmem>> -> memref<1x125x128xf32, #tpu.memory_space<vmem>>
      %dma_start3A_154 = tpu.memref_squeeze %dma_start3A_153 : memref<1x125x128xf32, #tpu.memory_space<vmem>> -> memref<125x128xf32, #tpu.memory_space<vmem>>
      %dma_start3A_155 = arith.constant 0 : i32
      %dma_start3A_156 = tpu.memref_slice %arg8[%add3A_47, %dma_start3A_155] : memref<10112x128xf32, #tpu.memory_space<vmem_shared>> -> memref<125x128xf32, #tpu.memory_space<vmem_shared>>
      %dma_start3A_157 = arith.constant 0 : i32
      %dma_start3A_158 = tpu.memref_slice %arg8[%add3A_47, %dma_start3A_157] : memref<10112x128xf32, #tpu.memory_space<vmem_shared>> -> memref<125x128xf32, #tpu.memory_space<vmem_shared>>
      %dma_start3A_159 = arith.constant 0 : i32
      %dma_start3A_160 = arith.constant 0 : i32
      %dma_start3A_161 = tpu.memref_slice %arg7[%run_scoped3A_48, %dma_start3A_159, %dma_start3A_160] : memref<2x125x128xf32, #tpu.memory_space<vmem>> -> memref<1x125x128xf32, #tpu.memory_space<vmem>>
      %dma_start3A_162 = tpu.memref_squeeze %dma_start3A_161 : memref<1x125x128xf32, #tpu.memory_space<vmem>> -> memref<125x128xf32, #tpu.memory_space<vmem>>
      tpu.enqueue_dma source(%dma_start3A_162 : memref<125x128xf32, #tpu.memory_space<vmem>>) target(%dma_start3A_158 : memref<125x128xf32, #tpu.memory_space<vmem_shared>>) target_semaphore(%run_scoped3A_150 : memref<!tpu.dma_semaphore, #tpu.memory_space<semaphore_mem>>)
      %dma_wait3A_163 = arith.constant 0 : i32
      %dma_wait3A_164 = arith.constant 0 : i32
      %dma_wait3A_165 = tpu.memref_slice %arg7[%run_scoped3A_48, %dma_wait3A_163, %dma_wait3A_164] : memref<2x125x128xf32, #tpu.memory_space<vmem>> -> memref<1x125x128xf32, #tpu.memory_space<vmem>>
      %dma_wait3A_166 = tpu.memref_squeeze %dma_wait3A_165 : memref<1x125x128xf32, #tpu.memory_space<vmem>> -> memref<125x128xf32, #tpu.memory_space<vmem>>
      %dma_wait3A_167 = arith.constant 0 : i32
      %dma_wait3A_168 = tpu.memref_slice %arg8[%add3A_47, %dma_wait3A_167] : memref<10112x128xf32, #tpu.memory_space<vmem_shared>> -> memref<125x128xf32, #tpu.memory_space<vmem_shared>>
      %dma_wait3A_169 = arith.constant 0 : i32
      %dma_wait3A_170 = tpu.memref_slice %arg8[%add3A_47, %dma_wait3A_169] : memref<10112x128xf32, #tpu.memory_space<vmem_shared>> -> memref<125x128xf32, #tpu.memory_space<vmem_shared>>
      %dma_wait3A_171 = arith.constant 0 : i32
      %dma_wait3A_172 = arith.constant 0 : i32
      %dma_wait3A_173 = tpu.memref_slice %arg7[%run_scoped3A_48, %dma_wait3A_171, %dma_wait3A_172] : memref<2x125x128xf32, #tpu.memory_space<vmem>> -> memref<1x125x128xf32, #tpu.memory_space<vmem>>
      %dma_wait3A_174 = tpu.memref_squeeze %dma_wait3A_173 : memref<1x125x128xf32, #tpu.memory_space<vmem>> -> memref<125x128xf32, #tpu.memory_space<vmem>>
      tpu.wait_dma2 semaphore(%run_scoped3A_150 : memref<!tpu.dma_semaphore, #tpu.memory_space<semaphore_mem>>) src(%dma_wait3A_174 : memref<125x128xf32, #tpu.memory_space<vmem>>) dst(%dma_wait3A_170 : memref<125x128xf32, #tpu.memory_space<vmem_shared>>)
      tpu.yield
    }) : () -> ()
    %mul3A_49 = arith.constant 632 : i32
    %mul3A_50 = arith.muli %arg1, %mul3A_49 : i32
    %add3A_51 = arith.constant 250 : i32
    %add3A_52 = arith.addi %mul3A_50, %add3A_51 : i32
    %run_scoped3A_53 = arith.constant 0 : i32
    "tpu.region"() ({
      %run_scoped3A_150 = tpu.sem_alloc : memref<!tpu.dma_semaphore, #tpu.memory_space<semaphore_mem>>
      %dma_start3A_151 = arith.constant 0 : i32
      %dma_start3A_152 = arith.constant 0 : i32
      %dma_start3A_153 = tpu.memref_slice %arg7[%run_scoped3A_53, %dma_start3A_151, %dma_start3A_152] : memref<2x125x128xf32, #tpu.memory_space<vmem>> -> memref<1x125x128xf32, #tpu.memory_space<vmem>>
      %dma_start3A_154 = tpu.memref_squeeze %dma_start3A_153 : memref<1x125x128xf32, #tpu.memory_space<vmem>> -> memref<125x128xf32, #tpu.memory_space<vmem>>
      %dma_start3A_155 = arith.constant 0 : i32
      %dma_start3A_156 = tpu.memref_slice %arg8[%add3A_52, %dma_start3A_155] : memref<10112x128xf32, #tpu.memory_space<vmem_shared>> -> memref<125x128xf32, #tpu.memory_space<vmem_shared>>
      %dma_start3A_157 = arith.constant 0 : i32
      %dma_start3A_158 = tpu.memref_slice %arg8[%add3A_52, %dma_start3A_157] : memref<10112x128xf32, #tpu.memory_space<vmem_shared>> -> memref<125x128xf32, #tpu.memory_space<vmem_shared>>
      %dma_start3A_159 = arith.constant 0 : i32
      %dma_start3A_160 = arith.constant 0 : i32
      %dma_start3A_161 = tpu.memref_slice %arg7[%run_scoped3A_53, %dma_start3A_159, %dma_start3A_160] : memref<2x125x128xf32, #tpu.memory_space<vmem>> -> memref<1x125x128xf32, #tpu.memory_space<vmem>>
      %dma_start3A_162 = tpu.memref_squeeze %dma_start3A_161 : memref<1x125x128xf32, #tpu.memory_space<vmem>> -> memref<125x128xf32, #tpu.memory_space<vmem>>
      tpu.enqueue_dma source(%dma_start3A_162 : memref<125x128xf32, #tpu.memory_space<vmem>>) target(%dma_start3A_158 : memref<125x128xf32, #tpu.memory_space<vmem_shared>>) target_semaphore(%run_scoped3A_150 : memref<!tpu.dma_semaphore, #tpu.memory_space<semaphore_mem>>)
      %dma_wait3A_163 = arith.constant 0 : i32
      %dma_wait3A_164 = arith.constant 0 : i32
      %dma_wait3A_165 = tpu.memref_slice %arg7[%run_scoped3A_53, %dma_wait3A_163, %dma_wait3A_164] : memref<2x125x128xf32, #tpu.memory_space<vmem>> -> memref<1x125x128xf32, #tpu.memory_space<vmem>>
      %dma_wait3A_166 = tpu.memref_squeeze %dma_wait3A_165 : memref<1x125x128xf32, #tpu.memory_space<vmem>> -> memref<125x128xf32, #tpu.memory_space<vmem>>
      %dma_wait3A_167 = arith.constant 0 : i32
      %dma_wait3A_168 = tpu.memref_slice %arg8[%add3A_52, %dma_wait3A_167] : memref<10112x128xf32, #tpu.memory_space<vmem_shared>> -> memref<125x128xf32, #tpu.memory_space<vmem_shared>>
      %dma_wait3A_169 = arith.constant 0 : i32
      %dma_wait3A_170 = tpu.memref_slice %arg8[%add3A_52, %dma_wait3A_169] : memref<10112x128xf32, #tpu.memory_space<vmem_shared>> -> memref<125x128xf32, #tpu.memory_space<vmem_shared>>
      %dma_wait3A_171 = arith.constant 0 : i32
      %dma_wait3A_172 = arith.constant 0 : i32
      %dma_wait3A_173 = tpu.memref_slice %arg7[%run_scoped3A_53, %dma_wait3A_171, %dma_wait3A_172] : memref<2x125x128xf32, #tpu.memory_space<vmem>> -> memref<1x125x128xf32, #tpu.memory_space<vmem>>
      %dma_wait3A_174 = tpu.memref_squeeze %dma_wait3A_173 : memref<1x125x128xf32, #tpu.memory_space<vmem>> -> memref<125x128xf32, #tpu.memory_space<vmem>>
      tpu.wait_dma2 semaphore(%run_scoped3A_150 : memref<!tpu.dma_semaphore, #tpu.memory_space<semaphore_mem>>) src(%dma_wait3A_174 : memref<125x128xf32, #tpu.memory_space<vmem>>) dst(%dma_wait3A_170 : memref<125x128xf32, #tpu.memory_space<vmem_shared>>)
      tpu.yield
    }) : () -> ()
    %mul3A_54 = arith.constant 632 : i32
    %mul3A_55 = arith.muli %arg1, %mul3A_54 : i32
    %add3A_56 = arith.constant 375 : i32
    %add3A_57 = arith.addi %mul3A_55, %add3A_56 : i32
    %run_scoped3A_58 = arith.constant 0 : i32
    "tpu.region"() ({
      %run_scoped3A_150 = tpu.sem_alloc : memref<!tpu.dma_semaphore, #tpu.memory_space<semaphore_mem>>
      %dma_start3A_151 = arith.constant 0 : i32
      %dma_start3A_152 = arith.constant 0 : i32
      %dma_start3A_153 = tpu.memref_slice %arg7[%run_scoped3A_58, %dma_start3A_151, %dma_start3A_152] : memref<2x125x128xf32, #tpu.memory_space<vmem>> -> memref<1x125x128xf32, #tpu.memory_space<vmem>>
      %dma_start3A_154 = tpu.memref_squeeze %dma_start3A_153 : memref<1x125x128xf32, #tpu.memory_space<vmem>> -> memref<125x128xf32, #tpu.memory_space<vmem>>
      %dma_start3A_155 = arith.constant 0 : i32
      %dma_start3A_156 = tpu.memref_slice %arg8[%add3A_57, %dma_start3A_155] : memref<10112x128xf32, #tpu.memory_space<vmem_shared>> -> memref<125x128xf32, #tpu.memory_space<vmem_shared>>
      %dma_start3A_157 = arith.constant 0 : i32
      %dma_start3A_158 = tpu.memref_slice %arg8[%add3A_57, %dma_start3A_157] : memref<10112x128xf32, #tpu.memory_space<vmem_shared>> -> memref<125x128xf32, #tpu.memory_space<vmem_shared>>
      %dma_start3A_159 = arith.constant 0 : i32
      %dma_start3A_160 = arith.constant 0 : i32
      %dma_start3A_161 = tpu.memref_slice %arg7[%run_scoped3A_58, %dma_start3A_159, %dma_start3A_160] : memref<2x125x128xf32, #tpu.memory_space<vmem>> -> memref<1x125x128xf32, #tpu.memory_space<vmem>>
      %dma_start3A_162 = tpu.memref_squeeze %dma_start3A_161 : memref<1x125x128xf32, #tpu.memory_space<vmem>> -> memref<125x128xf32, #tpu.memory_space<vmem>>
      tpu.enqueue_dma source(%dma_start3A_162 : memref<125x128xf32, #tpu.memory_space<vmem>>) target(%dma_start3A_158 : memref<125x128xf32, #tpu.memory_space<vmem_shared>>) target_semaphore(%run_scoped3A_150 : memref<!tpu.dma_semaphore, #tpu.memory_space<semaphore_mem>>)
      %dma_wait3A_163 = arith.constant 0 : i32
      %dma_wait3A_164 = arith.constant 0 : i32
      %dma_wait3A_165 = tpu.memref_slice %arg7[%run_scoped3A_58, %dma_wait3A_163, %dma_wait3A_164] : memref<2x125x128xf32, #tpu.memory_space<vmem>> -> memref<1x125x128xf32, #tpu.memory_space<vmem>>
      %dma_wait3A_166 = tpu.memref_squeeze %dma_wait3A_165 : memref<1x125x128xf32, #tpu.memory_space<vmem>> -> memref<125x128xf32, #tpu.memory_space<vmem>>
      %dma_wait3A_167 = arith.constant 0 : i32
      %dma_wait3A_168 = tpu.memref_slice %arg8[%add3A_57, %dma_wait3A_167] : memref<10112x128xf32, #tpu.memory_space<vmem_shared>> -> memref<125x128xf32, #tpu.memory_space<vmem_shared>>
      %dma_wait3A_169 = arith.constant 0 : i32
      %dma_wait3A_170 = tpu.memref_slice %arg8[%add3A_57, %dma_wait3A_169] : memref<10112x128xf32, #tpu.memory_space<vmem_shared>> -> memref<125x128xf32, #tpu.memory_space<vmem_shared>>
      %dma_wait3A_171 = arith.constant 0 : i32
      %dma_wait3A_172 = arith.constant 0 : i32
      %dma_wait3A_173 = tpu.memref_slice %arg7[%run_scoped3A_58, %dma_wait3A_171, %dma_wait3A_172] : memref<2x125x128xf32, #tpu.memory_space<vmem>> -> memref<1x125x128xf32, #tpu.memory_space<vmem>>
      %dma_wait3A_174 = tpu.memref_squeeze %dma_wait3A_173 : memref<1x125x128xf32, #tpu.memory_space<vmem>> -> memref<125x128xf32, #tpu.memory_space<vmem>>
      tpu.wait_dma2 semaphore(%run_scoped3A_150 : memref<!tpu.dma_semaphore, #tpu.memory_space<semaphore_mem>>) src(%dma_wait3A_174 : memref<125x128xf32, #tpu.memory_space<vmem>>) dst(%dma_wait3A_170 : memref<125x128xf32, #tpu.memory_space<vmem_shared>>)
      tpu.yield
    }) : () -> ()
    %mul3A_59 = arith.constant 632 : i32
    %mul3A_60 = arith.muli %arg1, %mul3A_59 : i32
    %add3A_61 = arith.constant 500 : i32
    %add3A_62 = arith.addi %mul3A_60, %add3A_61 : i32
    %run_scoped3A_63 = arith.constant 0 : i32
    "tpu.region"() ({
      %run_scoped3A_150 = tpu.sem_alloc : memref<!tpu.dma_semaphore, #tpu.memory_space<semaphore_mem>>
      %dma_start3A_151 = arith.constant 0 : i32
      %dma_start3A_152 = arith.constant 0 : i32
      %dma_start3A_153 = tpu.memref_slice %arg7[%run_scoped3A_63, %dma_start3A_151, %dma_start3A_152] : memref<2x125x128xf32, #tpu.memory_space<vmem>> -> memref<1x125x128xf32, #tpu.memory_space<vmem>>
      %dma_start3A_154 = tpu.memref_squeeze %dma_start3A_153 : memref<1x125x128xf32, #tpu.memory_space<vmem>> -> memref<125x128xf32, #tpu.memory_space<vmem>>
      %dma_start3A_155 = arith.constant 0 : i32
      %dma_start3A_156 = tpu.memref_slice %arg8[%add3A_62, %dma_start3A_155] : memref<10112x128xf32, #tpu.memory_space<vmem_shared>> -> memref<125x128xf32, #tpu.memory_space<vmem_shared>>
      %dma_start3A_157 = arith.constant 0 : i32
      %dma_start3A_158 = tpu.memref_slice %arg8[%add3A_62, %dma_start3A_157] : memref<10112x128xf32, #tpu.memory_space<vmem_shared>> -> memref<125x128xf32, #tpu.memory_space<vmem_shared>>
      %dma_start3A_159 = arith.constant 0 : i32
      %dma_start3A_160 = arith.constant 0 : i32
      %dma_start3A_161 = tpu.memref_slice %arg7[%run_scoped3A_63, %dma_start3A_159, %dma_start3A_160] : memref<2x125x128xf32, #tpu.memory_space<vmem>> -> memref<1x125x128xf32, #tpu.memory_space<vmem>>
      %dma_start3A_162 = tpu.memref_squeeze %dma_start3A_161 : memref<1x125x128xf32, #tpu.memory_space<vmem>> -> memref<125x128xf32, #tpu.memory_space<vmem>>
      tpu.enqueue_dma source(%dma_start3A_162 : memref<125x128xf32, #tpu.memory_space<vmem>>) target(%dma_start3A_158 : memref<125x128xf32, #tpu.memory_space<vmem_shared>>) target_semaphore(%run_scoped3A_150 : memref<!tpu.dma_semaphore, #tpu.memory_space<semaphore_mem>>)
      %dma_wait3A_163 = arith.constant 0 : i32
      %dma_wait3A_164 = arith.constant 0 : i32
      %dma_wait3A_165 = tpu.memref_slice %arg7[%run_scoped3A_63, %dma_wait3A_163, %dma_wait3A_164] : memref<2x125x128xf32, #tpu.memory_space<vmem>> -> memref<1x125x128xf32, #tpu.memory_space<vmem>>
      %dma_wait3A_166 = tpu.memref_squeeze %dma_wait3A_165 : memref<1x125x128xf32, #tpu.memory_space<vmem>> -> memref<125x128xf32, #tpu.memory_space<vmem>>
      %dma_wait3A_167 = arith.constant 0 : i32
      %dma_wait3A_168 = tpu.memref_slice %arg8[%add3A_62, %dma_wait3A_167] : memref<10112x128xf32, #tpu.memory_space<vmem_shared>> -> memref<125x128xf32, #tpu.memory_space<vmem_shared>>
      %dma_wait3A_169 = arith.constant 0 : i32
      %dma_wait3A_170 = tpu.memref_slice %arg8[%add3A_62, %dma_wait3A_169] : memref<10112x128xf32, #tpu.memory_space<vmem_shared>> -> memref<125x128xf32, #tpu.memory_space<vmem_shared>>
      %dma_wait3A_171 = arith.constant 0 : i32
      %dma_wait3A_172 = arith.constant 0 : i32
      %dma_wait3A_173 = tpu.memref_slice %arg7[%run_scoped3A_63, %dma_wait3A_171, %dma_wait3A_172] : memref<2x125x128xf32, #tpu.memory_space<vmem>> -> memref<1x125x128xf32, #tpu.memory_space<vmem>>
      %dma_wait3A_174 = tpu.memref_squeeze %dma_wait3A_173 : memref<1x125x128xf32, #tpu.memory_space<vmem>> -> memref<125x128xf32, #tpu.memory_space<vmem>>
      tpu.wait_dma2 semaphore(%run_scoped3A_150 : memref<!tpu.dma_semaphore, #tpu.memory_space<semaphore_mem>>) src(%dma_wait3A_174 : memref<125x128xf32, #tpu.memory_space<vmem>>) dst(%dma_wait3A_170 : memref<125x128xf32, #tpu.memory_space<vmem_shared>>)
      tpu.yield
    }) : () -> ()
    %mul3A_64 = arith.constant 632 : i32
    %mul3A_65 = arith.muli %arg1, %mul3A_64 : i32
    %add3A_66 = arith.constant 625 : i32
    %add3A_67 = arith.addi %mul3A_65, %add3A_66 : i32
    %run_scoped3A_68 = arith.constant 0 : i32
    "tpu.region"() ({
      %run_scoped3A_150 = tpu.sem_alloc : memref<!tpu.dma_semaphore, #tpu.memory_space<semaphore_mem>>
      %dma_start3A_151 = arith.constant 0 : i32
      %dma_start3A_152 = arith.constant 0 : i32
      %dma_start3A_153 = tpu.memref_slice %arg7[%run_scoped3A_68, %dma_start3A_151, %dma_start3A_152] : memref<2x125x128xf32, #tpu.memory_space<vmem>> -> memref<1x7x128xf32, #tpu.memory_space<vmem>>
      %dma_start3A_154 = tpu.memref_squeeze %dma_start3A_153 : memref<1x7x128xf32, #tpu.memory_space<vmem>> -> memref<7x128xf32, #tpu.memory_space<vmem>>
      %dma_start3A_155 = arith.constant 0 : i32
      %dma_start3A_156 = tpu.memref_slice %arg8[%add3A_67, %dma_start3A_155] : memref<10112x128xf32, #tpu.memory_space<vmem_shared>> -> memref<7x128xf32, #tpu.memory_space<vmem_shared>>
      %dma_start3A_157 = arith.constant 0 : i32
      %dma_start3A_158 = tpu.memref_slice %arg8[%add3A_67, %dma_start3A_157] : memref<10112x128xf32, #tpu.memory_space<vmem_shared>> -> memref<7x128xf32, #tpu.memory_space<vmem_shared>>
      %dma_start3A_159 = arith.constant 0 : i32
      %dma_start3A_160 = arith.constant 0 : i32
      %dma_start3A_161 = tpu.memref_slice %arg7[%run_scoped3A_68, %dma_start3A_159, %dma_start3A_160] : memref<2x125x128xf32, #tpu.memory_space<vmem>> -> memref<1x7x128xf32, #tpu.memory_space<vmem>>
      %dma_start3A_162 = tpu.memref_squeeze %dma_start3A_161 : memref<1x7x128xf32, #tpu.memory_space<vmem>> -> memref<7x128xf32, #tpu.memory_space<vmem>>
      tpu.enqueue_dma source(%dma_start3A_162 : memref<7x128xf32, #tpu.memory_space<vmem>>) target(%dma_start3A_158 : memref<7x128xf32, #tpu.memory_space<vmem_shared>>) target_semaphore(%run_scoped3A_150 : memref<!tpu.dma_semaphore, #tpu.memory_space<semaphore_mem>>)
      %dma_wait3A_163 = arith.constant 0 : i32
      %dma_wait3A_164 = arith.constant 0 : i32
      %dma_wait3A_165 = tpu.memref_slice %arg7[%run_scoped3A_68, %dma_wait3A_163, %dma_wait3A_164] : memref<2x125x128xf32, #tpu.memory_space<vmem>> -> memref<1x7x128xf32, #tpu.memory_space<vmem>>
      %dma_wait3A_166 = tpu.memref_squeeze %dma_wait3A_165 : memref<1x7x128xf32, #tpu.memory_space<vmem>> -> memref<7x128xf32, #tpu.memory_space<vmem>>
      %dma_wait3A_167 = arith.constant 0 : i32
      %dma_wait3A_168 = tpu.memref_slice %arg8[%add3A_67, %dma_wait3A_167] : memref<10112x128xf32, #tpu.memory_space<vmem_shared>> -> memref<7x128xf32, #tpu.memory_space<vmem_shared>>
      %dma_wait3A_169 = arith.constant 0 : i32
      %dma_wait3A_170 = tpu.memref_slice %arg8[%add3A_67, %dma_wait3A_169] : memref<10112x128xf32, #tpu.memory_space<vmem_shared>> -> memref<7x128xf32, #tpu.memory_space<vmem_shared>>
      %dma_wait3A_171 = arith.constant 0 : i32
      %dma_wait3A_172 = arith.constant 0 : i32
      %dma_wait3A_173 = tpu.memref_slice %arg7[%run_scoped3A_68, %dma_wait3A_171, %dma_wait3A_172] : memref<2x125x128xf32, #tpu.memory_space<vmem>> -> memref<1x7x128xf32, #tpu.memory_space<vmem>>
      %dma_wait3A_174 = tpu.memref_squeeze %dma_wait3A_173 : memref<1x7x128xf32, #tpu.memory_space<vmem>> -> memref<7x128xf32, #tpu.memory_space<vmem>>
      tpu.wait_dma2 semaphore(%run_scoped3A_150 : memref<!tpu.dma_semaphore, #tpu.memory_space<semaphore_mem>>) src(%dma_wait3A_174 : memref<7x128xf32, #tpu.memory_space<vmem>>) dst(%dma_wait3A_170 : memref<7x128xf32, #tpu.memory_space<vmem_shared>>)
      tpu.yield
    }) : () -> ()
    %dma_wait3A = arith.constant 0 : i32
    %dma_wait3A_69 = arith.constant 0 : i32
    %dma_wait3A_70 = arith.constant 0 : i32
    %dma_wait3A_71 = arith.constant 0 : i32
    %dma_wait3A_72 = tpu.memref_slice %arg5[%dma_wait3A_69, %dma_wait3A_70, %dma_wait3A_71] : memref<2x16x125xi32, #tpu.memory_space<vmem>> -> memref<1x16x125xi32, #tpu.memory_space<vmem>>
    %dma_wait3A_73 = tpu.memref_squeeze %dma_wait3A_72 : memref<1x16x125xi32, #tpu.memory_space<vmem>> -> memref<16x125xi32, #tpu.memory_space<vmem>>
    %dma_wait3A_74 = arith.constant 0 : i32
    %dma_wait3A_75 = arith.constant 0 : i32
    %dma_wait3A_76 = tpu.memref_slice %arg2[%dma_wait3A, %arg1, %dma_wait3A_74, %dma_wait3A_75] : memref<2x16x160x125xi32, #tpu.memory_space<hbm>> -> memref<1x1x16x125xi32, #tpu.memory_space<hbm>>
    %dma_wait3A_77 = tpu.memref_squeeze %dma_wait3A_76 : memref<1x1x16x125xi32, #tpu.memory_space<hbm>> -> memref<16x125xi32, #tpu.memory_space<hbm>>
    %dma_wait3A_78 = arith.constant 0 : i32
    %dma_wait3A_79 = arith.constant 0 : i32
    %dma_wait3A_80 = tpu.memref_slice %arg5[%dma_wait3A_69, %dma_wait3A_78, %dma_wait3A_79] : memref<2x16x125xi32, #tpu.memory_space<vmem>> -> memref<1x16x125xi32, #tpu.memory_space<vmem>>
    %dma_wait3A_81 = tpu.memref_squeeze %dma_wait3A_80 : memref<1x16x125xi32, #tpu.memory_space<vmem>> -> memref<16x125xi32, #tpu.memory_space<vmem>>
    %dma_wait3A_82 = arith.constant 0 : i32
    %dma_wait3A_83 = arith.constant 0 : i32
    %dma_wait3A_84 = tpu.memref_slice %arg2[%dma_wait3A, %arg1, %dma_wait3A_82, %dma_wait3A_83] : memref<2x16x160x125xi32, #tpu.memory_space<hbm>> -> memref<1x1x16x125xi32, #tpu.memory_space<hbm>>
    %dma_wait3A_85 = tpu.memref_squeeze %dma_wait3A_84 : memref<1x1x16x125xi32, #tpu.memory_space<hbm>> -> memref<16x125xi32, #tpu.memory_space<hbm>>
    tpu.wait_dma2 semaphore(%arg9 : memref<!tpu.dma_semaphore, #tpu.memory_space<semaphore_mem>>) src(%dma_wait3A_85 : memref<16x125xi32, #tpu.memory_space<hbm>>) dst(%dma_wait3A_81 : memref<16x125xi32, #tpu.memory_space<vmem>>)
    %dma_wait3A_86 = arith.constant 1 : i32
    %dma_wait3A_87 = arith.constant 0 : i32
    %dma_wait3A_88 = arith.constant 0 : i32
    %dma_wait3A_89 = arith.constant 0 : i32
    %dma_wait3A_90 = tpu.memref_slice %arg6[%dma_wait3A_87, %dma_wait3A_88, %dma_wait3A_89] : memref<2x16x125xi32, #tpu.memory_space<vmem>> -> memref<1x16x125xi32, #tpu.memory_space<vmem>>
    %dma_wait3A_91 = tpu.memref_squeeze %dma_wait3A_90 : memref<1x16x125xi32, #tpu.memory_space<vmem>> -> memref<16x125xi32, #tpu.memory_space<vmem>>
    %dma_wait3A_92 = arith.constant 0 : i32
    %dma_wait3A_93 = arith.constant 0 : i32
    %dma_wait3A_94 = tpu.memref_slice %arg2[%dma_wait3A_86, %arg1, %dma_wait3A_92, %dma_wait3A_93] : memref<2x16x160x125xi32, #tpu.memory_space<hbm>> -> memref<1x1x16x125xi32, #tpu.memory_space<hbm>>
    %dma_wait3A_95 = tpu.memref_squeeze %dma_wait3A_94 : memref<1x1x16x125xi32, #tpu.memory_space<hbm>> -> memref<16x125xi32, #tpu.memory_space<hbm>>
    %dma_wait3A_96 = arith.constant 0 : i32
    %dma_wait3A_97 = arith.constant 0 : i32
    %dma_wait3A_98 = tpu.memref_slice %arg6[%dma_wait3A_87, %dma_wait3A_96, %dma_wait3A_97] : memref<2x16x125xi32, #tpu.memory_space<vmem>> -> memref<1x16x125xi32, #tpu.memory_space<vmem>>
    %dma_wait3A_99 = tpu.memref_squeeze %dma_wait3A_98 : memref<1x16x125xi32, #tpu.memory_space<vmem>> -> memref<16x125xi32, #tpu.memory_space<vmem>>
    %dma_wait3A_100 = arith.constant 0 : i32
    %dma_wait3A_101 = arith.constant 0 : i32
    %dma_wait3A_102 = tpu.memref_slice %arg2[%dma_wait3A_86, %arg1, %dma_wait3A_100, %dma_wait3A_101] : memref<2x16x160x125xi32, #tpu.memory_space<hbm>> -> memref<1x1x16x125xi32, #tpu.memory_space<hbm>>
    %dma_wait3A_103 = tpu.memref_squeeze %dma_wait3A_102 : memref<1x1x16x125xi32, #tpu.memory_space<hbm>> -> memref<16x125xi32, #tpu.memory_space<hbm>>
    tpu.wait_dma2 semaphore(%arg9 : memref<!tpu.dma_semaphore, #tpu.memory_space<semaphore_mem>>) src(%dma_wait3A_103 : memref<16x125xi32, #tpu.memory_space<hbm>>) dst(%dma_wait3A_99 : memref<16x125xi32, #tpu.memory_space<vmem>>)
    %dma_start3A_104 = arith.constant 0 : i32
    %dma_start3A_105 = arith.constant 0 : i32
    %dma_start3A_106 = arith.constant 0 : i32
    %dma_start3A_107 = arith.constant 0 : i32
    %dma_start3A_108 = arith.constant 0 : i32
    %dma_start3A_109 = tpu.memref_slice %arg7[%dma_start3A_106, %dma_start3A_107, %dma_start3A_108] : memref<2x125x128xf32, #tpu.memory_space<vmem>> -> memref<1x125x128xf32, #tpu.memory_space<vmem>>
    %dma_start3A_110 = tpu.memref_squeeze %dma_start3A_109 : memref<1x125x128xf32, #tpu.memory_space<vmem>> -> memref<125x128xf32, #tpu.memory_space<vmem>>
    %dma_start3A_111 = arith.constant 0 : i32
    %dma_start3A_112 = tpu.memref_slice %arg5[%dma_start3A_104, %dma_start3A_105, %dma_start3A_111] : memref<2x16x125xi32, #tpu.memory_space<vmem>> -> memref<1x1x125xi32, #tpu.memory_space<vmem>>
    %dma_start3A_113 = tpu.memref_squeeze %dma_start3A_112 : memref<1x1x125xi32, #tpu.memory_space<vmem>> -> memref<125xi32, #tpu.memory_space<vmem>>
    %dma_start3A_114 = arith.constant 0 : i32
    %dma_start3A_115 = arith.constant 0 : i32
    %dma_start3A_116 = tpu.memref_slice %arg3[%arg0, %dma_start3A_114, %dma_start3A_115] : memref<2x10000x128xf32, #tpu.memory_space<hbm>> -> memref<1x10000x128xf32, #tpu.memory_space<hbm>>
    %dma_start3A_117 = tpu.memref_squeeze %dma_start3A_116 : memref<1x10000x128xf32, #tpu.memory_space<hbm>> -> memref<10000x128xf32, #tpu.memory_space<hbm>>
    %dma_start3A_118 = arith.constant 0 : i32
    %dma_start3A_119 = arith.constant 0 : i32
    %dma_start3A_120 = tpu.memref_slice %dma_start3A_117[%dma_start3A_118, %dma_start3A_119] : memref<10000x128xf32, #tpu.memory_space<hbm>> -> memref<10000x128xf32, #tpu.memory_space<hbm>>
    tpu.enqueue_indirect_dma source(%dma_start3A_120 : memref<10000x128xf32, #tpu.memory_space<hbm>>) target(%dma_start3A_110 : memref<125x128xf32, #tpu.memory_space<vmem>>) offsets(%dma_start3A_113 : memref<125xi32, #tpu.memory_space<vmem>>) semaphore(%arg10 : memref<!tpu.dma_semaphore, #tpu.memory_space<semaphore_mem>>)
    %dma_start3A_121 = arith.constant 0 : i32
    %dma_start3A_122 = arith.constant 1 : i32
    %dma_start3A_123 = arith.constant 1 : i32
    %dma_start3A_124 = arith.constant 0 : i32
    %dma_start3A_125 = arith.constant 0 : i32
    %dma_start3A_126 = tpu.memref_slice %arg7[%dma_start3A_123, %dma_start3A_124, %dma_start3A_125] : memref<2x125x128xf32, #tpu.memory_space<vmem>> -> memref<1x125x128xf32, #tpu.memory_space<vmem>>
    %dma_start3A_127 = tpu.memref_squeeze %dma_start3A_126 : memref<1x125x128xf32, #tpu.memory_space<vmem>> -> memref<125x128xf32, #tpu.memory_space<vmem>>
    %dma_start3A_128 = arith.constant 0 : i32
    %dma_start3A_129 = tpu.memref_slice %arg5[%dma_start3A_121, %dma_start3A_122, %dma_start3A_128] : memref<2x16x125xi32, #tpu.memory_space<vmem>> -> memref<1x1x125xi32, #tpu.memory_space<vmem>>
    %dma_start3A_130 = tpu.memref_squeeze %dma_start3A_129 : memref<1x1x125xi32, #tpu.memory_space<vmem>> -> memref<125xi32, #tpu.memory_space<vmem>>
    %dma_start3A_131 = arith.constant 0 : i32
    %dma_start3A_132 = arith.constant 0 : i32
    %dma_start3A_133 = tpu.memref_slice %arg3[%arg0, %dma_start3A_131, %dma_start3A_132] : memref<2x10000x128xf32, #tpu.memory_space<hbm>> -> memref<1x10000x128xf32, #tpu.memory_space<hbm>>
    %dma_start3A_134 = tpu.memref_squeeze %dma_start3A_133 : memref<1x10000x128xf32, #tpu.memory_space<hbm>> -> memref<10000x128xf32, #tpu.memory_space<hbm>>
    %dma_start3A_135 = arith.constant 0 : i32
    %dma_start3A_136 = arith.constant 0 : i32
    %dma_start3A_137 = tpu.memref_slice %dma_start3A_134[%dma_start3A_135, %dma_start3A_136] : memref<10000x128xf32, #tpu.memory_space<hbm>> -> memref<10000x128xf32, #tpu.memory_space<hbm>>
    tpu.enqueue_indirect_dma source(%dma_start3A_137 : memref<10000x128xf32, #tpu.memory_space<hbm>>) target(%dma_start3A_127 : memref<125x128xf32, #tpu.memory_space<vmem>>) offsets(%dma_start3A_130 : memref<125xi32, #tpu.memory_space<vmem>>) semaphore(%arg11 : memref<!tpu.dma_semaphore, #tpu.memory_space<semaphore_mem>>)
    %barrier3A = arith.constant 0 : index
    tpu.barrier barrier_id(%barrier3A)
    %scan3A_138 = arith.constant 0 : i32
    %scan3A_139 = arith.constant 0 : i32
    %scan3A_140 = arith.constant 5 : i32
    %scan3A_141 = arith.addi %scan3A_139, %scan3A_140 : i32
    %scan3A_142 = arith.constant 1 : i32
    %scan3A_143 = scf.for %scan3A_150 = %scan3A_139 to %scan3A_141 step %scan3A_142 iter_args(%scan3A_151 = %scan3A_138) -> (i32)  : i32 {
      %mul3A_152 = arith.constant 2 : i32
      %mul3A_153 = arith.muli %mul3A_152, %scan3A_150 : i32
      %add3A_154 = arith.constant 0 : i32
      %add3A_155 = arith.addi %mul3A_153, %add3A_154 : i32
      %add3A_156 = arith.constant 1 : i32
      %add3A_157 = arith.addi %add3A_155, %add3A_156 : i32
      %lt3A = arith.constant 10 : i32
      %lt3A_158 = arith.cmpi slt, %add3A_157, %lt3A : i32
      %convert_element_type3A = arith.extui %lt3A_158 : i1 to i32
      %cond3A = arith.constant 0 : i32
      %cond3A_159 = arith.cmpi ne, %convert_element_type3A, %cond3A : i32
      scf.if %cond3A_159 {
        %add3A_200 = arith.constant 1 : i32
        %add3A_201 = arith.addi %add3A_155, %add3A_200 : i32
        %mul3A_202 = arith.constant 16 : i32
        %mul3A_203 = arith.muli %add3A_201, %mul3A_202 : i32
        %dma_start3A_204 = arith.constant 0 : i32
        %dma_start3A_205 = arith.constant 1 : i32
        %dma_start3A_206 = arith.constant 0 : i32
        %dma_start3A_207 = arith.constant 0 : i32
        %dma_start3A_208 = tpu.memref_slice %arg5[%dma_start3A_205, %dma_start3A_206, %dma_start3A_207] : memref<2x16x125xi32, #tpu.memory_space<vmem>> -> memref<1x16x125xi32, #tpu.memory_space<vmem>>
        %dma_start3A_209 = tpu.memref_squeeze %dma_start3A_208 : memref<1x16x125xi32, #tpu.memory_space<vmem>> -> memref<16x125xi32, #tpu.memory_space<vmem>>
        %dma_start3A_210 = arith.constant 0 : i32
        %dma_start3A_211 = tpu.memref_slice %arg2[%dma_start3A_204, %arg1, %mul3A_203, %dma_start3A_210] : memref<2x16x160x125xi32, #tpu.memory_space<hbm>> -> memref<1x1x16x125xi32, #tpu.memory_space<hbm>>
        %dma_start3A_212 = tpu.memref_squeeze %dma_start3A_211 : memref<1x1x16x125xi32, #tpu.memory_space<hbm>> -> memref<16x125xi32, #tpu.memory_space<hbm>>
        %dma_start3A_213 = arith.constant 0 : i32
        %dma_start3A_214 = arith.constant 0 : i32
        %dma_start3A_215 = tpu.memref_slice %arg5[%dma_start3A_205, %dma_start3A_213, %dma_start3A_214] : memref<2x16x125xi32, #tpu.memory_space<vmem>> -> memref<1x16x125xi32, #tpu.memory_space<vmem>>
        %dma_start3A_216 = tpu.memref_squeeze %dma_start3A_215 : memref<1x16x125xi32, #tpu.memory_space<vmem>> -> memref<16x125xi32, #tpu.memory_space<vmem>>
        %dma_start3A_217 = arith.constant 0 : i32
        %dma_start3A_218 = tpu.memref_slice %arg2[%dma_start3A_204, %arg1, %mul3A_203, %dma_start3A_217] : memref<2x16x160x125xi32, #tpu.memory_space<hbm>> -> memref<1x1x16x125xi32, #tpu.memory_space<hbm>>
        %dma_start3A_219 = tpu.memref_squeeze %dma_start3A_218 : memref<1x1x16x125xi32, #tpu.memory_space<hbm>> -> memref<16x125xi32, #tpu.memory_space<hbm>>
        tpu.enqueue_dma source(%dma_start3A_219 : memref<16x125xi32, #tpu.memory_space<hbm>>) target(%dma_start3A_216 : memref<16x125xi32, #tpu.memory_space<vmem>>) target_semaphore(%arg9 : memref<!tpu.dma_semaphore, #tpu.memory_space<semaphore_mem>>)
        %add3A_220 = arith.constant 1 : i32
        %add3A_221 = arith.addi %add3A_155, %add3A_220 : i32
        %mul3A_222 = arith.constant 16 : i32
        %mul3A_223 = arith.muli %add3A_221, %mul3A_222 : i32
        %dma_start3A_224 = arith.constant 1 : i32
        %dma_start3A_225 = arith.constant 1 : i32
        %dma_start3A_226 = arith.constant 0 : i32
        %dma_start3A_227 = arith.constant 0 : i32
        %dma_start3A_228 = tpu.memref_slice %arg6[%dma_start3A_225, %dma_start3A_226, %dma_start3A_227] : memref<2x16x125xi32, #tpu.memory_space<vmem>> -> memref<1x16x125xi32, #tpu.memory_space<vmem>>
        %dma_start3A_229 = tpu.memref_squeeze %dma_start3A_228 : memref<1x16x125xi32, #tpu.memory_space<vmem>> -> memref<16x125xi32, #tpu.memory_space<vmem>>
        %dma_start3A_230 = arith.constant 0 : i32
        %dma_start3A_231 = tpu.memref_slice %arg2[%dma_start3A_224, %arg1, %mul3A_223, %dma_start3A_230] : memref<2x16x160x125xi32, #tpu.memory_space<hbm>> -> memref<1x1x16x125xi32, #tpu.memory_space<hbm>>
        %dma_start3A_232 = tpu.memref_squeeze %dma_start3A_231 : memref<1x1x16x125xi32, #tpu.memory_space<hbm>> -> memref<16x125xi32, #tpu.memory_space<hbm>>
        %dma_start3A_233 = arith.constant 0 : i32
        %dma_start3A_234 = arith.constant 0 : i32
        %dma_start3A_235 = tpu.memref_slice %arg6[%dma_start3A_225, %dma_start3A_233, %dma_start3A_234] : memref<2x16x125xi32, #tpu.memory_space<vmem>> -> memref<1x16x125xi32, #tpu.memory_space<vmem>>
        %dma_start3A_236 = tpu.memref_squeeze %dma_start3A_235 : memref<1x16x125xi32, #tpu.memory_space<vmem>> -> memref<16x125xi32, #tpu.memory_space<vmem>>
        %dma_start3A_237 = arith.constant 0 : i32
        %dma_start3A_238 = tpu.memref_slice %arg2[%dma_start3A_224, %arg1, %mul3A_223, %dma_start3A_237] : memref<2x16x160x125xi32, #tpu.memory_space<hbm>> -> memref<1x1x16x125xi32, #tpu.memory_space<hbm>>
        %dma_start3A_239 = tpu.memref_squeeze %dma_start3A_238 : memref<1x1x16x125xi32, #tpu.memory_space<hbm>> -> memref<16x125xi32, #tpu.memory_space<hbm>>
        tpu.enqueue_dma source(%dma_start3A_239 : memref<16x125xi32, #tpu.memory_space<hbm>>) target(%dma_start3A_236 : memref<16x125xi32, #tpu.memory_space<vmem>>) target_semaphore(%arg9 : memref<!tpu.dma_semaphore, #tpu.memory_space<semaphore_mem>>)
      } else {
      }
      %scan3A_160 = arith.constant 0 : i32
      %scan3A_161 = arith.constant 0 : i32
      %scan3A_162 = arith.constant 8 : i32
      %scan3A_163 = arith.addi %scan3A_161, %scan3A_162 : i32
      %scan3A_164 = arith.constant 1 : i32
      %scan3A_165 = scf.for %scan3A_200 = %scan3A_161 to %scan3A_163 step %scan3A_164 iter_args(%scan3A_201 = %scan3A_160) -> (i32)  : i32 {
        %mul3A_202 = arith.constant 2 : i32
        %mul3A_203 = arith.muli %mul3A_202, %scan3A_200 : i32
        %add3A_204 = arith.constant 0 : i32
        %add3A_205 = arith.addi %mul3A_203, %add3A_204 : i32
        %dma_wait3A_206 = arith.constant 0 : i32
        %dma_wait3A_207 = arith.constant 0 : i32
        %dma_wait3A_208 = arith.constant 0 : i32
        %dma_wait3A_209 = arith.constant 0 : i32
        %dma_wait3A_210 = tpu.memref_slice %arg7[%dma_wait3A_207, %dma_wait3A_208, %dma_wait3A_209] : memref<2x125x128xf32, #tpu.memory_space<vmem>> -> memref<1x125x128xf32, #tpu.memory_space<vmem>>
        %dma_wait3A_211 = tpu.memref_squeeze %dma_wait3A_210 : memref<1x125x128xf32, #tpu.memory_space<vmem>> -> memref<125x128xf32, #tpu.memory_space<vmem>>
        %dma_wait3A_212 = arith.constant 0 : i32
        %dma_wait3A_213 = tpu.memref_slice %arg5[%dma_wait3A_206, %add3A_205, %dma_wait3A_212] : memref<2x16x125xi32, #tpu.memory_space<vmem>> -> memref<1x1x125xi32, #tpu.memory_space<vmem>>
        %dma_wait3A_214 = tpu.memref_squeeze %dma_wait3A_213 : memref<1x1x125xi32, #tpu.memory_space<vmem>> -> memref<125xi32, #tpu.memory_space<vmem>>
        %dma_wait3A_215 = arith.constant 0 : i32
        %dma_wait3A_216 = arith.constant 0 : i32
        %dma_wait3A_217 = tpu.memref_slice %arg3[%arg0, %dma_wait3A_215, %dma_wait3A_216] : memref<2x10000x128xf32, #tpu.memory_space<hbm>> -> memref<1x10000x128xf32, #tpu.memory_space<hbm>>
        %dma_wait3A_218 = tpu.memref_squeeze %dma_wait3A_217 : memref<1x10000x128xf32, #tpu.memory_space<hbm>> -> memref<10000x128xf32, #tpu.memory_space<hbm>>
        %dma_wait3A_219 = arith.constant 0 : i32
        %dma_wait3A_220 = arith.constant 0 : i32
        %dma_wait3A_221 = tpu.memref_slice %dma_wait3A_218[%dma_wait3A_219, %dma_wait3A_220] : memref<10000x128xf32, #tpu.memory_space<hbm>> -> memref<10000x128xf32, #tpu.memory_space<hbm>>
        tpu.wait_indirect_dma semaphore(%arg10 : memref<!tpu.dma_semaphore, #tpu.memory_space<semaphore_mem>>) src(%dma_wait3A_221 : memref<10000x128xf32, #tpu.memory_space<hbm>>) dst(%dma_wait3A_211 : memref<125x128xf32, #tpu.memory_space<vmem>>)
        %run_scoped3A_222 = arith.constant 0 : i32
        %run_scoped3A_223 = arith.constant 0 : i32
        "tpu.region"() ({
          %run_scoped3A_261 = tpu.sem_alloc : memref<!tpu.dma_semaphore, #tpu.memory_space<semaphore_mem>>
          %dma_start3A_262 = arith.constant 0 : i32
          %dma_start3A_263 = arith.constant 0 : i32
          %dma_start3A_264 = tpu.memref_slice %arg7[%run_scoped3A_222, %dma_start3A_262, %dma_start3A_263] : memref<2x125x128xf32, #tpu.memory_space<vmem>> -> memref<1x125x128xf32, #tpu.memory_space<vmem>>
          %dma_start3A_265 = tpu.memref_squeeze %dma_start3A_264 : memref<1x125x128xf32, #tpu.memory_space<vmem>> -> memref<125x128xf32, #tpu.memory_space<vmem>>
          %dma_start3A_266 = arith.constant 0 : i32
          %dma_start3A_267 = tpu.memref_slice %arg6[%run_scoped3A_223, %add3A_205, %dma_start3A_266] : memref<2x16x125xi32, #tpu.memory_space<vmem>> -> memref<1x1x125xi32, #tpu.memory_space<vmem>>
          %dma_start3A_268 = tpu.memref_squeeze %dma_start3A_267 : memref<1x1x125xi32, #tpu.memory_space<vmem>> -> memref<125xi32, #tpu.memory_space<vmem>>
          %dma_start3A_269 = arith.constant 0 : i32
          %dma_start3A_270 = arith.constant 0 : i32
          %dma_start3A_271 = tpu.memref_slice %arg8[%dma_start3A_269, %dma_start3A_270] : memref<10112x128xf32, #tpu.memory_space<vmem_shared>> -> memref<10112x128xf32, #tpu.memory_space<vmem_shared>>
          tpu.enqueue_indirect_dma source(%dma_start3A_265 : memref<125x128xf32, #tpu.memory_space<vmem>>) target(%dma_start3A_271 : memref<10112x128xf32, #tpu.memory_space<vmem_shared>>) offsets(%dma_start3A_268 : memref<125xi32, #tpu.memory_space<vmem>>) semaphore(%run_scoped3A_261 : memref<!tpu.dma_semaphore, #tpu.memory_space<semaphore_mem>>) {add = true}
          %dma_wait3A_272 = arith.constant 0 : i32
          %dma_wait3A_273 = arith.constant 0 : i32
          %dma_wait3A_274 = tpu.memref_slice %arg7[%run_scoped3A_222, %dma_wait3A_272, %dma_wait3A_273] : memref<2x125x128xf32, #tpu.memory_space<vmem>> -> memref<1x125x128xf32, #tpu.memory_space<vmem>>
          %dma_wait3A_275 = tpu.memref_squeeze %dma_wait3A_274 : memref<1x125x128xf32, #tpu.memory_space<vmem>> -> memref<125x128xf32, #tpu.memory_space<vmem>>
          %dma_wait3A_276 = arith.constant 0 : i32
          %dma_wait3A_277 = tpu.memref_slice %arg6[%run_scoped3A_223, %add3A_205, %dma_wait3A_276] : memref<2x16x125xi32, #tpu.memory_space<vmem>> -> memref<1x1x125xi32, #tpu.memory_space<vmem>>
          %dma_wait3A_278 = tpu.memref_squeeze %dma_wait3A_277 : memref<1x1x125xi32, #tpu.memory_space<vmem>> -> memref<125xi32, #tpu.memory_space<vmem>>
          %dma_wait3A_279 = arith.constant 0 : i32
          %dma_wait3A_280 = arith.constant 0 : i32
          %dma_wait3A_281 = tpu.memref_slice %arg8[%dma_wait3A_279, %dma_wait3A_280] : memref<10112x128xf32, #tpu.memory_space<vmem_shared>> -> memref<10112x128xf32, #tpu.memory_space<vmem_shared>>
          tpu.wait_indirect_dma semaphore(%run_scoped3A_261 : memref<!tpu.dma_semaphore, #tpu.memory_space<semaphore_mem>>) src(%dma_wait3A_275 : memref<125x128xf32, #tpu.memory_space<vmem>>) dst(%dma_wait3A_281 : memref<10112x128xf32, #tpu.memory_space<vmem_shared>>)
          tpu.yield
        }) : () -> ()
        %add3A_224 = arith.constant 2 : i32
        %add3A_225 = arith.addi %add3A_205, %add3A_224 : i32
        %lt3A_226 = arith.constant 16 : i32
        %lt3A_227 = arith.cmpi slt, %add3A_225, %lt3A_226 : i32
        %convert_element_type3A_228 = arith.extui %lt3A_227 : i1 to i32
        %cond3A_229 = arith.constant 0 : i32
        %cond3A_230 = arith.cmpi ne, %convert_element_type3A_228, %cond3A_229 : i32
        scf.if %cond3A_230 {
          %add3A_261 = arith.constant 2 : i32
          %add3A_262 = arith.addi %add3A_205, %add3A_261 : i32
          %dma_start3A_263 = arith.constant 0 : i32
          %dma_start3A_264 = arith.constant 0 : i32
          %dma_start3A_265 = arith.constant 0 : i32
          %dma_start3A_266 = arith.constant 0 : i32
          %dma_start3A_267 = tpu.memref_slice %arg7[%dma_start3A_264, %dma_start3A_265, %dma_start3A_266] : memref<2x125x128xf32, #tpu.memory_space<vmem>> -> memref<1x125x128xf32, #tpu.memory_space<vmem>>
          %dma_start3A_268 = tpu.memref_squeeze %dma_start3A_267 : memref<1x125x128xf32, #tpu.memory_space<vmem>> -> memref<125x128xf32, #tpu.memory_space<vmem>>
          %dma_start3A_269 = arith.constant 0 : i32
          %dma_start3A_270 = tpu.memref_slice %arg5[%dma_start3A_263, %add3A_262, %dma_start3A_269] : memref<2x16x125xi32, #tpu.memory_space<vmem>> -> memref<1x1x125xi32, #tpu.memory_space<vmem>>
          %dma_start3A_271 = tpu.memref_squeeze %dma_start3A_270 : memref<1x1x125xi32, #tpu.memory_space<vmem>> -> memref<125xi32, #tpu.memory_space<vmem>>
          %dma_start3A_272 = arith.constant 0 : i32
          %dma_start3A_273 = arith.constant 0 : i32
          %dma_start3A_274 = tpu.memref_slice %arg3[%arg0, %dma_start3A_272, %dma_start3A_273] : memref<2x10000x128xf32, #tpu.memory_space<hbm>> -> memref<1x10000x128xf32, #tpu.memory_space<hbm>>
          %dma_start3A_275 = tpu.memref_squeeze %dma_start3A_274 : memref<1x10000x128xf32, #tpu.memory_space<hbm>> -> memref<10000x128xf32, #tpu.memory_space<hbm>>
          %dma_start3A_276 = arith.constant 0 : i32
          %dma_start3A_277 = arith.constant 0 : i32
          %dma_start3A_278 = tpu.memref_slice %dma_start3A_275[%dma_start3A_276, %dma_start3A_277] : memref<10000x128xf32, #tpu.memory_space<hbm>> -> memref<10000x128xf32, #tpu.memory_space<hbm>>
          tpu.enqueue_indirect_dma source(%dma_start3A_278 : memref<10000x128xf32, #tpu.memory_space<hbm>>) target(%dma_start3A_268 : memref<125x128xf32, #tpu.memory_space<vmem>>) offsets(%dma_start3A_271 : memref<125xi32, #tpu.memory_space<vmem>>) semaphore(%arg10 : memref<!tpu.dma_semaphore, #tpu.memory_space<semaphore_mem>>)
        } else {
        }
        %mul3A_231 = arith.constant 2 : i32
        %mul3A_232 = arith.muli %mul3A_231, %scan3A_200 : i32
        %add3A_233 = arith.constant 1 : i32
        %add3A_234 = arith.addi %mul3A_232, %add3A_233 : i32
        %dma_wait3A_235 = arith.constant 0 : i32
        %dma_wait3A_236 = arith.constant 1 : i32
        %dma_wait3A_237 = arith.constant 0 : i32
        %dma_wait3A_238 = arith.constant 0 : i32
        %dma_wait3A_239 = tpu.memref_slice %arg7[%dma_wait3A_236, %dma_wait3A_237, %dma_wait3A_238] : memref<2x125x128xf32, #tpu.memory_space<vmem>> -> memref<1x125x128xf32, #tpu.memory_space<vmem>>
        %dma_wait3A_240 = tpu.memref_squeeze %dma_wait3A_239 : memref<1x125x128xf32, #tpu.memory_space<vmem>> -> memref<125x128xf32, #tpu.memory_space<vmem>>
        %dma_wait3A_241 = arith.constant 0 : i32
        %dma_wait3A_242 = tpu.memref_slice %arg5[%dma_wait3A_235, %add3A_234, %dma_wait3A_241] : memref<2x16x125xi32, #tpu.memory_space<vmem>> -> memref<1x1x125xi32, #tpu.memory_space<vmem>>
        %dma_wait3A_243 = tpu.memref_squeeze %dma_wait3A_242 : memref<1x1x125xi32, #tpu.memory_space<vmem>> -> memref<125xi32, #tpu.memory_space<vmem>>
        %dma_wait3A_244 = arith.constant 0 : i32
        %dma_wait3A_245 = arith.constant 0 : i32
        %dma_wait3A_246 = tpu.memref_slice %arg3[%arg0, %dma_wait3A_244, %dma_wait3A_245] : memref<2x10000x128xf32, #tpu.memory_space<hbm>> -> memref<1x10000x128xf32, #tpu.memory_space<hbm>>
        %dma_wait3A_247 = tpu.memref_squeeze %dma_wait3A_246 : memref<1x10000x128xf32, #tpu.memory_space<hbm>> -> memref<10000x128xf32, #tpu.memory_space<hbm>>
        %dma_wait3A_248 = arith.constant 0 : i32
        %dma_wait3A_249 = arith.constant 0 : i32
        %dma_wait3A_250 = tpu.memref_slice %dma_wait3A_247[%dma_wait3A_248, %dma_wait3A_249] : memref<10000x128xf32, #tpu.memory_space<hbm>> -> memref<10000x128xf32, #tpu.memory_space<hbm>>
        tpu.wait_indirect_dma semaphore(%arg11 : memref<!tpu.dma_semaphore, #tpu.memory_space<semaphore_mem>>) src(%dma_wait3A_250 : memref<10000x128xf32, #tpu.memory_space<hbm>>) dst(%dma_wait3A_240 : memref<125x128xf32, #tpu.memory_space<vmem>>)
        %run_scoped3A_251 = arith.constant 1 : i32
        %run_scoped3A_252 = arith.constant 0 : i32
        "tpu.region"() ({
          %run_scoped3A_261 = tpu.sem_alloc : memref<!tpu.dma_semaphore, #tpu.memory_space<semaphore_mem>>
          %dma_start3A_262 = arith.constant 0 : i32
          %dma_start3A_263 = arith.constant 0 : i32
          %dma_start3A_264 = tpu.memref_slice %arg7[%run_scoped3A_251, %dma_start3A_262, %dma_start3A_263] : memref<2x125x128xf32, #tpu.memory_space<vmem>> -> memref<1x125x128xf32, #tpu.memory_space<vmem>>
          %dma_start3A_265 = tpu.memref_squeeze %dma_start3A_264 : memref<1x125x128xf32, #tpu.memory_space<vmem>> -> memref<125x128xf32, #tpu.memory_space<vmem>>
          %dma_start3A_266 = arith.constant 0 : i32
          %dma_start3A_267 = tpu.memref_slice %arg6[%run_scoped3A_252, %add3A_234, %dma_start3A_266] : memref<2x16x125xi32, #tpu.memory_space<vmem>> -> memref<1x1x125xi32, #tpu.memory_space<vmem>>
          %dma_start3A_268 = tpu.memref_squeeze %dma_start3A_267 : memref<1x1x125xi32, #tpu.memory_space<vmem>> -> memref<125xi32, #tpu.memory_space<vmem>>
          %dma_start3A_269 = arith.constant 0 : i32
          %dma_start3A_270 = arith.constant 0 : i32
          %dma_start3A_271 = tpu.memref_slice %arg8[%dma_start3A_269, %dma_start3A_270] : memref<10112x128xf32, #tpu.memory_space<vmem_shared>> -> memref<10112x128xf32, #tpu.memory_space<vmem_shared>>
          tpu.enqueue_indirect_dma source(%dma_start3A_265 : memref<125x128xf32, #tpu.memory_space<vmem>>) target(%dma_start3A_271 : memref<10112x128xf32, #tpu.memory_space<vmem_shared>>) offsets(%dma_start3A_268 : memref<125xi32, #tpu.memory_space<vmem>>) semaphore(%run_scoped3A_261 : memref<!tpu.dma_semaphore, #tpu.memory_space<semaphore_mem>>) {add = true}
          %dma_wait3A_272 = arith.constant 0 : i32
          %dma_wait3A_273 = arith.constant 0 : i32
          %dma_wait3A_274 = tpu.memref_slice %arg7[%run_scoped3A_251, %dma_wait3A_272, %dma_wait3A_273] : memref<2x125x128xf32, #tpu.memory_space<vmem>> -> memref<1x125x128xf32, #tpu.memory_space<vmem>>
          %dma_wait3A_275 = tpu.memref_squeeze %dma_wait3A_274 : memref<1x125x128xf32, #tpu.memory_space<vmem>> -> memref<125x128xf32, #tpu.memory_space<vmem>>
          %dma_wait3A_276 = arith.constant 0 : i32
          %dma_wait3A_277 = tpu.memref_slice %arg6[%run_scoped3A_252, %add3A_234, %dma_wait3A_276] : memref<2x16x125xi32, #tpu.memory_space<vmem>> -> memref<1x1x125xi32, #tpu.memory_space<vmem>>
          %dma_wait3A_278 = tpu.memref_squeeze %dma_wait3A_277 : memref<1x1x125xi32, #tpu.memory_space<vmem>> -> memref<125xi32, #tpu.memory_space<vmem>>
          %dma_wait3A_279 = arith.constant 0 : i32
          %dma_wait3A_280 = arith.constant 0 : i32
          %dma_wait3A_281 = tpu.memref_slice %arg8[%dma_wait3A_279, %dma_wait3A_280] : memref<10112x128xf32, #tpu.memory_space<vmem_shared>> -> memref<10112x128xf32, #tpu.memory_space<vmem_shared>>
          tpu.wait_indirect_dma semaphore(%run_scoped3A_261 : memref<!tpu.dma_semaphore, #tpu.memory_space<semaphore_mem>>) src(%dma_wait3A_275 : memref<125x128xf32, #tpu.memory_space<vmem>>) dst(%dma_wait3A_281 : memref<10112x128xf32, #tpu.memory_space<vmem_shared>>)
          tpu.yield
        }) : () -> ()
        %add3A_253 = arith.constant 2 : i32
        %add3A_254 = arith.addi %add3A_234, %add3A_253 : i32
        %lt3A_255 = arith.constant 16 : i32
        %lt3A_256 = arith.cmpi slt, %add3A_254, %lt3A_255 : i32
        %convert_element_type3A_257 = arith.extui %lt3A_256 : i1 to i32
        %cond3A_258 = arith.constant 0 : i32
        %cond3A_259 = arith.cmpi ne, %convert_element_type3A_257, %cond3A_258 : i32
        scf.if %cond3A_259 {
          %add3A_261 = arith.constant 2 : i32
          %add3A_262 = arith.addi %add3A_234, %add3A_261 : i32
          %dma_start3A_263 = arith.constant 0 : i32
          %dma_start3A_264 = arith.constant 1 : i32
          %dma_start3A_265 = arith.constant 0 : i32
          %dma_start3A_266 = arith.constant 0 : i32
          %dma_start3A_267 = tpu.memref_slice %arg7[%dma_start3A_264, %dma_start3A_265, %dma_start3A_266] : memref<2x125x128xf32, #tpu.memory_space<vmem>> -> memref<1x125x128xf32, #tpu.memory_space<vmem>>
          %dma_start3A_268 = tpu.memref_squeeze %dma_start3A_267 : memref<1x125x128xf32, #tpu.memory_space<vmem>> -> memref<125x128xf32, #tpu.memory_space<vmem>>
          %dma_start3A_269 = arith.constant 0 : i32
          %dma_start3A_270 = tpu.memref_slice %arg5[%dma_start3A_263, %add3A_262, %dma_start3A_269] : memref<2x16x125xi32, #tpu.memory_space<vmem>> -> memref<1x1x125xi32, #tpu.memory_space<vmem>>
          %dma_start3A_271 = tpu.memref_squeeze %dma_start3A_270 : memref<1x1x125xi32, #tpu.memory_space<vmem>> -> memref<125xi32, #tpu.memory_space<vmem>>
          %dma_start3A_272 = arith.constant 0 : i32
          %dma_start3A_273 = arith.constant 0 : i32
          %dma_start3A_274 = tpu.memref_slice %arg3[%arg0, %dma_start3A_272, %dma_start3A_273] : memref<2x10000x128xf32, #tpu.memory_space<hbm>> -> memref<1x10000x128xf32, #tpu.memory_space<hbm>>
          %dma_start3A_275 = tpu.memref_squeeze %dma_start3A_274 : memref<1x10000x128xf32, #tpu.memory_space<hbm>> -> memref<10000x128xf32, #tpu.memory_space<hbm>>
          %dma_start3A_276 = arith.constant 0 : i32
          %dma_start3A_277 = arith.constant 0 : i32
          %dma_start3A_278 = tpu.memref_slice %dma_start3A_275[%dma_start3A_276, %dma_start3A_277] : memref<10000x128xf32, #tpu.memory_space<hbm>> -> memref<10000x128xf32, #tpu.memory_space<hbm>>
          tpu.enqueue_indirect_dma source(%dma_start3A_278 : memref<10000x128xf32, #tpu.memory_space<hbm>>) target(%dma_start3A_268 : memref<125x128xf32, #tpu.memory_space<vmem>>) offsets(%dma_start3A_271 : memref<125xi32, #tpu.memory_space<vmem>>) semaphore(%arg11 : memref<!tpu.dma_semaphore, #tpu.memory_space<semaphore_mem>>)
        } else {
        }
        %scan3A_260 = arith.constant 0 : i32
        scf.yield %scan3A_260 : i32
      }
      %scan3A_166 = arith.constant 8 : i32
      %add3A_167 = arith.constant 1 : i32
      %add3A_168 = arith.addi %add3A_155, %add3A_167 : i32
      %lt3A_169 = arith.constant 10 : i32
      %lt3A_170 = arith.cmpi slt, %add3A_168, %lt3A_169 : i32
      %convert_element_type3A_171 = arith.extui %lt3A_170 : i1 to i32
      %cond3A_172 = arith.constant 0 : i32
      %cond3A_173 = arith.cmpi ne, %convert_element_type3A_171, %cond3A_172 : i32
      scf.if %cond3A_173 {
        %add3A_200 = arith.constant 1 : i32
        %add3A_201 = arith.addi %add3A_155, %add3A_200 : i32
        %mul3A_202 = arith.constant 16 : i32
        %mul3A_203 = arith.muli %add3A_201, %mul3A_202 : i32
        %dma_wait3A_204 = arith.constant 0 : i32
        %dma_wait3A_205 = arith.constant 1 : i32
        %dma_wait3A_206 = arith.constant 0 : i32
        %dma_wait3A_207 = arith.constant 0 : i32
        %dma_wait3A_208 = tpu.memref_slice %arg5[%dma_wait3A_205, %dma_wait3A_206, %dma_wait3A_207] : memref<2x16x125xi32, #tpu.memory_space<vmem>> -> memref<1x16x125xi32, #tpu.memory_space<vmem>>
        %dma_wait3A_209 = tpu.memref_squeeze %dma_wait3A_208 : memref<1x16x125xi32, #tpu.memory_space<vmem>> -> memref<16x125xi32, #tpu.memory_space<vmem>>
        %dma_wait3A_210 = arith.constant 0 : i32
        %dma_wait3A_211 = tpu.memref_slice %arg2[%dma_wait3A_204, %arg1, %mul3A_203, %dma_wait3A_210] : memref<2x16x160x125xi32, #tpu.memory_space<hbm>> -> memref<1x1x16x125xi32, #tpu.memory_space<hbm>>
        %dma_wait3A_212 = tpu.memref_squeeze %dma_wait3A_211 : memref<1x1x16x125xi32, #tpu.memory_space<hbm>> -> memref<16x125xi32, #tpu.memory_space<hbm>>
        %dma_wait3A_213 = arith.constant 0 : i32
        %dma_wait3A_214 = arith.constant 0 : i32
        %dma_wait3A_215 = tpu.memref_slice %arg5[%dma_wait3A_205, %dma_wait3A_213, %dma_wait3A_214] : memref<2x16x125xi32, #tpu.memory_space<vmem>> -> memref<1x16x125xi32, #tpu.memory_space<vmem>>
        %dma_wait3A_216 = tpu.memref_squeeze %dma_wait3A_215 : memref<1x16x125xi32, #tpu.memory_space<vmem>> -> memref<16x125xi32, #tpu.memory_space<vmem>>
        %dma_wait3A_217 = arith.constant 0 : i32
        %dma_wait3A_218 = tpu.memref_slice %arg2[%dma_wait3A_204, %arg1, %mul3A_203, %dma_wait3A_217] : memref<2x16x160x125xi32, #tpu.memory_space<hbm>> -> memref<1x1x16x125xi32, #tpu.memory_space<hbm>>
        %dma_wait3A_219 = tpu.memref_squeeze %dma_wait3A_218 : memref<1x1x16x125xi32, #tpu.memory_space<hbm>> -> memref<16x125xi32, #tpu.memory_space<hbm>>
        tpu.wait_dma2 semaphore(%arg9 : memref<!tpu.dma_semaphore, #tpu.memory_space<semaphore_mem>>) src(%dma_wait3A_219 : memref<16x125xi32, #tpu.memory_space<hbm>>) dst(%dma_wait3A_216 : memref<16x125xi32, #tpu.memory_space<vmem>>)
        %add3A_220 = arith.constant 1 : i32
        %add3A_221 = arith.addi %add3A_155, %add3A_220 : i32
        %mul3A_222 = arith.constant 16 : i32
        %mul3A_223 = arith.muli %add3A_221, %mul3A_222 : i32
        %dma_wait3A_224 = arith.constant 1 : i32
        %dma_wait3A_225 = arith.constant 1 : i32
        %dma_wait3A_226 = arith.constant 0 : i32
        %dma_wait3A_227 = arith.constant 0 : i32
        %dma_wait3A_228 = tpu.memref_slice %arg6[%dma_wait3A_225, %dma_wait3A_226, %dma_wait3A_227] : memref<2x16x125xi32, #tpu.memory_space<vmem>> -> memref<1x16x125xi32, #tpu.memory_space<vmem>>
        %dma_wait3A_229 = tpu.memref_squeeze %dma_wait3A_228 : memref<1x16x125xi32, #tpu.memory_space<vmem>> -> memref<16x125xi32, #tpu.memory_space<vmem>>
        %dma_wait3A_230 = arith.constant 0 : i32
        %dma_wait3A_231 = tpu.memref_slice %arg2[%dma_wait3A_224, %arg1, %mul3A_223, %dma_wait3A_230] : memref<2x16x160x125xi32, #tpu.memory_space<hbm>> -> memref<1x1x16x125xi32, #tpu.memory_space<hbm>>
        %dma_wait3A_232 = tpu.memref_squeeze %dma_wait3A_231 : memref<1x1x16x125xi32, #tpu.memory_space<hbm>> -> memref<16x125xi32, #tpu.memory_space<hbm>>
        %dma_wait3A_233 = arith.constant 0 : i32
        %dma_wait3A_234 = arith.constant 0 : i32
        %dma_wait3A_235 = tpu.memref_slice %arg6[%dma_wait3A_225, %dma_wait3A_233, %dma_wait3A_234] : memref<2x16x125xi32, #tpu.memory_space<vmem>> -> memref<1x16x125xi32, #tpu.memory_space<vmem>>
        %dma_wait3A_236 = tpu.memref_squeeze %dma_wait3A_235 : memref<1x16x125xi32, #tpu.memory_space<vmem>> -> memref<16x125xi32, #tpu.memory_space<vmem>>
        %dma_wait3A_237 = arith.constant 0 : i32
        %dma_wait3A_238 = tpu.memref_slice %arg2[%dma_wait3A_224, %arg1, %mul3A_223, %dma_wait3A_237] : memref<2x16x160x125xi32, #tpu.memory_space<hbm>> -> memref<1x1x16x125xi32, #tpu.memory_space<hbm>>
        %dma_wait3A_239 = tpu.memref_squeeze %dma_wait3A_238 : memref<1x1x16x125xi32, #tpu.memory_space<hbm>> -> memref<16x125xi32, #tpu.memory_space<hbm>>
        tpu.wait_dma2 semaphore(%arg9 : memref<!tpu.dma_semaphore, #tpu.memory_space<semaphore_mem>>) src(%dma_wait3A_239 : memref<16x125xi32, #tpu.memory_space<hbm>>) dst(%dma_wait3A_236 : memref<16x125xi32, #tpu.memory_space<vmem>>)
        %dma_start3A_240 = arith.constant 1 : i32
        %dma_start3A_241 = arith.constant 0 : i32
        %dma_start3A_242 = arith.constant 0 : i32
        %dma_start3A_243 = arith.constant 0 : i32
        %dma_start3A_244 = arith.constant 0 : i32
        %dma_start3A_245 = tpu.memref_slice %arg7[%dma_start3A_242, %dma_start3A_243, %dma_start3A_244] : memref<2x125x128xf32, #tpu.memory_space<vmem>> -> memref<1x125x128xf32, #tpu.memory_space<vmem>>
        %dma_start3A_246 = tpu.memref_squeeze %dma_start3A_245 : memref<1x125x128xf32, #tpu.memory_space<vmem>> -> memref<125x128xf32, #tpu.memory_space<vmem>>
        %dma_start3A_247 = arith.constant 0 : i32
        %dma_start3A_248 = tpu.memref_slice %arg5[%dma_start3A_240, %dma_start3A_241, %dma_start3A_247] : memref<2x16x125xi32, #tpu.memory_space<vmem>> -> memref<1x1x125xi32, #tpu.memory_space<vmem>>
        %dma_start3A_249 = tpu.memref_squeeze %dma_start3A_248 : memref<1x1x125xi32, #tpu.memory_space<vmem>> -> memref<125xi32, #tpu.memory_space<vmem>>
        %dma_start3A_250 = arith.constant 0 : i32
        %dma_start3A_251 = arith.constant 0 : i32
        %dma_start3A_252 = tpu.memref_slice %arg3[%arg0, %dma_start3A_250, %dma_start3A_251] : memref<2x10000x128xf32, #tpu.memory_space<hbm>> -> memref<1x10000x128xf32, #tpu.memory_space<hbm>>
        %dma_start3A_253 = tpu.memref_squeeze %dma_start3A_252 : memref<1x10000x128xf32, #tpu.memory_space<hbm>> -> memref<10000x128xf32, #tpu.memory_space<hbm>>
        %dma_start3A_254 = arith.constant 0 : i32
        %dma_start3A_255 = arith.constant 0 : i32
        %dma_start3A_256 = tpu.memref_slice %dma_start3A_253[%dma_start3A_254, %dma_start3A_255] : memref<10000x128xf32, #tpu.memory_space<hbm>> -> memref<10000x128xf32, #tpu.memory_space<hbm>>
        tpu.enqueue_indirect_dma source(%dma_start3A_256 : memref<10000x128xf32, #tpu.memory_space<hbm>>) target(%dma_start3A_246 : memref<125x128xf32, #tpu.memory_space<vmem>>) offsets(%dma_start3A_249 : memref<125xi32, #tpu.memory_space<vmem>>) semaphore(%arg10 : memref<!tpu.dma_semaphore, #tpu.memory_space<semaphore_mem>>)
        %dma_start3A_257 = arith.constant 1 : i32
        %dma_start3A_258 = arith.constant 1 : i32
        %dma_start3A_259 = arith.constant 1 : i32
        %dma_start3A_260 = arith.constant 0 : i32
        %dma_start3A_261 = arith.constant 0 : i32
        %dma_start3A_262 = tpu.memref_slice %arg7[%dma_start3A_259, %dma_start3A_260, %dma_start3A_261] : memref<2x125x128xf32, #tpu.memory_space<vmem>> -> memref<1x125x128xf32, #tpu.memory_space<vmem>>
        %dma_start3A_263 = tpu.memref_squeeze %dma_start3A_262 : memref<1x125x128xf32, #tpu.memory_space<vmem>> -> memref<125x128xf32, #tpu.memory_space<vmem>>
        %dma_start3A_264 = arith.constant 0 : i32
        %dma_start3A_265 = tpu.memref_slice %arg5[%dma_start3A_257, %dma_start3A_258, %dma_start3A_264] : memref<2x16x125xi32, #tpu.memory_space<vmem>> -> memref<1x1x125xi32, #tpu.memory_space<vmem>>
        %dma_start3A_266 = tpu.memref_squeeze %dma_start3A_265 : memref<1x1x125xi32, #tpu.memory_space<vmem>> -> memref<125xi32, #tpu.memory_space<vmem>>
        %dma_start3A_267 = arith.constant 0 : i32
        %dma_start3A_268 = arith.constant 0 : i32
        %dma_start3A_269 = tpu.memref_slice %arg3[%arg0, %dma_start3A_267, %dma_start3A_268] : memref<2x10000x128xf32, #tpu.memory_space<hbm>> -> memref<1x10000x128xf32, #tpu.memory_space<hbm>>
        %dma_start3A_270 = tpu.memref_squeeze %dma_start3A_269 : memref<1x10000x128xf32, #tpu.memory_space<hbm>> -> memref<10000x128xf32, #tpu.memory_space<hbm>>
        %dma_start3A_271 = arith.constant 0 : i32
        %dma_start3A_272 = arith.constant 0 : i32
        %dma_start3A_273 = tpu.memref_slice %dma_start3A_270[%dma_start3A_271, %dma_start3A_272] : memref<10000x128xf32, #tpu.memory_space<hbm>> -> memref<10000x128xf32, #tpu.memory_space<hbm>>
        tpu.enqueue_indirect_dma source(%dma_start3A_273 : memref<10000x128xf32, #tpu.memory_space<hbm>>) target(%dma_start3A_263 : memref<125x128xf32, #tpu.memory_space<vmem>>) offsets(%dma_start3A_266 : memref<125xi32, #tpu.memory_space<vmem>>) semaphore(%arg11 : memref<!tpu.dma_semaphore, #tpu.memory_space<semaphore_mem>>)
      } else {
      }
      %mul3A_174 = arith.constant 2 : i32
      %mul3A_175 = arith.muli %mul3A_174, %scan3A_150 : i32
      %add3A_176 = arith.constant 1 : i32
      %add3A_177 = arith.addi %mul3A_175, %add3A_176 : i32
      %add3A_178 = arith.constant 1 : i32
      %add3A_179 = arith.addi %add3A_177, %add3A_178 : i32
      %lt3A_180 = arith.constant 10 : i32
      %lt3A_181 = arith.cmpi slt, %add3A_179, %lt3A_180 : i32
      %convert_element_type3A_182 = arith.extui %lt3A_181 : i1 to i32
      %cond3A_183 = arith.constant 0 : i32
      %cond3A_184 = arith.cmpi ne, %convert_element_type3A_182, %cond3A_183 : i32
      scf.if %cond3A_184 {
        %add3A_200 = arith.constant 1 : i32
        %add3A_201 = arith.addi %add3A_177, %add3A_200 : i32
        %mul3A_202 = arith.constant 16 : i32
        %mul3A_203 = arith.muli %add3A_201, %mul3A_202 : i32
        %dma_start3A_204 = arith.constant 0 : i32
        %dma_start3A_205 = arith.constant 0 : i32
        %dma_start3A_206 = arith.constant 0 : i32
        %dma_start3A_207 = arith.constant 0 : i32
        %dma_start3A_208 = tpu.memref_slice %arg5[%dma_start3A_205, %dma_start3A_206, %dma_start3A_207] : memref<2x16x125xi32, #tpu.memory_space<vmem>> -> memref<1x16x125xi32, #tpu.memory_space<vmem>>
        %dma_start3A_209 = tpu.memref_squeeze %dma_start3A_208 : memref<1x16x125xi32, #tpu.memory_space<vmem>> -> memref<16x125xi32, #tpu.memory_space<vmem>>
        %dma_start3A_210 = arith.constant 0 : i32
        %dma_start3A_211 = tpu.memref_slice %arg2[%dma_start3A_204, %arg1, %mul3A_203, %dma_start3A_210] : memref<2x16x160x125xi32, #tpu.memory_space<hbm>> -> memref<1x1x16x125xi32, #tpu.memory_space<hbm>>
        %dma_start3A_212 = tpu.memref_squeeze %dma_start3A_211 : memref<1x1x16x125xi32, #tpu.memory_space<hbm>> -> memref<16x125xi32, #tpu.memory_space<hbm>>
        %dma_start3A_213 = arith.constant 0 : i32
        %dma_start3A_214 = arith.constant 0 : i32
        %dma_start3A_215 = tpu.memref_slice %arg5[%dma_start3A_205, %dma_start3A_213, %dma_start3A_214] : memref<2x16x125xi32, #tpu.memory_space<vmem>> -> memref<1x16x125xi32, #tpu.memory_space<vmem>>
        %dma_start3A_216 = tpu.memref_squeeze %dma_start3A_215 : memref<1x16x125xi32, #tpu.memory_space<vmem>> -> memref<16x125xi32, #tpu.memory_space<vmem>>
        %dma_start3A_217 = arith.constant 0 : i32
        %dma_start3A_218 = tpu.memref_slice %arg2[%dma_start3A_204, %arg1, %mul3A_203, %dma_start3A_217] : memref<2x16x160x125xi32, #tpu.memory_space<hbm>> -> memref<1x1x16x125xi32, #tpu.memory_space<hbm>>
        %dma_start3A_219 = tpu.memref_squeeze %dma_start3A_218 : memref<1x1x16x125xi32, #tpu.memory_space<hbm>> -> memref<16x125xi32, #tpu.memory_space<hbm>>
        tpu.enqueue_dma source(%dma_start3A_219 : memref<16x125xi32, #tpu.memory_space<hbm>>) target(%dma_start3A_216 : memref<16x125xi32, #tpu.memory_space<vmem>>) target_semaphore(%arg9 : memref<!tpu.dma_semaphore, #tpu.memory_space<semaphore_mem>>)
        %add3A_220 = arith.constant 1 : i32
        %add3A_221 = arith.addi %add3A_177, %add3A_220 : i32
        %mul3A_222 = arith.constant 16 : i32
        %mul3A_223 = arith.muli %add3A_221, %mul3A_222 : i32
        %dma_start3A_224 = arith.constant 1 : i32
        %dma_start3A_225 = arith.constant 0 : i32
        %dma_start3A_226 = arith.constant 0 : i32
        %dma_start3A_227 = arith.constant 0 : i32
        %dma_start3A_228 = tpu.memref_slice %arg6[%dma_start3A_225, %dma_start3A_226, %dma_start3A_227] : memref<2x16x125xi32, #tpu.memory_space<vmem>> -> memref<1x16x125xi32, #tpu.memory_space<vmem>>
        %dma_start3A_229 = tpu.memref_squeeze %dma_start3A_228 : memref<1x16x125xi32, #tpu.memory_space<vmem>> -> memref<16x125xi32, #tpu.memory_space<vmem>>
        %dma_start3A_230 = arith.constant 0 : i32
        %dma_start3A_231 = tpu.memref_slice %arg2[%dma_start3A_224, %arg1, %mul3A_223, %dma_start3A_230] : memref<2x16x160x125xi32, #tpu.memory_space<hbm>> -> memref<1x1x16x125xi32, #tpu.memory_space<hbm>>
        %dma_start3A_232 = tpu.memref_squeeze %dma_start3A_231 : memref<1x1x16x125xi32, #tpu.memory_space<hbm>> -> memref<16x125xi32, #tpu.memory_space<hbm>>
        %dma_start3A_233 = arith.constant 0 : i32
        %dma_start3A_234 = arith.constant 0 : i32
        %dma_start3A_235 = tpu.memref_slice %arg6[%dma_start3A_225, %dma_start3A_233, %dma_start3A_234] : memref<2x16x125xi32, #tpu.memory_space<vmem>> -> memref<1x16x125xi32, #tpu.memory_space<vmem>>
        %dma_start3A_236 = tpu.memref_squeeze %dma_start3A_235 : memref<1x16x125xi32, #tpu.memory_space<vmem>> -> memref<16x125xi32, #tpu.memory_space<vmem>>
        %dma_start3A_237 = arith.constant 0 : i32
        %dma_start3A_238 = tpu.memref_slice %arg2[%dma_start3A_224, %arg1, %mul3A_223, %dma_start3A_237] : memref<2x16x160x125xi32, #tpu.memory_space<hbm>> -> memref<1x1x16x125xi32, #tpu.memory_space<hbm>>
        %dma_start3A_239 = tpu.memref_squeeze %dma_start3A_238 : memref<1x1x16x125xi32, #tpu.memory_space<hbm>> -> memref<16x125xi32, #tpu.memory_space<hbm>>
        tpu.enqueue_dma source(%dma_start3A_239 : memref<16x125xi32, #tpu.memory_space<hbm>>) target(%dma_start3A_236 : memref<16x125xi32, #tpu.memory_space<vmem>>) target_semaphore(%arg9 : memref<!tpu.dma_semaphore, #tpu.memory_space<semaphore_mem>>)
      } else {
      }
      %scan3A_185 = arith.constant 0 : i32
      %scan3A_186 = arith.constant 0 : i32
      %scan3A_187 = arith.constant 8 : i32
      %scan3A_188 = arith.addi %scan3A_186, %scan3A_187 : i32
      %scan3A_189 = arith.constant 1 : i32
      %scan3A_190 = scf.for %scan3A_200 = %scan3A_186 to %scan3A_188 step %scan3A_189 iter_args(%scan3A_201 = %scan3A_185) -> (i32)  : i32 {
        %mul3A_202 = arith.constant 2 : i32
        %mul3A_203 = arith.muli %mul3A_202, %scan3A_200 : i32
        %add3A_204 = arith.constant 0 : i32
        %add3A_205 = arith.addi %mul3A_203, %add3A_204 : i32
        %dma_wait3A_206 = arith.constant 1 : i32
        %dma_wait3A_207 = arith.constant 0 : i32
        %dma_wait3A_208 = arith.constant 0 : i32
        %dma_wait3A_209 = arith.constant 0 : i32
        %dma_wait3A_210 = tpu.memref_slice %arg7[%dma_wait3A_207, %dma_wait3A_208, %dma_wait3A_209] : memref<2x125x128xf32, #tpu.memory_space<vmem>> -> memref<1x125x128xf32, #tpu.memory_space<vmem>>
        %dma_wait3A_211 = tpu.memref_squeeze %dma_wait3A_210 : memref<1x125x128xf32, #tpu.memory_space<vmem>> -> memref<125x128xf32, #tpu.memory_space<vmem>>
        %dma_wait3A_212 = arith.constant 0 : i32
        %dma_wait3A_213 = tpu.memref_slice %arg5[%dma_wait3A_206, %add3A_205, %dma_wait3A_212] : memref<2x16x125xi32, #tpu.memory_space<vmem>> -> memref<1x1x125xi32, #tpu.memory_space<vmem>>
        %dma_wait3A_214 = tpu.memref_squeeze %dma_wait3A_213 : memref<1x1x125xi32, #tpu.memory_space<vmem>> -> memref<125xi32, #tpu.memory_space<vmem>>
        %dma_wait3A_215 = arith.constant 0 : i32
        %dma_wait3A_216 = arith.constant 0 : i32
        %dma_wait3A_217 = tpu.memref_slice %arg3[%arg0, %dma_wait3A_215, %dma_wait3A_216] : memref<2x10000x128xf32, #tpu.memory_space<hbm>> -> memref<1x10000x128xf32, #tpu.memory_space<hbm>>
        %dma_wait3A_218 = tpu.memref_squeeze %dma_wait3A_217 : memref<1x10000x128xf32, #tpu.memory_space<hbm>> -> memref<10000x128xf32, #tpu.memory_space<hbm>>
        %dma_wait3A_219 = arith.constant 0 : i32
        %dma_wait3A_220 = arith.constant 0 : i32
        %dma_wait3A_221 = tpu.memref_slice %dma_wait3A_218[%dma_wait3A_219, %dma_wait3A_220] : memref<10000x128xf32, #tpu.memory_space<hbm>> -> memref<10000x128xf32, #tpu.memory_space<hbm>>
        tpu.wait_indirect_dma semaphore(%arg10 : memref<!tpu.dma_semaphore, #tpu.memory_space<semaphore_mem>>) src(%dma_wait3A_221 : memref<10000x128xf32, #tpu.memory_space<hbm>>) dst(%dma_wait3A_211 : memref<125x128xf32, #tpu.memory_space<vmem>>)
        %run_scoped3A_222 = arith.constant 0 : i32
        %run_scoped3A_223 = arith.constant 1 : i32
        "tpu.region"() ({
          %run_scoped3A_261 = tpu.sem_alloc : memref<!tpu.dma_semaphore, #tpu.memory_space<semaphore_mem>>
          %dma_start3A_262 = arith.constant 0 : i32
          %dma_start3A_263 = arith.constant 0 : i32
          %dma_start3A_264 = tpu.memref_slice %arg7[%run_scoped3A_222, %dma_start3A_262, %dma_start3A_263] : memref<2x125x128xf32, #tpu.memory_space<vmem>> -> memref<1x125x128xf32, #tpu.memory_space<vmem>>
          %dma_start3A_265 = tpu.memref_squeeze %dma_start3A_264 : memref<1x125x128xf32, #tpu.memory_space<vmem>> -> memref<125x128xf32, #tpu.memory_space<vmem>>
          %dma_start3A_266 = arith.constant 0 : i32
          %dma_start3A_267 = tpu.memref_slice %arg6[%run_scoped3A_223, %add3A_205, %dma_start3A_266] : memref<2x16x125xi32, #tpu.memory_space<vmem>> -> memref<1x1x125xi32, #tpu.memory_space<vmem>>
          %dma_start3A_268 = tpu.memref_squeeze %dma_start3A_267 : memref<1x1x125xi32, #tpu.memory_space<vmem>> -> memref<125xi32, #tpu.memory_space<vmem>>
          %dma_start3A_269 = arith.constant 0 : i32
          %dma_start3A_270 = arith.constant 0 : i32
          %dma_start3A_271 = tpu.memref_slice %arg8[%dma_start3A_269, %dma_start3A_270] : memref<10112x128xf32, #tpu.memory_space<vmem_shared>> -> memref<10112x128xf32, #tpu.memory_space<vmem_shared>>
          tpu.enqueue_indirect_dma source(%dma_start3A_265 : memref<125x128xf32, #tpu.memory_space<vmem>>) target(%dma_start3A_271 : memref<10112x128xf32, #tpu.memory_space<vmem_shared>>) offsets(%dma_start3A_268 : memref<125xi32, #tpu.memory_space<vmem>>) semaphore(%run_scoped3A_261 : memref<!tpu.dma_semaphore, #tpu.memory_space<semaphore_mem>>) {add = true}
          %dma_wait3A_272 = arith.constant 0 : i32
          %dma_wait3A_273 = arith.constant 0 : i32
          %dma_wait3A_274 = tpu.memref_slice %arg7[%run_scoped3A_222, %dma_wait3A_272, %dma_wait3A_273] : memref<2x125x128xf32, #tpu.memory_space<vmem>> -> memref<1x125x128xf32, #tpu.memory_space<vmem>>
          %dma_wait3A_275 = tpu.memref_squeeze %dma_wait3A_274 : memref<1x125x128xf32, #tpu.memory_space<vmem>> -> memref<125x128xf32, #tpu.memory_space<vmem>>
          %dma_wait3A_276 = arith.constant 0 : i32
          %dma_wait3A_277 = tpu.memref_slice %arg6[%run_scoped3A_223, %add3A_205, %dma_wait3A_276] : memref<2x16x125xi32, #tpu.memory_space<vmem>> -> memref<1x1x125xi32, #tpu.memory_space<vmem>>
          %dma_wait3A_278 = tpu.memref_squeeze %dma_wait3A_277 : memref<1x1x125xi32, #tpu.memory_space<vmem>> -> memref<125xi32, #tpu.memory_space<vmem>>
          %dma_wait3A_279 = arith.constant 0 : i32
          %dma_wait3A_280 = arith.constant 0 : i32
          %dma_wait3A_281 = tpu.memref_slice %arg8[%dma_wait3A_279, %dma_wait3A_280] : memref<10112x128xf32, #tpu.memory_space<vmem_shared>> -> memref<10112x128xf32, #tpu.memory_space<vmem_shared>>
          tpu.wait_indirect_dma semaphore(%run_scoped3A_261 : memref<!tpu.dma_semaphore, #tpu.memory_space<semaphore_mem>>) src(%dma_wait3A_275 : memref<125x128xf32, #tpu.memory_space<vmem>>) dst(%dma_wait3A_281 : memref<10112x128xf32, #tpu.memory_space<vmem_shared>>)
          tpu.yield
        }) : () -> ()
        %add3A_224 = arith.constant 2 : i32
        %add3A_225 = arith.addi %add3A_205, %add3A_224 : i32
        %lt3A_226 = arith.constant 16 : i32
        %lt3A_227 = arith.cmpi slt, %add3A_225, %lt3A_226 : i32
        %convert_element_type3A_228 = arith.extui %lt3A_227 : i1 to i32
        %cond3A_229 = arith.constant 0 : i32
        %cond3A_230 = arith.cmpi ne, %convert_element_type3A_228, %cond3A_229 : i32
        scf.if %cond3A_230 {
          %add3A_261 = arith.constant 2 : i32
          %add3A_262 = arith.addi %add3A_205, %add3A_261 : i32
          %dma_start3A_263 = arith.constant 1 : i32
          %dma_start3A_264 = arith.constant 0 : i32
          %dma_start3A_265 = arith.constant 0 : i32
          %dma_start3A_266 = arith.constant 0 : i32
          %dma_start3A_267 = tpu.memref_slice %arg7[%dma_start3A_264, %dma_start3A_265, %dma_start3A_266] : memref<2x125x128xf32, #tpu.memory_space<vmem>> -> memref<1x125x128xf32, #tpu.memory_space<vmem>>
          %dma_start3A_268 = tpu.memref_squeeze %dma_start3A_267 : memref<1x125x128xf32, #tpu.memory_space<vmem>> -> memref<125x128xf32, #tpu.memory_space<vmem>>
          %dma_start3A_269 = arith.constant 0 : i32
          %dma_start3A_270 = tpu.memref_slice %arg5[%dma_start3A_263, %add3A_262, %dma_start3A_269] : memref<2x16x125xi32, #tpu.memory_space<vmem>> -> memref<1x1x125xi32, #tpu.memory_space<vmem>>
          %dma_start3A_271 = tpu.memref_squeeze %dma_start3A_270 : memref<1x1x125xi32, #tpu.memory_space<vmem>> -> memref<125xi32, #tpu.memory_space<vmem>>
          %dma_start3A_272 = arith.constant 0 : i32
          %dma_start3A_273 = arith.constant 0 : i32
          %dma_start3A_274 = tpu.memref_slice %arg3[%arg0, %dma_start3A_272, %dma_start3A_273] : memref<2x10000x128xf32, #tpu.memory_space<hbm>> -> memref<1x10000x128xf32, #tpu.memory_space<hbm>>
          %dma_start3A_275 = tpu.memref_squeeze %dma_start3A_274 : memref<1x10000x128xf32, #tpu.memory_space<hbm>> -> memref<10000x128xf32, #tpu.memory_space<hbm>>
          %dma_start3A_276 = arith.constant 0 : i32
          %dma_start3A_277 = arith.constant 0 : i32
          %dma_start3A_278 = tpu.memref_slice %dma_start3A_275[%dma_start3A_276, %dma_start3A_277] : memref<10000x128xf32, #tpu.memory_space<hbm>> -> memref<10000x128xf32, #tpu.memory_space<hbm>>
          tpu.enqueue_indirect_dma source(%dma_start3A_278 : memref<10000x128xf32, #tpu.memory_space<hbm>>) target(%dma_start3A_268 : memref<125x128xf32, #tpu.memory_space<vmem>>) offsets(%dma_start3A_271 : memref<125xi32, #tpu.memory_space<vmem>>) semaphore(%arg10 : memref<!tpu.dma_semaphore, #tpu.memory_space<semaphore_mem>>)
        } else {
        }
        %mul3A_231 = arith.constant 2 : i32
        %mul3A_232 = arith.muli %mul3A_231, %scan3A_200 : i32
        %add3A_233 = arith.constant 1 : i32
        %add3A_234 = arith.addi %mul3A_232, %add3A_233 : i32
        %dma_wait3A_235 = arith.constant 1 : i32
        %dma_wait3A_236 = arith.constant 1 : i32
        %dma_wait3A_237 = arith.constant 0 : i32
        %dma_wait3A_238 = arith.constant 0 : i32
        %dma_wait3A_239 = tpu.memref_slice %arg7[%dma_wait3A_236, %dma_wait3A_237, %dma_wait3A_238] : memref<2x125x128xf32, #tpu.memory_space<vmem>> -> memref<1x125x128xf32, #tpu.memory_space<vmem>>
        %dma_wait3A_240 = tpu.memref_squeeze %dma_wait3A_239 : memref<1x125x128xf32, #tpu.memory_space<vmem>> -> memref<125x128xf32, #tpu.memory_space<vmem>>
        %dma_wait3A_241 = arith.constant 0 : i32
        %dma_wait3A_242 = tpu.memref_slice %arg5[%dma_wait3A_235, %add3A_234, %dma_wait3A_241] : memref<2x16x125xi32, #tpu.memory_space<vmem>> -> memref<1x1x125xi32, #tpu.memory_space<vmem>>
        %dma_wait3A_243 = tpu.memref_squeeze %dma_wait3A_242 : memref<1x1x125xi32, #tpu.memory_space<vmem>> -> memref<125xi32, #tpu.memory_space<vmem>>
        %dma_wait3A_244 = arith.constant 0 : i32
        %dma_wait3A_245 = arith.constant 0 : i32
        %dma_wait3A_246 = tpu.memref_slice %arg3[%arg0, %dma_wait3A_244, %dma_wait3A_245] : memref<2x10000x128xf32, #tpu.memory_space<hbm>> -> memref<1x10000x128xf32, #tpu.memory_space<hbm>>
        %dma_wait3A_247 = tpu.memref_squeeze %dma_wait3A_246 : memref<1x10000x128xf32, #tpu.memory_space<hbm>> -> memref<10000x128xf32, #tpu.memory_space<hbm>>
        %dma_wait3A_248 = arith.constant 0 : i32
        %dma_wait3A_249 = arith.constant 0 : i32
        %dma_wait3A_250 = tpu.memref_slice %dma_wait3A_247[%dma_wait3A_248, %dma_wait3A_249] : memref<10000x128xf32, #tpu.memory_space<hbm>> -> memref<10000x128xf32, #tpu.memory_space<hbm>>
        tpu.wait_indirect_dma semaphore(%arg11 : memref<!tpu.dma_semaphore, #tpu.memory_space<semaphore_mem>>) src(%dma_wait3A_250 : memref<10000x128xf32, #tpu.memory_space<hbm>>) dst(%dma_wait3A_240 : memref<125x128xf32, #tpu.memory_space<vmem>>)
        %run_scoped3A_251 = arith.constant 1 : i32
        %run_scoped3A_252 = arith.constant 1 : i32
        "tpu.region"() ({
          %run_scoped3A_261 = tpu.sem_alloc : memref<!tpu.dma_semaphore, #tpu.memory_space<semaphore_mem>>
          %dma_start3A_262 = arith.constant 0 : i32
          %dma_start3A_263 = arith.constant 0 : i32
          %dma_start3A_264 = tpu.memref_slice %arg7[%run_scoped3A_251, %dma_start3A_262, %dma_start3A_263] : memref<2x125x128xf32, #tpu.memory_space<vmem>> -> memref<1x125x128xf32, #tpu.memory_space<vmem>>
          %dma_start3A_265 = tpu.memref_squeeze %dma_start3A_264 : memref<1x125x128xf32, #tpu.memory_space<vmem>> -> memref<125x128xf32, #tpu.memory_space<vmem>>
          %dma_start3A_266 = arith.constant 0 : i32
          %dma_start3A_267 = tpu.memref_slice %arg6[%run_scoped3A_252, %add3A_234, %dma_start3A_266] : memref<2x16x125xi32, #tpu.memory_space<vmem>> -> memref<1x1x125xi32, #tpu.memory_space<vmem>>
          %dma_start3A_268 = tpu.memref_squeeze %dma_start3A_267 : memref<1x1x125xi32, #tpu.memory_space<vmem>> -> memref<125xi32, #tpu.memory_space<vmem>>
          %dma_start3A_269 = arith.constant 0 : i32
          %dma_start3A_270 = arith.constant 0 : i32
          %dma_start3A_271 = tpu.memref_slice %arg8[%dma_start3A_269, %dma_start3A_270] : memref<10112x128xf32, #tpu.memory_space<vmem_shared>> -> memref<10112x128xf32, #tpu.memory_space<vmem_shared>>
          tpu.enqueue_indirect_dma source(%dma_start3A_265 : memref<125x128xf32, #tpu.memory_space<vmem>>) target(%dma_start3A_271 : memref<10112x128xf32, #tpu.memory_space<vmem_shared>>) offsets(%dma_start3A_268 : memref<125xi32, #tpu.memory_space<vmem>>) semaphore(%run_scoped3A_261 : memref<!tpu.dma_semaphore, #tpu.memory_space<semaphore_mem>>) {add = true}
          %dma_wait3A_272 = arith.constant 0 : i32
          %dma_wait3A_273 = arith.constant 0 : i32
          %dma_wait3A_274 = tpu.memref_slice %arg7[%run_scoped3A_251, %dma_wait3A_272, %dma_wait3A_273] : memref<2x125x128xf32, #tpu.memory_space<vmem>> -> memref<1x125x128xf32, #tpu.memory_space<vmem>>
          %dma_wait3A_275 = tpu.memref_squeeze %dma_wait3A_274 : memref<1x125x128xf32, #tpu.memory_space<vmem>> -> memref<125x128xf32, #tpu.memory_space<vmem>>
          %dma_wait3A_276 = arith.constant 0 : i32
          %dma_wait3A_277 = tpu.memref_slice %arg6[%run_scoped3A_252, %add3A_234, %dma_wait3A_276] : memref<2x16x125xi32, #tpu.memory_space<vmem>> -> memref<1x1x125xi32, #tpu.memory_space<vmem>>
          %dma_wait3A_278 = tpu.memref_squeeze %dma_wait3A_277 : memref<1x1x125xi32, #tpu.memory_space<vmem>> -> memref<125xi32, #tpu.memory_space<vmem>>
          %dma_wait3A_279 = arith.constant 0 : i32
          %dma_wait3A_280 = arith.constant 0 : i32
          %dma_wait3A_281 = tpu.memref_slice %arg8[%dma_wait3A_279, %dma_wait3A_280] : memref<10112x128xf32, #tpu.memory_space<vmem_shared>> -> memref<10112x128xf32, #tpu.memory_space<vmem_shared>>
          tpu.wait_indirect_dma semaphore(%run_scoped3A_261 : memref<!tpu.dma_semaphore, #tpu.memory_space<semaphore_mem>>) src(%dma_wait3A_275 : memref<125x128xf32, #tpu.memory_space<vmem>>) dst(%dma_wait3A_281 : memref<10112x128xf32, #tpu.memory_space<vmem_shared>>)
          tpu.yield
        }) : () -> ()
        %add3A_253 = arith.constant 2 : i32
        %add3A_254 = arith.addi %add3A_234, %add3A_253 : i32
        %lt3A_255 = arith.constant 16 : i32
        %lt3A_256 = arith.cmpi slt, %add3A_254, %lt3A_255 : i32
        %convert_element_type3A_257 = arith.extui %lt3A_256 : i1 to i32
        %cond3A_258 = arith.constant 0 : i32
        %cond3A_259 = arith.cmpi ne, %convert_element_type3A_257, %cond3A_258 : i32
        scf.if %cond3A_259 {
          %add3A_261 = arith.constant 2 : i32
          %add3A_262 = arith.addi %add3A_234, %add3A_261 : i32
          %dma_start3A_263 = arith.constant 1 : i32
          %dma_start3A_264 = arith.constant 1 : i32
          %dma_start3A_265 = arith.constant 0 : i32
          %dma_start3A_266 = arith.constant 0 : i32
          %dma_start3A_267 = tpu.memref_slice %arg7[%dma_start3A_264, %dma_start3A_265, %dma_start3A_266] : memref<2x125x128xf32, #tpu.memory_space<vmem>> -> memref<1x125x128xf32, #tpu.memory_space<vmem>>
          %dma_start3A_268 = tpu.memref_squeeze %dma_start3A_267 : memref<1x125x128xf32, #tpu.memory_space<vmem>> -> memref<125x128xf32, #tpu.memory_space<vmem>>
          %dma_start3A_269 = arith.constant 0 : i32
          %dma_start3A_270 = tpu.memref_slice %arg5[%dma_start3A_263, %add3A_262, %dma_start3A_269] : memref<2x16x125xi32, #tpu.memory_space<vmem>> -> memref<1x1x125xi32, #tpu.memory_space<vmem>>
          %dma_start3A_271 = tpu.memref_squeeze %dma_start3A_270 : memref<1x1x125xi32, #tpu.memory_space<vmem>> -> memref<125xi32, #tpu.memory_space<vmem>>
          %dma_start3A_272 = arith.constant 0 : i32
          %dma_start3A_273 = arith.constant 0 : i32
          %dma_start3A_274 = tpu.memref_slice %arg3[%arg0, %dma_start3A_272, %dma_start3A_273] : memref<2x10000x128xf32, #tpu.memory_space<hbm>> -> memref<1x10000x128xf32, #tpu.memory_space<hbm>>
          %dma_start3A_275 = tpu.memref_squeeze %dma_start3A_274 : memref<1x10000x128xf32, #tpu.memory_space<hbm>> -> memref<10000x128xf32, #tpu.memory_space<hbm>>
          %dma_start3A_276 = arith.constant 0 : i32
          %dma_start3A_277 = arith.constant 0 : i32
          %dma_start3A_278 = tpu.memref_slice %dma_start3A_275[%dma_start3A_276, %dma_start3A_277] : memref<10000x128xf32, #tpu.memory_space<hbm>> -> memref<10000x128xf32, #tpu.memory_space<hbm>>
          tpu.enqueue_indirect_dma source(%dma_start3A_278 : memref<10000x128xf32, #tpu.memory_space<hbm>>) target(%dma_start3A_268 : memref<125x128xf32, #tpu.memory_space<vmem>>) offsets(%dma_start3A_271 : memref<125xi32, #tpu.memory_space<vmem>>) semaphore(%arg11 : memref<!tpu.dma_semaphore, #tpu.memory_space<semaphore_mem>>)
        } else {
        }
        %scan3A_260 = arith.constant 0 : i32
        scf.yield %scan3A_260 : i32
      }
      %scan3A_191 = arith.constant 8 : i32
      %add3A_192 = arith.constant 1 : i32
      %add3A_193 = arith.addi %add3A_177, %add3A_192 : i32
      %lt3A_194 = arith.constant 10 : i32
      %lt3A_195 = arith.cmpi slt, %add3A_193, %lt3A_194 : i32
      %convert_element_type3A_196 = arith.extui %lt3A_195 : i1 to i32
      %cond3A_197 = arith.constant 0 : i32
      %cond3A_198 = arith.cmpi ne, %convert_element_type3A_196, %cond3A_197 : i32
      scf.if %cond3A_198 {
        %add3A_200 = arith.constant 1 : i32
        %add3A_201 = arith.addi %add3A_177, %add3A_200 : i32
        %mul3A_202 = arith.constant 16 : i32
        %mul3A_203 = arith.muli %add3A_201, %mul3A_202 : i32
        %dma_wait3A_204 = arith.constant 0 : i32
        %dma_wait3A_205 = arith.constant 0 : i32
        %dma_wait3A_206 = arith.constant 0 : i32
        %dma_wait3A_207 = arith.constant 0 : i32
        %dma_wait3A_208 = tpu.memref_slice %arg5[%dma_wait3A_205, %dma_wait3A_206, %dma_wait3A_207] : memref<2x16x125xi32, #tpu.memory_space<vmem>> -> memref<1x16x125xi32, #tpu.memory_space<vmem>>
        %dma_wait3A_209 = tpu.memref_squeeze %dma_wait3A_208 : memref<1x16x125xi32, #tpu.memory_space<vmem>> -> memref<16x125xi32, #tpu.memory_space<vmem>>
        %dma_wait3A_210 = arith.constant 0 : i32
        %dma_wait3A_211 = tpu.memref_slice %arg2[%dma_wait3A_204, %arg1, %mul3A_203, %dma_wait3A_210] : memref<2x16x160x125xi32, #tpu.memory_space<hbm>> -> memref<1x1x16x125xi32, #tpu.memory_space<hbm>>
        %dma_wait3A_212 = tpu.memref_squeeze %dma_wait3A_211 : memref<1x1x16x125xi32, #tpu.memory_space<hbm>> -> memref<16x125xi32, #tpu.memory_space<hbm>>
        %dma_wait3A_213 = arith.constant 0 : i32
        %dma_wait3A_214 = arith.constant 0 : i32
        %dma_wait3A_215 = tpu.memref_slice %arg5[%dma_wait3A_205, %dma_wait3A_213, %dma_wait3A_214] : memref<2x16x125xi32, #tpu.memory_space<vmem>> -> memref<1x16x125xi32, #tpu.memory_space<vmem>>
        %dma_wait3A_216 = tpu.memref_squeeze %dma_wait3A_215 : memref<1x16x125xi32, #tpu.memory_space<vmem>> -> memref<16x125xi32, #tpu.memory_space<vmem>>
        %dma_wait3A_217 = arith.constant 0 : i32
        %dma_wait3A_218 = tpu.memref_slice %arg2[%dma_wait3A_204, %arg1, %mul3A_203, %dma_wait3A_217] : memref<2x16x160x125xi32, #tpu.memory_space<hbm>> -> memref<1x1x16x125xi32, #tpu.memory_space<hbm>>
        %dma_wait3A_219 = tpu.memref_squeeze %dma_wait3A_218 : memref<1x1x16x125xi32, #tpu.memory_space<hbm>> -> memref<16x125xi32, #tpu.memory_space<hbm>>
        tpu.wait_dma2 semaphore(%arg9 : memref<!tpu.dma_semaphore, #tpu.memory_space<semaphore_mem>>) src(%dma_wait3A_219 : memref<16x125xi32, #tpu.memory_space<hbm>>) dst(%dma_wait3A_216 : memref<16x125xi32, #tpu.memory_space<vmem>>)
        %add3A_220 = arith.constant 1 : i32
        %add3A_221 = arith.addi %add3A_177, %add3A_220 : i32
        %mul3A_222 = arith.constant 16 : i32
        %mul3A_223 = arith.muli %add3A_221, %mul3A_222 : i32
        %dma_wait3A_224 = arith.constant 1 : i32
        %dma_wait3A_225 = arith.constant 0 : i32
        %dma_wait3A_226 = arith.constant 0 : i32
        %dma_wait3A_227 = arith.constant 0 : i32
        %dma_wait3A_228 = tpu.memref_slice %arg6[%dma_wait3A_225, %dma_wait3A_226, %dma_wait3A_227] : memref<2x16x125xi32, #tpu.memory_space<vmem>> -> memref<1x16x125xi32, #tpu.memory_space<vmem>>
        %dma_wait3A_229 = tpu.memref_squeeze %dma_wait3A_228 : memref<1x16x125xi32, #tpu.memory_space<vmem>> -> memref<16x125xi32, #tpu.memory_space<vmem>>
        %dma_wait3A_230 = arith.constant 0 : i32
        %dma_wait3A_231 = tpu.memref_slice %arg2[%dma_wait3A_224, %arg1, %mul3A_223, %dma_wait3A_230] : memref<2x16x160x125xi32, #tpu.memory_space<hbm>> -> memref<1x1x16x125xi32, #tpu.memory_space<hbm>>
        %dma_wait3A_232 = tpu.memref_squeeze %dma_wait3A_231 : memref<1x1x16x125xi32, #tpu.memory_space<hbm>> -> memref<16x125xi32, #tpu.memory_space<hbm>>
        %dma_wait3A_233 = arith.constant 0 : i32
        %dma_wait3A_234 = arith.constant 0 : i32
        %dma_wait3A_235 = tpu.memref_slice %arg6[%dma_wait3A_225, %dma_wait3A_233, %dma_wait3A_234] : memref<2x16x125xi32, #tpu.memory_space<vmem>> -> memref<1x16x125xi32, #tpu.memory_space<vmem>>
        %dma_wait3A_236 = tpu.memref_squeeze %dma_wait3A_235 : memref<1x16x125xi32, #tpu.memory_space<vmem>> -> memref<16x125xi32, #tpu.memory_space<vmem>>
        %dma_wait3A_237 = arith.constant 0 : i32
        %dma_wait3A_238 = tpu.memref_slice %arg2[%dma_wait3A_224, %arg1, %mul3A_223, %dma_wait3A_237] : memref<2x16x160x125xi32, #tpu.memory_space<hbm>> -> memref<1x1x16x125xi32, #tpu.memory_space<hbm>>
        %dma_wait3A_239 = tpu.memref_squeeze %dma_wait3A_238 : memref<1x1x16x125xi32, #tpu.memory_space<hbm>> -> memref<16x125xi32, #tpu.memory_space<hbm>>
        tpu.wait_dma2 semaphore(%arg9 : memref<!tpu.dma_semaphore, #tpu.memory_space<semaphore_mem>>) src(%dma_wait3A_239 : memref<16x125xi32, #tpu.memory_space<hbm>>) dst(%dma_wait3A_236 : memref<16x125xi32, #tpu.memory_space<vmem>>)
        %dma_start3A_240 = arith.constant 0 : i32
        %dma_start3A_241 = arith.constant 0 : i32
        %dma_start3A_242 = arith.constant 0 : i32
        %dma_start3A_243 = arith.constant 0 : i32
        %dma_start3A_244 = arith.constant 0 : i32
        %dma_start3A_245 = tpu.memref_slice %arg7[%dma_start3A_242, %dma_start3A_243, %dma_start3A_244] : memref<2x125x128xf32, #tpu.memory_space<vmem>> -> memref<1x125x128xf32, #tpu.memory_space<vmem>>
        %dma_start3A_246 = tpu.memref_squeeze %dma_start3A_245 : memref<1x125x128xf32, #tpu.memory_space<vmem>> -> memref<125x128xf32, #tpu.memory_space<vmem>>
        %dma_start3A_247 = arith.constant 0 : i32
        %dma_start3A_248 = tpu.memref_slice %arg5[%dma_start3A_240, %dma_start3A_241, %dma_start3A_247] : memref<2x16x125xi32, #tpu.memory_space<vmem>> -> memref<1x1x125xi32, #tpu.memory_space<vmem>>
        %dma_start3A_249 = tpu.memref_squeeze %dma_start3A_248 : memref<1x1x125xi32, #tpu.memory_space<vmem>> -> memref<125xi32, #tpu.memory_space<vmem>>
        %dma_start3A_250 = arith.constant 0 : i32
        %dma_start3A_251 = arith.constant 0 : i32
        %dma_start3A_252 = tpu.memref_slice %arg3[%arg0, %dma_start3A_250, %dma_start3A_251] : memref<2x10000x128xf32, #tpu.memory_space<hbm>> -> memref<1x10000x128xf32, #tpu.memory_space<hbm>>
        %dma_start3A_253 = tpu.memref_squeeze %dma_start3A_252 : memref<1x10000x128xf32, #tpu.memory_space<hbm>> -> memref<10000x128xf32, #tpu.memory_space<hbm>>
        %dma_start3A_254 = arith.constant 0 : i32
        %dma_start3A_255 = arith.constant 0 : i32
        %dma_start3A_256 = tpu.memref_slice %dma_start3A_253[%dma_start3A_254, %dma_start3A_255] : memref<10000x128xf32, #tpu.memory_space<hbm>> -> memref<10000x128xf32, #tpu.memory_space<hbm>>
        tpu.enqueue_indirect_dma source(%dma_start3A_256 : memref<10000x128xf32, #tpu.memory_space<hbm>>) target(%dma_start3A_246 : memref<125x128xf32, #tpu.memory_space<vmem>>) offsets(%dma_start3A_249 : memref<125xi32, #tpu.memory_space<vmem>>) semaphore(%arg10 : memref<!tpu.dma_semaphore, #tpu.memory_space<semaphore_mem>>)
        %dma_start3A_257 = arith.constant 0 : i32
        %dma_start3A_258 = arith.constant 1 : i32
        %dma_start3A_259 = arith.constant 1 : i32
        %dma_start3A_260 = arith.constant 0 : i32
        %dma_start3A_261 = arith.constant 0 : i32
        %dma_start3A_262 = tpu.memref_slice %arg7[%dma_start3A_259, %dma_start3A_260, %dma_start3A_261] : memref<2x125x128xf32, #tpu.memory_space<vmem>> -> memref<1x125x128xf32, #tpu.memory_space<vmem>>
        %dma_start3A_263 = tpu.memref_squeeze %dma_start3A_262 : memref<1x125x128xf32, #tpu.memory_space<vmem>> -> memref<125x128xf32, #tpu.memory_space<vmem>>
        %dma_start3A_264 = arith.constant 0 : i32
        %dma_start3A_265 = tpu.memref_slice %arg5[%dma_start3A_257, %dma_start3A_258, %dma_start3A_264] : memref<2x16x125xi32, #tpu.memory_space<vmem>> -> memref<1x1x125xi32, #tpu.memory_space<vmem>>
        %dma_start3A_266 = tpu.memref_squeeze %dma_start3A_265 : memref<1x1x125xi32, #tpu.memory_space<vmem>> -> memref<125xi32, #tpu.memory_space<vmem>>
        %dma_start3A_267 = arith.constant 0 : i32
        %dma_start3A_268 = arith.constant 0 : i32
        %dma_start3A_269 = tpu.memref_slice %arg3[%arg0, %dma_start3A_267, %dma_start3A_268] : memref<2x10000x128xf32, #tpu.memory_space<hbm>> -> memref<1x10000x128xf32, #tpu.memory_space<hbm>>
        %dma_start3A_270 = tpu.memref_squeeze %dma_start3A_269 : memref<1x10000x128xf32, #tpu.memory_space<hbm>> -> memref<10000x128xf32, #tpu.memory_space<hbm>>
        %dma_start3A_271 = arith.constant 0 : i32
        %dma_start3A_272 = arith.constant 0 : i32
        %dma_start3A_273 = tpu.memref_slice %dma_start3A_270[%dma_start3A_271, %dma_start3A_272] : memref<10000x128xf32, #tpu.memory_space<hbm>> -> memref<10000x128xf32, #tpu.memory_space<hbm>>
        tpu.enqueue_indirect_dma source(%dma_start3A_273 : memref<10000x128xf32, #tpu.memory_space<hbm>>) target(%dma_start3A_263 : memref<125x128xf32, #tpu.memory_space<vmem>>) offsets(%dma_start3A_266 : memref<125xi32, #tpu.memory_space<vmem>>) semaphore(%arg11 : memref<!tpu.dma_semaphore, #tpu.memory_space<semaphore_mem>>)
      } else {
      }
      %scan3A_199 = arith.constant 0 : i32
      scf.yield %scan3A_199 : i32
    }
    %scan3A_144 = arith.constant 5 : i32
    %barrier3A_145 = arith.constant 0 : index
    tpu.barrier barrier_id(%barrier3A_145)
    %mul3A_146 = arith.constant 632 : i32
    %mul3A_147 = arith.muli %arg1, %mul3A_146 : i32
    %mul3A_148 = arith.constant 632 : i32
    %mul3A_149 = arith.muli %arg1, %mul3A_148 : i32
    "tpu.region"() ({
      %run_scoped3A_150 = tpu.sem_alloc : memref<!tpu.dma_semaphore, #tpu.memory_space<semaphore_mem>>
      %dma_start3A_151 = arith.constant 0 : i32
      %dma_start3A_152 = tpu.memref_slice %arg4[%arg0, %mul3A_149, %dma_start3A_151] : memref<2x10112x128xf32, #tpu.memory_space<hbm>> -> memref<1x632x128xf32, #tpu.memory_space<hbm>>
      %dma_start3A_153 = tpu.memref_squeeze %dma_start3A_152 : memref<1x632x128xf32, #tpu.memory_space<hbm>> -> memref<632x128xf32, #tpu.memory_space<hbm>>
      %dma_start3A_154 = arith.constant 0 : i32
      %dma_start3A_155 = tpu.memref_slice %arg8[%mul3A_147, %dma_start3A_154] : memref<10112x128xf32, #tpu.memory_space<vmem_shared>> -> memref<632x128xf32, #tpu.memory_space<vmem_shared>>
      tpu.enqueue_dma source(%dma_start3A_155 : memref<632x128xf32, #tpu.memory_space<vmem_shared>>) target(%dma_start3A_153 : memref<632x128xf32, #tpu.memory_space<hbm>>) target_semaphore(%run_scoped3A_150 : memref<!tpu.dma_semaphore, #tpu.memory_space<semaphore_mem>>)
      %dma_wait3A_156 = arith.constant 0 : i32
      %dma_wait3A_157 = tpu.memref_slice %arg4[%arg0, %mul3A_149, %dma_wait3A_156] : memref<2x10112x128xf32, #tpu.memory_space<hbm>> -> memref<1x632x128xf32, #tpu.memory_space<hbm>>
      %dma_wait3A_158 = tpu.memref_squeeze %dma_wait3A_157 : memref<1x632x128xf32, #tpu.memory_space<hbm>> -> memref<632x128xf32, #tpu.memory_space<hbm>>
      %dma_wait3A_159 = arith.constant 0 : i32
      %dma_wait3A_160 = tpu.memref_slice %arg8[%mul3A_147, %dma_wait3A_159] : memref<10112x128xf32, #tpu.memory_space<vmem_shared>> -> memref<632x128xf32, #tpu.memory_space<vmem_shared>>
      tpu.wait_dma2 semaphore(%run_scoped3A_150 : memref<!tpu.dma_semaphore, #tpu.memory_space<semaphore_mem>>) src(%dma_wait3A_160 : memref<632x128xf32, #tpu.memory_space<vmem_shared>>) dst(%dma_wait3A_158 : memref<632x128xf32, #tpu.memory_space<hbm>>)
      tpu.yield
    }) : () -> ()
    return
  }
}

module attributes {stable_mosaic.version = 14 : i64} {
  func.func @_enc_body(%arg0: i32, %arg1: memref<2000x128xf32, #tpu.memory_space<vmem>>, %arg2: memref<128x128xf32, #tpu.memory_space<vmem>>, %arg3: memref<1x128xf32, #tpu.memory_space<vmem>>, %arg4: memref<1x1xf32, #tpu.memory_space<smem>>, %arg5: memref<2000x128xf32, #tpu.memory_space<vmem>>, %arg6: memref<2x2000x128xf32, #tpu.memory_space<vmem>>, %arg7: memref<10000x128xf32, #tpu.memory_space<vmem>>, %arg8: memref<1x128xf32, #tpu.memory_space<vmem>>) attributes {dimension_semantics = [#tpu.dimension_semantics<arbitrary>], iteration_bounds = array<i64: 10>, scalar_prefetch = 0 : i64, scratch_operands = 2 : i64, tpu.core_type = #tpu.core_type<tc>, window_params = [{transform_indices = @transform_0, window_bounds = array<i64: 2000, 128>}, {pipeline_mode = #tpu.pipeline_mode<synchronous>, transform_indices = @transform_1, window_bounds = array<i64: 128, 128>}, {pipeline_mode = #tpu.pipeline_mode<synchronous>, transform_indices = @transform_2, window_bounds = array<i64: 1, 128>}, {transform_indices = @transform_3, window_bounds = array<i64: 1, 1>}, {transform_indices = @transform_4, window_bounds = array<i64: 2000, 128>}, {transform_indices = @transform_5, window_bounds = array<i64: 2, 2000, 128>}]} {
    %lt3A = arith.constant 5 : i32
    %lt3A_0 = arith.cmpi slt, %arg0, %lt3A : i32
    %convert_element_type3A = arith.extui %lt3A_0 : i1 to i32
    %cond3A = arith.constant 0 : i32
    %cond3A_1 = arith.cmpi ne, %convert_element_type3A, %cond3A : i32
    scf.if %cond3A_1 {
      %get3A = arith.constant 0 : index
      %get3A_6 = arith.constant 0 : index
      %get3A_7 = vector.load %arg1[%get3A, %get3A_6] : memref<2000x128xf32, #tpu.memory_space<vmem>>, vector<2000x128xf32>
      %get3A_8 = arith.constant 0 : index
      %get3A_9 = arith.constant 0 : index
      %get3A_10 = vector.load %arg2[%get3A_8, %get3A_9] : memref<128x128xf32, #tpu.memory_space<vmem>>, vector<128x128xf32>
      %dot_general3A = arith.constant dense<0.000000e+00> : vector<2000x128xf32>
      %dot_general3A_11 = tpu.matmul %get3A_7, %get3A_10, %dot_general3A {dimension_numbers = #tpu.dot_dimension_numbers<[1], [0], [0], [1], [0, 0, 1, 1], [], []>, transpose_lhs_hint = false} : vector<2000x128xf32>, vector<128x128xf32>, vector<2000x128xf32> -> vector<2000x128xf32>
      %get3A_12 = arith.constant 0 : index
      %get3A_13 = arith.constant 0 : index
      %get3A_14 = vector.load %arg3[%get3A_12, %get3A_13] : memref<1x128xf32, #tpu.memory_space<vmem>>, vector<1x128xf32>
      %add3A = vector.broadcast %get3A_14 : vector<1x128xf32> to vector<2000x128xf32>
      %add3A_15 = arith.addf %dot_general3A_11, %add3A : vector<2000x128xf32>
      %swap3A = arith.constant 0 : index
      %swap3A_16 = arith.constant 0 : index
      %swap3A_17 = vector.load %arg5[%swap3A, %swap3A_16] : memref<2000x128xf32, #tpu.memory_space<vmem>>, vector<2000x128xf32>
      tpu.vector_store %arg5[%swap3A, %swap3A_16], %add3A_15 {strides = array<i32>} : memref<2000x128xf32, #tpu.memory_space<vmem>>, vector<2000x128xf32>,
      %mul3A = arith.constant 2000 : i32
      %mul3A_18 = arith.muli %arg0, %mul3A : i32
      %swap3A_19 = arith.index_cast %mul3A_18 : i32 to index
      %swap3A_20 = arith.constant 0 : index
      %swap3A_21 = vector.load %arg7[%swap3A_19, %swap3A_20] : memref<10000x128xf32, #tpu.memory_space<vmem>>, vector<2000x128xf32>
      tpu.vector_store %arg7[%swap3A_19, %swap3A_20], %add3A_15 {strides = array<i32>} : memref<10000x128xf32, #tpu.memory_space<vmem>>, vector<2000x128xf32>,
      %max3A = arith.constant 0.000000e+00 : f32
      %max3A_22 = vector.broadcast %max3A : f32 to vector<2000x128xf32>
      %max3A_23 = arith.maximumf %add3A_15, %max3A_22 : vector<2000x128xf32>
      %add3A_24 = arith.constant 1.000000e-07 : f32
      %add3A_25 = vector.broadcast %add3A_24 : f32 to vector<2000x128xf32>
      %add3A_26 = arith.addf %max3A_23, %add3A_25 : vector<2000x128xf32>
      %get3A_27 = arith.constant 0 : index
      %get3A_28 = arith.constant 0 : index
      %get3A_29 = memref.load %arg4[%get3A_27, %get3A_28] : memref<1x1xf32, #tpu.memory_space<smem>>
      %mul3A_30 = vector.broadcast %get3A_29 : f32 to vector<2000x128xf32>
      %mul3A_31 = arith.mulf %add3A_26, %mul3A_30 : vector<2000x128xf32>
      %reduce_max3A = arith.constant dense<0xFF800000> : vector<128xf32>
      %reduce_max3A_32 = vector.multi_reduction <maximumf>, %mul3A_31, %reduce_max3A [0] : vector<2000x128xf32> to vector<128xf32>
      %broadcast_in_dim3A = vector.shape_cast %reduce_max3A_32 : vector<128xf32> to vector<1x128xf32>
      %eq3A = arith.constant 0 : i32
      %eq3A_33 = arith.cmpi eq, %arg0, %eq3A : i32
      %convert_element_type3A_34 = arith.extui %eq3A_33 : i1 to i32
      %cond3A_35 = arith.constant 0 : i32
      %cond3A_36 = arith.cmpi ne, %convert_element_type3A_34, %cond3A_35 : i32
      scf.if %cond3A_36 {
        %swap3A_41 = arith.constant 0 : index
        %swap3A_42 = arith.constant 0 : index
        %swap3A_43 = vector.load %arg8[%swap3A_41, %swap3A_42] : memref<1x128xf32, #tpu.memory_space<vmem>>, vector<1x128xf32>
        tpu.vector_store %arg8[%swap3A_41, %swap3A_42], %broadcast_in_dim3A {strides = array<i32>} : memref<1x128xf32, #tpu.memory_space<vmem>>, vector<1x128xf32>,
      } else {
      }
      %gt3A = arith.constant 0 : i32
      %gt3A_37 = arith.cmpi sgt, %arg0, %gt3A : i32
      %convert_element_type3A_38 = arith.extui %gt3A_37 : i1 to i32
      %cond3A_39 = arith.constant 0 : i32
      %cond3A_40 = arith.cmpi ne, %convert_element_type3A_38, %cond3A_39 : i32
      scf.if %cond3A_40 {
        %get3A_41 = arith.constant 0 : index
        %get3A_42 = arith.constant 0 : index
        %get3A_43 = vector.load %arg8[%get3A_41, %get3A_42] : memref<1x128xf32, #tpu.memory_space<vmem>>, vector<1x128xf32>
        %max3A_44 = arith.maximumf %get3A_43, %broadcast_in_dim3A : vector<1x128xf32>
        %swap3A_45 = arith.constant 0 : index
        %swap3A_46 = arith.constant 0 : index
        %swap3A_47 = vector.load %arg8[%swap3A_45, %swap3A_46] : memref<1x128xf32, #tpu.memory_space<vmem>>, vector<1x128xf32>
        tpu.vector_store %arg8[%swap3A_45, %swap3A_46], %max3A_44 {strides = array<i32>} : memref<1x128xf32, #tpu.memory_space<vmem>>, vector<1x128xf32>,
      } else {
      }
    } else {
    }
    %ge3A = arith.constant 5 : i32
    %ge3A_2 = arith.cmpi sge, %arg0, %ge3A : i32
    %convert_element_type3A_3 = arith.extui %ge3A_2 : i1 to i32
    %cond3A_4 = arith.constant 0 : i32
    %cond3A_5 = arith.cmpi ne, %convert_element_type3A_3, %cond3A_4 : i32
    scf.if %cond3A_5 {
      %sub3A = arith.constant 5 : i32
      %sub3A_6 = arith.subi %arg0, %sub3A : i32
      %mul3A = arith.constant 2000 : i32
      %mul3A_7 = arith.muli %sub3A_6, %mul3A : i32
      %get3A = arith.index_cast %mul3A_7 : i32 to index
      %get3A_8 = arith.constant 0 : index
      %get3A_9 = vector.load %arg7[%get3A, %get3A_8] : memref<10000x128xf32, #tpu.memory_space<vmem>>, vector<2000x128xf32>
      %get3A_10 = arith.constant 0 : index
      %get3A_11 = arith.constant 0 : index
      %get3A_12 = vector.load %arg8[%get3A_10, %get3A_11] : memref<1x128xf32, #tpu.memory_space<vmem>>, vector<1x128xf32>
      %get3A_13 = arith.constant 0 : index
      %get3A_14 = arith.constant 0 : index
      %get3A_15 = memref.load %arg4[%get3A_13, %get3A_14] : memref<1x1xf32, #tpu.memory_space<smem>>
      %max3A = arith.constant 0.000000e+00 : f32
      %max3A_16 = vector.broadcast %max3A : f32 to vector<2000x128xf32>
      %max3A_17 = arith.maximumf %get3A_9, %max3A_16 : vector<2000x128xf32>
      %add3A = arith.constant 1.000000e-07 : f32
      %add3A_18 = vector.broadcast %add3A : f32 to vector<2000x128xf32>
      %add3A_19 = arith.addf %max3A_17, %add3A_18 : vector<2000x128xf32>
      %mul3A_20 = vector.broadcast %get3A_15 : f32 to vector<2000x128xf32>
      %mul3A_21 = arith.mulf %add3A_19, %mul3A_20 : vector<2000x128xf32>
      %sub3A_22 = vector.broadcast %get3A_12 : vector<1x128xf32> to vector<2000x128xf32>
      %sub3A_23 = arith.subf %mul3A_21, %sub3A_22 : vector<2000x128xf32>
      %exp3A = math.exp %sub3A_23 : vector<2000x128xf32>
      %mul3A_24 = arith.mulf %add3A_19, %exp3A : vector<2000x128xf32>
      %slice3A = vector.extract_strided_slice %mul3A_24 {offsets = [0, 0], sizes = [2000, 64], strides = [1, 1]} : vector<2000x128xf32> to vector<2000x64xf32>
      %slice3A_25 = vector.extract_strided_slice %exp3A {offsets = [0, 0], sizes = [2000, 64], strides = [1, 1]} : vector<2000x128xf32> to vector<2000x64xf32>
      %concatenate3A = tpu.concatenate %slice3A, %slice3A_25 in 1 : vector<2000x64xf32>, vector<2000x64xf32> -> vector<2000x128xf32>
      %slice3A_26 = vector.extract_strided_slice %mul3A_24 {offsets = [0, 64], sizes = [2000, 64], strides = [1, 1]} : vector<2000x128xf32> to vector<2000x64xf32>
      %slice3A_27 = vector.extract_strided_slice %exp3A {offsets = [0, 64], sizes = [2000, 64], strides = [1, 1]} : vector<2000x128xf32> to vector<2000x64xf32>
      %concatenate3A_28 = tpu.concatenate %slice3A_26, %slice3A_27 in 1 : vector<2000x64xf32>, vector<2000x64xf32> -> vector<2000x128xf32>
      %swap3A = arith.constant 0 : index
      %swap3A_29 = arith.constant 0 : index
      %swap3A_30 = arith.constant 0 : index
      %swap3A_31 = vector.load %arg6[%swap3A, %swap3A_29, %swap3A_30] : memref<2x2000x128xf32, #tpu.memory_space<vmem>>, vector<1x2000x128xf32>
      %swap3A_32 = vector.shape_cast %swap3A_31 : vector<1x2000x128xf32> to vector<2000x128xf32>
      %swap3A_33 = vector.shape_cast %concatenate3A : vector<2000x128xf32> to vector<1x2000x128xf32>
      tpu.vector_store %arg6[%swap3A, %swap3A_29, %swap3A_30], %swap3A_33 {strides = array<i32>} : memref<2x2000x128xf32, #tpu.memory_space<vmem>>, vector<1x2000x128xf32>,
      %swap3A_34 = arith.constant 1 : index
      %swap3A_35 = arith.constant 0 : index
      %swap3A_36 = arith.constant 0 : index
      %swap3A_37 = vector.load %arg6[%swap3A_34, %swap3A_35, %swap3A_36] : memref<2x2000x128xf32, #tpu.memory_space<vmem>>, vector<1x2000x128xf32>
      %swap3A_38 = vector.shape_cast %swap3A_37 : vector<1x2000x128xf32> to vector<2000x128xf32>
      %swap3A_39 = vector.shape_cast %concatenate3A_28 : vector<2000x128xf32> to vector<1x2000x128xf32>
      tpu.vector_store %arg6[%swap3A_34, %swap3A_35, %swap3A_36], %swap3A_39 {strides = array<i32>} : memref<2x2000x128xf32, #tpu.memory_space<vmem>>, vector<1x2000x128xf32>,
    } else {
    }
    return
  }
  func.func @transform_0(%arg0: i32) -> (i32, i32) {
    %min3A = arith.constant 4 : i32
    %min3A_0 = arith.minsi %arg0, %min3A : i32
    %c0_i32 = arith.constant 0 : i32
    %c0_i32_1 = arith.constant 0 : i32
    return %min3A_0, %c0_i32 : i32, i32
  }
  func.func @transform_1(%arg0: i32) -> (i32, i32) {
    %c0_i32 = arith.constant 0 : i32
    %c0_i32_0 = arith.constant 0 : i32
    %c0_i32_1 = arith.constant 0 : i32
    return %c0_i32, %c0_i32_0 : i32, i32
  }
  func.func @transform_2(%arg0: i32) -> (i32, i32) {
    %c0_i32 = arith.constant 0 : i32
    %c0_i32_0 = arith.constant 0 : i32
    %c0_i32_1 = arith.constant 0 : i32
    return %c0_i32, %c0_i32_0 : i32, i32
  }
  func.func @transform_3(%arg0: i32) -> (i32, i32) {
    %c0_i32 = arith.constant 0 : i32
    %c0_i32_0 = arith.constant 0 : i32
    %c0_i32_1 = arith.constant 0 : i32
    return %c0_i32, %c0_i32_0 : i32, i32
  }
  func.func @transform_4(%arg0: i32) -> (i32, i32) {
    %min3A = arith.constant 4 : i32
    %min3A_0 = arith.minsi %arg0, %min3A : i32
    %c0_i32 = arith.constant 0 : i32
    %c0_i32_1 = arith.constant 0 : i32
    return %min3A_0, %c0_i32 : i32, i32
  }
  func.func @transform_5(%arg0: i32) -> (i32, i32, i32) {
    %sub3A = arith.constant 5 : i32
    %sub3A_0 = arith.subi %arg0, %sub3A : i32
    %max3A = arith.constant 0 : i32
    %max3A_1 = arith.maxsi %sub3A_0, %max3A : i32
    %c0_i32 = arith.constant 0 : i32
    %c0_i32_2 = arith.constant 0 : i32
    %c0_i32_3 = arith.constant 0 : i32
    return %c0_i32, %max3A_1, %c0_i32_2 : i32, i32, i32
  }
}

module attributes {stable_mosaic.version = 14 : i64} {
  func.func @_post_mid_body(%arg0: i32, %arg1: memref<1x2000x128xf32, #tpu.memory_space<vmem>>, %arg2: memref<1x2000x128xf32, #tpu.memory_space<vmem>>, %arg3: memref<2000x128xf32, #tpu.memory_space<vmem>>, %arg4: memref<2000x128xf32, #tpu.memory_space<vmem>>, %arg5: memref<128x256xf32, #tpu.memory_space<vmem>>, %arg6: memref<1x256xf32, #tpu.memory_space<vmem>>, %arg7: memref<1x256xf32, #tpu.memory_space<vmem>>, %arg8: memref<1x256xf32, #tpu.memory_space<vmem>>, %arg9: memref<256x128xf32, #tpu.memory_space<vmem>>, %arg10: memref<1x128xf32, #tpu.memory_space<vmem>>, %arg11: memref<1x128xf32, #tpu.memory_space<vmem>>, %arg12: memref<1x128xf32, #tpu.memory_space<vmem>>, %arg13: memref<1x2xf32, #tpu.memory_space<smem>>, %arg14: memref<2000x128xf32, #tpu.memory_space<vmem>>, %arg15: memref<2000x128xf32, #tpu.memory_space<vmem>>, %arg16: memref<2x2000x128xf32, #tpu.memory_space<vmem>>, %arg17: memref<10000x128xf32, #tpu.memory_space<vmem>>, %arg18: memref<1x128xf32, #tpu.memory_space<vmem>>) attributes {dimension_semantics = [#tpu.dimension_semantics<arbitrary>], iteration_bounds = array<i64: 10>, scalar_prefetch = 0 : i64, scratch_operands = 2 : i64, tpu.core_type = #tpu.core_type<tc>, window_params = [{transform_indices = @transform_0, window_bounds = array<i64: 1, 2000, 128>}, {transform_indices = @transform_1, window_bounds = array<i64: 1, 2000, 128>}, {transform_indices = @transform_2, window_bounds = array<i64: 2000, 128>}, {transform_indices = @transform_3, window_bounds = array<i64: 2000, 128>}, {pipeline_mode = #tpu.pipeline_mode<synchronous>, transform_indices = @transform_4, window_bounds = array<i64: 128, 256>}, {pipeline_mode = #tpu.pipeline_mode<synchronous>, transform_indices = @transform_5, window_bounds = array<i64: 1, 256>}, {pipeline_mode = #tpu.pipeline_mode<synchronous>, transform_indices = @transform_6, window_bounds = array<i64: 1, 256>}, {pipeline_mode = #tpu.pipeline_mode<synchronous>, transform_indices = @transform_7, window_bounds = array<i64: 1, 256>}, {pipeline_mode = #tpu.pipeline_mode<synchronous>, transform_indices = @transform_8, window_bounds = array<i64: 256, 128>}, {pipeline_mode = #tpu.pipeline_mode<synchronous>, transform_indices = @transform_9, window_bounds = array<i64: 1, 128>}, {pipeline_mode = #tpu.pipeline_mode<synchronous>, transform_indices = @transform_10, window_bounds = array<i64: 1, 128>}, {pipeline_mode = #tpu.pipeline_mode<synchronous>, transform_indices = @transform_11, window_bounds = array<i64: 1, 128>}, {transform_indices = @transform_12, window_bounds = array<i64: 1, 2>}, {transform_indices = @transform_13, window_bounds = array<i64: 2000, 128>}, {transform_indices = @transform_14, window_bounds = array<i64: 2000, 128>}, {transform_indices = @transform_15, window_bounds = array<i64: 2, 2000, 128>}]} {
    %lt3A = arith.constant 5 : i32
    %lt3A_0 = arith.cmpi slt, %arg0, %lt3A : i32
    %convert_element_type3A = arith.extui %lt3A_0 : i1 to i32
    %cond3A = arith.constant 0 : i32
    %cond3A_1 = arith.cmpi ne, %convert_element_type3A, %cond3A : i32
    scf.if %cond3A_1 {
      %get3A = arith.constant 0 : index
      %get3A_6 = arith.constant 0 : index
      %get3A_7 = arith.constant 0 : index
      %get3A_8 = vector.load %arg1[%get3A, %get3A_6, %get3A_7] : memref<1x2000x128xf32, #tpu.memory_space<vmem>>, vector<1x2000x128xf32>
      %get3A_9 = vector.shape_cast %get3A_8 : vector<1x2000x128xf32> to vector<2000x128xf32>
      %get3A_10 = arith.constant 0 : index
      %get3A_11 = arith.constant 0 : index
      %get3A_12 = arith.constant 0 : index
      %get3A_13 = vector.load %arg2[%get3A_10, %get3A_11, %get3A_12] : memref<1x2000x128xf32, #tpu.memory_space<vmem>>, vector<1x2000x128xf32>
      %get3A_14 = vector.shape_cast %get3A_13 : vector<1x2000x128xf32> to vector<2000x128xf32>
      %get3A_15 = arith.constant 0 : index
      %get3A_16 = arith.constant 0 : index
      %get3A_17 = vector.load %arg3[%get3A_15, %get3A_16] : memref<2000x128xf32, #tpu.memory_space<vmem>>, vector<2000x128xf32>
      %get3A_18 = arith.constant 0 : index
      %get3A_19 = arith.constant 0 : index
      %get3A_20 = vector.load %arg4[%get3A_18, %get3A_19] : memref<2000x128xf32, #tpu.memory_space<vmem>>, vector<2000x128xf32>
      %slice3A = vector.extract_strided_slice %get3A_9 {offsets = [0, 0], sizes = [2000, 64], strides = [1, 1]} : vector<2000x128xf32> to vector<2000x64xf32>
      %slice3A_21 = vector.extract_strided_slice %get3A_14 {offsets = [0, 0], sizes = [2000, 64], strides = [1, 1]} : vector<2000x128xf32> to vector<2000x64xf32>
      %concatenate3A = tpu.concatenate %slice3A, %slice3A_21 in 1 : vector<2000x64xf32>, vector<2000x64xf32> -> vector<2000x128xf32>
      %slice3A_22 = vector.extract_strided_slice %get3A_9 {offsets = [0, 64], sizes = [2000, 64], strides = [1, 1]} : vector<2000x128xf32> to vector<2000x64xf32>
      %slice3A_23 = vector.extract_strided_slice %get3A_14 {offsets = [0, 64], sizes = [2000, 64], strides = [1, 1]} : vector<2000x128xf32> to vector<2000x64xf32>
      %concatenate3A_24 = tpu.concatenate %slice3A_22, %slice3A_23 in 1 : vector<2000x64xf32>, vector<2000x64xf32> -> vector<2000x128xf32>
      %add3A = arith.constant 1.000000e-16 : f32
      %add3A_25 = vector.broadcast %add3A : f32 to vector<2000x128xf32>
      %add3A_26 = arith.addf %concatenate3A_24, %add3A_25 : vector<2000x128xf32>
      %div3A = arith.divf %concatenate3A, %add3A_26 : vector<2000x128xf32>
      %mul3A = arith.mulf %div3A, %div3A : vector<2000x128xf32>
      %reduce_sum3A = arith.constant dense<0.000000e+00> : vector<2000xf32>
      %reduce_sum3A_27 = vector.multi_reduction <add>, %mul3A, %reduce_sum3A [1] : vector<2000x128xf32> to vector<2000xf32>
      %broadcast_in_dim3A = vector.shape_cast %reduce_sum3A_27 : vector<2000xf32> to vector<2000x1xf32>
      %add3A_28 = arith.constant 1.000000e-24 : f32
      %add3A_29 = vector.broadcast %add3A_28 : f32 to vector<2000x1xf32>
      %add3A_30 = arith.addf %broadcast_in_dim3A, %add3A_29 : vector<2000x1xf32>
      %sqrt3A = math.sqrt %add3A_30 : vector<2000x1xf32>
      %div3A_31 = vector.broadcast %sqrt3A : vector<2000x1xf32> to vector<2000x128xf32>
      %div3A_32 = arith.divf %div3A, %div3A_31 : vector<2000x128xf32>
      %mul3A_33 = arith.mulf %get3A_17, %get3A_17 : vector<2000x128xf32>
      %reduce_sum3A_34 = arith.constant dense<0.000000e+00> : vector<2000xf32>
      %reduce_sum3A_35 = vector.multi_reduction <add>, %mul3A_33, %reduce_sum3A_34 [1] : vector<2000x128xf32> to vector<2000xf32>
      %broadcast_in_dim3A_36 = vector.shape_cast %reduce_sum3A_35 : vector<2000xf32> to vector<2000x1xf32>
      %add3A_37 = arith.constant 1.000000e-24 : f32
      %add3A_38 = vector.broadcast %add3A_37 : f32 to vector<2000x1xf32>
      %add3A_39 = arith.addf %broadcast_in_dim3A_36, %add3A_38 : vector<2000x1xf32>
      %sqrt3A_40 = math.sqrt %add3A_39 : vector<2000x1xf32>
      %mul3A_41 = vector.broadcast %sqrt3A_40 : vector<2000x1xf32> to vector<2000x128xf32>
      %mul3A_42 = arith.mulf %div3A_32, %mul3A_41 : vector<2000x128xf32>
      %get3A_43 = arith.constant 0 : index
      %get3A_44 = arith.constant 0 : index
      %get3A_45 = memref.load %arg13[%get3A_43, %get3A_44] : memref<1x2xf32, #tpu.memory_space<smem>>
      %mul3A_46 = vector.broadcast %get3A_45 : f32 to vector<2000x128xf32>
      %mul3A_47 = arith.mulf %mul3A_42, %mul3A_46 : vector<2000x128xf32>
      %add3A_48 = arith.addf %get3A_17, %mul3A_47 : vector<2000x128xf32>
      %get3A_49 = arith.constant 0 : index
      %get3A_50 = arith.constant 0 : index
      %get3A_51 = vector.load %arg5[%get3A_49, %get3A_50] : memref<128x256xf32, #tpu.memory_space<vmem>>, vector<128x256xf32>
      %dot_general3A = arith.constant dense<0.000000e+00> : vector<2000x256xf32>
      %dot_general3A_52 = tpu.matmul %add3A_48, %get3A_51, %dot_general3A {dimension_numbers = #tpu.dot_dimension_numbers<[1], [0], [0], [1], [0, 0, 1, 1], [], []>, transpose_lhs_hint = false} : vector<2000x128xf32>, vector<128x256xf32>, vector<2000x256xf32> -> vector<2000x256xf32>
      %get3A_53 = arith.constant 0 : index
      %get3A_54 = arith.constant 0 : index
      %get3A_55 = vector.load %arg6[%get3A_53, %get3A_54] : memref<1x256xf32, #tpu.memory_space<vmem>>, vector<1x256xf32>
      %add3A_56 = vector.broadcast %get3A_55 : vector<1x256xf32> to vector<2000x256xf32>
      %add3A_57 = arith.addf %dot_general3A_52, %add3A_56 : vector<2000x256xf32>
      %reduce_sum3A_58 = arith.constant dense<0.000000e+00> : vector<2000xf32>
      %reduce_sum3A_59 = vector.multi_reduction <add>, %add3A_57, %reduce_sum3A_58 [1] : vector<2000x256xf32> to vector<2000xf32>
      %broadcast_in_dim3A_60 = vector.shape_cast %reduce_sum3A_59 : vector<2000xf32> to vector<2000x1xf32>
      %div3A_61 = arith.constant 2.560000e+02 : f32
      %div3A_62 = vector.broadcast %div3A_61 : f32 to vector<2000x1xf32>
      %div3A_63 = arith.divf %broadcast_in_dim3A_60, %div3A_62 : vector<2000x1xf32>
      %sub3A = vector.broadcast %div3A_63 : vector<2000x1xf32> to vector<2000x256xf32>
      %sub3A_64 = arith.subf %add3A_57, %sub3A : vector<2000x256xf32>
      %square3A = arith.mulf %sub3A_64, %sub3A_64 : vector<2000x256xf32>
      %reduce_sum3A_65 = arith.constant dense<0.000000e+00> : vector<2000xf32>
      %reduce_sum3A_66 = vector.multi_reduction <add>, %square3A, %reduce_sum3A_65 [1] : vector<2000x256xf32> to vector<2000xf32>
      %broadcast_in_dim3A_67 = vector.shape_cast %reduce_sum3A_66 : vector<2000xf32> to vector<2000x1xf32>
      %div3A_68 = arith.constant 2.560000e+02 : f32
      %div3A_69 = vector.broadcast %div3A_68 : f32 to vector<2000x1xf32>
      %div3A_70 = arith.divf %broadcast_in_dim3A_67, %div3A_69 : vector<2000x1xf32>
      %sub3A_71 = vector.broadcast %div3A_63 : vector<2000x1xf32> to vector<2000x256xf32>
      %sub3A_72 = arith.subf %add3A_57, %sub3A_71 : vector<2000x256xf32>
      %add3A_73 = arith.constant 9.99999974E-6 : f32
      %add3A_74 = vector.broadcast %add3A_73 : f32 to vector<2000x1xf32>
      %add3A_75 = arith.addf %div3A_70, %add3A_74 : vector<2000x1xf32>
      %sqrt3A_76 = math.sqrt %add3A_75 : vector<2000x1xf32>
      %div3A_77 = vector.broadcast %sqrt3A_76 : vector<2000x1xf32> to vector<2000x256xf32>
      %div3A_78 = arith.divf %sub3A_72, %div3A_77 : vector<2000x256xf32>
      %get3A_79 = arith.constant 0 : index
      %get3A_80 = arith.constant 0 : index
      %get3A_81 = vector.load %arg7[%get3A_79, %get3A_80] : memref<1x256xf32, #tpu.memory_space<vmem>>, vector<1x256xf32>
      %mul3A_82 = vector.broadcast %get3A_81 : vector<1x256xf32> to vector<2000x256xf32>
      %mul3A_83 = arith.mulf %div3A_78, %mul3A_82 : vector<2000x256xf32>
      %get3A_84 = arith.constant 0 : index
      %get3A_85 = arith.constant 0 : index
      %get3A_86 = vector.load %arg8[%get3A_84, %get3A_85] : memref<1x256xf32, #tpu.memory_space<vmem>>, vector<1x256xf32>
      %add3A_87 = vector.broadcast %get3A_86 : vector<1x256xf32> to vector<2000x256xf32>
      %add3A_88 = arith.addf %mul3A_83, %add3A_87 : vector<2000x256xf32>
      %max3A = arith.constant 0.000000e+00 : f32
      %max3A_89 = vector.broadcast %max3A : f32 to vector<2000x256xf32>
      %max3A_90 = arith.maximumf %add3A_88, %max3A_89 : vector<2000x256xf32>
      %get3A_91 = arith.constant 0 : index
      %get3A_92 = arith.constant 0 : index
      %get3A_93 = vector.load %arg9[%get3A_91, %get3A_92] : memref<256x128xf32, #tpu.memory_space<vmem>>, vector<256x128xf32>
      %dot_general3A_94 = arith.constant dense<0.000000e+00> : vector<2000x128xf32>
      %dot_general3A_95 = tpu.matmul %max3A_90, %get3A_93, %dot_general3A_94 {dimension_numbers = #tpu.dot_dimension_numbers<[1], [0], [0], [1], [0, 0, 1, 1], [], []>, transpose_lhs_hint = false} : vector<2000x256xf32>, vector<256x128xf32>, vector<2000x128xf32> -> vector<2000x128xf32>
      %add3A_96 = arith.addf %get3A_20, %dot_general3A_95 : vector<2000x128xf32>
      %get3A_97 = arith.constant 0 : index
      %get3A_98 = arith.constant 0 : index
      %get3A_99 = vector.load %arg10[%get3A_97, %get3A_98] : memref<1x128xf32, #tpu.memory_space<vmem>>, vector<1x128xf32>
      %add3A_100 = vector.broadcast %get3A_99 : vector<1x128xf32> to vector<2000x128xf32>
      %add3A_101 = arith.addf %add3A_96, %add3A_100 : vector<2000x128xf32>
      %swap3A = arith.constant 0 : index
      %swap3A_102 = arith.constant 0 : index
      %swap3A_103 = vector.load %arg14[%swap3A, %swap3A_102] : memref<2000x128xf32, #tpu.memory_space<vmem>>, vector<2000x128xf32>
      tpu.vector_store %arg14[%swap3A, %swap3A_102], %add3A_101 {strides = array<i32>} : memref<2000x128xf32, #tpu.memory_space<vmem>>, vector<2000x128xf32>,
      %reduce_sum3A_104 = arith.constant dense<0.000000e+00> : vector<2000xf32>
      %reduce_sum3A_105 = vector.multi_reduction <add>, %add3A_101, %reduce_sum3A_104 [1] : vector<2000x128xf32> to vector<2000xf32>
      %broadcast_in_dim3A_106 = vector.shape_cast %reduce_sum3A_105 : vector<2000xf32> to vector<2000x1xf32>
      %div3A_107 = arith.constant 1.280000e+02 : f32
      %div3A_108 = vector.broadcast %div3A_107 : f32 to vector<2000x1xf32>
      %div3A_109 = arith.divf %broadcast_in_dim3A_106, %div3A_108 : vector<2000x1xf32>
      %sub3A_110 = vector.broadcast %div3A_109 : vector<2000x1xf32> to vector<2000x128xf32>
      %sub3A_111 = arith.subf %add3A_101, %sub3A_110 : vector<2000x128xf32>
      %square3A_112 = arith.mulf %sub3A_111, %sub3A_111 : vector<2000x128xf32>
      %reduce_sum3A_113 = arith.constant dense<0.000000e+00> : vector<2000xf32>
      %reduce_sum3A_114 = vector.multi_reduction <add>, %square3A_112, %reduce_sum3A_113 [1] : vector<2000x128xf32> to vector<2000xf32>
      %broadcast_in_dim3A_115 = vector.shape_cast %reduce_sum3A_114 : vector<2000xf32> to vector<2000x1xf32>
      %div3A_116 = arith.constant 1.280000e+02 : f32
      %div3A_117 = vector.broadcast %div3A_116 : f32 to vector<2000x1xf32>
      %div3A_118 = arith.divf %broadcast_in_dim3A_115, %div3A_117 : vector<2000x1xf32>
      %sub3A_119 = vector.broadcast %div3A_109 : vector<2000x1xf32> to vector<2000x128xf32>
      %sub3A_120 = arith.subf %add3A_101, %sub3A_119 : vector<2000x128xf32>
      %add3A_121 = arith.constant 9.99999974E-6 : f32
      %add3A_122 = vector.broadcast %add3A_121 : f32 to vector<2000x1xf32>
      %add3A_123 = arith.addf %div3A_118, %add3A_122 : vector<2000x1xf32>
      %sqrt3A_124 = math.sqrt %add3A_123 : vector<2000x1xf32>
      %div3A_125 = vector.broadcast %sqrt3A_124 : vector<2000x1xf32> to vector<2000x128xf32>
      %div3A_126 = arith.divf %sub3A_120, %div3A_125 : vector<2000x128xf32>
      %get3A_127 = arith.constant 0 : index
      %get3A_128 = arith.constant 0 : index
      %get3A_129 = vector.load %arg11[%get3A_127, %get3A_128] : memref<1x128xf32, #tpu.memory_space<vmem>>, vector<1x128xf32>
      %mul3A_130 = vector.broadcast %get3A_129 : vector<1x128xf32> to vector<2000x128xf32>
      %mul3A_131 = arith.mulf %div3A_126, %mul3A_130 : vector<2000x128xf32>
      %get3A_132 = arith.constant 0 : index
      %get3A_133 = arith.constant 0 : index
      %get3A_134 = vector.load %arg12[%get3A_132, %get3A_133] : memref<1x128xf32, #tpu.memory_space<vmem>>, vector<1x128xf32>
      %add3A_135 = vector.broadcast %get3A_134 : vector<1x128xf32> to vector<2000x128xf32>
      %add3A_136 = arith.addf %mul3A_131, %add3A_135 : vector<2000x128xf32>
      %max3A_137 = arith.constant 0.000000e+00 : f32
      %max3A_138 = vector.broadcast %max3A_137 : f32 to vector<2000x128xf32>
      %max3A_139 = arith.maximumf %add3A_136, %max3A_138 : vector<2000x128xf32>
      %swap3A_140 = arith.constant 0 : index
      %swap3A_141 = arith.constant 0 : index
      %swap3A_142 = vector.load %arg15[%swap3A_140, %swap3A_141] : memref<2000x128xf32, #tpu.memory_space<vmem>>, vector<2000x128xf32>
      tpu.vector_store %arg15[%swap3A_140, %swap3A_141], %max3A_139 {strides = array<i32>} : memref<2000x128xf32, #tpu.memory_space<vmem>>, vector<2000x128xf32>,
      %mul3A_143 = arith.constant 2000 : i32
      %mul3A_144 = arith.muli %arg0, %mul3A_143 : i32
      %swap3A_145 = arith.index_cast %mul3A_144 : i32 to index
      %swap3A_146 = arith.constant 0 : index
      %swap3A_147 = vector.load %arg17[%swap3A_145, %swap3A_146] : memref<10000x128xf32, #tpu.memory_space<vmem>>, vector<2000x128xf32>
      tpu.vector_store %arg17[%swap3A_145, %swap3A_146], %max3A_139 {strides = array<i32>} : memref<10000x128xf32, #tpu.memory_space<vmem>>, vector<2000x128xf32>,
      %add3A_148 = arith.constant 1.000000e-07 : f32
      %add3A_149 = vector.broadcast %add3A_148 : f32 to vector<2000x128xf32>
      %add3A_150 = arith.addf %max3A_139, %add3A_149 : vector<2000x128xf32>
      %get3A_151 = arith.constant 0 : index
      %get3A_152 = arith.constant 1 : index
      %get3A_153 = memref.load %arg13[%get3A_151, %get3A_152] : memref<1x2xf32, #tpu.memory_space<smem>>
      %mul3A_154 = vector.broadcast %get3A_153 : f32 to vector<2000x128xf32>
      %mul3A_155 = arith.mulf %add3A_150, %mul3A_154 : vector<2000x128xf32>
      %reduce_max3A = arith.constant dense<0xFF800000> : vector<128xf32>
      %reduce_max3A_156 = vector.multi_reduction <maximumf>, %mul3A_155, %reduce_max3A [0] : vector<2000x128xf32> to vector<128xf32>
      %broadcast_in_dim3A_157 = vector.shape_cast %reduce_max3A_156 : vector<128xf32> to vector<1x128xf32>
      %eq3A = arith.constant 0 : i32
      %eq3A_158 = arith.cmpi eq, %arg0, %eq3A : i32
      %convert_element_type3A_159 = arith.extui %eq3A_158 : i1 to i32
      %cond3A_160 = arith.constant 0 : i32
      %cond3A_161 = arith.cmpi ne, %convert_element_type3A_159, %cond3A_160 : i32
      scf.if %cond3A_161 {
        %swap3A_166 = arith.constant 0 : index
        %swap3A_167 = arith.constant 0 : index
        %swap3A_168 = vector.load %arg18[%swap3A_166, %swap3A_167] : memref<1x128xf32, #tpu.memory_space<vmem>>, vector<1x128xf32>
        tpu.vector_store %arg18[%swap3A_166, %swap3A_167], %broadcast_in_dim3A_157 {strides = array<i32>} : memref<1x128xf32, #tpu.memory_space<vmem>>, vector<1x128xf32>,
      } else {
      }
      %gt3A = arith.constant 0 : i32
      %gt3A_162 = arith.cmpi sgt, %arg0, %gt3A : i32
      %convert_element_type3A_163 = arith.extui %gt3A_162 : i1 to i32
      %cond3A_164 = arith.constant 0 : i32
      %cond3A_165 = arith.cmpi ne, %convert_element_type3A_163, %cond3A_164 : i32
      scf.if %cond3A_165 {
        %get3A_166 = arith.constant 0 : index
        %get3A_167 = arith.constant 0 : index
        %get3A_168 = vector.load %arg18[%get3A_166, %get3A_167] : memref<1x128xf32, #tpu.memory_space<vmem>>, vector<1x128xf32>
        %max3A_169 = arith.maximumf %get3A_168, %broadcast_in_dim3A_157 : vector<1x128xf32>
        %swap3A_170 = arith.constant 0 : index
        %swap3A_171 = arith.constant 0 : index
        %swap3A_172 = vector.load %arg18[%swap3A_170, %swap3A_171] : memref<1x128xf32, #tpu.memory_space<vmem>>, vector<1x128xf32>
        tpu.vector_store %arg18[%swap3A_170, %swap3A_171], %max3A_169 {strides = array<i32>} : memref<1x128xf32, #tpu.memory_space<vmem>>, vector<1x128xf32>,
      } else {
      }
    } else {
    }
    %ge3A = arith.constant 5 : i32
    %ge3A_2 = arith.cmpi sge, %arg0, %ge3A : i32
    %convert_element_type3A_3 = arith.extui %ge3A_2 : i1 to i32
    %cond3A_4 = arith.constant 0 : i32
    %cond3A_5 = arith.cmpi ne, %convert_element_type3A_3, %cond3A_4 : i32
    scf.if %cond3A_5 {
      %sub3A = arith.constant 5 : i32
      %sub3A_6 = arith.subi %arg0, %sub3A : i32
      %mul3A = arith.constant 2000 : i32
      %mul3A_7 = arith.muli %sub3A_6, %mul3A : i32
      %get3A = arith.index_cast %mul3A_7 : i32 to index
      %get3A_8 = arith.constant 0 : index
      %get3A_9 = vector.load %arg17[%get3A, %get3A_8] : memref<10000x128xf32, #tpu.memory_space<vmem>>, vector<2000x128xf32>
      %get3A_10 = arith.constant 0 : index
      %get3A_11 = arith.constant 0 : index
      %get3A_12 = vector.load %arg18[%get3A_10, %get3A_11] : memref<1x128xf32, #tpu.memory_space<vmem>>, vector<1x128xf32>
      %get3A_13 = arith.constant 0 : index
      %get3A_14 = arith.constant 1 : index
      %get3A_15 = memref.load %arg13[%get3A_13, %get3A_14] : memref<1x2xf32, #tpu.memory_space<smem>>
      %max3A = arith.constant 0.000000e+00 : f32
      %max3A_16 = vector.broadcast %max3A : f32 to vector<2000x128xf32>
      %max3A_17 = arith.maximumf %get3A_9, %max3A_16 : vector<2000x128xf32>
      %add3A = arith.constant 1.000000e-07 : f32
      %add3A_18 = vector.broadcast %add3A : f32 to vector<2000x128xf32>
      %add3A_19 = arith.addf %max3A_17, %add3A_18 : vector<2000x128xf32>
      %mul3A_20 = vector.broadcast %get3A_15 : f32 to vector<2000x128xf32>
      %mul3A_21 = arith.mulf %add3A_19, %mul3A_20 : vector<2000x128xf32>
      %sub3A_22 = vector.broadcast %get3A_12 : vector<1x128xf32> to vector<2000x128xf32>
      %sub3A_23 = arith.subf %mul3A_21, %sub3A_22 : vector<2000x128xf32>
      %exp3A = math.exp %sub3A_23 : vector<2000x128xf32>
      %mul3A_24 = arith.mulf %add3A_19, %exp3A : vector<2000x128xf32>
      %slice3A = vector.extract_strided_slice %mul3A_24 {offsets = [0, 0], sizes = [2000, 64], strides = [1, 1]} : vector<2000x128xf32> to vector<2000x64xf32>
      %slice3A_25 = vector.extract_strided_slice %exp3A {offsets = [0, 0], sizes = [2000, 64], strides = [1, 1]} : vector<2000x128xf32> to vector<2000x64xf32>
      %concatenate3A = tpu.concatenate %slice3A, %slice3A_25 in 1 : vector<2000x64xf32>, vector<2000x64xf32> -> vector<2000x128xf32>
      %slice3A_26 = vector.extract_strided_slice %mul3A_24 {offsets = [0, 64], sizes = [2000, 64], strides = [1, 1]} : vector<2000x128xf32> to vector<2000x64xf32>
      %slice3A_27 = vector.extract_strided_slice %exp3A {offsets = [0, 64], sizes = [2000, 64], strides = [1, 1]} : vector<2000x128xf32> to vector<2000x64xf32>
      %concatenate3A_28 = tpu.concatenate %slice3A_26, %slice3A_27 in 1 : vector<2000x64xf32>, vector<2000x64xf32> -> vector<2000x128xf32>
      %swap3A = arith.constant 0 : index
      %swap3A_29 = arith.constant 0 : index
      %swap3A_30 = arith.constant 0 : index
      %swap3A_31 = vector.load %arg16[%swap3A, %swap3A_29, %swap3A_30] : memref<2x2000x128xf32, #tpu.memory_space<vmem>>, vector<1x2000x128xf32>
      %swap3A_32 = vector.shape_cast %swap3A_31 : vector<1x2000x128xf32> to vector<2000x128xf32>
      %swap3A_33 = vector.shape_cast %concatenate3A : vector<2000x128xf32> to vector<1x2000x128xf32>
      tpu.vector_store %arg16[%swap3A, %swap3A_29, %swap3A_30], %swap3A_33 {strides = array<i32>} : memref<2x2000x128xf32, #tpu.memory_space<vmem>>, vector<1x2000x128xf32>,
      %swap3A_34 = arith.constant 1 : index
      %swap3A_35 = arith.constant 0 : index
      %swap3A_36 = arith.constant 0 : index
      %swap3A_37 = vector.load %arg16[%swap3A_34, %swap3A_35, %swap3A_36] : memref<2x2000x128xf32, #tpu.memory_space<vmem>>, vector<1x2000x128xf32>
      %swap3A_38 = vector.shape_cast %swap3A_37 : vector<1x2000x128xf32> to vector<2000x128xf32>
      %swap3A_39 = vector.shape_cast %concatenate3A_28 : vector<2000x128xf32> to vector<1x2000x128xf32>
      tpu.vector_store %arg16[%swap3A_34, %swap3A_35, %swap3A_36], %swap3A_39 {strides = array<i32>} : memref<2x2000x128xf32, #tpu.memory_space<vmem>>, vector<1x2000x128xf32>,
    } else {
    }
    return
  }
  func.func @transform_0(%arg0: i32) -> (i32, i32, i32) {
    %min3A = arith.constant 4 : i32
    %min3A_0 = arith.minsi %arg0, %min3A : i32
    %c0_i32 = arith.constant 0 : i32
    %c0_i32_1 = arith.constant 0 : i32
    %c0_i32_2 = arith.constant 0 : i32
    return %c0_i32, %min3A_0, %c0_i32_1 : i32, i32, i32
  }
  func.func @transform_1(%arg0: i32) -> (i32, i32, i32) {
    %min3A = arith.constant 4 : i32
    %min3A_0 = arith.minsi %arg0, %min3A : i32
    %c1_i32 = arith.constant 1 : i32
    %c0_i32 = arith.constant 0 : i32
    %c0_i32_1 = arith.constant 0 : i32
    return %c1_i32, %min3A_0, %c0_i32 : i32, i32, i32
  }
  func.func @transform_2(%arg0: i32) -> (i32, i32) {
    %min3A = arith.constant 4 : i32
    %min3A_0 = arith.minsi %arg0, %min3A : i32
    %c0_i32 = arith.constant 0 : i32
    %c0_i32_1 = arith.constant 0 : i32
    return %min3A_0, %c0_i32 : i32, i32
  }
  func.func @transform_3(%arg0: i32) -> (i32, i32) {
    %min3A = arith.constant 4 : i32
    %min3A_0 = arith.minsi %arg0, %min3A : i32
    %c0_i32 = arith.constant 0 : i32
    %c0_i32_1 = arith.constant 0 : i32
    return %min3A_0, %c0_i32 : i32, i32
  }
  func.func @transform_4(%arg0: i32) -> (i32, i32) {
    %c0_i32 = arith.constant 0 : i32
    %c0_i32_0 = arith.constant 0 : i32
    %c0_i32_1 = arith.constant 0 : i32
    return %c0_i32, %c0_i32_0 : i32, i32
  }
  func.func @transform_5(%arg0: i32) -> (i32, i32) {
    %c0_i32 = arith.constant 0 : i32
    %c0_i32_0 = arith.constant 0 : i32
    %c0_i32_1 = arith.constant 0 : i32
    return %c0_i32, %c0_i32_0 : i32, i32
  }
  func.func @transform_6(%arg0: i32) -> (i32, i32) {
    %c0_i32 = arith.constant 0 : i32
    %c0_i32_0 = arith.constant 0 : i32
    %c0_i32_1 = arith.constant 0 : i32
    return %c0_i32, %c0_i32_0 : i32, i32
  }
  func.func @transform_7(%arg0: i32) -> (i32, i32) {
    %c0_i32 = arith.constant 0 : i32
    %c0_i32_0 = arith.constant 0 : i32
    %c0_i32_1 = arith.constant 0 : i32
    return %c0_i32, %c0_i32_0 : i32, i32
  }
  func.func @transform_8(%arg0: i32) -> (i32, i32) {
    %c0_i32 = arith.constant 0 : i32
    %c0_i32_0 = arith.constant 0 : i32
    %c0_i32_1 = arith.constant 0 : i32
    return %c0_i32, %c0_i32_0 : i32, i32
  }
  func.func @transform_9(%arg0: i32) -> (i32, i32) {
    %c0_i32 = arith.constant 0 : i32
    %c0_i32_0 = arith.constant 0 : i32
    %c0_i32_1 = arith.constant 0 : i32
    return %c0_i32, %c0_i32_0 : i32, i32
  }
  func.func @transform_10(%arg0: i32) -> (i32, i32) {
    %c0_i32 = arith.constant 0 : i32
    %c0_i32_0 = arith.constant 0 : i32
    %c0_i32_1 = arith.constant 0 : i32
    return %c0_i32, %c0_i32_0 : i32, i32
  }
  func.func @transform_11(%arg0: i32) -> (i32, i32) {
    %c0_i32 = arith.constant 0 : i32
    %c0_i32_0 = arith.constant 0 : i32
    %c0_i32_1 = arith.constant 0 : i32
    return %c0_i32, %c0_i32_0 : i32, i32
  }
  func.func @transform_12(%arg0: i32) -> (i32, i32) {
    %c0_i32 = arith.constant 0 : i32
    %c0_i32_0 = arith.constant 0 : i32
    %c0_i32_1 = arith.constant 0 : i32
    return %c0_i32, %c0_i32_0 : i32, i32
  }
  func.func @transform_13(%arg0: i32) -> (i32, i32) {
    %min3A = arith.constant 4 : i32
    %min3A_0 = arith.minsi %arg0, %min3A : i32
    %c0_i32 = arith.constant 0 : i32
    %c0_i32_1 = arith.constant 0 : i32
    return %min3A_0, %c0_i32 : i32, i32
  }
  func.func @transform_14(%arg0: i32) -> (i32, i32) {
    %min3A = arith.constant 4 : i32
    %min3A_0 = arith.minsi %arg0, %min3A : i32
    %c0_i32 = arith.constant 0 : i32
    %c0_i32_1 = arith.constant 0 : i32
    return %min3A_0, %c0_i32 : i32, i32
  }
  func.func @transform_15(%arg0: i32) -> (i32, i32, i32) {
    %sub3A = arith.constant 5 : i32
    %sub3A_0 = arith.subi %arg0, %sub3A : i32
    %max3A = arith.constant 0 : i32
    %max3A_1 = arith.maxsi %sub3A_0, %max3A : i32
    %c0_i32 = arith.constant 0 : i32
    %c0_i32_2 = arith.constant 0 : i32
    %c0_i32_3 = arith.constant 0 : i32
    return %c0_i32, %max3A_1, %c0_i32_2 : i32, i32, i32
  }
}

module attributes {stable_mosaic.version = 14 : i64} {
  func.func @_post_last_body(%arg0: i32, %arg1: memref<1x2000x128xf32, #tpu.memory_space<vmem>>, %arg2: memref<1x2000x128xf32, #tpu.memory_space<vmem>>, %arg3: memref<2000x128xf32, #tpu.memory_space<vmem>>, %arg4: memref<2000x128xf32, #tpu.memory_space<vmem>>, %arg5: memref<128x256xf32, #tpu.memory_space<vmem>>, %arg6: memref<1x256xf32, #tpu.memory_space<vmem>>, %arg7: memref<1x256xf32, #tpu.memory_space<vmem>>, %arg8: memref<1x256xf32, #tpu.memory_space<vmem>>, %arg9: memref<256x128xf32, #tpu.memory_space<vmem>>, %arg10: memref<1x128xf32, #tpu.memory_space<vmem>>, %arg11: memref<1x128xf32, #tpu.memory_space<vmem>>, %arg12: memref<1x128xf32, #tpu.memory_space<vmem>>, %arg13: memref<128x128xf32, #tpu.memory_space<vmem>>, %arg14: memref<1x128xf32, #tpu.memory_space<vmem>>, %arg15: memref<1x2xf32, #tpu.memory_space<smem>>, %arg16: memref<2000x47xf32, #tpu.memory_space<vmem>>) attributes {dimension_semantics = [#tpu.dimension_semantics<arbitrary>], iteration_bounds = array<i64: 5>, scalar_prefetch = 0 : i64, scratch_operands = 0 : i64, tpu.core_type = #tpu.core_type<tc>, window_params = [{transform_indices = @transform_0, window_bounds = array<i64: 1, 2000, 128>}, {transform_indices = @transform_1, window_bounds = array<i64: 1, 2000, 128>}, {transform_indices = @transform_2, window_bounds = array<i64: 2000, 128>}, {transform_indices = @transform_3, window_bounds = array<i64: 2000, 128>}, {pipeline_mode = #tpu.pipeline_mode<synchronous>, transform_indices = @transform_4, window_bounds = array<i64: 128, 256>}, {pipeline_mode = #tpu.pipeline_mode<synchronous>, transform_indices = @transform_5, window_bounds = array<i64: 1, 256>}, {pipeline_mode = #tpu.pipeline_mode<synchronous>, transform_indices = @transform_6, window_bounds = array<i64: 1, 256>}, {pipeline_mode = #tpu.pipeline_mode<synchronous>, transform_indices = @transform_7, window_bounds = array<i64: 1, 256>}, {pipeline_mode = #tpu.pipeline_mode<synchronous>, transform_indices = @transform_8, window_bounds = array<i64: 256, 128>}, {pipeline_mode = #tpu.pipeline_mode<synchronous>, transform_indices = @transform_9, window_bounds = array<i64: 1, 128>}, {pipeline_mode = #tpu.pipeline_mode<synchronous>, transform_indices = @transform_10, window_bounds = array<i64: 1, 128>}, {pipeline_mode = #tpu.pipeline_mode<synchronous>, transform_indices = @transform_11, window_bounds = array<i64: 1, 128>}, {pipeline_mode = #tpu.pipeline_mode<synchronous>, transform_indices = @transform_12, window_bounds = array<i64: 128, 128>}, {pipeline_mode = #tpu.pipeline_mode<synchronous>, transform_indices = @transform_13, window_bounds = array<i64: 1, 128>}, {transform_indices = @transform_14, window_bounds = array<i64: 1, 2>}, {transform_indices = @transform_15, window_bounds = array<i64: 2000, 47>}]} {
    %get3A = arith.constant 0 : index
    %get3A_0 = arith.constant 0 : index
    %get3A_1 = arith.constant 0 : index
    %get3A_2 = vector.load %arg1[%get3A, %get3A_0, %get3A_1] : memref<1x2000x128xf32, #tpu.memory_space<vmem>>, vector<1x2000x128xf32>
    %get3A_3 = vector.shape_cast %get3A_2 : vector<1x2000x128xf32> to vector<2000x128xf32>
    %get3A_4 = arith.constant 0 : index
    %get3A_5 = arith.constant 0 : index
    %get3A_6 = arith.constant 0 : index
    %get3A_7 = vector.load %arg2[%get3A_4, %get3A_5, %get3A_6] : memref<1x2000x128xf32, #tpu.memory_space<vmem>>, vector<1x2000x128xf32>
    %get3A_8 = vector.shape_cast %get3A_7 : vector<1x2000x128xf32> to vector<2000x128xf32>
    %get3A_9 = arith.constant 0 : index
    %get3A_10 = arith.constant 0 : index
    %get3A_11 = vector.load %arg3[%get3A_9, %get3A_10] : memref<2000x128xf32, #tpu.memory_space<vmem>>, vector<2000x128xf32>
    %get3A_12 = arith.constant 0 : index
    %get3A_13 = arith.constant 0 : index
    %get3A_14 = vector.load %arg4[%get3A_12, %get3A_13] : memref<2000x128xf32, #tpu.memory_space<vmem>>, vector<2000x128xf32>
    %slice3A = vector.extract_strided_slice %get3A_3 {offsets = [0, 0], sizes = [2000, 64], strides = [1, 1]} : vector<2000x128xf32> to vector<2000x64xf32>
    %slice3A_15 = vector.extract_strided_slice %get3A_8 {offsets = [0, 0], sizes = [2000, 64], strides = [1, 1]} : vector<2000x128xf32> to vector<2000x64xf32>
    %concatenate3A = tpu.concatenate %slice3A, %slice3A_15 in 1 : vector<2000x64xf32>, vector<2000x64xf32> -> vector<2000x128xf32>
    %slice3A_16 = vector.extract_strided_slice %get3A_3 {offsets = [0, 64], sizes = [2000, 64], strides = [1, 1]} : vector<2000x128xf32> to vector<2000x64xf32>
    %slice3A_17 = vector.extract_strided_slice %get3A_8 {offsets = [0, 64], sizes = [2000, 64], strides = [1, 1]} : vector<2000x128xf32> to vector<2000x64xf32>
    %concatenate3A_18 = tpu.concatenate %slice3A_16, %slice3A_17 in 1 : vector<2000x64xf32>, vector<2000x64xf32> -> vector<2000x128xf32>
    %add3A = arith.constant 1.000000e-16 : f32
    %add3A_19 = vector.broadcast %add3A : f32 to vector<2000x128xf32>
    %add3A_20 = arith.addf %concatenate3A_18, %add3A_19 : vector<2000x128xf32>
    %div3A = arith.divf %concatenate3A, %add3A_20 : vector<2000x128xf32>
    %mul3A = arith.mulf %div3A, %div3A : vector<2000x128xf32>
    %reduce_sum3A = arith.constant dense<0.000000e+00> : vector<2000xf32>
    %reduce_sum3A_21 = vector.multi_reduction <add>, %mul3A, %reduce_sum3A [1] : vector<2000x128xf32> to vector<2000xf32>
    %broadcast_in_dim3A = vector.shape_cast %reduce_sum3A_21 : vector<2000xf32> to vector<2000x1xf32>
    %add3A_22 = arith.constant 1.000000e-24 : f32
    %add3A_23 = vector.broadcast %add3A_22 : f32 to vector<2000x1xf32>
    %add3A_24 = arith.addf %broadcast_in_dim3A, %add3A_23 : vector<2000x1xf32>
    %sqrt3A = math.sqrt %add3A_24 : vector<2000x1xf32>
    %div3A_25 = vector.broadcast %sqrt3A : vector<2000x1xf32> to vector<2000x128xf32>
    %div3A_26 = arith.divf %div3A, %div3A_25 : vector<2000x128xf32>
    %mul3A_27 = arith.mulf %get3A_11, %get3A_11 : vector<2000x128xf32>
    %reduce_sum3A_28 = arith.constant dense<0.000000e+00> : vector<2000xf32>
    %reduce_sum3A_29 = vector.multi_reduction <add>, %mul3A_27, %reduce_sum3A_28 [1] : vector<2000x128xf32> to vector<2000xf32>
    %broadcast_in_dim3A_30 = vector.shape_cast %reduce_sum3A_29 : vector<2000xf32> to vector<2000x1xf32>
    %add3A_31 = arith.constant 1.000000e-24 : f32
    %add3A_32 = vector.broadcast %add3A_31 : f32 to vector<2000x1xf32>
    %add3A_33 = arith.addf %broadcast_in_dim3A_30, %add3A_32 : vector<2000x1xf32>
    %sqrt3A_34 = math.sqrt %add3A_33 : vector<2000x1xf32>
    %mul3A_35 = vector.broadcast %sqrt3A_34 : vector<2000x1xf32> to vector<2000x128xf32>
    %mul3A_36 = arith.mulf %div3A_26, %mul3A_35 : vector<2000x128xf32>
    %get3A_37 = arith.constant 0 : index
    %get3A_38 = arith.constant 0 : index
    %get3A_39 = memref.load %arg15[%get3A_37, %get3A_38] : memref<1x2xf32, #tpu.memory_space<smem>>
    %mul3A_40 = vector.broadcast %get3A_39 : f32 to vector<2000x128xf32>
    %mul3A_41 = arith.mulf %mul3A_36, %mul3A_40 : vector<2000x128xf32>
    %add3A_42 = arith.addf %get3A_11, %mul3A_41 : vector<2000x128xf32>
    %get3A_43 = arith.constant 0 : index
    %get3A_44 = arith.constant 0 : index
    %get3A_45 = vector.load %arg5[%get3A_43, %get3A_44] : memref<128x256xf32, #tpu.memory_space<vmem>>, vector<128x256xf32>
    %dot_general3A = arith.constant dense<0.000000e+00> : vector<2000x256xf32>
    %dot_general3A_46 = tpu.matmul %add3A_42, %get3A_45, %dot_general3A {dimension_numbers = #tpu.dot_dimension_numbers<[1], [0], [0], [1], [0, 0, 1, 1], [], []>, transpose_lhs_hint = false} : vector<2000x128xf32>, vector<128x256xf32>, vector<2000x256xf32> -> vector<2000x256xf32>
    %get3A_47 = arith.constant 0 : index
    %get3A_48 = arith.constant 0 : index
    %get3A_49 = vector.load %arg6[%get3A_47, %get3A_48] : memref<1x256xf32, #tpu.memory_space<vmem>>, vector<1x256xf32>
    %add3A_50 = vector.broadcast %get3A_49 : vector<1x256xf32> to vector<2000x256xf32>
    %add3A_51 = arith.addf %dot_general3A_46, %add3A_50 : vector<2000x256xf32>
    %reduce_sum3A_52 = arith.constant dense<0.000000e+00> : vector<2000xf32>
    %reduce_sum3A_53 = vector.multi_reduction <add>, %add3A_51, %reduce_sum3A_52 [1] : vector<2000x256xf32> to vector<2000xf32>
    %broadcast_in_dim3A_54 = vector.shape_cast %reduce_sum3A_53 : vector<2000xf32> to vector<2000x1xf32>
    %div3A_55 = arith.constant 2.560000e+02 : f32
    %div3A_56 = vector.broadcast %div3A_55 : f32 to vector<2000x1xf32>
    %div3A_57 = arith.divf %broadcast_in_dim3A_54, %div3A_56 : vector<2000x1xf32>
    %sub3A = vector.broadcast %div3A_57 : vector<2000x1xf32> to vector<2000x256xf32>
    %sub3A_58 = arith.subf %add3A_51, %sub3A : vector<2000x256xf32>
    %square3A = arith.mulf %sub3A_58, %sub3A_58 : vector<2000x256xf32>
    %reduce_sum3A_59 = arith.constant dense<0.000000e+00> : vector<2000xf32>
    %reduce_sum3A_60 = vector.multi_reduction <add>, %square3A, %reduce_sum3A_59 [1] : vector<2000x256xf32> to vector<2000xf32>
    %broadcast_in_dim3A_61 = vector.shape_cast %reduce_sum3A_60 : vector<2000xf32> to vector<2000x1xf32>
    %div3A_62 = arith.constant 2.560000e+02 : f32
    %div3A_63 = vector.broadcast %div3A_62 : f32 to vector<2000x1xf32>
    %div3A_64 = arith.divf %broadcast_in_dim3A_61, %div3A_63 : vector<2000x1xf32>
    %sub3A_65 = vector.broadcast %div3A_57 : vector<2000x1xf32> to vector<2000x256xf32>
    %sub3A_66 = arith.subf %add3A_51, %sub3A_65 : vector<2000x256xf32>
    %add3A_67 = arith.constant 9.99999974E-6 : f32
    %add3A_68 = vector.broadcast %add3A_67 : f32 to vector<2000x1xf32>
    %add3A_69 = arith.addf %div3A_64, %add3A_68 : vector<2000x1xf32>
    %sqrt3A_70 = math.sqrt %add3A_69 : vector<2000x1xf32>
    %div3A_71 = vector.broadcast %sqrt3A_70 : vector<2000x1xf32> to vector<2000x256xf32>
    %div3A_72 = arith.divf %sub3A_66, %div3A_71 : vector<2000x256xf32>
    %get3A_73 = arith.constant 0 : index
    %get3A_74 = arith.constant 0 : index
    %get3A_75 = vector.load %arg7[%get3A_73, %get3A_74] : memref<1x256xf32, #tpu.memory_space<vmem>>, vector<1x256xf32>
    %mul3A_76 = vector.broadcast %get3A_75 : vector<1x256xf32> to vector<2000x256xf32>
    %mul3A_77 = arith.mulf %div3A_72, %mul3A_76 : vector<2000x256xf32>
    %get3A_78 = arith.constant 0 : index
    %get3A_79 = arith.constant 0 : index
    %get3A_80 = vector.load %arg8[%get3A_78, %get3A_79] : memref<1x256xf32, #tpu.memory_space<vmem>>, vector<1x256xf32>
    %add3A_81 = vector.broadcast %get3A_80 : vector<1x256xf32> to vector<2000x256xf32>
    %add3A_82 = arith.addf %mul3A_77, %add3A_81 : vector<2000x256xf32>
    %max3A = arith.constant 0.000000e+00 : f32
    %max3A_83 = vector.broadcast %max3A : f32 to vector<2000x256xf32>
    %max3A_84 = arith.maximumf %add3A_82, %max3A_83 : vector<2000x256xf32>
    %get3A_85 = arith.constant 0 : index
    %get3A_86 = arith.constant 0 : index
    %get3A_87 = vector.load %arg9[%get3A_85, %get3A_86] : memref<256x128xf32, #tpu.memory_space<vmem>>, vector<256x128xf32>
    %dot_general3A_88 = arith.constant dense<0.000000e+00> : vector<2000x128xf32>
    %dot_general3A_89 = tpu.matmul %max3A_84, %get3A_87, %dot_general3A_88 {dimension_numbers = #tpu.dot_dimension_numbers<[1], [0], [0], [1], [0, 0, 1, 1], [], []>, transpose_lhs_hint = false} : vector<2000x256xf32>, vector<256x128xf32>, vector<2000x128xf32> -> vector<2000x128xf32>
    %add3A_90 = arith.addf %get3A_14, %dot_general3A_89 : vector<2000x128xf32>
    %get3A_91 = arith.constant 0 : index
    %get3A_92 = arith.constant 0 : index
    %get3A_93 = vector.load %arg10[%get3A_91, %get3A_92] : memref<1x128xf32, #tpu.memory_space<vmem>>, vector<1x128xf32>
    %add3A_94 = vector.broadcast %get3A_93 : vector<1x128xf32> to vector<2000x128xf32>
    %add3A_95 = arith.addf %add3A_90, %add3A_94 : vector<2000x128xf32>
    %reduce_sum3A_96 = arith.constant dense<0.000000e+00> : vector<2000xf32>
    %reduce_sum3A_97 = vector.multi_reduction <add>, %add3A_95, %reduce_sum3A_96 [1] : vector<2000x128xf32> to vector<2000xf32>
    %broadcast_in_dim3A_98 = vector.shape_cast %reduce_sum3A_97 : vector<2000xf32> to vector<2000x1xf32>
    %div3A_99 = arith.constant 1.280000e+02 : f32
    %div3A_100 = vector.broadcast %div3A_99 : f32 to vector<2000x1xf32>
    %div3A_101 = arith.divf %broadcast_in_dim3A_98, %div3A_100 : vector<2000x1xf32>
    %sub3A_102 = vector.broadcast %div3A_101 : vector<2000x1xf32> to vector<2000x128xf32>
    %sub3A_103 = arith.subf %add3A_95, %sub3A_102 : vector<2000x128xf32>
    %square3A_104 = arith.mulf %sub3A_103, %sub3A_103 : vector<2000x128xf32>
    %reduce_sum3A_105 = arith.constant dense<0.000000e+00> : vector<2000xf32>
    %reduce_sum3A_106 = vector.multi_reduction <add>, %square3A_104, %reduce_sum3A_105 [1] : vector<2000x128xf32> to vector<2000xf32>
    %broadcast_in_dim3A_107 = vector.shape_cast %reduce_sum3A_106 : vector<2000xf32> to vector<2000x1xf32>
    %div3A_108 = arith.constant 1.280000e+02 : f32
    %div3A_109 = vector.broadcast %div3A_108 : f32 to vector<2000x1xf32>
    %div3A_110 = arith.divf %broadcast_in_dim3A_107, %div3A_109 : vector<2000x1xf32>
    %sub3A_111 = vector.broadcast %div3A_101 : vector<2000x1xf32> to vector<2000x128xf32>
    %sub3A_112 = arith.subf %add3A_95, %sub3A_111 : vector<2000x128xf32>
    %add3A_113 = arith.constant 9.99999974E-6 : f32
    %add3A_114 = vector.broadcast %add3A_113 : f32 to vector<2000x1xf32>
    %add3A_115 = arith.addf %div3A_110, %add3A_114 : vector<2000x1xf32>
    %sqrt3A_116 = math.sqrt %add3A_115 : vector<2000x1xf32>
    %div3A_117 = vector.broadcast %sqrt3A_116 : vector<2000x1xf32> to vector<2000x128xf32>
    %div3A_118 = arith.divf %sub3A_112, %div3A_117 : vector<2000x128xf32>
    %get3A_119 = arith.constant 0 : index
    %get3A_120 = arith.constant 0 : index
    %get3A_121 = vector.load %arg11[%get3A_119, %get3A_120] : memref<1x128xf32, #tpu.memory_space<vmem>>, vector<1x128xf32>
    %mul3A_122 = vector.broadcast %get3A_121 : vector<1x128xf32> to vector<2000x128xf32>
    %mul3A_123 = arith.mulf %div3A_118, %mul3A_122 : vector<2000x128xf32>
    %get3A_124 = arith.constant 0 : index
    %get3A_125 = arith.constant 0 : index
    %get3A_126 = vector.load %arg12[%get3A_124, %get3A_125] : memref<1x128xf32, #tpu.memory_space<vmem>>, vector<1x128xf32>
    %add3A_127 = vector.broadcast %get3A_126 : vector<1x128xf32> to vector<2000x128xf32>
    %add3A_128 = arith.addf %mul3A_123, %add3A_127 : vector<2000x128xf32>
    %max3A_129 = arith.constant 0.000000e+00 : f32
    %max3A_130 = vector.broadcast %max3A_129 : f32 to vector<2000x128xf32>
    %max3A_131 = arith.maximumf %add3A_128, %max3A_130 : vector<2000x128xf32>
    %get3A_132 = arith.constant 0 : index
    %get3A_133 = arith.constant 0 : index
    %get3A_134 = vector.load %arg13[%get3A_132, %get3A_133] : memref<128x128xf32, #tpu.memory_space<vmem>>, vector<128x128xf32>
    %dot_general3A_135 = arith.constant dense<0.000000e+00> : vector<2000x128xf32>
    %dot_general3A_136 = tpu.matmul %max3A_131, %get3A_134, %dot_general3A_135 {dimension_numbers = #tpu.dot_dimension_numbers<[1], [0], [0], [1], [0, 0, 1, 1], [], []>, transpose_lhs_hint = false} : vector<2000x128xf32>, vector<128x128xf32>, vector<2000x128xf32> -> vector<2000x128xf32>
    %get3A_137 = arith.constant 0 : index
    %get3A_138 = arith.constant 0 : index
    %get3A_139 = vector.load %arg14[%get3A_137, %get3A_138] : memref<1x128xf32, #tpu.memory_space<vmem>>, vector<1x128xf32>
    %add3A_140 = vector.broadcast %get3A_139 : vector<1x128xf32> to vector<2000x128xf32>
    %add3A_141 = arith.addf %dot_general3A_136, %add3A_140 : vector<2000x128xf32>
    %slice3A_142 = vector.extract_strided_slice %add3A_141 {offsets = [0, 0], sizes = [2000, 47], strides = [1, 1]} : vector<2000x128xf32> to vector<2000x47xf32>
    %swap3A = arith.constant 0 : index
    %swap3A_143 = arith.constant 0 : index
    %swap3A_144 = vector.load %arg16[%swap3A, %swap3A_143] : memref<2000x47xf32, #tpu.memory_space<vmem>>, vector<2000x47xf32>
    tpu.vector_store %arg16[%swap3A, %swap3A_143], %slice3A_142 {strides = array<i32>} : memref<2000x47xf32, #tpu.memory_space<vmem>>, vector<2000x47xf32>,
    return
  }
  func.func @transform_0(%arg0: i32) -> (i32, i32, i32) {
    %c0_i32 = arith.constant 0 : i32
    %c0_i32_0 = arith.constant 0 : i32
    %c0_i32_1 = arith.constant 0 : i32
    return %c0_i32, %arg0, %c0_i32_0 : i32, i32, i32
  }
  func.func @transform_1(%arg0: i32) -> (i32, i32, i32) {
    %c1_i32 = arith.constant 1 : i32
    %c0_i32 = arith.constant 0 : i32
    %c0_i32_0 = arith.constant 0 : i32
    return %c1_i32, %arg0, %c0_i32 : i32, i32, i32
  }
  func.func @transform_2(%arg0: i32) -> (i32, i32) {
    %c0_i32 = arith.constant 0 : i32
    %c0_i32_0 = arith.constant 0 : i32
    return %arg0, %c0_i32 : i32, i32
  }
  func.func @transform_3(%arg0: i32) -> (i32, i32) {
    %c0_i32 = arith.constant 0 : i32
    %c0_i32_0 = arith.constant 0 : i32
    return %arg0, %c0_i32 : i32, i32
  }
  func.func @transform_4(%arg0: i32) -> (i32, i32) {
    %c0_i32 = arith.constant 0 : i32
    %c0_i32_0 = arith.constant 0 : i32
    %c0_i32_1 = arith.constant 0 : i32
    return %c0_i32, %c0_i32_0 : i32, i32
  }
  func.func @transform_5(%arg0: i32) -> (i32, i32) {
    %c0_i32 = arith.constant 0 : i32
    %c0_i32_0 = arith.constant 0 : i32
    %c0_i32_1 = arith.constant 0 : i32
    return %c0_i32, %c0_i32_0 : i32, i32
  }
  func.func @transform_6(%arg0: i32) -> (i32, i32) {
    %c0_i32 = arith.constant 0 : i32
    %c0_i32_0 = arith.constant 0 : i32
    %c0_i32_1 = arith.constant 0 : i32
    return %c0_i32, %c0_i32_0 : i32, i32
  }
  func.func @transform_7(%arg0: i32) -> (i32, i32) {
    %c0_i32 = arith.constant 0 : i32
    %c0_i32_0 = arith.constant 0 : i32
    %c0_i32_1 = arith.constant 0 : i32
    return %c0_i32, %c0_i32_0 : i32, i32
  }
  func.func @transform_8(%arg0: i32) -> (i32, i32) {
    %c0_i32 = arith.constant 0 : i32
    %c0_i32_0 = arith.constant 0 : i32
    %c0_i32_1 = arith.constant 0 : i32
    return %c0_i32, %c0_i32_0 : i32, i32
  }
  func.func @transform_9(%arg0: i32) -> (i32, i32) {
    %c0_i32 = arith.constant 0 : i32
    %c0_i32_0 = arith.constant 0 : i32
    %c0_i32_1 = arith.constant 0 : i32
    return %c0_i32, %c0_i32_0 : i32, i32
  }
  func.func @transform_10(%arg0: i32) -> (i32, i32) {
    %c0_i32 = arith.constant 0 : i32
    %c0_i32_0 = arith.constant 0 : i32
    %c0_i32_1 = arith.constant 0 : i32
    return %c0_i32, %c0_i32_0 : i32, i32
  }
  func.func @transform_11(%arg0: i32) -> (i32, i32) {
    %c0_i32 = arith.constant 0 : i32
    %c0_i32_0 = arith.constant 0 : i32
    %c0_i32_1 = arith.constant 0 : i32
    return %c0_i32, %c0_i32_0 : i32, i32
  }
  func.func @transform_12(%arg0: i32) -> (i32, i32) {
    %c0_i32 = arith.constant 0 : i32
    %c0_i32_0 = arith.constant 0 : i32
    %c0_i32_1 = arith.constant 0 : i32
    return %c0_i32, %c0_i32_0 : i32, i32
  }
  func.func @transform_13(%arg0: i32) -> (i32, i32) {
    %c0_i32 = arith.constant 0 : i32
    %c0_i32_0 = arith.constant 0 : i32
    %c0_i32_1 = arith.constant 0 : i32
    return %c0_i32, %c0_i32_0 : i32, i32
  }
  func.func @transform_14(%arg0: i32) -> (i32, i32) {
    %c0_i32 = arith.constant 0 : i32
    %c0_i32_0 = arith.constant 0 : i32
    %c0_i32_1 = arith.constant 0 : i32
    return %c0_i32, %c0_i32_0 : i32, i32
  }
  func.func @transform_15(%arg0: i32) -> (i32, i32) {
    %c0_i32 = arith.constant 0 : i32
    %c0_i32_0 = arith.constant 0 : i32
    return %arg0, %c0_i32 : i32, i32
  }
}

</mosaic_0001>

<sc_bundles>
// kernel: kernel.12.cloned.1.call-start
scs
__scs_entry_jumppad:
0x0: {  	(pc) =	sbr.rel $0x88, $3  }
0x1: {  	(tag) =	ssettag $0x0;
	lr =	simm.s32 $0x1  }
0x2: {  	[smem:$0x3F91] =	sst lr;
	_ =	strace $0xD0000000  }
0x3: {  	_ = 	snop  }
0x4: {  	_ = 	snop  }
0x5: {  	_ = 	snop  }
0x6: {  	_ = 	snop  }
0x7: {  	_ = 	snop  }
__scs_overlays_trampoline_lowered:
0x8: {  	[smem:$0x3FA0] =	sst s0  }
0x9: {  	[smem:$0x3FA1] =	sst s1  }
0xa: {  	[smem:$0x3FA2] =	sst s2  }
0xb: {  	[smem:$0x3FA3] =	sst s3  }
0xc: {  	[smem:$0x3FA4] =	sst s4  }
0xd: {  	[smem:$0x3FA5] =	sst s5  }
0xe: {  	[smem:$0x3FA6] =	sst s6  }
0xf: {  	[smem:$0x3FA7] =	sst s7  }
0x10: {  	[smem:$0x3FA8] =	sst s8  }
0x11: {  	[smem:$0x3FA9] =	sst s9;
	s0 =	simm.s32 @!p0 $0x0  }
0x12: {  	s1 =	sld [smem:$0x3F8F];
	s0 =	simm.s32 @p0 $0x1  }
0x13: {  	[smem:$0x3FAA] =	sst s0;
	s0 =	simm.s32 @!p1 $0x0  }
0x14: {  	s2 =	sld [smem:$0x3F8E];
	s0 =	simm.s32 @p1 $0x1  }
0x15: {  	[smem:$0x3FAB] =	sst s0;
	s0 =	simm.s32 @!p2 $0x0  }
0x16: {  	s3 =	sld [smem:$0x3FDB];
	s0 =	simm.s32 @p2 $0x1  }
0x17: {  	s4 =	simm.s32 $0x1BF5;
	[smem:$0x3FAD] =	sst s0  }
0x18: {  	s0 =	sld [smem:$0x3F90];
	_ =	swait.ge [sflag:s4], $0x0  }
0x19: {  	s7 =	sld [smem:$0x3F91]  }
0x1a: {  	s8 =	sadd.s32 $0xFFFFE003, lr  }
0x1b: {  	s9 =	sadd.s32 $0xFFFFFEF7, lr;
	s5 =	simm.s32 $0xFFFFFFFF;
	p2 =	slt.u32 s8, $0xFFFFF086  }
0x1c: {  	p1 =	slt.u32 s9, $0xF7A;
	s5 =	simm.s32 @!p2 $0x0  }
0x1d: {  	s5 =	simm.s32 @p1 $0x1;
	p0 =	seq.s32 s7, s2  }
0x1e: {  	s7 =	smul.u32 @!p0 $0xF7A, s2;
	p2 =	seq.s32 @!p0 s5, $0x0  }
0x1f: {  	s9 =	smul.u32 $0xF7A, s1;
	s8 =	simm.s32 @!p0 $0x1BF5;
	p2 =	por !p2, p0  }
0x20: {  	[sflag:s8] =	ssyncset.s32 @!p0 $0xFFFFF086;
	s6 =	sadd.s32 @!p0 s3, s7;
	s7 =	simm.s32 @!p0 $0x108  }
0x21: {  	s3 =	sadd.s32 s3, s9;
	s6 =	sadd.s32 @!p0 $0x88, s6;
	s7 =	simm.s32 @p2 $0x1082  }
0x22: {  	[simem:s7], [sflag:s8] =	dma.local @!p0 [hbm:s6], $0xF7A  }
0x23: {  	s9 =	sor.u32 $0xD0000000, s2;
	s6 =	simm.s32 $0x108;
	_ =	swait.ge @!p0 [sflag:s8], $0x0  }
0x24: {  	s3 =	sadd.s32 $0x88, s3;
	s6 =	simm.s32 @!p1 $0x1082;
	[sflag:s4] =	ssyncset.s32 $0xFFFFF086  }
0x25: {  	[simem:s6], [sflag:s4] =	dma.local [hbm:s3], $0xF7A  }
0x26: {  	[smem:$0x3F91] =	sst s1;
	(tag) =	ssettag s2;
	_ =	strace s9  }
0x27: {  	s1 =	sld [smem:$0x3FA1]  }
0x28: {  	s2 =	sld [smem:$0x3FA2]  }
0x29: {  	s4 =	sld [smem:$0x3FA4]  }
0x2a: {  	p0 =	seq.s32 s5, $0x0;
	s5 =	sld [smem:$0x3FA5]  }
0x2b: {  	s6 =	sld [smem:$0x3FA6]  }
0x2c: {  	s7 =	sld [smem:$0x3FA7]  }
0x2d: {  	s3 =	simm.s32 $0x108;
	s8 =	sld [smem:$0x3FA8]  }
0x2e: {  	s3 =	simm.s32 @!p0 $0x1082;
	s9 =	sld [smem:$0x3FA9]  }
0x2f: {  	lr =	sadd.s32 s0, s3;
	s0 =	sld [smem:$0x3FA0]  }
0x30: {  	s3 =	sld [smem:$0x3FA3]  }
0x31: {  	[smem:$0x3FAC] =	sst s10  }
0x32: {  	s10 =	sld [smem:$0x3FAA];
	_ =	sdelay $0x3  }
0x33: {  	p0 =	seq.s32 s10, $0x1;
	s10 =	sld [smem:$0x3FAC];
	_ =	sdelay $0x3  }
0x34: {  	[smem:$0x3FAC] =	sst s10  }
0x35: {  	s10 =	sld [smem:$0x3FAB];
	_ =	sdelay $0x3  }
0x36: {  	p1 =	seq.s32 s10, $0x1;
	s10 =	sld [smem:$0x3FAC];
	_ =	sdelay $0x3  }
0x37: {  	[smem:$0x3FAC] =	sst s10  }
0x38: {  	s10 =	sld [smem:$0x3FAD]  }
0x39: {  	_ = 	snop;
	(pc) =	sbr.ind lr, $3  }
0x3a: {  	_ = 	snop  }
0x3b: {  	_ = 	snop  }
0x3c: {  	p2 =	seq.s32 s10, $0x1;
	s10 =	sld [smem:$0x3FAC]  }
0x3d: {  	_ =	shalt  }
0x3e: {  	_ =	shalt  }
0x3f: {  	_ =	shalt  }
0x40: {  	_ =	shalt  }
0x41: {  	_ =	shalt  }
0x42: {  	_ =	shalt  }
0x43: {  	_ =	shalt  }
0x44: {  	_ =	shalt  }
0x45: {  	_ =	shalt  }
0x46: {  	_ =	shalt  }
0x47: {  	_ =	shalt  }
0x48: {  	_ =	shalt  }
0x49: {  	_ =	shalt  }
0x4a: {  	_ =	shalt  }
0x4b: {  	_ =	shalt  }
0x4c: {  	_ =	shalt  }
0x4d: {  	_ =	shalt  }
0x4e: {  	_ =	shalt  }
0x4f: {  	_ =	shalt  }
0x50: {  	_ =	shalt  }
0x51: {  	_ =	shalt  }
0x52: {  	_ =	shalt  }
0x53: {  	_ =	shalt  }
0x54: {  	_ =	shalt  }
0x55: {  	_ =	shalt  }
0x56: {  	_ =	shalt  }
0x57: {  	_ =	shalt  }
0x58: {  	_ =	shalt  }
0x59: {  	_ =	shalt  }
0x5a: {  	_ =	shalt  }
0x5b: {  	_ =	shalt  }
0x5c: {  	_ =	shalt  }
0x5d: {  	_ =	shalt  }
0x5e: {  	_ =	shalt  }
0x5f: {  	_ =	shalt  }
0x60: {  	_ =	shalt  }
0x61: {  	_ =	shalt  }
0x62: {  	_ =	shalt  }
0x63: {  	_ =	shalt  }
0x64: {  	_ =	shalt  }
0x65: {  	_ =	shalt  }
0x66: {  	_ =	shalt  }
0x67: {  	_ =	shalt  }
0x68: {  	_ =	shalt  }
0x69: {  	_ =	shalt  }
0x6a: {  	_ =	shalt  }
0x6b: {  	_ =	shalt  }
0x6c: {  	_ =	shalt  }
0x6d: {  	_ =	shalt  }
0x6e: {  	_ =	shalt  }
0x6f: {  	_ =	shalt  }
0x70: {  	_ =	shalt  }
0x71: {  	_ =	shalt  }
0x72: {  	_ =	shalt  }
0x73: {  	_ =	shalt  }
0x74: {  	_ =	shalt  }
0x75: {  	_ =	shalt  }
0x76: {  	_ =	shalt  }
0x77: {  	_ =	shalt  }
0x78: {  	_ =	shalt  }
0x79: {  	_ =	shalt  }
0x7a: {  	_ =	shalt  }
0x7b: {  	_ =	shalt  }
0x7c: {  	_ =	shalt  }
0x7d: {  	_ =	shalt  }
0x7e: {  	_ =	shalt  }
0x7f: {  	_ =	shalt  }
0x80: {  	_ =	shalt  }
0x81: {  	_ =	shalt  }
0x82: {  	_ =	shalt  }
0x83: {  	_ =	shalt  }
0x84: {  	_ =	shalt  }
0x85: {  	_ =	shalt  }
0x86: {  	_ =	shalt  }
0x87: {  	_ =	shalt  }
.Lfunc_end0:
.L_simem_size_0:
called_computation.1_lowered:
.L_overlay_start_0:
0x88: {  	s2 =	sld [smem:$0x3FD9]  }
0x89: {  	s3 =	sld [smem:$0x3FFE];
	_ =	sdelay $0x1  }
0x8a: {  	s1 =	srdreg.scid  }
0x8b: {  	s0 =	sand.u32 $0x1, s1  }
0x8c: {  	s16 =	sshll.u32 s0, $0xA;
	s2 =	sadd.s32 s3, s2  }
0x8d: {  	s2 =	sadd.s32 s2, s16  }
0x8e: {  	[smem:$0x3FB8] =	sst s2  }
0x8f: {  	_ = 	snop  }
0x90: {  	(tm) =	ssettm $0x1  }
0x91: {  	s17 =	sld [smem:$0x3FFB];
	_ =	sdelay $0x3  }
0x92: {  	_ =	strace s17  }
0x93: {  	s2 =	sld [smem:$0x3FFC];
	_ =	sdelay $0x3  }
0x94: {  	_ =	strace s2  }
0x95: {  	s2 =	sld [smem:$0x3FFD];
	_ =	sdelay $0x3  }
0x96: {  	_ =	strace s2  }
0x97: {  	_ =	strace $0x8FFFFFFF  }
0x98: {  	s18 =	sld [smem:$0x3FDB];
	_ =	sdelay $0x1  }
0x99: {  	s19 =	simm.s32 $_scs_section_size  }
0x9a: {  	s4 =	simm.s32 $_size__tile_overlayer_lowered;
	s5 =	simm.s32 $_tile_overlayer_lowered  }
0x9b: {  	s22 =	simm.s32 $0x1BFF;
	s21 =	sshll.u32 s5, $0x1;
	s2 =	sadd.s32 s19, s18  }
0x9c: {  	s6 =	simm.s32 $0x0;
	s20 =	sshll.u32 s4, $0x1;
	s4 =	sadd.s32 s21, s2  }
0x9d: {  	[timem:s6], [sflag:s22] =	dma.local [hbm:s4], s20  }
0x9e: {  	_ =	swait.ge [sflag:s22], s20  }
0x9f: {  	s3 =	ssub.s32 $0x0, s20;
	[sflag:s22] =	ssyncset.done $0x0  }
0xa0: {  	[sflag:s22] =	ssyncadd.s32 s3;
	_ =	sdelay $0x1  }
0xa1: {  	s23 =	simm.s32 $0x1B8B  }
0xa2: {  	_ =	swait.ge [sflag:s23], $0x1  }
0xa3: {  	[sflag:s23] =	ssyncset.done $0x0  }
0xa4: {  	s25 =	simm.s32 $0x1B8E;
	s24 =	sld [smem:$0x3FFE];
	[sflag:s23] =	ssyncadd.s32 $0xFFFFFFFF  }
0xa5: {  	s26 =	simm.s32 $execute0_lowered;
	[smem:$0x3FD2] =	sst s25  }
0xa6: {  	s4 =	sshll.u32 s26, $0x1;
	_ =	strace $0x80000049;
	[dreg:$0x1] =	wrdreg $0xFFFFFFFF  }
0xa7: {  	s28 =	simm.s32 $_size_execute0_lowered;
	s2 =	sadd.s32 s2, s4;
	[dreg:$0x0] =	wrdreg $0x0  }
0xa8: {  	s4 =	sshll.u32 s28, $0x1;
	[dreg:$0x2] =	wrdreg s2  }
0xa9: {  	[dreg:$0x3] =	wrdreg s4  }
0xaa: {  	[dreg:$0x4] =	wrdreg $0xC0  }
0xab: {  	_ =	task [dreg:s6], $0x5FFFF  }
0xac: {  	[dreg:$0x1] =	wrdreg $0xFFFFFFFF  }
0xad: {  	[dreg:$0x0] =	wrdreg $0x60  }
0xae: {  	[dreg:$0x2] =	wrdreg s24  }
0xaf: {  	[dreg:$0x3] =	wrdreg $0xA0000  }
0xb0: {  	[dreg:$0x4] =	wrdreg $0x9  }
0xb1: {  	_ =	task.clear_ibuf [dreg:s6], $0x5FFFF;
	_ =	strace $0x90000049  }
0xb2: {  	s29 =	simm.s32 $0x9;
	_ =	strace $0x8000004B  }
0xb3: {  	_ =	swait.ge [sflag:s29], $0x1  }
0xb4: {  	[sflag:s29] =	ssyncadd.s32 $0xFFFFFFFF  }
0xb5: {  	_ =	strace $0x9000004B  }
0xb6: {  	_ =	sfence  }
0xb7: {  	s30 =	sld [smem:$0x0];
	_ =	sdelay $0x2  }
0xb8: {  	s31 =	sshll.u32 s1, $0xD;
	s1 =	sshrl.u32 s1, $0x2  }
0xb9: {  	s3 =	sand.u32 $0x4000, s31;
	s1 =	sadd.s32 s1, s30  }
0xba: {  	s0 =	sor.u32 s3, s0;
	s1 =	sshll.u32 s1, $0x11  }
0xbb: {  	s0 =	sor.u32 s1, s0  }
0xbc: {  	s0 =	sadd.s32 $0x8F2B, s0  }
0xbd: {  	[sflag:s0] =	ssyncadd.remote.s32 $0x1  }
0xbe: {  	_ =	sfence.sel $0xFFFF  }
0xbf: {  	[dreg:$0x0] =	wrdreg $0xFFFFFFFF;
	(pc) =	sbr.abs _section_cstart, $3  }
0xc0: {  	[dreg:$0x1] =	wrdreg $0xFFFFFFFF  }
0xc1: {  	_ =	task.clear_ibuf [dreg:s6], $0x2FFFF;
	_ =	strace $0x9FFFFFFF  }
0xc2: {  	(tm) =	ssettm $0x7FFFFFFF  }
0xc3: {  	_ =	shalt  }
tec
execute0_lowered:
.L_overlay_start_1:
0x0: {  	(tag) =	ssettag $0x1  }
0x1: {  	s0 =	rddreg [dreg:$0x0]  }
0x2: {  	s1 =	rddreg [dreg:$0x1]  }
0x3: {  	s2 =	srdreg.scid;
	s3 =	simm.s32 $0x0;
	s9 =	stileid.u32  }
0x4: {  	s28 =	simm.s32 $0x3;
	s11 =	simm.s32 $0x1C80;
	s5 =	smul.u32 $0x13C00, s9  }
0x5: {  	s13 =	simm.s32 $0xD80;
	s14 =	simm.s32 $0x1D00;
	s16 =	smul.u32 $0x5000, s9  }
0x6: {  	s29 =	simm.s32 $0xF00;
	s30 =	simm.s32 $0x1E80;
	s8 =	smul.u32 $0x4F000, s9  }
0x7: {  	s31 =	simm.s32 $0xF80;
	s2 =	sand.u32 $0x1, s2;
	s25 =	smul.u32 $0xA00, s9  }
0x8: {  	[smem:$0x7FF] =	sst s3;
	s7 =	sadd.s32 $0x4200, s0;
	s4 =	smul.u32 $0x13C000, s2  }
0x9: {  	s9 =	simm.s32 $0x1C00;
	s6 =	smul.u32 $0x27100, s2;
	s2 =	ssub.s32 $0x2, s2  }
0xa: {  	_ =	strace $0x8000004A;
	s17 =	sshrl.u32 s16, $0x3;
	s18 =	sshrl.u32 s2, $0x1  }
0xb: {  	s19 =	sshrl.u32 s8, $0x2;
	s15 =	sadd.s32 s25, s7;
	s25 =	simm.s32 $0x2  }
0xc: {  	s16 =	simm.s32 $0x1F00;
	s4 =	sadd.s32 s5, s4;
	s6 =	sadd.s32 s6, s0  }
0xd: {  	s10 =	sadd.s32 s7, s17;
	s2 =	ssub.s32 s2, s18;
	s8 =	sadd.s32 s19, s1  }
0xe: {  	s17 =	simm.s32 $0x2000;
	s18 =	simm.s32 $0x4;
	s19 =	simm.s32 $0x1  }
0xf: {  	s5 =	simm.s32 $0x0;
	s4 =	sshrl.u32 s4, $0x3;
	[dreg:$0x3] =	wrdreg s10  }
0x10: {  	s20 =	sadd.s32 $0xA000, s10;
	s21 =	sadd.s32 $0x7D00, s8;
	[dreg:$0x5] =	wrdreg s8  }
0x11: {  	s22 =	sadd.s32 $0xBB80, s8;
	s23 =	sadd.s32 $0xFA00, s8;
	[dreg:$0x4] =	wrdreg s20  }
0x12: {  	s24 =	sadd.s32 $0x13880, s8;
	s12 =	sadd.s32 $0x18200, s6;
	[dreg:$0x7] =	wrdreg s21  }
0x13: {  	s26 =	smax.u32 s2, $0x1;
	s10 =	simm.s32 $0xD00;
	[dreg:$0x8] =	wrdreg s22  }
0x14: {  	s6 =	simm.s32 $0x1D80;
	s0 =	sadd.s32 s4, s0;
	[dreg:$0x9] =	wrdreg s23  }
.Ltmp0:
0x15: {  	s4 =	sadd.s32 $0x3E80, s8;
	[dreg:$0xa] =	wrdreg s24;
	(pc) =	sbr.rel .LBB2_1-.Ltmp0, $4  }
0x16: {  	[dreg:$0xc] =	wrdreg s26;
	s20 =	simm.s32 $0x7D;
	s22 =	simm.s32 $0x6000  }
0x17: {  	s23 =	simm.s32 $0x800;
	s24 =	simm.s32 $0x1800;
	s21 =	simm.s32 $0xE80  }
0x18: {  	s26 =	simm.s32 $0x1E00;
	[dreg:$0x6] =	wrdreg s4;
	s0 =	sadd.s32 $0x66400, s0  }
0x19: {  	v0 =	vimm.f32 $0.0e+00;
	s4 =	simm.s32 $0xE00;
	[dreg:$0xb] =	wrdreg s0;
	s0 =	simm.s32 $0x1F80  }
.LBB2_6:
0x1a: {  	s2 =	stileid.u32;
	[bflag:$0x0] =	sbarrier.arrive $0xFFFF  }
0x1b: {  	s2 =	sshll.u32 s2, $0x6;
	s8 =	rddreg [dreg:$0x5]  }
0x1c: {  	s7 =	rddreg [dreg:$0xb];
	s2 =	sor.u32 $0x1C04, s2;
	s5 =	sshrl.u32 s8, $0x3  }
0x1d: {  	[hbm:s7], [sflag:s2] =	dma.local [spmem:s5], $0x2780  }
0x1e: {  	_ =	swait.ge [sflag:s18], $0x2780  }
0x1f: {  	s2 =	rddreg [dreg:$0xd]  }
0x20: {  	s7 =	rddreg [dreg:$0xc];
	s5 =	sadd.s32 $0x1, s2  }
0x21: {  	p0 =	sne.s32 s5, s7  }
.Ltmp1:
0x22: {  	_ = 	snop;
	(pc) =	sbr.rel @!p0 .LBB2_7-.Ltmp1, $3  }
0x23: {  	_ =	sdelay $0x1  }
0x24: {  	[sflag:s18] =	ssyncset.done $0x0  }
0x25: {  	[sflag:s18] =	ssyncadd.s32 $0xFFFFD880  }
.LBB2_1:
0x26: {  	[dreg:$0xd] =	wrdreg s5  }
0x27: {  	s2 =	rddreg [dreg:$0x3]  }
0x28: {  	[tilespmem:s3], [sflag:$0x1] =	stream.linear.gather [hbm4b:s2+s3], $0x800, $0x38;
	[tilespmem:$0x1DC00] =	vst v63  }
0x29: {  	s5 =	rddreg [dreg:$0x4];
	s7 =	simm.s32 $0x1000  }
0x2a: {  	[tilespmem:s7], [sflag:$0x1] =	stream.linear.gather [hbm4b:s5+s3], $0x800, $0x38;
	[tilespmem:$0x1DC00] =	vst v63  }
0x2b: {  	s2 =	simm.s32 $0x0;
	s5 =	simm.s32 $0x200  }
.LBB2_2:
0x2c: {  	p0 =	sne.s32 s5, $0xF800;
	[tilespmem:s2+$0x2070] =	vst v0  }
0x2d: {  	[tilespmem:s2+$0x2000] =	vst v0  }
0x2e: {  	[tilespmem:s2+$0x2010] =	vst v0  }
.Ltmp2:
0x2f: {  	[tilespmem:s2+$0x2020] =	vst v0;
	(pc) =	sbr.rel @p0 .LBB2_2-.Ltmp2, $4  }
0x30: {  	[tilespmem:s2+$0x2030] =	vst v0  }
0x31: {  	[tilespmem:s2+$0x2040] =	vst v0  }
0x32: {  	[tilespmem:s2+$0x2050] =	vst v0  }
0x33: {  	[tilespmem:s2+$0x2060] =	vst v0;
	s2 =	sshra.s32 s5, $0x2;
	s5 =	sadd.s32 $0x200, s5  }
0x34: {  	[tilespmem:s2+$0x2070] =	vst v0  }
0x35: {  	[tilespmem:s2+$0x2000] =	vst v0  }
0x36: {  	[tilespmem:s2+$0x2010] =	vst v0  }
0x37: {  	[tilespmem:s2+$0x2020] =	vst v0  }
0x38: {  	[tilespmem:s2+$0x2030] =	vst v0  }
0x39: {  	[tilespmem:s2+$0x2040] =	vst v0  }
0x3a: {  	[tilespmem:s2+$0x2050] =	vst v0  }
0x3b: {  	[tilespmem:s2+$0x2060] =	vst v0  }
0x3c: {  	[spmem:s8] =	stream.linear.scatter [tilespmem:s17], [sflag:$0x4], $0x3E80, $0x38;
	[tilespmem:$0x1DC00] =	vst v63  }
0x3d: {  	_ =	swait.ge [sflag:s18], $0x3E80  }
0x3e: {  	[sflag:s18] =	ssyncset.done $0x0  }
0x3f: {  	s5 =	rddreg [dreg:$0x6];
	[sflag:s18] =	ssyncadd.s32 $0xFFFFC180  }
0x40: {  	[spmem:s5] =	stream.linear.scatter [tilespmem:s17], [sflag:$0x4], $0x3E80, $0x38;
	[tilespmem:$0x1DC00] =	vst v63  }
0x41: {  	_ =	swait.ge [sflag:s18], $0x3E80  }
0x42: {  	[sflag:s18] =	ssyncset.done $0x0  }
0x43: {  	s7 =	rddreg [dreg:$0x7];
	[sflag:s18] =	ssyncadd.s32 $0xFFFFC180  }
0x44: {  	[spmem:s7] =	stream.linear.scatter [tilespmem:s17], [sflag:$0x4], $0x3E80, $0x38;
	[tilespmem:$0x1DC00] =	vst v63  }
0x45: {  	_ =	swait.ge [sflag:s18], $0x3E80  }
0x46: {  	[sflag:s18] =	ssyncset.done $0x0  }
0x47: {  	s8 =	rddreg [dreg:$0x8];
	[sflag:s18] =	ssyncadd.s32 $0xFFFFC180  }
0x48: {  	[spmem:s8] =	stream.linear.scatter [tilespmem:s17], [sflag:$0x4], $0x3E80, $0x38;
	[tilespmem:$0x1DC00] =	vst v63  }
0x49: {  	_ =	swait.ge [sflag:s18], $0x3E80  }
0x4a: {  	[sflag:s18] =	ssyncset.done $0x0  }
0x4b: {  	s5 =	rddreg [dreg:$0x9];
	[sflag:s18] =	ssyncadd.s32 $0xFFFFC180  }
0x4c: {  	[spmem:s5] =	stream.linear.scatter [tilespmem:s17], [sflag:$0x4], $0x3E80, $0x38;
	[tilespmem:$0x1DC00] =	vst v63  }
0x4d: {  	_ =	swait.ge [sflag:s18], $0x3E80  }
0x4e: {  	[sflag:s18] =	ssyncset.done $0x0  }
0x4f: {  	s7 =	rddreg [dreg:$0xa];
	[sflag:s18] =	ssyncadd.s32 $0xFFFFC180  }
0x50: {  	[spmem:s7] =	stream.linear.scatter [tilespmem:s17], [sflag:$0x4], $0x380, $0x38;
	[tilespmem:$0x1DC00] =	vst v63  }
0x51: {  	_ =	swait.ge [sflag:s18], $0x380  }
0x52: {  	[sflag:s18] =	ssyncset.done $0x0  }
0x53: {  	[sflag:s18] =	ssyncadd.s32 $0xFFFFFC80  }
0x54: {  	_ =	swait.ge [sflag:s19], $0x800  }
0x55: {  	[sflag:s19] =	ssyncset.done $0x0  }
0x56: {  	[sflag:s19] =	ssyncadd.s32 $0xFFFFF800  }
0x57: {  	_ =	swait.ge [sflag:s19], $0x800  }
0x58: {  	[sflag:s19] =	ssyncset.done $0x0  }
0x59: {  	[sflag:s19] =	ssyncadd.s32 $0xFFFFF800  }
0x5a: {  	[tilespmem:s17], [sflag:$0x2] =	stream.indirect.gather [hbm4b:s12+s20], $0x80, s3, s20, $0xb8;
	[tilespmem:$0x1DC00] =	vst v63  }
0x5b: {  	s8 =	simm.s32 $0x80  }
0x5c: {  	[tilespmem:s22], [sflag:$0x3] =	stream.indirect.gather [hbm4b:s12+s20], $0x80, s8, s20, $0xb8;
	[tilespmem:$0x1DC00] =	vst v63  }
0x5d: {  	s2 =	simm.s32 $0xFFFFF800;
	[bflag:$0x0] =	sbarrier.arrive $0xFFFF  }
.LBB2_4:
0x5e: {  	s5 =	sadd.s32 s2, s15  }
0x5f: {  	s7 =	sadd.s32 $0x900, s5  }
0x60: {  	[tilespmem:s23], [sflag:$0x1] =	stream.linear.gather [hbm4b:s7+s3], $0x800, $0x38;
	[tilespmem:$0x1DC00] =	vst v63  }
0x61: {  	s5 =	sadd.s32 $0xA900, s5  }
0x62: {  	[tilespmem:s24], [sflag:$0x1] =	stream.linear.gather [hbm4b:s5+s3], $0x800, $0x38;
	[tilespmem:$0x1DC00] =	vst v63  }
0x63: {  	_ =	swait.ge [sflag:s25], $0x3E80  }
0x64: {  	[sflag:s25] =	ssyncset.done $0x0  }
0x65: {  	s7 =	simm.s32 $0x1000;
	[sflag:s25] =	ssyncadd.s32 $0xFFFFC180  }
0x66: {  	[spmem:s1] =	stream.indirect.scatter.add.f32 [tilespmem:s17], [sflag:$0x4], $0x80, s7, s20, $0xb8;
	[tilespmem:$0x1DC00] =	vst v63  }
0x67: {  	_ =	swait.ge [sflag:s18], $0x3E80  }
0x68: {  	[sflag:s18] =	ssyncset.done $0x0  }
0x69: {  	s8 =	simm.s32 $0x100;
	[sflag:s18] =	ssyncadd.s32 $0xFFFFC180  }
0x6a: {  	[tilespmem:s17], [sflag:$0x2] =	stream.indirect.gather [hbm4b:s12+s20], $0x80, s8, s20, $0xb8;
	[tilespmem:$0x1DC00] =	vst v63  }
0x6b: {  	_ =	swait.ge [sflag:s28], $0x3E80  }
0x6c: {  	[sflag:s28] =	ssyncset.done $0x0  }
0x6d: {  	s7 =	simm.s32 $0x1080;
	[sflag:s28] =	ssyncadd.s32 $0xFFFFC180  }
0x6e: {  	[spmem:s1] =	stream.indirect.scatter.add.f32 [tilespmem:s22], [sflag:$0x4], $0x80, s7, s20, $0xb8;
	[tilespmem:$0x1DC00] =	vst v63  }
0x6f: {  	_ =	swait.ge [sflag:s18], $0x3E80  }
0x70: {  	[sflag:s18] =	ssyncset.done $0x0  }
0x71: {  	s8 =	simm.s32 $0x180;
	[sflag:s18] =	ssyncadd.s32 $0xFFFFC180  }
0x72: {  	[tilespmem:s22], [sflag:$0x3] =	stream.indirect.gather [hbm4b:s12+s20], $0x80, s8, s20, $0xb8;
	[tilespmem:$0x1DC00] =	vst v63  }
0x73: {  	_ =	swait.ge [sflag:s25], $0x3E80  }
0x74: {  	[sflag:s25] =	ssyncset.done $0x0  }
0x75: {  	s7 =	simm.s32 $0x1100;
	[sflag:s25] =	ssyncadd.s32 $0xFFFFC180  }
0x76: {  	[spmem:s1] =	stream.indirect.scatter.add.f32 [tilespmem:s17], [sflag:$0x4], $0x80, s7, s20, $0xb8;
	[tilespmem:$0x1DC00] =	vst v63  }
0x77: {  	_ =	swait.ge [sflag:s18], $0x3E80  }
0x78: {  	[sflag:s18] =	ssyncset.done $0x0  }
0x79: {  	s8 =	simm.s32 $0x200;
	[sflag:s18] =	ssyncadd.s32 $0xFFFFC180  }
0x7a: {  	[tilespmem:s17], [sflag:$0x2] =	stream.indirect.gather [hbm4b:s12+s20], $0x80, s8, s20, $0xb8;
	[tilespmem:$0x1DC00] =	vst v63  }
0x7b: {  	_ =	swait.ge [sflag:s28], $0x3E80  }
0x7c: {  	[sflag:s28] =	ssyncset.done $0x0  }
0x7d: {  	s7 =	simm.s32 $0x1180;
	[sflag:s28] =	ssyncadd.s32 $0xFFFFC180  }
0x7e: {  	[spmem:s1] =	stream.indirect.scatter.add.f32 [tilespmem:s22], [sflag:$0x4], $0x80, s7, s20, $0xb8;
	[tilespmem:$0x1DC00] =	vst v63  }
0x7f: {  	_ =	swait.ge [sflag:s18], $0x3E80  }
0x80: {  	[sflag:s18] =	ssyncset.done $0x0  }
0x81: {  	s8 =	simm.s32 $0x280;
	[sflag:s18] =	ssyncadd.s32 $0xFFFFC180  }
0x82: {  	[tilespmem:s22], [sflag:$0x3] =	stream.indirect.gather [hbm4b:s12+s20], $0x80, s8, s20, $0xb8;
	[tilespmem:$0x1DC00] =	vst v63  }
0x83: {  	_ =	swait.ge [sflag:s25], $0x3E80  }
0x84: {  	[sflag:s25] =	ssyncset.done $0x0  }
0x85: {  	s7 =	simm.s32 $0x1200;
	[sflag:s25] =	ssyncadd.s32 $0xFFFFC180  }
0x86: {  	[spmem:s1] =	stream.indirect.scatter.add.f32 [tilespmem:s17], [sflag:$0x4], $0x80, s7, s20, $0xb8;
	[tilespmem:$0x1DC00] =	vst v63  }
0x87: {  	_ =	swait.ge [sflag:s18], $0x3E80  }
0x88: {  	[sflag:s18] =	ssyncset.done $0x0  }
0x89: {  	s8 =	simm.s32 $0x300;
	[sflag:s18] =	ssyncadd.s32 $0xFFFFC180  }
0x8a: {  	[tilespmem:s17], [sflag:$0x2] =	stream.indirect.gather [hbm4b:s12+s20], $0x80, s8, s20, $0xb8;
	[tilespmem:$0x1DC00] =	vst v63  }
0x8b: {  	_ =	swait.ge [sflag:s28], $0x3E80  }
0x8c: {  	[sflag:s28] =	ssyncset.done $0x0  }
0x8d: {  	s7 =	simm.s32 $0x1280;
	[sflag:s28] =	ssyncadd.s32 $0xFFFFC180  }
0x8e: {  	[spmem:s1] =	stream.indirect.scatter.add.f32 [tilespmem:s22], [sflag:$0x4], $0x80, s7, s20, $0xb8;
	[tilespmem:$0x1DC00] =	vst v63  }
0x8f: {  	_ =	swait.ge [sflag:s18], $0x3E80  }
0x90: {  	[sflag:s18] =	ssyncset.done $0x0  }
0x91: {  	s8 =	simm.s32 $0x380;
	[sflag:s18] =	ssyncadd.s32 $0xFFFFC180  }
0x92: {  	[tilespmem:s22], [sflag:$0x3] =	stream.indirect.gather [hbm4b:s12+s20], $0x80, s8, s20, $0xb8;
	[tilespmem:$0x1DC00] =	vst v63  }
0x93: {  	_ =	swait.ge [sflag:s25], $0x3E80  }
0x94: {  	[sflag:s25] =	ssyncset.done $0x0  }
0x95: {  	s7 =	simm.s32 $0x1300;
	[sflag:s25] =	ssyncadd.s32 $0xFFFFC180  }
0x96: {  	[spmem:s1] =	stream.indirect.scatter.add.f32 [tilespmem:s17], [sflag:$0x4], $0x80, s7, s20, $0xb8;
	[tilespmem:$0x1DC00] =	vst v63  }
0x97: {  	_ =	swait.ge [sflag:s18], $0x3E80  }
0x98: {  	[sflag:s18] =	ssyncset.done $0x0  }
0x99: {  	s8 =	simm.s32 $0x400;
	[sflag:s18] =	ssyncadd.s32 $0xFFFFC180  }
0x9a: {  	[tilespmem:s17], [sflag:$0x2] =	stream.indirect.gather [hbm4b:s12+s20], $0x80, s8, s20, $0xb8;
	[tilespmem:$0x1DC00] =	vst v63  }
0x9b: {  	_ =	swait.ge [sflag:s28], $0x3E80  }
0x9c: {  	[sflag:s28] =	ssyncset.done $0x0  }
0x9d: {  	s7 =	simm.s32 $0x1380;
	[sflag:s28] =	ssyncadd.s32 $0xFFFFC180  }
0x9e: {  	[spmem:s1] =	stream.indirect.scatter.add.f32 [tilespmem:s22], [sflag:$0x4], $0x80, s7, s20, $0xb8;
	[tilespmem:$0x1DC00] =	vst v63  }
0x9f: {  	_ =	swait.ge [sflag:s18], $0x3E80  }
0xa0: {  	[sflag:s18] =	ssyncset.done $0x0  }
0xa1: {  	s8 =	simm.s32 $0x480;
	[sflag:s18] =	ssyncadd.s32 $0xFFFFC180  }
0xa2: {  	[tilespmem:s22], [sflag:$0x3] =	stream.indirect.gather [hbm4b:s12+s20], $0x80, s8, s20, $0xb8;
	[tilespmem:$0x1DC00] =	vst v63  }
0xa3: {  	_ =	swait.ge [sflag:s25], $0x3E80  }
0xa4: {  	[sflag:s25] =	ssyncset.done $0x0  }
0xa5: {  	s7 =	simm.s32 $0x1400;
	[sflag:s25] =	ssyncadd.s32 $0xFFFFC180  }
0xa6: {  	[spmem:s1] =	stream.indirect.scatter.add.f32 [tilespmem:s17], [sflag:$0x4], $0x80, s7, s20, $0xb8;
	[tilespmem:$0x1DC00] =	vst v63  }
0xa7: {  	_ =	swait.ge [sflag:s18], $0x3E80  }
0xa8: {  	[sflag:s18] =	ssyncset.done $0x0  }
0xa9: {  	s8 =	simm.s32 $0x500;
	[sflag:s18] =	ssyncadd.s32 $0xFFFFC180  }
0xaa: {  	[tilespmem:s17], [sflag:$0x2] =	stream.indirect.gather [hbm4b:s12+s20], $0x80, s8, s20, $0xb8;
	[tilespmem:$0x1DC00] =	vst v63  }
0xab: {  	_ =	swait.ge [sflag:s28], $0x3E80  }
0xac: {  	[sflag:s28] =	ssyncset.done $0x0  }
0xad: {  	s7 =	simm.s32 $0x1480;
	[sflag:s28] =	ssyncadd.s32 $0xFFFFC180  }
0xae: {  	[spmem:s1] =	stream.indirect.scatter.add.f32 [tilespmem:s22], [sflag:$0x4], $0x80, s7, s20, $0xb8;
	[tilespmem:$0x1DC00] =	vst v63  }
0xaf: {  	_ =	swait.ge [sflag:s18], $0x3E80  }
0xb0: {  	[sflag:s18] =	ssyncset.done $0x0  }
0xb1: {  	s8 =	simm.s32 $0x580;
	[sflag:s18] =	ssyncadd.s32 $0xFFFFC180  }
0xb2: {  	[tilespmem:s22], [sflag:$0x3] =	stream.indirect.gather [hbm4b:s12+s20], $0x80, s8, s20, $0xb8;
	[tilespmem:$0x1DC00] =	vst v63  }
0xb3: {  	_ =	swait.ge [sflag:s25], $0x3E80  }
0xb4: {  	[sflag:s25] =	ssyncset.done $0x0  }
0xb5: {  	s7 =	simm.s32 $0x1500;
	[sflag:s25] =	ssyncadd.s32 $0xFFFFC180  }
0xb6: {  	[spmem:s1] =	stream.indirect.scatter.add.f32 [tilespmem:s17], [sflag:$0x4], $0x80, s7, s20, $0xb8;
	[tilespmem:$0x1DC00] =	vst v63  }
0xb7: {  	_ =	swait.ge [sflag:s18], $0x3E80  }
0xb8: {  	[sflag:s18] =	ssyncset.done $0x0  }
0xb9: {  	s8 =	simm.s32 $0x600;
	[sflag:s18] =	ssyncadd.s32 $0xFFFFC180  }
0xba: {  	[tilespmem:s17], [sflag:$0x2] =	stream.indirect.gather [hbm4b:s12+s20], $0x80, s8, s20, $0xb8;
	[tilespmem:$0x1DC00] =	vst v63  }
0xbb: {  	_ =	swait.ge [sflag:s28], $0x3E80  }
0xbc: {  	[sflag:s28] =	ssyncset.done $0x0  }
0xbd: {  	s7 =	simm.s32 $0x1580;
	[sflag:s28] =	ssyncadd.s32 $0xFFFFC180  }
0xbe: {  	[spmem:s1] =	stream.indirect.scatter.add.f32 [tilespmem:s22], [sflag:$0x4], $0x80, s7, s20, $0xb8;
	[tilespmem:$0x1DC00] =	vst v63  }
0xbf: {  	_ =	swait.ge [sflag:s18], $0x3E80  }
0xc0: {  	[sflag:s18] =	ssyncset.done $0x0  }
0xc1: {  	s8 =	simm.s32 $0x680;
	[sflag:s18] =	ssyncadd.s32 $0xFFFFC180  }
0xc2: {  	[tilespmem:s22], [sflag:$0x3] =	stream.indirect.gather [hbm4b:s12+s20], $0x80, s8, s20, $0xb8;
	[tilespmem:$0x1DC00] =	vst v63  }
0xc3: {  	_ =	swait.ge [sflag:s25], $0x3E80  }
0xc4: {  	[sflag:s25] =	ssyncset.done $0x0  }
0xc5: {  	s7 =	simm.s32 $0x1600;
	[sflag:s25] =	ssyncadd.s32 $0xFFFFC180  }
0xc6: {  	[spmem:s1] =	stream.indirect.scatter.add.f32 [tilespmem:s17], [sflag:$0x4], $0x80, s7, s20, $0xb8;
	[tilespmem:$0x1DC00] =	vst v63  }
0xc7: {  	_ =	swait.ge [sflag:s18], $0x3E80  }
0xc8: {  	[sflag:s18] =	ssyncset.done $0x0  }
0xc9: {  	s8 =	simm.s32 $0x700;
	[sflag:s18] =	ssyncadd.s32 $0xFFFFC180  }
0xca: {  	[tilespmem:s17], [sflag:$0x2] =	stream.indirect.gather [hbm4b:s12+s20], $0x80, s8, s20, $0xb8;
	[tilespmem:$0x1DC00] =	vst v63  }
0xcb: {  	_ =	swait.ge [sflag:s28], $0x3E80  }
0xcc: {  	[sflag:s28] =	ssyncset.done $0x0  }
0xcd: {  	s7 =	simm.s32 $0x1680;
	[sflag:s28] =	ssyncadd.s32 $0xFFFFC180  }
0xce: {  	[spmem:s1] =	stream.indirect.scatter.add.f32 [tilespmem:s22], [sflag:$0x4], $0x80, s7, s20, $0xb8;
	[tilespmem:$0x1DC00] =	vst v63  }
0xcf: {  	_ =	swait.ge [sflag:s18], $0x3E80  }
0xd0: {  	[sflag:s18] =	ssyncset.done $0x0  }
0xd1: {  	s8 =	simm.s32 $0x780;
	[sflag:s18] =	ssyncadd.s32 $0xFFFFC180  }
0xd2: {  	[tilespmem:s22], [sflag:$0x3] =	stream.indirect.gather [hbm4b:s12+s20], $0x80, s8, s20, $0xb8;
	[tilespmem:$0x1DC00] =	vst v63  }
0xd3: {  	_ =	swait.ge [sflag:s25], $0x3E80  }
0xd4: {  	[sflag:s25] =	ssyncset.done $0x0  }
0xd5: {  	s7 =	simm.s32 $0x1700;
	[sflag:s25] =	ssyncadd.s32 $0xFFFFC180  }
0xd6: {  	[spmem:s1] =	stream.indirect.scatter.add.f32 [tilespmem:s17], [sflag:$0x4], $0x80, s7, s20, $0xb8;
	[tilespmem:$0x1DC00] =	vst v63  }
0xd7: {  	_ =	swait.ge [sflag:s18], $0x3E80  }
0xd8: {  	[sflag:s18] =	ssyncset.done $0x0  }
0xd9: {  	[sflag:s18] =	ssyncadd.s32 $0xFFFFC180  }
0xda: {  	_ =	swait.ge [sflag:s28], $0x3E80  }
0xdb: {  	[sflag:s28] =	ssyncset.done $0x0  }
0xdc: {  	s8 =	simm.s32 $0x1780;
	[sflag:s28] =	ssyncadd.s32 $0xFFFFC180  }
0xdd: {  	[spmem:s1] =	stream.indirect.scatter.add.f32 [tilespmem:s22], [sflag:$0x4], $0x80, s8, s20, $0xb8;
	[tilespmem:$0x1DC00] =	vst v63  }
0xde: {  	_ =	swait.ge [sflag:s18], $0x3E80  }
0xdf: {  	[sflag:s18] =	ssyncset.done $0x0  }
0xe0: {  	[sflag:s18] =	ssyncadd.s32 $0xFFFFC180  }
0xe1: {  	_ =	swait.ge [sflag:s19], $0x800  }
0xe2: {  	[sflag:s19] =	ssyncset.done $0x0  }
0xe3: {  	[sflag:s19] =	ssyncadd.s32 $0xFFFFF800  }
0xe4: {  	_ =	swait.ge [sflag:s19], $0x800  }
0xe5: {  	[sflag:s19] =	ssyncset.done $0x0  }
0xe6: {  	p0 =	seq.s32 s2, $0x0;
	[sflag:s19] =	ssyncadd.s32 $0xFFFFF800  }
0xe7: {  	[tilespmem:s17], [sflag:$0x2] =	stream.indirect.gather [hbm4b:s12+s20], $0x80, s23, s20, $0xb8;
	[tilespmem:$0x1DC00] =	vst v63  }
0xe8: {  	s5 =	sadd.s32 @!p0 s2, s15;
	s7 =	simm.s32 $0x880  }
0xe9: {  	[tilespmem:s22], [sflag:$0x3] =	stream.indirect.gather [hbm4b:s12+s20], $0x80, s7, s20, $0xb8;
	[tilespmem:$0x1DC00] =	vst v63  }
0xea: {  	s8 =	simm.s32 @!p0 $0x0;
	s7 =	sadd.s32 @!p0 $0xA00, s5  }
0xeb: {  	[tilespmem:s8], [sflag:$0x1] =	stream.linear.gather @!p0 [hbm4b:s7+s8], $0x800, $0x38;
	[tilespmem:$0x1DC00] =	vst v63  }
0xec: {  	s5 =	sadd.s32 @!p0 $0xAA00, s5;
	s7 =	simm.s32 @!p0 $0x1000  }
0xed: {  	[tilespmem:s7], [sflag:$0x1] =	stream.linear.gather @!p0 [hbm4b:s5+s8], $0x800, $0x38;
	[tilespmem:$0x1DC00] =	vst v63  }
0xee: {  	_ =	swait.ge [sflag:s25], $0x3E80  }
0xef: {  	[sflag:s25] =	ssyncset.done $0x0  }
0xf0: {  	[sflag:s25] =	ssyncadd.s32 $0xFFFFC180  }
0xf1: {  	[spmem:s1] =	stream.indirect.scatter.add.f32 [tilespmem:s17], [sflag:$0x4], $0x80, s24, s20, $0xb8;
	[tilespmem:$0x1DC00] =	vst v63  }
0xf2: {  	_ =	swait.ge [sflag:s18], $0x3E80  }
0xf3: {  	[sflag:s18] =	ssyncset.done $0x0  }
0xf4: {  	s8 =	simm.s32 $0x900;
	[sflag:s18] =	ssyncadd.s32 $0xFFFFC180  }
0xf5: {  	[tilespmem:s17], [sflag:$0x2] =	stream.indirect.gather [hbm4b:s12+s20], $0x80, s8, s20, $0xb8;
	[tilespmem:$0x1DC00] =	vst v63  }
0xf6: {  	_ =	swait.ge [sflag:s28], $0x3E80  }
0xf7: {  	[sflag:s28] =	ssyncset.done $0x0  }
0xf8: {  	s7 =	simm.s32 $0x1880;
	[sflag:s28] =	ssyncadd.s32 $0xFFFFC180  }
0xf9: {  	[spmem:s1] =	stream.indirect.scatter.add.f32 [tilespmem:s22], [sflag:$0x4], $0x80, s7, s20, $0xb8;
	[tilespmem:$0x1DC00] =	vst v63  }
0xfa: {  	_ =	swait.ge [sflag:s18], $0x3E80  }
0xfb: {  	[sflag:s18] =	ssyncset.done $0x0  }
0xfc: {  	s8 =	simm.s32 $0x980;
	[sflag:s18] =	ssyncadd.s32 $0xFFFFC180  }
0xfd: {  	[tilespmem:s22], [sflag:$0x3] =	stream.indirect.gather [hbm4b:s12+s20], $0x80, s8, s20, $0xb8;
	[tilespmem:$0x1DC00] =	vst v63  }
0xfe: {  	_ =	swait.ge [sflag:s25], $0x3E80  }
0xff: {  	[sflag:s25] =	ssyncset.done $0x0  }
0x100: {  	s7 =	simm.s32 $0x1900;
	[sflag:s25] =	ssyncadd.s32 $0xFFFFC180  }
0x101: {  	[spmem:s1] =	stream.indirect.scatter.add.f32 [tilespmem:s17], [sflag:$0x4], $0x80, s7, s20, $0xb8;
	[tilespmem:$0x1DC00] =	vst v63  }
0x102: {  	_ =	swait.ge [sflag:s18], $0x3E80  }
0x103: {  	[sflag:s18] =	ssyncset.done $0x0  }
0x104: {  	s8 =	simm.s32 $0xA00;
	[sflag:s18] =	ssyncadd.s32 $0xFFFFC180  }
0x105: {  	[tilespmem:s17], [sflag:$0x2] =	stream.indirect.gather [hbm4b:s12+s20], $0x80, s8, s20, $0xb8;
	[tilespmem:$0x1DC00] =	vst v63  }
0x106: {  	_ =	swait.ge [sflag:s28], $0x3E80  }
0x107: {  	[sflag:s28] =	ssyncset.done $0x0  }
0x108: {  	s7 =	simm.s32 $0x1980;
	[sflag:s28] =	ssyncadd.s32 $0xFFFFC180  }
0x109: {  	[spmem:s1] =	stream.indirect.scatter.add.f32 [tilespmem:s22], [sflag:$0x4], $0x80, s7, s20, $0xb8;
	[tilespmem:$0x1DC00] =	vst v63  }
0x10a: {  	_ =	swait.ge [sflag:s18], $0x3E80  }
0x10b: {  	[sflag:s18] =	ssyncset.done $0x0  }
0x10c: {  	s8 =	simm.s32 $0xA80;
	[sflag:s18] =	ssyncadd.s32 $0xFFFFC180  }
0x10d: {  	[tilespmem:s22], [sflag:$0x3] =	stream.indirect.gather [hbm4b:s12+s20], $0x80, s8, s20, $0xb8;
	[tilespmem:$0x1DC00] =	vst v63  }
0x10e: {  	_ =	swait.ge [sflag:s25], $0x3E80  }
0x10f: {  	[sflag:s25] =	ssyncset.done $0x0  }
0x110: {  	s7 =	simm.s32 $0x1A00;
	[sflag:s25] =	ssyncadd.s32 $0xFFFFC180  }
0x111: {  	[spmem:s1] =	stream.indirect.scatter.add.f32 [tilespmem:s17], [sflag:$0x4], $0x80, s7, s20, $0xb8;
	[tilespmem:$0x1DC00] =	vst v63  }
0x112: {  	_ =	swait.ge [sflag:s18], $0x3E80  }
0x113: {  	[sflag:s18] =	ssyncset.done $0x0  }
0x114: {  	s8 =	simm.s32 $0xB00;
	[sflag:s18] =	ssyncadd.s32 $0xFFFFC180  }
0x115: {  	[tilespmem:s17], [sflag:$0x2] =	stream.indirect.gather [hbm4b:s12+s20], $0x80, s8, s20, $0xb8;
	[tilespmem:$0x1DC00] =	vst v63  }
0x116: {  	_ =	swait.ge [sflag:s28], $0x3E80  }
0x117: {  	[sflag:s28] =	ssyncset.done $0x0  }
0x118: {  	s7 =	simm.s32 $0x1A80;
	[sflag:s28] =	ssyncadd.s32 $0xFFFFC180  }
0x119: {  	[spmem:s1] =	stream.indirect.scatter.add.f32 [tilespmem:s22], [sflag:$0x4], $0x80, s7, s20, $0xb8;
	[tilespmem:$0x1DC00] =	vst v63  }
0x11a: {  	_ =	swait.ge [sflag:s18], $0x3E80  }
0x11b: {  	[sflag:s18] =	ssyncset.done $0x0  }
0x11c: {  	s8 =	simm.s32 $0xB80;
	[sflag:s18] =	ssyncadd.s32 $0xFFFFC180  }
0x11d: {  	[tilespmem:s22], [sflag:$0x3] =	stream.indirect.gather [hbm4b:s12+s20], $0x80, s8, s20, $0xb8;
	[tilespmem:$0x1DC00] =	vst v63  }
0x11e: {  	_ =	swait.ge [sflag:s25], $0x3E80  }
0x11f: {  	[sflag:s25] =	ssyncset.done $0x0  }
0x120: {  	s7 =	simm.s32 $0x1B00;
	[sflag:s25] =	ssyncadd.s32 $0xFFFFC180  }
0x121: {  	[spmem:s1] =	stream.indirect.scatter.add.f32 [tilespmem:s17], [sflag:$0x4], $0x80, s7, s20, $0xb8;
	[tilespmem:$0x1DC00] =	vst v63  }
0x122: {  	_ =	swait.ge [sflag:s18], $0x3E80  }
0x123: {  	[sflag:s18] =	ssyncset.done $0x0  }
0x124: {  	s8 =	simm.s32 $0xC00;
	[sflag:s18] =	ssyncadd.s32 $0xFFFFC180  }
0x125: {  	[tilespmem:s17], [sflag:$0x2] =	stream.indirect.gather [hbm4b:s12+s20], $0x80, s8, s20, $0xb8;
	[tilespmem:$0x1DC00] =	vst v63  }
0x126: {  	_ =	swait.ge [sflag:s28], $0x3E80  }
0x127: {  	[sflag:s28] =	ssyncset.done $0x0  }
0x128: {  	s7 =	simm.s32 $0x1B80;
	[sflag:s28] =	ssyncadd.s32 $0xFFFFC180  }
0x129: {  	[spmem:s1] =	stream.indirect.scatter.add.f32 [tilespmem:s22], [sflag:$0x4], $0x80, s7, s20, $0xb8;
	[tilespmem:$0x1DC00] =	vst v63  }
0x12a: {  	_ =	swait.ge [sflag:s18], $0x3E80  }
0x12b: {  	[sflag:s18] =	ssyncset.done $0x0  }
0x12c: {  	s8 =	simm.s32 $0xC80;
	[sflag:s18] =	ssyncadd.s32 $0xFFFFC180  }
0x12d: {  	[tilespmem:s22], [sflag:$0x3] =	stream.indirect.gather [hbm4b:s12+s20], $0x80, s8, s20, $0xb8;
	[tilespmem:$0x1DC00] =	vst v63  }
0x12e: {  	_ =	swait.ge [sflag:s25], $0x3E80  }
0x12f: {  	[sflag:s25] =	ssyncset.done $0x0  }
0x130: {  	[sflag:s25] =	ssyncadd.s32 $0xFFFFC180  }
0x131: {  	[spmem:s1] =	stream.indirect.scatter.add.f32 [tilespmem:s17], [sflag:$0x4], $0x80, s9, s20, $0xb8;
	[tilespmem:$0x1DC00] =	vst v63  }
0x132: {  	_ =	swait.ge [sflag:s18], $0x3E80  }
0x133: {  	[sflag:s18] =	ssyncset.done $0x0  }
0x134: {  	[sflag:s18] =	ssyncadd.s32 $0xFFFFC180  }
0x135: {  	[tilespmem:s17], [sflag:$0x2] =	stream.indirect.gather [hbm4b:s12+s20], $0x80, s10, s20, $0xb8;
	[tilespmem:$0x1DC00] =	vst v63  }
0x136: {  	_ =	swait.ge [sflag:s28], $0x3E80  }
0x137: {  	[sflag:s28] =	ssyncset.done $0x0  }
0x138: {  	[sflag:s28] =	ssyncadd.s32 $0xFFFFC180  }
0x139: {  	[spmem:s1] =	stream.indirect.scatter.add.f32 [tilespmem:s22], [sflag:$0x4], $0x80, s11, s20, $0xb8;
	[tilespmem:$0x1DC00] =	vst v63  }
0x13a: {  	_ =	swait.ge [sflag:s18], $0x3E80  }
0x13b: {  	[sflag:s18] =	ssyncset.done $0x0  }
0x13c: {  	[sflag:s18] =	ssyncadd.s32 $0xFFFFC180  }
0x13d: {  	[tilespmem:s22], [sflag:$0x3] =	stream.indirect.gather [hbm4b:s12+s20], $0x80, s13, s20, $0xb8;
	[tilespmem:$0x1DC00] =	vst v63  }
0x13e: {  	_ =	swait.ge [sflag:s25], $0x3E80  }
0x13f: {  	[sflag:s25] =	ssyncset.done $0x0  }
0x140: {  	[sflag:s25] =	ssyncadd.s32 $0xFFFFC180  }
0x141: {  	[spmem:s1] =	stream.indirect.scatter.add.f32 [tilespmem:s17], [sflag:$0x4], $0x80, s14, s20, $0xb8;
	[tilespmem:$0x1DC00] =	vst v63  }
0x142: {  	_ =	swait.ge [sflag:s18], $0x3E80  }
0x143: {  	[sflag:s18] =	ssyncset.done $0x0  }
0x144: {  	[sflag:s18] =	ssyncadd.s32 $0xFFFFC180  }
0x145: {  	[tilespmem:s17], [sflag:$0x2] =	stream.indirect.gather [hbm4b:s12+s20], $0x80, s4, s20, $0xb8;
	[tilespmem:$0x1DC00] =	vst v63  }
0x146: {  	_ =	swait.ge [sflag:s28], $0x3E80  }
0x147: {  	[sflag:s28] =	ssyncset.done $0x0  }
0x148: {  	[sflag:s28] =	ssyncadd.s32 $0xFFFFC180  }
0x149: {  	[spmem:s1] =	stream.indirect.scatter.add.f32 [tilespmem:s22], [sflag:$0x4], $0x80, s6, s20, $0xb8;
	[tilespmem:$0x1DC00] =	vst v63  }
0x14a: {  	_ =	swait.ge [sflag:s18], $0x3E80  }
0x14b: {  	[sflag:s18] =	ssyncset.done $0x0  }
0x14c: {  	[sflag:s18] =	ssyncadd.s32 $0xFFFFC180  }
0x14d: {  	[tilespmem:s22], [sflag:$0x3] =	stream.indirect.gather [hbm4b:s12+s20], $0x80, s21, s20, $0xb8;
	[tilespmem:$0x1DC00] =	vst v63  }
0x14e: {  	_ =	swait.ge [sflag:s25], $0x3E80  }
0x14f: {  	[sflag:s25] =	ssyncset.done $0x0  }
0x150: {  	[sflag:s25] =	ssyncadd.s32 $0xFFFFC180  }
0x151: {  	[spmem:s1] =	stream.indirect.scatter.add.f32 [tilespmem:s17], [sflag:$0x4], $0x80, s26, s20, $0xb8;
	[tilespmem:$0x1DC00] =	vst v63  }
0x152: {  	_ =	swait.ge [sflag:s18], $0x3E80  }
0x153: {  	[sflag:s18] =	ssyncset.done $0x0  }
0x154: {  	[sflag:s18] =	ssyncadd.s32 $0xFFFFC180  }
0x155: {  	[tilespmem:s17], [sflag:$0x2] =	stream.indirect.gather [hbm4b:s12+s20], $0x80, s29, s20, $0xb8;
	[tilespmem:$0x1DC00] =	vst v63  }
0x156: {  	_ =	swait.ge [sflag:s28], $0x3E80  }
0x157: {  	[sflag:s28] =	ssyncset.done $0x0  }
0x158: {  	[sflag:s28] =	ssyncadd.s32 $0xFFFFC180  }
0x159: {  	[spmem:s1] =	stream.indirect.scatter.add.f32 [tilespmem:s22], [sflag:$0x4], $0x80, s30, s20, $0xb8;
	[tilespmem:$0x1DC00] =	vst v63  }
0x15a: {  	_ =	swait.ge [sflag:s18], $0x3E80  }
0x15b: {  	[sflag:s18] =	ssyncset.done $0x0  }
0x15c: {  	[sflag:s18] =	ssyncadd.s32 $0xFFFFC180  }
0x15d: {  	[tilespmem:s22], [sflag:$0x3] =	stream.indirect.gather [hbm4b:s12+s20], $0x80, s31, s20, $0xb8;
	[tilespmem:$0x1DC00] =	vst v63  }
0x15e: {  	_ =	swait.ge [sflag:s25], $0x3E80  }
0x15f: {  	[sflag:s25] =	ssyncset.done $0x0  }
0x160: {  	[sflag:s25] =	ssyncadd.s32 $0xFFFFC180  }
0x161: {  	[spmem:s1] =	stream.indirect.scatter.add.f32 [tilespmem:s17], [sflag:$0x4], $0x80, s16, s20, $0xb8;
	[tilespmem:$0x1DC00] =	vst v63  }
0x162: {  	_ =	swait.ge [sflag:s18], $0x3E80  }
0x163: {  	[sflag:s18] =	ssyncset.done $0x0  }
0x164: {  	[sflag:s18] =	ssyncadd.s32 $0xFFFFC180  }
0x165: {  	_ =	swait.ge [sflag:s28], $0x3E80  }
0x166: {  	[sflag:s28] =	ssyncset.done $0x0  }
.Ltmp3:
0x167: {  	[sflag:s28] =	ssyncadd.s32 $0xFFFFC180;
	(pc) =	sbr.rel @p0 .LBB2_6-.Ltmp3, $4  }
0x168: {  	[spmem:s1] =	stream.indirect.scatter.add.f32 [tilespmem:s22], [sflag:$0x4], $0x80, s0, s20, $0xb8;
	[tilespmem:$0x1DC00] =	vst v63  }
0x169: {  	_ =	swait.ge [sflag:s18], $0x3E80  }
0x16a: {  	[sflag:s18] =	ssyncset.done $0x0  }
0x16b: {  	[sflag:s18] =	ssyncadd.s32 $0xFFFFC180  }
0x16c: {  	_ =	swait.ge [sflag:s19], $0x800  }
0x16d: {  	[sflag:s19] =	ssyncset.done $0x0  }
0x16e: {  	[sflag:s19] =	ssyncadd.s32 $0xFFFFF800  }
0x16f: {  	_ =	swait.ge [sflag:s19], $0x800  }
.Ltmp4:
0x170: {  	[sflag:s19] =	ssyncset.done $0x0;
	(pc) =	sbr.rel .LBB2_4-.Ltmp4, $4  }
0x171: {  	[sflag:s19] =	ssyncadd.s32 $0xFFFFF800  }
0x172: {  	[tilespmem:s17], [sflag:$0x2] =	stream.indirect.gather [hbm4b:s12+s20], $0x80, s3, s20, $0xb8;
	[tilespmem:$0x1DC00] =	vst v63  }
0x173: {  	s5 =	simm.s32 $0x80;
	s2 =	sadd.s32 $0x200, s2  }
0x174: {  	[tilespmem:s22], [sflag:$0x3] =	stream.indirect.gather [hbm4b:s12+s20], $0x80, s5, s20, $0xb8;
	[tilespmem:$0x1DC00] =	vst v63  }
.LBB2_7:
0x175: {  	_ =	sfence.sel $0x180000  }
0x176: {  	[bflag:$0x0] =	sbarrier.arrive $0xFFFF  }
0x177: {  	_ =	strace $0x9000004A  }
0x178: {  	s0 =	stileid.u32;
	[bflag:$0x2] =	sbarrier.arrive $0xFFFF  }
0x179: {  	p0 =	sne.s32 s0, $0x0;
	s0 =	rddreg [dreg:$0x2]  }
0x17a: {  	s0 =	sadd.s32 @!p0 $0x100000, s0  }
0x17b: {  	[sflag:s0] =	ssyncadd.tile.s32 @!p0 $0x1;
	_ =	shalt  }
.Lfunc_end2:
_tile_overlayer_lowered:
.L_overlay_start_2:
0x17c: {  	(tag) =	ssettag $0x2  }
0x17d: {  	s0 =	rddreg [dreg:$0x0];
	s2 =	stileid.u32  }
0x17e: {  	s1 =	rddreg [dreg:$0x1];
	p0 =	sne.s32 s2, $0x0  }
0x17f: {  	s3 =	rddreg [dreg:$0x2];
	[bflag:$0x3] =	sbarrier.arrive $0xFFFF;
	s2 =	simm.s32 @!p0 $0x1C04  }
0x180: {  	[timem:s3], [sflag:s2] =	dma.local @!p0 [hbm:s0], s1  }
0x181: {  	s0 =	simm.s32 @!p0 $0x4  }
0x182: {  	_ =	swait.ge @!p0 [sflag:s0], s1  }
0x183: {  	s1 =	ssub.s32 @!p0 $0x0, s1;
	[sflag:s0] =	ssyncset.done @!p0 $0x0  }
0x184: {  	[sflag:s0] =	ssyncadd.s32 @!p0 s1  }
0x185: {  	[bflag:$0x3] =	sbarrier.arrive $0xFFFF  }
0x186: {  	_ =	shalt  }

// kernel: kernel.15.cloned.1.call-start
scs
__scs_entry_jumppad:
0x0: {  	(pc) =	sbr.rel $0x88, $3  }
0x1: {  	(tag) =	ssettag $0x0;
	lr =	simm.s32 $0x1  }
0x2: {  	[smem:$0x3F91] =	sst lr;
	_ =	strace $0xD0000000  }
0x3: {  	_ = 	snop  }
0x4: {  	_ = 	snop  }
0x5: {  	_ = 	snop  }
0x6: {  	_ = 	snop  }
0x7: {  	_ = 	snop  }
__scs_overlays_trampoline_lowered:
0x8: {  	[smem:$0x3FA0] =	sst s0  }
0x9: {  	[smem:$0x3FA1] =	sst s1  }
0xa: {  	[smem:$0x3FA2] =	sst s2  }
0xb: {  	[smem:$0x3FA3] =	sst s3  }
0xc: {  	[smem:$0x3FA4] =	sst s4  }
0xd: {  	[smem:$0x3FA5] =	sst s5  }
0xe: {  	[smem:$0x3FA6] =	sst s6  }
0xf: {  	[smem:$0x3FA7] =	sst s7  }
0x10: {  	[smem:$0x3FA8] =	sst s8  }
0x11: {  	[smem:$0x3FA9] =	sst s9;
	s0 =	simm.s32 @!p0 $0x0  }
0x12: {  	s1 =	sld [smem:$0x3F8F];
	s0 =	simm.s32 @p0 $0x1  }
0x13: {  	[smem:$0x3FAA] =	sst s0;
	s0 =	simm.s32 @!p1 $0x0  }
0x14: {  	s2 =	sld [smem:$0x3F8E];
	s0 =	simm.s32 @p1 $0x1  }
0x15: {  	[smem:$0x3FAB] =	sst s0;
	s0 =	simm.s32 @!p2 $0x0  }
0x16: {  	s3 =	sld [smem:$0x3FDB];
	s0 =	simm.s32 @p2 $0x1  }
0x17: {  	s4 =	simm.s32 $0x1BF5;
	[smem:$0x3FAD] =	sst s0  }
0x18: {  	s0 =	sld [smem:$0x3F90];
	_ =	swait.ge [sflag:s4], $0x0  }
0x19: {  	s7 =	sld [smem:$0x3F91]  }
0x1a: {  	s8 =	sadd.s32 $0xFFFFE003, lr  }
0x1b: {  	s9 =	sadd.s32 $0xFFFFFEF7, lr;
	s5 =	simm.s32 $0xFFFFFFFF;
	p2 =	slt.u32 s8, $0xFFFFF086  }
0x1c: {  	p1 =	slt.u32 s9, $0xF7A;
	s5 =	simm.s32 @!p2 $0x0  }
0x1d: {  	s5 =	simm.s32 @p1 $0x1;
	p0 =	seq.s32 s7, s2  }
0x1e: {  	s7 =	smul.u32 @!p0 $0xF7A, s2;
	p2 =	seq.s32 @!p0 s5, $0x0  }
0x1f: {  	s9 =	smul.u32 $0xF7A, s1;
	s8 =	simm.s32 @!p0 $0x1BF5;
	p2 =	por !p2, p0  }
0x20: {  	[sflag:s8] =	ssyncset.s32 @!p0 $0xFFFFF086;
	s6 =	sadd.s32 @!p0 s3, s7;
	s7 =	simm.s32 @!p0 $0x108  }
0x21: {  	s3 =	sadd.s32 s3, s9;
	s6 =	sadd.s32 @!p0 $0x88, s6;
	s7 =	simm.s32 @p2 $0x1082  }
0x22: {  	[simem:s7], [sflag:s8] =	dma.local @!p0 [hbm:s6], $0xF7A  }
0x23: {  	s9 =	sor.u32 $0xD0000000, s2;
	s6 =	simm.s32 $0x108;
	_ =	swait.ge @!p0 [sflag:s8], $0x0  }
0x24: {  	s3 =	sadd.s32 $0x88, s3;
	s6 =	simm.s32 @!p1 $0x1082;
	[sflag:s4] =	ssyncset.s32 $0xFFFFF086  }
0x25: {  	[simem:s6], [sflag:s4] =	dma.local [hbm:s3], $0xF7A  }
0x26: {  	[smem:$0x3F91] =	sst s1;
	(tag) =	ssettag s2;
	_ =	strace s9  }
0x27: {  	s1 =	sld [smem:$0x3FA1]  }
0x28: {  	s2 =	sld [smem:$0x3FA2]  }
0x29: {  	s4 =	sld [smem:$0x3FA4]  }
0x2a: {  	p0 =	seq.s32 s5, $0x0;
	s5 =	sld [smem:$0x3FA5]  }
0x2b: {  	s6 =	sld [smem:$0x3FA6]  }
0x2c: {  	s7 =	sld [smem:$0x3FA7]  }
0x2d: {  	s3 =	simm.s32 $0x108;
	s8 =	sld [smem:$0x3FA8]  }
0x2e: {  	s3 =	simm.s32 @!p0 $0x1082;
	s9 =	sld [smem:$0x3FA9]  }
0x2f: {  	lr =	sadd.s32 s0, s3;
	s0 =	sld [smem:$0x3FA0]  }
0x30: {  	s3 =	sld [smem:$0x3FA3]  }
0x31: {  	[smem:$0x3FAC] =	sst s10  }
0x32: {  	s10 =	sld [smem:$0x3FAA];
	_ =	sdelay $0x3  }
0x33: {  	p0 =	seq.s32 s10, $0x1;
	s10 =	sld [smem:$0x3FAC];
	_ =	sdelay $0x3  }
0x34: {  	[smem:$0x3FAC] =	sst s10  }
0x35: {  	s10 =	sld [smem:$0x3FAB];
	_ =	sdelay $0x3  }
0x36: {  	p1 =	seq.s32 s10, $0x1;
	s10 =	sld [smem:$0x3FAC];
	_ =	sdelay $0x3  }
0x37: {  	[smem:$0x3FAC] =	sst s10  }
0x38: {  	s10 =	sld [smem:$0x3FAD]  }
0x39: {  	_ = 	snop;
	(pc) =	sbr.ind lr, $3  }
0x3a: {  	_ = 	snop  }
0x3b: {  	_ = 	snop  }
0x3c: {  	p2 =	seq.s32 s10, $0x1;
	s10 =	sld [smem:$0x3FAC]  }
0x3d: {  	_ =	shalt  }
0x3e: {  	_ =	shalt  }
0x3f: {  	_ =	shalt  }
0x40: {  	_ =	shalt  }
0x41: {  	_ =	shalt  }
0x42: {  	_ =	shalt  }
0x43: {  	_ =	shalt  }
0x44: {  	_ =	shalt  }
0x45: {  	_ =	shalt  }
0x46: {  	_ =	shalt  }
0x47: {  	_ =	shalt  }
0x48: {  	_ =	shalt  }
0x49: {  	_ =	shalt  }
0x4a: {  	_ =	shalt  }
0x4b: {  	_ =	shalt  }
0x4c: {  	_ =	shalt  }
0x4d: {  	_ =	shalt  }
0x4e: {  	_ =	shalt  }
0x4f: {  	_ =	shalt  }
0x50: {  	_ =	shalt  }
0x51: {  	_ =	shalt  }
0x52: {  	_ =	shalt  }
0x53: {  	_ =	shalt  }
0x54: {  	_ =	shalt  }
0x55: {  	_ =	shalt  }
0x56: {  	_ =	shalt  }
0x57: {  	_ =	shalt  }
0x58: {  	_ =	shalt  }
0x59: {  	_ =	shalt  }
0x5a: {  	_ =	shalt  }
0x5b: {  	_ =	shalt  }
0x5c: {  	_ =	shalt  }
0x5d: {  	_ =	shalt  }
0x5e: {  	_ =	shalt  }
0x5f: {  	_ =	shalt  }
0x60: {  	_ =	shalt  }
0x61: {  	_ =	shalt  }
0x62: {  	_ =	shalt  }
0x63: {  	_ =	shalt  }
0x64: {  	_ =	shalt  }
0x65: {  	_ =	shalt  }
0x66: {  	_ =	shalt  }
0x67: {  	_ =	shalt  }
0x68: {  	_ =	shalt  }
0x69: {  	_ =	shalt  }
0x6a: {  	_ =	shalt  }
0x6b: {  	_ =	shalt  }
0x6c: {  	_ =	shalt  }
0x6d: {  	_ =	shalt  }
0x6e: {  	_ =	shalt  }
0x6f: {  	_ =	shalt  }
0x70: {  	_ =	shalt  }
0x71: {  	_ =	shalt  }
0x72: {  	_ =	shalt  }
0x73: {  	_ =	shalt  }
0x74: {  	_ =	shalt  }
0x75: {  	_ =	shalt  }
0x76: {  	_ =	shalt  }
0x77: {  	_ =	shalt  }
0x78: {  	_ =	shalt  }
0x79: {  	_ =	shalt  }
0x7a: {  	_ =	shalt  }
0x7b: {  	_ =	shalt  }
0x7c: {  	_ =	shalt  }
0x7d: {  	_ =	shalt  }
0x7e: {  	_ =	shalt  }
0x7f: {  	_ =	shalt  }
0x80: {  	_ =	shalt  }
0x81: {  	_ =	shalt  }
0x82: {  	_ =	shalt  }
0x83: {  	_ =	shalt  }
0x84: {  	_ =	shalt  }
0x85: {  	_ =	shalt  }
0x86: {  	_ =	shalt  }
0x87: {  	_ =	shalt  }
.Lfunc_end0:
.L_simem_size_0:
called_computation.2_lowered:
.L_overlay_start_0:
0x88: {  	s2 =	sld [smem:$0x3FD9]  }
0x89: {  	s3 =	sld [smem:$0x3FFE];
	_ =	sdelay $0x1  }
0x8a: {  	s1 =	srdreg.scid  }
0x8b: {  	s0 =	sand.u32 $0x1, s1  }
0x8c: {  	s16 =	sshll.u32 s0, $0xA;
	s2 =	sadd.s32 s3, s2  }
0x8d: {  	s2 =	sadd.s32 s2, s16  }
0x8e: {  	[smem:$0x3FB8] =	sst s2  }
0x8f: {  	_ = 	snop  }
0x90: {  	(tm) =	ssettm $0x1  }
0x91: {  	s17 =	sld [smem:$0x3FFB];
	_ =	sdelay $0x3  }
0x92: {  	_ =	strace s17  }
0x93: {  	s2 =	sld [smem:$0x3FFC];
	_ =	sdelay $0x3  }
0x94: {  	_ =	strace s2  }
0x95: {  	s2 =	sld [smem:$0x3FFD];
	_ =	sdelay $0x3  }
0x96: {  	_ =	strace s2  }
0x97: {  	_ =	strace $0x8FFFFFFF  }
0x98: {  	s18 =	sld [smem:$0x3FDB];
	_ =	sdelay $0x1  }
0x99: {  	s19 =	simm.s32 $_scs_section_size  }
0x9a: {  	s4 =	simm.s32 $_size__tile_overlayer_lowered;
	s5 =	simm.s32 $_tile_overlayer_lowered  }
0x9b: {  	s22 =	simm.s32 $0x1BFF;
	s21 =	sshll.u32 s5, $0x1;
	s2 =	sadd.s32 s19, s18  }
0x9c: {  	s6 =	simm.s32 $0x0;
	s20 =	sshll.u32 s4, $0x1;
	s4 =	sadd.s32 s21, s2  }
0x9d: {  	[timem:s6], [sflag:s22] =	dma.local [hbm:s4], s20  }
0x9e: {  	_ =	swait.ge [sflag:s22], s20  }
0x9f: {  	s3 =	ssub.s32 $0x0, s20;
	[sflag:s22] =	ssyncset.done $0x0  }
0xa0: {  	[sflag:s22] =	ssyncadd.s32 s3;
	_ =	sdelay $0x1  }
0xa1: {  	s23 =	simm.s32 $0x1B8B  }
0xa2: {  	_ =	swait.ge [sflag:s23], $0x1  }
0xa3: {  	[sflag:s23] =	ssyncset.done $0x0  }
0xa4: {  	s25 =	simm.s32 $0x1B8E;
	s24 =	sld [smem:$0x3FFE];
	[sflag:s23] =	ssyncadd.s32 $0xFFFFFFFF  }
0xa5: {  	s26 =	simm.s32 $execute0_lowered;
	[smem:$0x3FD2] =	sst s25  }
0xa6: {  	s4 =	sshll.u32 s26, $0x1;
	_ =	strace $0x8000004C;
	[dreg:$0x1] =	wrdreg $0xFFFFFFFF  }
0xa7: {  	s28 =	simm.s32 $_size_execute0_lowered;
	s2 =	sadd.s32 s2, s4;
	[dreg:$0x0] =	wrdreg $0x0  }
0xa8: {  	s4 =	sshll.u32 s28, $0x1;
	[dreg:$0x2] =	wrdreg s2  }
0xa9: {  	[dreg:$0x3] =	wrdreg s4  }
0xaa: {  	[dreg:$0x4] =	wrdreg $0xC0  }
0xab: {  	_ =	task [dreg:s6], $0x5FFFF  }
0xac: {  	[dreg:$0x1] =	wrdreg $0xFFFFFFFF  }
0xad: {  	[dreg:$0x0] =	wrdreg $0x60  }
0xae: {  	[dreg:$0x2] =	wrdreg s24  }
0xaf: {  	[dreg:$0x3] =	wrdreg $0xA0000  }
0xb0: {  	[dreg:$0x4] =	wrdreg $0x9  }
0xb1: {  	_ =	task.clear_ibuf [dreg:s6], $0x5FFFF;
	_ =	strace $0x9000004C  }
0xb2: {  	s29 =	simm.s32 $0x9;
	_ =	strace $0x8000004E  }
0xb3: {  	_ =	swait.ge [sflag:s29], $0x1  }
0xb4: {  	[sflag:s29] =	ssyncadd.s32 $0xFFFFFFFF  }
0xb5: {  	_ =	strace $0x9000004E  }
0xb6: {  	_ =	sfence  }
0xb7: {  	s30 =	sld [smem:$0x0];
	_ =	sdelay $0x2  }
0xb8: {  	s31 =	sshll.u32 s1, $0xD;
	s1 =	sshrl.u32 s1, $0x2  }
0xb9: {  	s3 =	sand.u32 $0x4000, s31;
	s1 =	sadd.s32 s1, s30  }
0xba: {  	s0 =	sor.u32 s3, s0;
	s1 =	sshll.u32 s1, $0x11  }
0xbb: {  	s0 =	sor.u32 s1, s0  }
0xbc: {  	s0 =	sadd.s32 $0x8F2B, s0  }
0xbd: {  	[sflag:s0] =	ssyncadd.remote.s32 $0x1  }
0xbe: {  	_ =	sfence.sel $0xFFFF  }
0xbf: {  	[dreg:$0x0] =	wrdreg $0xFFFFFFFF;
	(pc) =	sbr.abs _section_cstart, $3  }
0xc0: {  	[dreg:$0x1] =	wrdreg $0xFFFFFFFF  }
0xc1: {  	_ =	task.clear_ibuf [dreg:s6], $0x2FFFF;
	_ =	strace $0x9FFFFFFF  }
0xc2: {  	(tm) =	ssettm $0x7FFFFFFF  }
0xc3: {  	_ =	shalt  }
tec
execute0_lowered:
.L_overlay_start_1:
0x0: {  	(tag) =	ssettag $0x1  }
0x1: {  	s0 =	rddreg [dreg:$0x0]  }
0x2: {  	s1 =	rddreg [dreg:$0x1]  }
0x3: {  	s2 =	srdreg.scid;
	s3 =	simm.s32 $0x0;
	s9 =	stileid.u32  }
0x4: {  	s28 =	simm.s32 $0x3;
	s11 =	simm.s32 $0x1C80;
	s5 =	smul.u32 $0x13C00, s9  }
0x5: {  	s13 =	simm.s32 $0xD80;
	s14 =	simm.s32 $0x1D00;
	s16 =	smul.u32 $0x5000, s9  }
0x6: {  	s29 =	simm.s32 $0xF00;
	s30 =	simm.s32 $0x1E80;
	s8 =	smul.u32 $0x4F000, s9  }
0x7: {  	s31 =	simm.s32 $0xF80;
	s2 =	sand.u32 $0x1, s2;
	s25 =	smul.u32 $0xA00, s9  }
0x8: {  	[smem:$0x7FF] =	sst s3;
	s7 =	sadd.s32 $0x4200, s0;
	s4 =	smul.u32 $0x13C000, s2  }
0x9: {  	s9 =	simm.s32 $0x1C00;
	s6 =	smul.u32 $0x27100, s2;
	s2 =	ssub.s32 $0x2, s2  }
0xa: {  	_ =	strace $0x8000004D;
	s17 =	sshrl.u32 s16, $0x3;
	s18 =	sshrl.u32 s2, $0x1  }
0xb: {  	s19 =	sshrl.u32 s8, $0x2;
	s15 =	sadd.s32 s25, s7;
	s25 =	simm.s32 $0x2  }
0xc: {  	s16 =	simm.s32 $0x1F00;
	s4 =	sadd.s32 s5, s4;
	s6 =	sadd.s32 s6, s0  }
0xd: {  	s10 =	sadd.s32 s7, s17;
	s2 =	ssub.s32 s2, s18;
	s8 =	sadd.s32 s19, s1  }
0xe: {  	s17 =	simm.s32 $0x2000;
	s18 =	simm.s32 $0x4;
	s19 =	simm.s32 $0x1  }
0xf: {  	s5 =	simm.s32 $0x0;
	s4 =	sshrl.u32 s4, $0x3;
	[dreg:$0x3] =	wrdreg s10  }
0x10: {  	s20 =	sadd.s32 $0xA000, s10;
	s21 =	sadd.s32 $0x7D00, s8;
	[dreg:$0x5] =	wrdreg s8  }
0x11: {  	s22 =	sadd.s32 $0xBB80, s8;
	s23 =	sadd.s32 $0xFA00, s8;
	[dreg:$0x4] =	wrdreg s20  }
0x12: {  	s24 =	sadd.s32 $0x13880, s8;
	s12 =	sadd.s32 $0x18200, s6;
	[dreg:$0x7] =	wrdreg s21  }
0x13: {  	s26 =	smax.u32 s2, $0x1;
	s10 =	simm.s32 $0xD00;
	[dreg:$0x8] =	wrdreg s22  }
0x14: {  	s6 =	simm.s32 $0x1D80;
	s0 =	sadd.s32 s4, s0;
	[dreg:$0x9] =	wrdreg s23  }
.Ltmp0:
0x15: {  	s4 =	sadd.s32 $0x3E80, s8;
	[dreg:$0xa] =	wrdreg s24;
	(pc) =	sbr.rel .LBB2_1-.Ltmp0, $4  }
0x16: {  	[dreg:$0xc] =	wrdreg s26;
	s20 =	simm.s32 $0x7D;
	s22 =	simm.s32 $0x6000  }
0x17: {  	s23 =	simm.s32 $0x800;
	s24 =	simm.s32 $0x1800;
	s21 =	simm.s32 $0xE80  }
0x18: {  	s26 =	simm.s32 $0x1E00;
	[dreg:$0x6] =	wrdreg s4;
	s0 =	sadd.s32 $0x66400, s0  }
0x19: {  	v0 =	vimm.f32 $0.0e+00;
	s4 =	simm.s32 $0xE00;
	[dreg:$0xb] =	wrdreg s0;
	s0 =	simm.s32 $0x1F80  }
.LBB2_6:
0x1a: {  	s2 =	stileid.u32;
	[bflag:$0x0] =	sbarrier.arrive $0xFFFF  }
0x1b: {  	s2 =	sshll.u32 s2, $0x6;
	s8 =	rddreg [dreg:$0x5]  }
0x1c: {  	s7 =	rddreg [dreg:$0xb];
	s2 =	sor.u32 $0x1C04, s2;
	s5 =	sshrl.u32 s8, $0x3  }
0x1d: {  	[hbm:s7], [sflag:s2] =	dma.local [spmem:s5], $0x2780  }
0x1e: {  	_ =	swait.ge [sflag:s18], $0x2780  }
0x1f: {  	s2 =	rddreg [dreg:$0xd]  }
0x20: {  	s7 =	rddreg [dreg:$0xc];
	s5 =	sadd.s32 $0x1, s2  }
0x21: {  	p0 =	sne.s32 s5, s7  }
.Ltmp1:
0x22: {  	_ = 	snop;
	(pc) =	sbr.rel @!p0 .LBB2_7-.Ltmp1, $3  }
0x23: {  	_ =	sdelay $0x1  }
0x24: {  	[sflag:s18] =	ssyncset.done $0x0  }
0x25: {  	[sflag:s18] =	ssyncadd.s32 $0xFFFFD880  }
.LBB2_1:
0x26: {  	[dreg:$0xd] =	wrdreg s5  }
0x27: {  	s2 =	rddreg [dreg:$0x3]  }
0x28: {  	[tilespmem:s3], [sflag:$0x1] =	stream.linear.gather [hbm4b:s2+s3], $0x800, $0x38;
	[tilespmem:$0x1DC00] =	vst v63  }
0x29: {  	s5 =	rddreg [dreg:$0x4];
	s7 =	simm.s32 $0x1000  }
0x2a: {  	[tilespmem:s7], [sflag:$0x1] =	stream.linear.gather [hbm4b:s5+s3], $0x800, $0x38;
	[tilespmem:$0x1DC00] =	vst v63  }
0x2b: {  	s2 =	simm.s32 $0x0;
	s5 =	simm.s32 $0x200  }
.LBB2_2:
0x2c: {  	p0 =	sne.s32 s5, $0xF800;
	[tilespmem:s2+$0x2070] =	vst v0  }
0x2d: {  	[tilespmem:s2+$0x2000] =	vst v0  }
0x2e: {  	[tilespmem:s2+$0x2010] =	vst v0  }
.Ltmp2:
0x2f: {  	[tilespmem:s2+$0x2020] =	vst v0;
	(pc) =	sbr.rel @p0 .LBB2_2-.Ltmp2, $4  }
0x30: {  	[tilespmem:s2+$0x2030] =	vst v0  }
0x31: {  	[tilespmem:s2+$0x2040] =	vst v0  }
0x32: {  	[tilespmem:s2+$0x2050] =	vst v0  }
0x33: {  	[tilespmem:s2+$0x2060] =	vst v0;
	s2 =	sshra.s32 s5, $0x2;
	s5 =	sadd.s32 $0x200, s5  }
0x34: {  	[tilespmem:s2+$0x2070] =	vst v0  }
0x35: {  	[tilespmem:s2+$0x2000] =	vst v0  }
0x36: {  	[tilespmem:s2+$0x2010] =	vst v0  }
0x37: {  	[tilespmem:s2+$0x2020] =	vst v0  }
0x38: {  	[tilespmem:s2+$0x2030] =	vst v0  }
0x39: {  	[tilespmem:s2+$0x2040] =	vst v0  }
0x3a: {  	[tilespmem:s2+$0x2050] =	vst v0  }
0x3b: {  	[tilespmem:s2+$0x2060] =	vst v0  }
0x3c: {  	[spmem:s8] =	stream.linear.scatter [tilespmem:s17], [sflag:$0x4], $0x3E80, $0x38;
	[tilespmem:$0x1DC00] =	vst v63  }
0x3d: {  	_ =	swait.ge [sflag:s18], $0x3E80  }
0x3e: {  	[sflag:s18] =	ssyncset.done $0x0  }
0x3f: {  	s5 =	rddreg [dreg:$0x6];
	[sflag:s18] =	ssyncadd.s32 $0xFFFFC180  }
0x40: {  	[spmem:s5] =	stream.linear.scatter [tilespmem:s17], [sflag:$0x4], $0x3E80, $0x38;
	[tilespmem:$0x1DC00] =	vst v63  }
0x41: {  	_ =	swait.ge [sflag:s18], $0x3E80  }
0x42: {  	[sflag:s18] =	ssyncset.done $0x0  }
0x43: {  	s7 =	rddreg [dreg:$0x7];
	[sflag:s18] =	ssyncadd.s32 $0xFFFFC180  }
0x44: {  	[spmem:s7] =	stream.linear.scatter [tilespmem:s17], [sflag:$0x4], $0x3E80, $0x38;
	[tilespmem:$0x1DC00] =	vst v63  }
0x45: {  	_ =	swait.ge [sflag:s18], $0x3E80  }
0x46: {  	[sflag:s18] =	ssyncset.done $0x0  }
0x47: {  	s8 =	rddreg [dreg:$0x8];
	[sflag:s18] =	ssyncadd.s32 $0xFFFFC180  }
0x48: {  	[spmem:s8] =	stream.linear.scatter [tilespmem:s17], [sflag:$0x4], $0x3E80, $0x38;
	[tilespmem:$0x1DC00] =	vst v63  }
0x49: {  	_ =	swait.ge [sflag:s18], $0x3E80  }
0x4a: {  	[sflag:s18] =	ssyncset.done $0x0  }
0x4b: {  	s5 =	rddreg [dreg:$0x9];
	[sflag:s18] =	ssyncadd.s32 $0xFFFFC180  }
0x4c: {  	[spmem:s5] =	stream.linear.scatter [tilespmem:s17], [sflag:$0x4], $0x3E80, $0x38;
	[tilespmem:$0x1DC00] =	vst v63  }
0x4d: {  	_ =	swait.ge [sflag:s18], $0x3E80  }
0x4e: {  	[sflag:s18] =	ssyncset.done $0x0  }
0x4f: {  	s7 =	rddreg [dreg:$0xa];
	[sflag:s18] =	ssyncadd.s32 $0xFFFFC180  }
0x50: {  	[spmem:s7] =	stream.linear.scatter [tilespmem:s17], [sflag:$0x4], $0x380, $0x38;
	[tilespmem:$0x1DC00] =	vst v63  }
0x51: {  	_ =	swait.ge [sflag:s18], $0x380  }
0x52: {  	[sflag:s18] =	ssyncset.done $0x0  }
0x53: {  	[sflag:s18] =	ssyncadd.s32 $0xFFFFFC80  }
0x54: {  	_ =	swait.ge [sflag:s19], $0x800  }
0x55: {  	[sflag:s19] =	ssyncset.done $0x0  }
0x56: {  	[sflag:s19] =	ssyncadd.s32 $0xFFFFF800  }
0x57: {  	_ =	swait.ge [sflag:s19], $0x800  }
0x58: {  	[sflag:s19] =	ssyncset.done $0x0  }
0x59: {  	[sflag:s19] =	ssyncadd.s32 $0xFFFFF800  }
0x5a: {  	[tilespmem:s17], [sflag:$0x2] =	stream.indirect.gather [hbm4b:s12+s20], $0x80, s3, s20, $0xb8;
	[tilespmem:$0x1DC00] =	vst v63  }
0x5b: {  	s8 =	simm.s32 $0x80  }
0x5c: {  	[tilespmem:s22], [sflag:$0x3] =	stream.indirect.gather [hbm4b:s12+s20], $0x80, s8, s20, $0xb8;
	[tilespmem:$0x1DC00] =	vst v63  }
0x5d: {  	s2 =	simm.s32 $0xFFFFF800;
	[bflag:$0x0] =	sbarrier.arrive $0xFFFF  }
.LBB2_4:
0x5e: {  	s5 =	sadd.s32 s2, s15  }
0x5f: {  	s7 =	sadd.s32 $0x900, s5  }
0x60: {  	[tilespmem:s23], [sflag:$0x1] =	stream.linear.gather [hbm4b:s7+s3], $0x800, $0x38;
	[tilespmem:$0x1DC00] =	vst v63  }
0x61: {  	s5 =	sadd.s32 $0xA900, s5  }
0x62: {  	[tilespmem:s24], [sflag:$0x1] =	stream.linear.gather [hbm4b:s5+s3], $0x800, $0x38;
	[tilespmem:$0x1DC00] =	vst v63  }
0x63: {  	_ =	swait.ge [sflag:s25], $0x3E80  }
0x64: {  	[sflag:s25] =	ssyncset.done $0x0  }
0x65: {  	s7 =	simm.s32 $0x1000;
	[sflag:s25] =	ssyncadd.s32 $0xFFFFC180  }
0x66: {  	[spmem:s1] =	stream.indirect.scatter.add.f32 [tilespmem:s17], [sflag:$0x4], $0x80, s7, s20, $0xb8;
	[tilespmem:$0x1DC00] =	vst v63  }
0x67: {  	_ =	swait.ge [sflag:s18], $0x3E80  }
0x68: {  	[sflag:s18] =	ssyncset.done $0x0  }
0x69: {  	s8 =	simm.s32 $0x100;
	[sflag:s18] =	ssyncadd.s32 $0xFFFFC180  }
0x6a: {  	[tilespmem:s17], [sflag:$0x2] =	stream.indirect.gather [hbm4b:s12+s20], $0x80, s8, s20, $0xb8;
	[tilespmem:$0x1DC00] =	vst v63  }
0x6b: {  	_ =	swait.ge [sflag:s28], $0x3E80  }
0x6c: {  	[sflag:s28] =	ssyncset.done $0x0  }
0x6d: {  	s7 =	simm.s32 $0x1080;
	[sflag:s28] =	ssyncadd.s32 $0xFFFFC180  }
0x6e: {  	[spmem:s1] =	stream.indirect.scatter.add.f32 [tilespmem:s22], [sflag:$0x4], $0x80, s7, s20, $0xb8;
	[tilespmem:$0x1DC00] =	vst v63  }
0x6f: {  	_ =	swait.ge [sflag:s18], $0x3E80  }
0x70: {  	[sflag:s18] =	ssyncset.done $0x0  }
0x71: {  	s8 =	simm.s32 $0x180;
	[sflag:s18] =	ssyncadd.s32 $0xFFFFC180  }
0x72: {  	[tilespmem:s22], [sflag:$0x3] =	stream.indirect.gather [hbm4b:s12+s20], $0x80, s8, s20, $0xb8;
	[tilespmem:$0x1DC00] =	vst v63  }
0x73: {  	_ =	swait.ge [sflag:s25], $0x3E80  }
0x74: {  	[sflag:s25] =	ssyncset.done $0x0  }
0x75: {  	s7 =	simm.s32 $0x1100;
	[sflag:s25] =	ssyncadd.s32 $0xFFFFC180  }
0x76: {  	[spmem:s1] =	stream.indirect.scatter.add.f32 [tilespmem:s17], [sflag:$0x4], $0x80, s7, s20, $0xb8;
	[tilespmem:$0x1DC00] =	vst v63  }
0x77: {  	_ =	swait.ge [sflag:s18], $0x3E80  }
0x78: {  	[sflag:s18] =	ssyncset.done $0x0  }
0x79: {  	s8 =	simm.s32 $0x200;
	[sflag:s18] =	ssyncadd.s32 $0xFFFFC180  }
0x7a: {  	[tilespmem:s17], [sflag:$0x2] =	stream.indirect.gather [hbm4b:s12+s20], $0x80, s8, s20, $0xb8;
	[tilespmem:$0x1DC00] =	vst v63  }
0x7b: {  	_ =	swait.ge [sflag:s28], $0x3E80  }
0x7c: {  	[sflag:s28] =	ssyncset.done $0x0  }
0x7d: {  	s7 =	simm.s32 $0x1180;
	[sflag:s28] =	ssyncadd.s32 $0xFFFFC180  }
0x7e: {  	[spmem:s1] =	stream.indirect.scatter.add.f32 [tilespmem:s22], [sflag:$0x4], $0x80, s7, s20, $0xb8;
	[tilespmem:$0x1DC00] =	vst v63  }
0x7f: {  	_ =	swait.ge [sflag:s18], $0x3E80  }
0x80: {  	[sflag:s18] =	ssyncset.done $0x0  }
0x81: {  	s8 =	simm.s32 $0x280;
	[sflag:s18] =	ssyncadd.s32 $0xFFFFC180  }
0x82: {  	[tilespmem:s22], [sflag:$0x3] =	stream.indirect.gather [hbm4b:s12+s20], $0x80, s8, s20, $0xb8;
	[tilespmem:$0x1DC00] =	vst v63  }
0x83: {  	_ =	swait.ge [sflag:s25], $0x3E80  }
0x84: {  	[sflag:s25] =	ssyncset.done $0x0  }
0x85: {  	s7 =	simm.s32 $0x1200;
	[sflag:s25] =	ssyncadd.s32 $0xFFFFC180  }
0x86: {  	[spmem:s1] =	stream.indirect.scatter.add.f32 [tilespmem:s17], [sflag:$0x4], $0x80, s7, s20, $0xb8;
	[tilespmem:$0x1DC00] =	vst v63  }
0x87: {  	_ =	swait.ge [sflag:s18], $0x3E80  }
0x88: {  	[sflag:s18] =	ssyncset.done $0x0  }
0x89: {  	s8 =	simm.s32 $0x300;
	[sflag:s18] =	ssyncadd.s32 $0xFFFFC180  }
0x8a: {  	[tilespmem:s17], [sflag:$0x2] =	stream.indirect.gather [hbm4b:s12+s20], $0x80, s8, s20, $0xb8;
	[tilespmem:$0x1DC00] =	vst v63  }
0x8b: {  	_ =	swait.ge [sflag:s28], $0x3E80  }
0x8c: {  	[sflag:s28] =	ssyncset.done $0x0  }
0x8d: {  	s7 =	simm.s32 $0x1280;
	[sflag:s28] =	ssyncadd.s32 $0xFFFFC180  }
0x8e: {  	[spmem:s1] =	stream.indirect.scatter.add.f32 [tilespmem:s22], [sflag:$0x4], $0x80, s7, s20, $0xb8;
	[tilespmem:$0x1DC00] =	vst v63  }
0x8f: {  	_ =	swait.ge [sflag:s18], $0x3E80  }
0x90: {  	[sflag:s18] =	ssyncset.done $0x0  }
0x91: {  	s8 =	simm.s32 $0x380;
	[sflag:s18] =	ssyncadd.s32 $0xFFFFC180  }
0x92: {  	[tilespmem:s22], [sflag:$0x3] =	stream.indirect.gather [hbm4b:s12+s20], $0x80, s8, s20, $0xb8;
	[tilespmem:$0x1DC00] =	vst v63  }
0x93: {  	_ =	swait.ge [sflag:s25], $0x3E80  }
0x94: {  	[sflag:s25] =	ssyncset.done $0x0  }
0x95: {  	s7 =	simm.s32 $0x1300;
	[sflag:s25] =	ssyncadd.s32 $0xFFFFC180  }
0x96: {  	[spmem:s1] =	stream.indirect.scatter.add.f32 [tilespmem:s17], [sflag:$0x4], $0x80, s7, s20, $0xb8;
	[tilespmem:$0x1DC00] =	vst v63  }
0x97: {  	_ =	swait.ge [sflag:s18], $0x3E80  }
0x98: {  	[sflag:s18] =	ssyncset.done $0x0  }
0x99: {  	s8 =	simm.s32 $0x400;
	[sflag:s18] =	ssyncadd.s32 $0xFFFFC180  }
0x9a: {  	[tilespmem:s17], [sflag:$0x2] =	stream.indirect.gather [hbm4b:s12+s20], $0x80, s8, s20, $0xb8;
	[tilespmem:$0x1DC00] =	vst v63  }
0x9b: {  	_ =	swait.ge [sflag:s28], $0x3E80  }
0x9c: {  	[sflag:s28] =	ssyncset.done $0x0  }
0x9d: {  	s7 =	simm.s32 $0x1380;
	[sflag:s28] =	ssyncadd.s32 $0xFFFFC180  }
0x9e: {  	[spmem:s1] =	stream.indirect.scatter.add.f32 [tilespmem:s22], [sflag:$0x4], $0x80, s7, s20, $0xb8;
	[tilespmem:$0x1DC00] =	vst v63  }
0x9f: {  	_ =	swait.ge [sflag:s18], $0x3E80  }
0xa0: {  	[sflag:s18] =	ssyncset.done $0x0  }
0xa1: {  	s8 =	simm.s32 $0x480;
	[sflag:s18] =	ssyncadd.s32 $0xFFFFC180  }
0xa2: {  	[tilespmem:s22], [sflag:$0x3] =	stream.indirect.gather [hbm4b:s12+s20], $0x80, s8, s20, $0xb8;
	[tilespmem:$0x1DC00] =	vst v63  }
0xa3: {  	_ =	swait.ge [sflag:s25], $0x3E80  }
0xa4: {  	[sflag:s25] =	ssyncset.done $0x0  }
0xa5: {  	s7 =	simm.s32 $0x1400;
	[sflag:s25] =	ssyncadd.s32 $0xFFFFC180  }
0xa6: {  	[spmem:s1] =	stream.indirect.scatter.add.f32 [tilespmem:s17], [sflag:$0x4], $0x80, s7, s20, $0xb8;
	[tilespmem:$0x1DC00] =	vst v63  }
0xa7: {  	_ =	swait.ge [sflag:s18], $0x3E80  }
0xa8: {  	[sflag:s18] =	ssyncset.done $0x0  }
0xa9: {  	s8 =	simm.s32 $0x500;
	[sflag:s18] =	ssyncadd.s32 $0xFFFFC180  }
0xaa: {  	[tilespmem:s17], [sflag:$0x2] =	stream.indirect.gather [hbm4b:s12+s20], $0x80, s8, s20, $0xb8;
	[tilespmem:$0x1DC00] =	vst v63  }
0xab: {  	_ =	swait.ge [sflag:s28], $0x3E80  }
0xac: {  	[sflag:s28] =	ssyncset.done $0x0  }
0xad: {  	s7 =	simm.s32 $0x1480;
	[sflag:s28] =	ssyncadd.s32 $0xFFFFC180  }
0xae: {  	[spmem:s1] =	stream.indirect.scatter.add.f32 [tilespmem:s22], [sflag:$0x4], $0x80, s7, s20, $0xb8;
	[tilespmem:$0x1DC00] =	vst v63  }
0xaf: {  	_ =	swait.ge [sflag:s18], $0x3E80  }
0xb0: {  	[sflag:s18] =	ssyncset.done $0x0  }
0xb1: {  	s8 =	simm.s32 $0x580;
	[sflag:s18] =	ssyncadd.s32 $0xFFFFC180  }
0xb2: {  	[tilespmem:s22], [sflag:$0x3] =	stream.indirect.gather [hbm4b:s12+s20], $0x80, s8, s20, $0xb8;
	[tilespmem:$0x1DC00] =	vst v63  }
0xb3: {  	_ =	swait.ge [sflag:s25], $0x3E80  }
0xb4: {  	[sflag:s25] =	ssyncset.done $0x0  }
0xb5: {  	s7 =	simm.s32 $0x1500;
	[sflag:s25] =	ssyncadd.s32 $0xFFFFC180  }
0xb6: {  	[spmem:s1] =	stream.indirect.scatter.add.f32 [tilespmem:s17], [sflag:$0x4], $0x80, s7, s20, $0xb8;
	[tilespmem:$0x1DC00] =	vst v63  }
0xb7: {  	_ =	swait.ge [sflag:s18], $0x3E80  }
0xb8: {  	[sflag:s18] =	ssyncset.done $0x0  }
0xb9: {  	s8 =	simm.s32 $0x600;
	[sflag:s18] =	ssyncadd.s32 $0xFFFFC180  }
0xba: {  	[tilespmem:s17], [sflag:$0x2] =	stream.indirect.gather [hbm4b:s12+s20], $0x80, s8, s20, $0xb8;
	[tilespmem:$0x1DC00] =	vst v63  }
0xbb: {  	_ =	swait.ge [sflag:s28], $0x3E80  }
0xbc: {  	[sflag:s28] =	ssyncset.done $0x0  }
0xbd: {  	s7 =	simm.s32 $0x1580;
	[sflag:s28] =	ssyncadd.s32 $0xFFFFC180  }
0xbe: {  	[spmem:s1] =	stream.indirect.scatter.add.f32 [tilespmem:s22], [sflag:$0x4], $0x80, s7, s20, $0xb8;
	[tilespmem:$0x1DC00] =	vst v63  }
0xbf: {  	_ =	swait.ge [sflag:s18], $0x3E80  }
0xc0: {  	[sflag:s18] =	ssyncset.done $0x0  }
0xc1: {  	s8 =	simm.s32 $0x680;
	[sflag:s18] =	ssyncadd.s32 $0xFFFFC180  }
0xc2: {  	[tilespmem:s22], [sflag:$0x3] =	stream.indirect.gather [hbm4b:s12+s20], $0x80, s8, s20, $0xb8;
	[tilespmem:$0x1DC00] =	vst v63  }
0xc3: {  	_ =	swait.ge [sflag:s25], $0x3E80  }
0xc4: {  	[sflag:s25] =	ssyncset.done $0x0  }
0xc5: {  	s7 =	simm.s32 $0x1600;
	[sflag:s25] =	ssyncadd.s32 $0xFFFFC180  }
0xc6: {  	[spmem:s1] =	stream.indirect.scatter.add.f32 [tilespmem:s17], [sflag:$0x4], $0x80, s7, s20, $0xb8;
	[tilespmem:$0x1DC00] =	vst v63  }
0xc7: {  	_ =	swait.ge [sflag:s18], $0x3E80  }
0xc8: {  	[sflag:s18] =	ssyncset.done $0x0  }
0xc9: {  	s8 =	simm.s32 $0x700;
	[sflag:s18] =	ssyncadd.s32 $0xFFFFC180  }
0xca: {  	[tilespmem:s17], [sflag:$0x2] =	stream.indirect.gather [hbm4b:s12+s20], $0x80, s8, s20, $0xb8;
	[tilespmem:$0x1DC00] =	vst v63  }
0xcb: {  	_ =	swait.ge [sflag:s28], $0x3E80  }
0xcc: {  	[sflag:s28] =	ssyncset.done $0x0  }
0xcd: {  	s7 =	simm.s32 $0x1680;
	[sflag:s28] =	ssyncadd.s32 $0xFFFFC180  }
0xce: {  	[spmem:s1] =	stream.indirect.scatter.add.f32 [tilespmem:s22], [sflag:$0x4], $0x80, s7, s20, $0xb8;
	[tilespmem:$0x1DC00] =	vst v63  }
0xcf: {  	_ =	swait.ge [sflag:s18], $0x3E80  }
0xd0: {  	[sflag:s18] =	ssyncset.done $0x0  }
0xd1: {  	s8 =	simm.s32 $0x780;
	[sflag:s18] =	ssyncadd.s32 $0xFFFFC180  }
0xd2: {  	[tilespmem:s22], [sflag:$0x3] =	stream.indirect.gather [hbm4b:s12+s20], $0x80, s8, s20, $0xb8;
	[tilespmem:$0x1DC00] =	vst v63  }
0xd3: {  	_ =	swait.ge [sflag:s25], $0x3E80  }
0xd4: {  	[sflag:s25] =	ssyncset.done $0x0  }
0xd5: {  	s7 =	simm.s32 $0x1700;
	[sflag:s25] =	ssyncadd.s32 $0xFFFFC180  }
0xd6: {  	[spmem:s1] =	stream.indirect.scatter.add.f32 [tilespmem:s17], [sflag:$0x4], $0x80, s7, s20, $0xb8;
	[tilespmem:$0x1DC00] =	vst v63  }
0xd7: {  	_ =	swait.ge [sflag:s18], $0x3E80  }
0xd8: {  	[sflag:s18] =	ssyncset.done $0x0  }
0xd9: {  	[sflag:s18] =	ssyncadd.s32 $0xFFFFC180  }
0xda: {  	_ =	swait.ge [sflag:s28], $0x3E80  }
0xdb: {  	[sflag:s28] =	ssyncset.done $0x0  }
0xdc: {  	s8 =	simm.s32 $0x1780;
	[sflag:s28] =	ssyncadd.s32 $0xFFFFC180  }
0xdd: {  	[spmem:s1] =	stream.indirect.scatter.add.f32 [tilespmem:s22], [sflag:$0x4], $0x80, s8, s20, $0xb8;
	[tilespmem:$0x1DC00] =	vst v63  }
0xde: {  	_ =	swait.ge [sflag:s18], $0x3E80  }
0xdf: {  	[sflag:s18] =	ssyncset.done $0x0  }
0xe0: {  	[sflag:s18] =	ssyncadd.s32 $0xFFFFC180  }
0xe1: {  	_ =	swait.ge [sflag:s19], $0x800  }
0xe2: {  	[sflag:s19] =	ssyncset.done $0x0  }
0xe3: {  	[sflag:s19] =	ssyncadd.s32 $0xFFFFF800  }
0xe4: {  	_ =	swait.ge [sflag:s19], $0x800  }
0xe5: {  	[sflag:s19] =	ssyncset.done $0x0  }
0xe6: {  	p0 =	seq.s32 s2, $0x0;
	[sflag:s19] =	ssyncadd.s32 $0xFFFFF800  }
0xe7: {  	[tilespmem:s17], [sflag:$0x2] =	stream.indirect.gather [hbm4b:s12+s20], $0x80, s23, s20, $0xb8;
	[tilespmem:$0x1DC00] =	vst v63  }
0xe8: {  	s5 =	sadd.s32 @!p0 s2, s15;
	s7 =	simm.s32 $0x880  }
0xe9: {  	[tilespmem:s22], [sflag:$0x3] =	stream.indirect.gather [hbm4b:s12+s20], $0x80, s7, s20, $0xb8;
	[tilespmem:$0x1DC00] =	vst v63  }
0xea: {  	s8 =	simm.s32 @!p0 $0x0;
	s7 =	sadd.s32 @!p0 $0xA00, s5  }
0xeb: {  	[tilespmem:s8], [sflag:$0x1] =	stream.linear.gather @!p0 [hbm4b:s7+s8], $0x800, $0x38;
	[tilespmem:$0x1DC00] =	vst v63  }
0xec: {  	s5 =	sadd.s32 @!p0 $0xAA00, s5;
	s7 =	simm.s32 @!p0 $0x1000  }
0xed: {  	[tilespmem:s7], [sflag:$0x1] =	stream.linear.gather @!p0 [hbm4b:s5+s8], $0x800, $0x38;
	[tilespmem:$0x1DC00] =	vst v63  }
0xee: {  	_ =	swait.ge [sflag:s25], $0x3E80  }
0xef: {  	[sflag:s25] =	ssyncset.done $0x0  }
0xf0: {  	[sflag:s25] =	ssyncadd.s32 $0xFFFFC180  }
0xf1: {  	[spmem:s1] =	stream.indirect.scatter.add.f32 [tilespmem:s17], [sflag:$0x4], $0x80, s24, s20, $0xb8;
	[tilespmem:$0x1DC00] =	vst v63  }
0xf2: {  	_ =	swait.ge [sflag:s18], $0x3E80  }
0xf3: {  	[sflag:s18] =	ssyncset.done $0x0  }
0xf4: {  	s8 =	simm.s32 $0x900;
	[sflag:s18] =	ssyncadd.s32 $0xFFFFC180  }
0xf5: {  	[tilespmem:s17], [sflag:$0x2] =	stream.indirect.gather [hbm4b:s12+s20], $0x80, s8, s20, $0xb8;
	[tilespmem:$0x1DC00] =	vst v63  }
0xf6: {  	_ =	swait.ge [sflag:s28], $0x3E80  }
0xf7: {  	[sflag:s28] =	ssyncset.done $0x0  }
0xf8: {  	s7 =	simm.s32 $0x1880;
	[sflag:s28] =	ssyncadd.s32 $0xFFFFC180  }
0xf9: {  	[spmem:s1] =	stream.indirect.scatter.add.f32 [tilespmem:s22], [sflag:$0x4], $0x80, s7, s20, $0xb8;
	[tilespmem:$0x1DC00] =	vst v63  }
0xfa: {  	_ =	swait.ge [sflag:s18], $0x3E80  }
0xfb: {  	[sflag:s18] =	ssyncset.done $0x0  }
0xfc: {  	s8 =	simm.s32 $0x980;
	[sflag:s18] =	ssyncadd.s32 $0xFFFFC180  }
0xfd: {  	[tilespmem:s22], [sflag:$0x3] =	stream.indirect.gather [hbm4b:s12+s20], $0x80, s8, s20, $0xb8;
	[tilespmem:$0x1DC00] =	vst v63  }
0xfe: {  	_ =	swait.ge [sflag:s25], $0x3E80  }
0xff: {  	[sflag:s25] =	ssyncset.done $0x0  }
0x100: {  	s7 =	simm.s32 $0x1900;
	[sflag:s25] =	ssyncadd.s32 $0xFFFFC180  }
0x101: {  	[spmem:s1] =	stream.indirect.scatter.add.f32 [tilespmem:s17], [sflag:$0x4], $0x80, s7, s20, $0xb8;
	[tilespmem:$0x1DC00] =	vst v63  }
0x102: {  	_ =	swait.ge [sflag:s18], $0x3E80  }
0x103: {  	[sflag:s18] =	ssyncset.done $0x0  }
0x104: {  	s8 =	simm.s32 $0xA00;
	[sflag:s18] =	ssyncadd.s32 $0xFFFFC180  }
0x105: {  	[tilespmem:s17], [sflag:$0x2] =	stream.indirect.gather [hbm4b:s12+s20], $0x80, s8, s20, $0xb8;
	[tilespmem:$0x1DC00] =	vst v63  }
0x106: {  	_ =	swait.ge [sflag:s28], $0x3E80  }
0x107: {  	[sflag:s28] =	ssyncset.done $0x0  }
0x108: {  	s7 =	simm.s32 $0x1980;
	[sflag:s28] =	ssyncadd.s32 $0xFFFFC180  }
0x109: {  	[spmem:s1] =	stream.indirect.scatter.add.f32 [tilespmem:s22], [sflag:$0x4], $0x80, s7, s20, $0xb8;
	[tilespmem:$0x1DC00] =	vst v63  }
0x10a: {  	_ =	swait.ge [sflag:s18], $0x3E80  }
0x10b: {  	[sflag:s18] =	ssyncset.done $0x0  }
0x10c: {  	s8 =	simm.s32 $0xA80;
	[sflag:s18] =	ssyncadd.s32 $0xFFFFC180  }
0x10d: {  	[tilespmem:s22], [sflag:$0x3] =	stream.indirect.gather [hbm4b:s12+s20], $0x80, s8, s20, $0xb8;
	[tilespmem:$0x1DC00] =	vst v63  }
0x10e: {  	_ =	swait.ge [sflag:s25], $0x3E80  }
0x10f: {  	[sflag:s25] =	ssyncset.done $0x0  }
0x110: {  	s7 =	simm.s32 $0x1A00;
	[sflag:s25] =	ssyncadd.s32 $0xFFFFC180  }
0x111: {  	[spmem:s1] =	stream.indirect.scatter.add.f32 [tilespmem:s17], [sflag:$0x4], $0x80, s7, s20, $0xb8;
	[tilespmem:$0x1DC00] =	vst v63  }
0x112: {  	_ =	swait.ge [sflag:s18], $0x3E80  }
0x113: {  	[sflag:s18] =	ssyncset.done $0x0  }
0x114: {  	s8 =	simm.s32 $0xB00;
	[sflag:s18] =	ssyncadd.s32 $0xFFFFC180  }
0x115: {  	[tilespmem:s17], [sflag:$0x2] =	stream.indirect.gather [hbm4b:s12+s20], $0x80, s8, s20, $0xb8;
	[tilespmem:$0x1DC00] =	vst v63  }
0x116: {  	_ =	swait.ge [sflag:s28], $0x3E80  }
0x117: {  	[sflag:s28] =	ssyncset.done $0x0  }
0x118: {  	s7 =	simm.s32 $0x1A80;
	[sflag:s28] =	ssyncadd.s32 $0xFFFFC180  }
0x119: {  	[spmem:s1] =	stream.indirect.scatter.add.f32 [tilespmem:s22], [sflag:$0x4], $0x80, s7, s20, $0xb8;
	[tilespmem:$0x1DC00] =	vst v63  }
0x11a: {  	_ =	swait.ge [sflag:s18], $0x3E80  }
0x11b: {  	[sflag:s18] =	ssyncset.done $0x0  }
0x11c: {  	s8 =	simm.s32 $0xB80;
	[sflag:s18] =	ssyncadd.s32 $0xFFFFC180  }
0x11d: {  	[tilespmem:s22], [sflag:$0x3] =	stream.indirect.gather [hbm4b:s12+s20], $0x80, s8, s20, $0xb8;
	[tilespmem:$0x1DC00] =	vst v63  }
0x11e: {  	_ =	swait.ge [sflag:s25], $0x3E80  }
0x11f: {  	[sflag:s25] =	ssyncset.done $0x0  }
0x120: {  	s7 =	simm.s32 $0x1B00;
	[sflag:s25] =	ssyncadd.s32 $0xFFFFC180  }
0x121: {  	[spmem:s1] =	stream.indirect.scatter.add.f32 [tilespmem:s17], [sflag:$0x4], $0x80, s7, s20, $0xb8;
	[tilespmem:$0x1DC00] =	vst v63  }
0x122: {  	_ =	swait.ge [sflag:s18], $0x3E80  }
0x123: {  	[sflag:s18] =	ssyncset.done $0x0  }
0x124: {  	s8 =	simm.s32 $0xC00;
	[sflag:s18] =	ssyncadd.s32 $0xFFFFC180  }
0x125: {  	[tilespmem:s17], [sflag:$0x2] =	stream.indirect.gather [hbm4b:s12+s20], $0x80, s8, s20, $0xb8;
	[tilespmem:$0x1DC00] =	vst v63  }
0x126: {  	_ =	swait.ge [sflag:s28], $0x3E80  }
0x127: {  	[sflag:s28] =	ssyncset.done $0x0  }
0x128: {  	s7 =	simm.s32 $0x1B80;
	[sflag:s28] =	ssyncadd.s32 $0xFFFFC180  }
0x129: {  	[spmem:s1] =	stream.indirect.scatter.add.f32 [tilespmem:s22], [sflag:$0x4], $0x80, s7, s20, $0xb8;
	[tilespmem:$0x1DC00] =	vst v63  }
0x12a: {  	_ =	swait.ge [sflag:s18], $0x3E80  }
0x12b: {  	[sflag:s18] =	ssyncset.done $0x0  }
0x12c: {  	s8 =	simm.s32 $0xC80;
	[sflag:s18] =	ssyncadd.s32 $0xFFFFC180  }
0x12d: {  	[tilespmem:s22], [sflag:$0x3] =	stream.indirect.gather [hbm4b:s12+s20], $0x80, s8, s20, $0xb8;
	[tilespmem:$0x1DC00] =	vst v63  }
0x12e: {  	_ =	swait.ge [sflag:s25], $0x3E80  }
0x12f: {  	[sflag:s25] =	ssyncset.done $0x0  }
0x130: {  	[sflag:s25] =	ssyncadd.s32 $0xFFFFC180  }
0x131: {  	[spmem:s1] =	stream.indirect.scatter.add.f32 [tilespmem:s17], [sflag:$0x4], $0x80, s9, s20, $0xb8;
	[tilespmem:$0x1DC00] =	vst v63  }
0x132: {  	_ =	swait.ge [sflag:s18], $0x3E80  }
0x133: {  	[sflag:s18] =	ssyncset.done $0x0  }
0x134: {  	[sflag:s18] =	ssyncadd.s32 $0xFFFFC180  }
0x135: {  	[tilespmem:s17], [sflag:$0x2] =	stream.indirect.gather [hbm4b:s12+s20], $0x80, s10, s20, $0xb8;
	[tilespmem:$0x1DC00] =	vst v63  }
0x136: {  	_ =	swait.ge [sflag:s28], $0x3E80  }
0x137: {  	[sflag:s28] =	ssyncset.done $0x0  }
0x138: {  	[sflag:s28] =	ssyncadd.s32 $0xFFFFC180  }
0x139: {  	[spmem:s1] =	stream.indirect.scatter.add.f32 [tilespmem:s22], [sflag:$0x4], $0x80, s11, s20, $0xb8;
	[tilespmem:$0x1DC00] =	vst v63  }
0x13a: {  	_ =	swait.ge [sflag:s18], $0x3E80  }
0x13b: {  	[sflag:s18] =	ssyncset.done $0x0  }
0x13c: {  	[sflag:s18] =	ssyncadd.s32 $0xFFFFC180  }
0x13d: {  	[tilespmem:s22], [sflag:$0x3] =	stream.indirect.gather [hbm4b:s12+s20], $0x80, s13, s20, $0xb8;
	[tilespmem:$0x1DC00] =	vst v63  }
0x13e: {  	_ =	swait.ge [sflag:s25], $0x3E80  }
0x13f: {  	[sflag:s25] =	ssyncset.done $0x0  }
0x140: {  	[sflag:s25] =	ssyncadd.s32 $0xFFFFC180  }
0x141: {  	[spmem:s1] =	stream.indirect.scatter.add.f32 [tilespmem:s17], [sflag:$0x4], $0x80, s14, s20, $0xb8;
	[tilespmem:$0x1DC00] =	vst v63  }
0x142: {  	_ =	swait.ge [sflag:s18], $0x3E80  }
0x143: {  	[sflag:s18] =	ssyncset.done $0x0  }
0x144: {  	[sflag:s18] =	ssyncadd.s32 $0xFFFFC180  }
0x145: {  	[tilespmem:s17], [sflag:$0x2] =	stream.indirect.gather [hbm4b:s12+s20], $0x80, s4, s20, $0xb8;
	[tilespmem:$0x1DC00] =	vst v63  }
0x146: {  	_ =	swait.ge [sflag:s28], $0x3E80  }
0x147: {  	[sflag:s28] =	ssyncset.done $0x0  }
0x148: {  	[sflag:s28] =	ssyncadd.s32 $0xFFFFC180  }
0x149: {  	[spmem:s1] =	stream.indirect.scatter.add.f32 [tilespmem:s22], [sflag:$0x4], $0x80, s6, s20, $0xb8;
	[tilespmem:$0x1DC00] =	vst v63  }
0x14a: {  	_ =	swait.ge [sflag:s18], $0x3E80  }
0x14b: {  	[sflag:s18] =	ssyncset.done $0x0  }
0x14c: {  	[sflag:s18] =	ssyncadd.s32 $0xFFFFC180  }
0x14d: {  	[tilespmem:s22], [sflag:$0x3] =	stream.indirect.gather [hbm4b:s12+s20], $0x80, s21, s20, $0xb8;
	[tilespmem:$0x1DC00] =	vst v63  }
0x14e: {  	_ =	swait.ge [sflag:s25], $0x3E80  }
0x14f: {  	[sflag:s25] =	ssyncset.done $0x0  }
0x150: {  	[sflag:s25] =	ssyncadd.s32 $0xFFFFC180  }
0x151: {  	[spmem:s1] =	stream.indirect.scatter.add.f32 [tilespmem:s17], [sflag:$0x4], $0x80, s26, s20, $0xb8;
	[tilespmem:$0x1DC00] =	vst v63  }
0x152: {  	_ =	swait.ge [sflag:s18], $0x3E80  }
0x153: {  	[sflag:s18] =	ssyncset.done $0x0  }
0x154: {  	[sflag:s18] =	ssyncadd.s32 $0xFFFFC180  }
0x155: {  	[tilespmem:s17], [sflag:$0x2] =	stream.indirect.gather [hbm4b:s12+s20], $0x80, s29, s20, $0xb8;
	[tilespmem:$0x1DC00] =	vst v63  }
0x156: {  	_ =	swait.ge [sflag:s28], $0x3E80  }
0x157: {  	[sflag:s28] =	ssyncset.done $0x0  }
0x158: {  	[sflag:s28] =	ssyncadd.s32 $0xFFFFC180  }
0x159: {  	[spmem:s1] =	stream.indirect.scatter.add.f32 [tilespmem:s22], [sflag:$0x4], $0x80, s30, s20, $0xb8;
	[tilespmem:$0x1DC00] =	vst v63  }
0x15a: {  	_ =	swait.ge [sflag:s18], $0x3E80  }
0x15b: {  	[sflag:s18] =	ssyncset.done $0x0  }
0x15c: {  	[sflag:s18] =	ssyncadd.s32 $0xFFFFC180  }
0x15d: {  	[tilespmem:s22], [sflag:$0x3] =	stream.indirect.gather [hbm4b:s12+s20], $0x80, s31, s20, $0xb8;
	[tilespmem:$0x1DC00] =	vst v63  }
0x15e: {  	_ =	swait.ge [sflag:s25], $0x3E80  }
0x15f: {  	[sflag:s25] =	ssyncset.done $0x0  }
0x160: {  	[sflag:s25] =	ssyncadd.s32 $0xFFFFC180  }
0x161: {  	[spmem:s1] =	stream.indirect.scatter.add.f32 [tilespmem:s17], [sflag:$0x4], $0x80, s16, s20, $0xb8;
	[tilespmem:$0x1DC00] =	vst v63  }
0x162: {  	_ =	swait.ge [sflag:s18], $0x3E80  }
0x163: {  	[sflag:s18] =	ssyncset.done $0x0  }
0x164: {  	[sflag:s18] =	ssyncadd.s32 $0xFFFFC180  }
0x165: {  	_ =	swait.ge [sflag:s28], $0x3E80  }
0x166: {  	[sflag:s28] =	ssyncset.done $0x0  }
.Ltmp3:
0x167: {  	[sflag:s28] =	ssyncadd.s32 $0xFFFFC180;
	(pc) =	sbr.rel @p0 .LBB2_6-.Ltmp3, $4  }
0x168: {  	[spmem:s1] =	stream.indirect.scatter.add.f32 [tilespmem:s22], [sflag:$0x4], $0x80, s0, s20, $0xb8;
	[tilespmem:$0x1DC00] =	vst v63  }
0x169: {  	_ =	swait.ge [sflag:s18], $0x3E80  }
0x16a: {  	[sflag:s18] =	ssyncset.done $0x0  }
0x16b: {  	[sflag:s18] =	ssyncadd.s32 $0xFFFFC180  }
0x16c: {  	_ =	swait.ge [sflag:s19], $0x800  }
0x16d: {  	[sflag:s19] =	ssyncset.done $0x0  }
0x16e: {  	[sflag:s19] =	ssyncadd.s32 $0xFFFFF800  }
0x16f: {  	_ =	swait.ge [sflag:s19], $0x800  }
.Ltmp4:
0x170: {  	[sflag:s19] =	ssyncset.done $0x0;
	(pc) =	sbr.rel .LBB2_4-.Ltmp4, $4  }
0x171: {  	[sflag:s19] =	ssyncadd.s32 $0xFFFFF800  }
0x172: {  	[tilespmem:s17], [sflag:$0x2] =	stream.indirect.gather [hbm4b:s12+s20], $0x80, s3, s20, $0xb8;
	[tilespmem:$0x1DC00] =	vst v63  }
0x173: {  	s5 =	simm.s32 $0x80;
	s2 =	sadd.s32 $0x200, s2  }
0x174: {  	[tilespmem:s22], [sflag:$0x3] =	stream.indirect.gather [hbm4b:s12+s20], $0x80, s5, s20, $0xb8;
	[tilespmem:$0x1DC00] =	vst v63  }
.LBB2_7:
0x175: {  	_ =	sfence.sel $0x180000  }
0x176: {  	[bflag:$0x0] =	sbarrier.arrive $0xFFFF  }
0x177: {  	_ =	strace $0x9000004D  }
0x178: {  	s0 =	stileid.u32;
	[bflag:$0x2] =	sbarrier.arrive $0xFFFF  }
0x179: {  	p0 =	sne.s32 s0, $0x0;
	s0 =	rddreg [dreg:$0x2]  }
0x17a: {  	s0 =	sadd.s32 @!p0 $0x100000, s0  }
0x17b: {  	[sflag:s0] =	ssyncadd.tile.s32 @!p0 $0x1;
	_ =	shalt  }
.Lfunc_end2:
_tile_overlayer_lowered:
.L_overlay_start_2:
0x17c: {  	(tag) =	ssettag $0x2  }
0x17d: {  	s0 =	rddreg [dreg:$0x0];
	s2 =	stileid.u32  }
0x17e: {  	s1 =	rddreg [dreg:$0x1];
	p0 =	sne.s32 s2, $0x0  }
0x17f: {  	s3 =	rddreg [dreg:$0x2];
	[bflag:$0x3] =	sbarrier.arrive $0xFFFF;
	s2 =	simm.s32 @!p0 $0x1C04  }
0x180: {  	[timem:s3], [sflag:s2] =	dma.local @!p0 [hbm:s0], s1  }
0x181: {  	s0 =	simm.s32 @!p0 $0x4  }
0x182: {  	_ =	swait.ge @!p0 [sflag:s0], s1  }
0x183: {  	s1 =	ssub.s32 @!p0 $0x0, s1;
	[sflag:s0] =	ssyncset.done @!p0 $0x0  }
0x184: {  	[sflag:s0] =	ssyncadd.s32 @!p0 s1  }
0x185: {  	[bflag:$0x3] =	sbarrier.arrive $0xFFFF  }
0x186: {  	_ =	shalt  }

// kernel: kernel.9.cloned.1.call-start
scs
__scs_entry_jumppad:
0x0: {  	(pc) =	sbr.rel $0x88, $3  }
0x1: {  	(tag) =	ssettag $0x0;
	lr =	simm.s32 $0x1  }
0x2: {  	[smem:$0x3F91] =	sst lr;
	_ =	strace $0xD0000000  }
0x3: {  	_ = 	snop  }
0x4: {  	_ = 	snop  }
0x5: {  	_ = 	snop  }
0x6: {  	_ = 	snop  }
0x7: {  	_ = 	snop  }
__scs_overlays_trampoline_lowered:
0x8: {  	[smem:$0x3FA0] =	sst s0  }
0x9: {  	[smem:$0x3FA1] =	sst s1  }
0xa: {  	[smem:$0x3FA2] =	sst s2  }
0xb: {  	[smem:$0x3FA3] =	sst s3  }
0xc: {  	[smem:$0x3FA4] =	sst s4  }
0xd: {  	[smem:$0x3FA5] =	sst s5  }
0xe: {  	[smem:$0x3FA6] =	sst s6  }
0xf: {  	[smem:$0x3FA7] =	sst s7  }
0x10: {  	[smem:$0x3FA8] =	sst s8  }
0x11: {  	[smem:$0x3FA9] =	sst s9;
	s0 =	simm.s32 @!p0 $0x0  }
0x12: {  	s1 =	sld [smem:$0x3F8F];
	s0 =	simm.s32 @p0 $0x1  }
0x13: {  	[smem:$0x3FAA] =	sst s0;
	s0 =	simm.s32 @!p1 $0x0  }
0x14: {  	s2 =	sld [smem:$0x3F8E];
	s0 =	simm.s32 @p1 $0x1  }
0x15: {  	[smem:$0x3FAB] =	sst s0;
	s0 =	simm.s32 @!p2 $0x0  }
0x16: {  	s3 =	sld [smem:$0x3FDB];
	s0 =	simm.s32 @p2 $0x1  }
0x17: {  	s4 =	simm.s32 $0x1BF5;
	[smem:$0x3FAD] =	sst s0  }
0x18: {  	s0 =	sld [smem:$0x3F90];
	_ =	swait.ge [sflag:s4], $0x0  }
0x19: {  	s7 =	sld [smem:$0x3F91]  }
0x1a: {  	s8 =	sadd.s32 $0xFFFFE003, lr  }
0x1b: {  	s9 =	sadd.s32 $0xFFFFFEF7, lr;
	s5 =	simm.s32 $0xFFFFFFFF;
	p2 =	slt.u32 s8, $0xFFFFF086  }
0x1c: {  	p1 =	slt.u32 s9, $0xF7A;
	s5 =	simm.s32 @!p2 $0x0  }
0x1d: {  	s5 =	simm.s32 @p1 $0x1;
	p0 =	seq.s32 s7, s2  }
0x1e: {  	s7 =	smul.u32 @!p0 $0xF7A, s2;
	p2 =	seq.s32 @!p0 s5, $0x0  }
0x1f: {  	s9 =	smul.u32 $0xF7A, s1;
	s8 =	simm.s32 @!p0 $0x1BF5;
	p2 =	por !p2, p0  }
0x20: {  	[sflag:s8] =	ssyncset.s32 @!p0 $0xFFFFF086;
	s6 =	sadd.s32 @!p0 s3, s7;
	s7 =	simm.s32 @!p0 $0x108  }
0x21: {  	s3 =	sadd.s32 s3, s9;
	s6 =	sadd.s32 @!p0 $0x88, s6;
	s7 =	simm.s32 @p2 $0x1082  }
0x22: {  	[simem:s7], [sflag:s8] =	dma.local @!p0 [hbm:s6], $0xF7A  }
0x23: {  	s9 =	sor.u32 $0xD0000000, s2;
	s6 =	simm.s32 $0x108;
	_ =	swait.ge @!p0 [sflag:s8], $0x0  }
0x24: {  	s3 =	sadd.s32 $0x88, s3;
	s6 =	simm.s32 @!p1 $0x1082;
	[sflag:s4] =	ssyncset.s32 $0xFFFFF086  }
0x25: {  	[simem:s6], [sflag:s4] =	dma.local [hbm:s3], $0xF7A  }
0x26: {  	[smem:$0x3F91] =	sst s1;
	(tag) =	ssettag s2;
	_ =	strace s9  }
0x27: {  	s1 =	sld [smem:$0x3FA1]  }
0x28: {  	s2 =	sld [smem:$0x3FA2]  }
0x29: {  	s4 =	sld [smem:$0x3FA4]  }
0x2a: {  	p0 =	seq.s32 s5, $0x0;
	s5 =	sld [smem:$0x3FA5]  }
0x2b: {  	s6 =	sld [smem:$0x3FA6]  }
0x2c: {  	s7 =	sld [smem:$0x3FA7]  }
0x2d: {  	s3 =	simm.s32 $0x108;
	s8 =	sld [smem:$0x3FA8]  }
0x2e: {  	s3 =	simm.s32 @!p0 $0x1082;
	s9 =	sld [smem:$0x3FA9]  }
0x2f: {  	lr =	sadd.s32 s0, s3;
	s0 =	sld [smem:$0x3FA0]  }
0x30: {  	s3 =	sld [smem:$0x3FA3]  }
0x31: {  	[smem:$0x3FAC] =	sst s10  }
0x32: {  	s10 =	sld [smem:$0x3FAA];
	_ =	sdelay $0x3  }
0x33: {  	p0 =	seq.s32 s10, $0x1;
	s10 =	sld [smem:$0x3FAC];
	_ =	sdelay $0x3  }
0x34: {  	[smem:$0x3FAC] =	sst s10  }
0x35: {  	s10 =	sld [smem:$0x3FAB];
	_ =	sdelay $0x3  }
0x36: {  	p1 =	seq.s32 s10, $0x1;
	s10 =	sld [smem:$0x3FAC];
	_ =	sdelay $0x3  }
0x37: {  	[smem:$0x3FAC] =	sst s10  }
0x38: {  	s10 =	sld [smem:$0x3FAD]  }
0x39: {  	_ = 	snop;
	(pc) =	sbr.ind lr, $3  }
0x3a: {  	_ = 	snop  }
0x3b: {  	_ = 	snop  }
0x3c: {  	p2 =	seq.s32 s10, $0x1;
	s10 =	sld [smem:$0x3FAC]  }
0x3d: {  	_ =	shalt  }
0x3e: {  	_ =	shalt  }
0x3f: {  	_ =	shalt  }
0x40: {  	_ =	shalt  }
0x41: {  	_ =	shalt  }
0x42: {  	_ =	shalt  }
0x43: {  	_ =	shalt  }
0x44: {  	_ =	shalt  }
0x45: {  	_ =	shalt  }
0x46: {  	_ =	shalt  }
0x47: {  	_ =	shalt  }
0x48: {  	_ =	shalt  }
0x49: {  	_ =	shalt  }
0x4a: {  	_ =	shalt  }
0x4b: {  	_ =	shalt  }
0x4c: {  	_ =	shalt  }
0x4d: {  	_ =	shalt  }
0x4e: {  	_ =	shalt  }
0x4f: {  	_ =	shalt  }
0x50: {  	_ =	shalt  }
0x51: {  	_ =	shalt  }
0x52: {  	_ =	shalt  }
0x53: {  	_ =	shalt  }
0x54: {  	_ =	shalt  }
0x55: {  	_ =	shalt  }
0x56: {  	_ =	shalt  }
0x57: {  	_ =	shalt  }
0x58: {  	_ =	shalt  }
0x59: {  	_ =	shalt  }
0x5a: {  	_ =	shalt  }
0x5b: {  	_ =	shalt  }
0x5c: {  	_ =	shalt  }
0x5d: {  	_ =	shalt  }
0x5e: {  	_ =	shalt  }
0x5f: {  	_ =	shalt  }
0x60: {  	_ =	shalt  }
0x61: {  	_ =	shalt  }
0x62: {  	_ =	shalt  }
0x63: {  	_ =	shalt  }
0x64: {  	_ =	shalt  }
0x65: {  	_ =	shalt  }
0x66: {  	_ =	shalt  }
0x67: {  	_ =	shalt  }
0x68: {  	_ =	shalt  }
0x69: {  	_ =	shalt  }
0x6a: {  	_ =	shalt  }
0x6b: {  	_ =	shalt  }
0x6c: {  	_ =	shalt  }
0x6d: {  	_ =	shalt  }
0x6e: {  	_ =	shalt  }
0x6f: {  	_ =	shalt  }
0x70: {  	_ =	shalt  }
0x71: {  	_ =	shalt  }
0x72: {  	_ =	shalt  }
0x73: {  	_ =	shalt  }
0x74: {  	_ =	shalt  }
0x75: {  	_ =	shalt  }
0x76: {  	_ =	shalt  }
0x77: {  	_ =	shalt  }
0x78: {  	_ =	shalt  }
0x79: {  	_ =	shalt  }
0x7a: {  	_ =	shalt  }
0x7b: {  	_ =	shalt  }
0x7c: {  	_ =	shalt  }
0x7d: {  	_ =	shalt  }
0x7e: {  	_ =	shalt  }
0x7f: {  	_ =	shalt  }
0x80: {  	_ =	shalt  }
0x81: {  	_ =	shalt  }
0x82: {  	_ =	shalt  }
0x83: {  	_ =	shalt  }
0x84: {  	_ =	shalt  }
0x85: {  	_ =	shalt  }
0x86: {  	_ =	shalt  }
0x87: {  	_ =	shalt  }
.Lfunc_end0:
.L_simem_size_0:
called_computation_lowered:
.L_overlay_start_0:
0x88: {  	s2 =	sld [smem:$0x3FD9]  }
0x89: {  	s3 =	sld [smem:$0x3FFE];
	_ =	sdelay $0x1  }
0x8a: {  	s1 =	srdreg.scid  }
0x8b: {  	s0 =	sand.u32 $0x1, s1  }
0x8c: {  	s16 =	sshll.u32 s0, $0xA;
	s2 =	sadd.s32 s3, s2  }
0x8d: {  	s2 =	sadd.s32 s2, s16  }
0x8e: {  	[smem:$0x3FB8] =	sst s2  }
0x8f: {  	_ = 	snop  }
0x90: {  	(tm) =	ssettm $0x1  }
0x91: {  	s17 =	sld [smem:$0x3FFB];
	_ =	sdelay $0x3  }
0x92: {  	_ =	strace s17  }
0x93: {  	s2 =	sld [smem:$0x3FFC];
	_ =	sdelay $0x3  }
0x94: {  	_ =	strace s2  }
0x95: {  	s2 =	sld [smem:$0x3FFD];
	_ =	sdelay $0x3  }
0x96: {  	_ =	strace s2  }
0x97: {  	_ =	strace $0x8FFFFFFF  }
0x98: {  	s18 =	sld [smem:$0x3FDB];
	_ =	sdelay $0x1  }
0x99: {  	s19 =	simm.s32 $_scs_section_size  }
0x9a: {  	s4 =	simm.s32 $_size__tile_overlayer_lowered;
	s5 =	simm.s32 $_tile_overlayer_lowered  }
0x9b: {  	s22 =	simm.s32 $0x1BFF;
	s21 =	sshll.u32 s5, $0x1;
	s2 =	sadd.s32 s19, s18  }
0x9c: {  	s6 =	simm.s32 $0x0;
	s20 =	sshll.u32 s4, $0x1;
	s4 =	sadd.s32 s21, s2  }
0x9d: {  	[timem:s6], [sflag:s22] =	dma.local [hbm:s4], s20  }
0x9e: {  	_ =	swait.ge [sflag:s22], s20  }
0x9f: {  	s3 =	ssub.s32 $0x0, s20;
	[sflag:s22] =	ssyncset.done $0x0  }
0xa0: {  	[sflag:s22] =	ssyncadd.s32 s3;
	_ =	sdelay $0x1  }
0xa1: {  	s23 =	simm.s32 $0x1B8B  }
0xa2: {  	_ =	swait.ge [sflag:s23], $0x1  }
0xa3: {  	[sflag:s23] =	ssyncset.done $0x0  }
0xa4: {  	s25 =	simm.s32 $0x1B8E;
	s24 =	sld [smem:$0x3FFE];
	[sflag:s23] =	ssyncadd.s32 $0xFFFFFFFF  }
0xa5: {  	s26 =	simm.s32 $execute0_lowered;
	[smem:$0x3FD2] =	sst s25  }
0xa6: {  	s4 =	sshll.u32 s26, $0x1;
	_ =	strace $0x80000046;
	[dreg:$0x1] =	wrdreg $0xFFFFFFFF  }
0xa7: {  	s28 =	simm.s32 $_size_execute0_lowered;
	s2 =	sadd.s32 s2, s4;
	[dreg:$0x0] =	wrdreg $0x0  }
0xa8: {  	s4 =	sshll.u32 s28, $0x1;
	[dreg:$0x2] =	wrdreg s2  }
0xa9: {  	[dreg:$0x3] =	wrdreg s4  }
0xaa: {  	[dreg:$0x4] =	wrdreg $0xC0  }
0xab: {  	_ =	task [dreg:s6], $0x5FFFF  }
0xac: {  	[dreg:$0x1] =	wrdreg $0xFFFFFFFF  }
0xad: {  	[dreg:$0x0] =	wrdreg $0x60  }
0xae: {  	[dreg:$0x2] =	wrdreg s24  }
0xaf: {  	[dreg:$0x3] =	wrdreg $0xA0000  }
0xb0: {  	[dreg:$0x4] =	wrdreg $0x9  }
0xb1: {  	_ =	task.clear_ibuf [dreg:s6], $0x5FFFF;
	_ =	strace $0x90000046  }
0xb2: {  	s29 =	simm.s32 $0x9;
	_ =	strace $0x80000048  }
0xb3: {  	_ =	swait.ge [sflag:s29], $0x1  }
0xb4: {  	[sflag:s29] =	ssyncadd.s32 $0xFFFFFFFF  }
0xb5: {  	_ =	strace $0x90000048  }
0xb6: {  	_ =	sfence  }
0xb7: {  	s30 =	sld [smem:$0x0];
	_ =	sdelay $0x2  }
0xb8: {  	s31 =	sshll.u32 s1, $0xD;
	s1 =	sshrl.u32 s1, $0x2  }
0xb9: {  	s3 =	sand.u32 $0x4000, s31;
	s1 =	sadd.s32 s1, s30  }
0xba: {  	s0 =	sor.u32 s3, s0;
	s1 =	sshll.u32 s1, $0x11  }
0xbb: {  	s0 =	sor.u32 s1, s0  }
0xbc: {  	s0 =	sadd.s32 $0x8F2B, s0  }
0xbd: {  	[sflag:s0] =	ssyncadd.remote.s32 $0x1  }
0xbe: {  	_ =	sfence.sel $0xFFFF  }
0xbf: {  	[dreg:$0x0] =	wrdreg $0xFFFFFFFF;
	(pc) =	sbr.abs _section_cstart, $3  }
0xc0: {  	[dreg:$0x1] =	wrdreg $0xFFFFFFFF  }
0xc1: {  	_ =	task.clear_ibuf [dreg:s6], $0x2FFFF;
	_ =	strace $0x9FFFFFFF  }
0xc2: {  	(tm) =	ssettm $0x7FFFFFFF  }
0xc3: {  	_ =	shalt  }
tec
execute0_lowered:
.L_overlay_start_1:
0x0: {  	(tag) =	ssettag $0x1  }
0x1: {  	s0 =	rddreg [dreg:$0x0]  }
0x2: {  	s1 =	rddreg [dreg:$0x1]  }
0x3: {  	s2 =	srdreg.scid;
	s3 =	simm.s32 $0x0;
	s9 =	stileid.u32  }
0x4: {  	s28 =	simm.s32 $0x3;
	s11 =	simm.s32 $0x1C80;
	s5 =	smul.u32 $0x13C00, s9  }
0x5: {  	s13 =	simm.s32 $0xD80;
	s14 =	simm.s32 $0x1D00;
	s16 =	smul.u32 $0x5000, s9  }
0x6: {  	s29 =	simm.s32 $0xF00;
	s30 =	simm.s32 $0x1E80;
	s8 =	smul.u32 $0x4F000, s9  }
0x7: {  	s31 =	simm.s32 $0xF80;
	s2 =	sand.u32 $0x1, s2;
	s25 =	smul.u32 $0xA00, s9  }
0x8: {  	[smem:$0x7FF] =	sst s3;
	s7 =	sadd.s32 $0x4200, s0;
	s4 =	smul.u32 $0x13C000, s2  }
0x9: {  	s9 =	simm.s32 $0x1C00;
	s6 =	smul.u32 $0x27100, s2;
	s2 =	ssub.s32 $0x2, s2  }
0xa: {  	_ =	strace $0x80000047;
	s17 =	sshrl.u32 s16, $0x3;
	s18 =	sshrl.u32 s2, $0x1  }
0xb: {  	s19 =	sshrl.u32 s8, $0x2;
	s15 =	sadd.s32 s25, s7;
	s25 =	simm.s32 $0x2  }
0xc: {  	s16 =	simm.s32 $0x1F00;
	s4 =	sadd.s32 s5, s4;
	s6 =	sadd.s32 s6, s0  }
0xd: {  	s10 =	sadd.s32 s7, s17;
	s2 =	ssub.s32 s2, s18;
	s8 =	sadd.s32 s19, s1  }
0xe: {  	s17 =	simm.s32 $0x2000;
	s18 =	simm.s32 $0x4;
	s19 =	simm.s32 $0x1  }
0xf: {  	s5 =	simm.s32 $0x0;
	s4 =	sshrl.u32 s4, $0x3;
	[dreg:$0x3] =	wrdreg s10  }
0x10: {  	s20 =	sadd.s32 $0xA000, s10;
	s21 =	sadd.s32 $0x7D00, s8;
	[dreg:$0x5] =	wrdreg s8  }
0x11: {  	s22 =	sadd.s32 $0xBB80, s8;
	s23 =	sadd.s32 $0xFA00, s8;
	[dreg:$0x4] =	wrdreg s20  }
0x12: {  	s24 =	sadd.s32 $0x13880, s8;
	s12 =	sadd.s32 $0x18200, s6;
	[dreg:$0x7] =	wrdreg s21  }
0x13: {  	s26 =	smax.u32 s2, $0x1;
	s10 =	simm.s32 $0xD00;
	[dreg:$0x8] =	wrdreg s22  }
0x14: {  	s6 =	simm.s32 $0x1D80;
	s0 =	sadd.s32 s4, s0;
	[dreg:$0x9] =	wrdreg s23  }
.Ltmp0:
0x15: {  	s4 =	sadd.s32 $0x3E80, s8;
	[dreg:$0xa] =	wrdreg s24;
	(pc) =	sbr.rel .LBB2_1-.Ltmp0, $4  }
0x16: {  	[dreg:$0xc] =	wrdreg s26;
	s20 =	simm.s32 $0x7D;
	s22 =	simm.s32 $0x6000  }
0x17: {  	s23 =	simm.s32 $0x800;
	s24 =	simm.s32 $0x1800;
	s21 =	simm.s32 $0xE80  }
0x18: {  	s26 =	simm.s32 $0x1E00;
	[dreg:$0x6] =	wrdreg s4;
	s0 =	sadd.s32 $0x66400, s0  }
0x19: {  	v0 =	vimm.f32 $0.0e+00;
	s4 =	simm.s32 $0xE00;
	[dreg:$0xb] =	wrdreg s0;
	s0 =	simm.s32 $0x1F80  }
.LBB2_6:
0x1a: {  	s2 =	stileid.u32;
	[bflag:$0x0] =	sbarrier.arrive $0xFFFF  }
0x1b: {  	s2 =	sshll.u32 s2, $0x6;
	s8 =	rddreg [dreg:$0x5]  }
0x1c: {  	s7 =	rddreg [dreg:$0xb];
	s2 =	sor.u32 $0x1C04, s2;
	s5 =	sshrl.u32 s8, $0x3  }
0x1d: {  	[hbm:s7], [sflag:s2] =	dma.local [spmem:s5], $0x2780  }
0x1e: {  	_ =	swait.ge [sflag:s18], $0x2780  }
0x1f: {  	s2 =	rddreg [dreg:$0xd]  }
0x20: {  	s7 =	rddreg [dreg:$0xc];
	s5 =	sadd.s32 $0x1, s2  }
0x21: {  	p0 =	sne.s32 s5, s7  }
.Ltmp1:
0x22: {  	_ = 	snop;
	(pc) =	sbr.rel @!p0 .LBB2_7-.Ltmp1, $3  }
0x23: {  	_ =	sdelay $0x1  }
0x24: {  	[sflag:s18] =	ssyncset.done $0x0  }
0x25: {  	[sflag:s18] =	ssyncadd.s32 $0xFFFFD880  }
.LBB2_1:
0x26: {  	[dreg:$0xd] =	wrdreg s5  }
0x27: {  	s2 =	rddreg [dreg:$0x3]  }
0x28: {  	[tilespmem:s3], [sflag:$0x1] =	stream.linear.gather [hbm4b:s2+s3], $0x800, $0x38;
	[tilespmem:$0x1DC00] =	vst v63  }
0x29: {  	s5 =	rddreg [dreg:$0x4];
	s7 =	simm.s32 $0x1000  }
0x2a: {  	[tilespmem:s7], [sflag:$0x1] =	stream.linear.gather [hbm4b:s5+s3], $0x800, $0x38;
	[tilespmem:$0x1DC00] =	vst v63  }
0x2b: {  	s2 =	simm.s32 $0x0;
	s5 =	simm.s32 $0x200  }
.LBB2_2:
0x2c: {  	p0 =	sne.s32 s5, $0xF800;
	[tilespmem:s2+$0x2070] =	vst v0  }
0x2d: {  	[tilespmem:s2+$0x2000] =	vst v0  }
0x2e: {  	[tilespmem:s2+$0x2010] =	vst v0  }
.Ltmp2:
0x2f: {  	[tilespmem:s2+$0x2020] =	vst v0;
	(pc) =	sbr.rel @p0 .LBB2_2-.Ltmp2, $4  }
0x30: {  	[tilespmem:s2+$0x2030] =	vst v0  }
0x31: {  	[tilespmem:s2+$0x2040] =	vst v0  }
0x32: {  	[tilespmem:s2+$0x2050] =	vst v0  }
0x33: {  	[tilespmem:s2+$0x2060] =	vst v0;
	s2 =	sshra.s32 s5, $0x2;
	s5 =	sadd.s32 $0x200, s5  }
0x34: {  	[tilespmem:s2+$0x2070] =	vst v0  }
0x35: {  	[tilespmem:s2+$0x2000] =	vst v0  }
0x36: {  	[tilespmem:s2+$0x2010] =	vst v0  }
0x37: {  	[tilespmem:s2+$0x2020] =	vst v0  }
0x38: {  	[tilespmem:s2+$0x2030] =	vst v0  }
0x39: {  	[tilespmem:s2+$0x2040] =	vst v0  }
0x3a: {  	[tilespmem:s2+$0x2050] =	vst v0  }
0x3b: {  	[tilespmem:s2+$0x2060] =	vst v0  }
0x3c: {  	[spmem:s8] =	stream.linear.scatter [tilespmem:s17], [sflag:$0x4], $0x3E80, $0x38;
	[tilespmem:$0x1DC00] =	vst v63  }
0x3d: {  	_ =	swait.ge [sflag:s18], $0x3E80  }
0x3e: {  	[sflag:s18] =	ssyncset.done $0x0  }
0x3f: {  	s5 =	rddreg [dreg:$0x6];
	[sflag:s18] =	ssyncadd.s32 $0xFFFFC180  }
0x40: {  	[spmem:s5] =	stream.linear.scatter [tilespmem:s17], [sflag:$0x4], $0x3E80, $0x38;
	[tilespmem:$0x1DC00] =	vst v63  }
0x41: {  	_ =	swait.ge [sflag:s18], $0x3E80  }
0x42: {  	[sflag:s18] =	ssyncset.done $0x0  }
0x43: {  	s7 =	rddreg [dreg:$0x7];
	[sflag:s18] =	ssyncadd.s32 $0xFFFFC180  }
0x44: {  	[spmem:s7] =	stream.linear.scatter [tilespmem:s17], [sflag:$0x4], $0x3E80, $0x38;
	[tilespmem:$0x1DC00] =	vst v63  }
0x45: {  	_ =	swait.ge [sflag:s18], $0x3E80  }
0x46: {  	[sflag:s18] =	ssyncset.done $0x0  }
0x47: {  	s8 =	rddreg [dreg:$0x8];
	[sflag:s18] =	ssyncadd.s32 $0xFFFFC180  }
0x48: {  	[spmem:s8] =	stream.linear.scatter [tilespmem:s17], [sflag:$0x4], $0x3E80, $0x38;
	[tilespmem:$0x1DC00] =	vst v63  }
0x49: {  	_ =	swait.ge [sflag:s18], $0x3E80  }
0x4a: {  	[sflag:s18] =	ssyncset.done $0x0  }
0x4b: {  	s5 =	rddreg [dreg:$0x9];
	[sflag:s18] =	ssyncadd.s32 $0xFFFFC180  }
0x4c: {  	[spmem:s5] =	stream.linear.scatter [tilespmem:s17], [sflag:$0x4], $0x3E80, $0x38;
	[tilespmem:$0x1DC00] =	vst v63  }
0x4d: {  	_ =	swait.ge [sflag:s18], $0x3E80  }
0x4e: {  	[sflag:s18] =	ssyncset.done $0x0  }
0x4f: {  	s7 =	rddreg [dreg:$0xa];
	[sflag:s18] =	ssyncadd.s32 $0xFFFFC180  }
0x50: {  	[spmem:s7] =	stream.linear.scatter [tilespmem:s17], [sflag:$0x4], $0x380, $0x38;
	[tilespmem:$0x1DC00] =	vst v63  }
0x51: {  	_ =	swait.ge [sflag:s18], $0x380  }
0x52: {  	[sflag:s18] =	ssyncset.done $0x0  }
0x53: {  	[sflag:s18] =	ssyncadd.s32 $0xFFFFFC80  }
0x54: {  	_ =	swait.ge [sflag:s19], $0x800  }
0x55: {  	[sflag:s19] =	ssyncset.done $0x0  }
0x56: {  	[sflag:s19] =	ssyncadd.s32 $0xFFFFF800  }
0x57: {  	_ =	swait.ge [sflag:s19], $0x800  }
0x58: {  	[sflag:s19] =	ssyncset.done $0x0  }
0x59: {  	[sflag:s19] =	ssyncadd.s32 $0xFFFFF800  }
0x5a: {  	[tilespmem:s17], [sflag:$0x2] =	stream.indirect.gather [hbm4b:s12+s20], $0x80, s3, s20, $0xb8;
	[tilespmem:$0x1DC00] =	vst v63  }
0x5b: {  	s8 =	simm.s32 $0x80  }
0x5c: {  	[tilespmem:s22], [sflag:$0x3] =	stream.indirect.gather [hbm4b:s12+s20], $0x80, s8, s20, $0xb8;
	[tilespmem:$0x1DC00] =	vst v63  }
0x5d: {  	s2 =	simm.s32 $0xFFFFF800;
	[bflag:$0x0] =	sbarrier.arrive $0xFFFF  }
.LBB2_4:
0x5e: {  	s5 =	sadd.s32 s2, s15  }
0x5f: {  	s7 =	sadd.s32 $0x900, s5  }
0x60: {  	[tilespmem:s23], [sflag:$0x1] =	stream.linear.gather [hbm4b:s7+s3], $0x800, $0x38;
	[tilespmem:$0x1DC00] =	vst v63  }
0x61: {  	s5 =	sadd.s32 $0xA900, s5  }
0x62: {  	[tilespmem:s24], [sflag:$0x1] =	stream.linear.gather [hbm4b:s5+s3], $0x800, $0x38;
	[tilespmem:$0x1DC00] =	vst v63  }
0x63: {  	_ =	swait.ge [sflag:s25], $0x3E80  }
0x64: {  	[sflag:s25] =	ssyncset.done $0x0  }
0x65: {  	s7 =	simm.s32 $0x1000;
	[sflag:s25] =	ssyncadd.s32 $0xFFFFC180  }
0x66: {  	[spmem:s1] =	stream.indirect.scatter.add.f32 [tilespmem:s17], [sflag:$0x4], $0x80, s7, s20, $0xb8;
	[tilespmem:$0x1DC00] =	vst v63  }
0x67: {  	_ =	swait.ge [sflag:s18], $0x3E80  }
0x68: {  	[sflag:s18] =	ssyncset.done $0x0  }
0x69: {  	s8 =	simm.s32 $0x100;
	[sflag:s18] =	ssyncadd.s32 $0xFFFFC180  }
0x6a: {  	[tilespmem:s17], [sflag:$0x2] =	stream.indirect.gather [hbm4b:s12+s20], $0x80, s8, s20, $0xb8;
	[tilespmem:$0x1DC00] =	vst v63  }
0x6b: {  	_ =	swait.ge [sflag:s28], $0x3E80  }
0x6c: {  	[sflag:s28] =	ssyncset.done $0x0  }
0x6d: {  	s7 =	simm.s32 $0x1080;
	[sflag:s28] =	ssyncadd.s32 $0xFFFFC180  }
0x6e: {  	[spmem:s1] =	stream.indirect.scatter.add.f32 [tilespmem:s22], [sflag:$0x4], $0x80, s7, s20, $0xb8;
	[tilespmem:$0x1DC00] =	vst v63  }
0x6f: {  	_ =	swait.ge [sflag:s18], $0x3E80  }
0x70: {  	[sflag:s18] =	ssyncset.done $0x0  }
0x71: {  	s8 =	simm.s32 $0x180;
	[sflag:s18] =	ssyncadd.s32 $0xFFFFC180  }
0x72: {  	[tilespmem:s22], [sflag:$0x3] =	stream.indirect.gather [hbm4b:s12+s20], $0x80, s8, s20, $0xb8;
	[tilespmem:$0x1DC00] =	vst v63  }
0x73: {  	_ =	swait.ge [sflag:s25], $0x3E80  }
0x74: {  	[sflag:s25] =	ssyncset.done $0x0  }
0x75: {  	s7 =	simm.s32 $0x1100;
	[sflag:s25] =	ssyncadd.s32 $0xFFFFC180  }
0x76: {  	[spmem:s1] =	stream.indirect.scatter.add.f32 [tilespmem:s17], [sflag:$0x4], $0x80, s7, s20, $0xb8;
	[tilespmem:$0x1DC00] =	vst v63  }
0x77: {  	_ =	swait.ge [sflag:s18], $0x3E80  }
0x78: {  	[sflag:s18] =	ssyncset.done $0x0  }
0x79: {  	s8 =	simm.s32 $0x200;
	[sflag:s18] =	ssyncadd.s32 $0xFFFFC180  }
0x7a: {  	[tilespmem:s17], [sflag:$0x2] =	stream.indirect.gather [hbm4b:s12+s20], $0x80, s8, s20, $0xb8;
	[tilespmem:$0x1DC00] =	vst v63  }
0x7b: {  	_ =	swait.ge [sflag:s28], $0x3E80  }
0x7c: {  	[sflag:s28] =	ssyncset.done $0x0  }
0x7d: {  	s7 =	simm.s32 $0x1180;
	[sflag:s28] =	ssyncadd.s32 $0xFFFFC180  }
0x7e: {  	[spmem:s1] =	stream.indirect.scatter.add.f32 [tilespmem:s22], [sflag:$0x4], $0x80, s7, s20, $0xb8;
	[tilespmem:$0x1DC00] =	vst v63  }
0x7f: {  	_ =	swait.ge [sflag:s18], $0x3E80  }
0x80: {  	[sflag:s18] =	ssyncset.done $0x0  }
0x81: {  	s8 =	simm.s32 $0x280;
	[sflag:s18] =	ssyncadd.s32 $0xFFFFC180  }
0x82: {  	[tilespmem:s22], [sflag:$0x3] =	stream.indirect.gather [hbm4b:s12+s20], $0x80, s8, s20, $0xb8;
	[tilespmem:$0x1DC00] =	vst v63  }
0x83: {  	_ =	swait.ge [sflag:s25], $0x3E80  }
0x84: {  	[sflag:s25] =	ssyncset.done $0x0  }
0x85: {  	s7 =	simm.s32 $0x1200;
	[sflag:s25] =	ssyncadd.s32 $0xFFFFC180  }
0x86: {  	[spmem:s1] =	stream.indirect.scatter.add.f32 [tilespmem:s17], [sflag:$0x4], $0x80, s7, s20, $0xb8;
	[tilespmem:$0x1DC00] =	vst v63  }
0x87: {  	_ =	swait.ge [sflag:s18], $0x3E80  }
0x88: {  	[sflag:s18] =	ssyncset.done $0x0  }
0x89: {  	s8 =	simm.s32 $0x300;
	[sflag:s18] =	ssyncadd.s32 $0xFFFFC180  }
0x8a: {  	[tilespmem:s17], [sflag:$0x2] =	stream.indirect.gather [hbm4b:s12+s20], $0x80, s8, s20, $0xb8;
	[tilespmem:$0x1DC00] =	vst v63  }
0x8b: {  	_ =	swait.ge [sflag:s28], $0x3E80  }
0x8c: {  	[sflag:s28] =	ssyncset.done $0x0  }
0x8d: {  	s7 =	simm.s32 $0x1280;
	[sflag:s28] =	ssyncadd.s32 $0xFFFFC180  }
0x8e: {  	[spmem:s1] =	stream.indirect.scatter.add.f32 [tilespmem:s22], [sflag:$0x4], $0x80, s7, s20, $0xb8;
	[tilespmem:$0x1DC00] =	vst v63  }
0x8f: {  	_ =	swait.ge [sflag:s18], $0x3E80  }
0x90: {  	[sflag:s18] =	ssyncset.done $0x0  }
0x91: {  	s8 =	simm.s32 $0x380;
	[sflag:s18] =	ssyncadd.s32 $0xFFFFC180  }
0x92: {  	[tilespmem:s22], [sflag:$0x3] =	stream.indirect.gather [hbm4b:s12+s20], $0x80, s8, s20, $0xb8;
	[tilespmem:$0x1DC00] =	vst v63  }
0x93: {  	_ =	swait.ge [sflag:s25], $0x3E80  }
0x94: {  	[sflag:s25] =	ssyncset.done $0x0  }
0x95: {  	s7 =	simm.s32 $0x1300;
	[sflag:s25] =	ssyncadd.s32 $0xFFFFC180  }
0x96: {  	[spmem:s1] =	stream.indirect.scatter.add.f32 [tilespmem:s17], [sflag:$0x4], $0x80, s7, s20, $0xb8;
	[tilespmem:$0x1DC00] =	vst v63  }
0x97: {  	_ =	swait.ge [sflag:s18], $0x3E80  }
0x98: {  	[sflag:s18] =	ssyncset.done $0x0  }
0x99: {  	s8 =	simm.s32 $0x400;
	[sflag:s18] =	ssyncadd.s32 $0xFFFFC180  }
0x9a: {  	[tilespmem:s17], [sflag:$0x2] =	stream.indirect.gather [hbm4b:s12+s20], $0x80, s8, s20, $0xb8;
	[tilespmem:$0x1DC00] =	vst v63  }
0x9b: {  	_ =	swait.ge [sflag:s28], $0x3E80  }
0x9c: {  	[sflag:s28] =	ssyncset.done $0x0  }
0x9d: {  	s7 =	simm.s32 $0x1380;
	[sflag:s28] =	ssyncadd.s32 $0xFFFFC180  }
0x9e: {  	[spmem:s1] =	stream.indirect.scatter.add.f32 [tilespmem:s22], [sflag:$0x4], $0x80, s7, s20, $0xb8;
	[tilespmem:$0x1DC00] =	vst v63  }
0x9f: {  	_ =	swait.ge [sflag:s18], $0x3E80  }
0xa0: {  	[sflag:s18] =	ssyncset.done $0x0  }
0xa1: {  	s8 =	simm.s32 $0x480;
	[sflag:s18] =	ssyncadd.s32 $0xFFFFC180  }
0xa2: {  	[tilespmem:s22], [sflag:$0x3] =	stream.indirect.gather [hbm4b:s12+s20], $0x80, s8, s20, $0xb8;
	[tilespmem:$0x1DC00] =	vst v63  }
0xa3: {  	_ =	swait.ge [sflag:s25], $0x3E80  }
0xa4: {  	[sflag:s25] =	ssyncset.done $0x0  }
0xa5: {  	s7 =	simm.s32 $0x1400;
	[sflag:s25] =	ssyncadd.s32 $0xFFFFC180  }
0xa6: {  	[spmem:s1] =	stream.indirect.scatter.add.f32 [tilespmem:s17], [sflag:$0x4], $0x80, s7, s20, $0xb8;
	[tilespmem:$0x1DC00] =	vst v63  }
0xa7: {  	_ =	swait.ge [sflag:s18], $0x3E80  }
0xa8: {  	[sflag:s18] =	ssyncset.done $0x0  }
0xa9: {  	s8 =	simm.s32 $0x500;
	[sflag:s18] =	ssyncadd.s32 $0xFFFFC180  }
0xaa: {  	[tilespmem:s17], [sflag:$0x2] =	stream.indirect.gather [hbm4b:s12+s20], $0x80, s8, s20, $0xb8;
	[tilespmem:$0x1DC00] =	vst v63  }
0xab: {  	_ =	swait.ge [sflag:s28], $0x3E80  }
0xac: {  	[sflag:s28] =	ssyncset.done $0x0  }
0xad: {  	s7 =	simm.s32 $0x1480;
	[sflag:s28] =	ssyncadd.s32 $0xFFFFC180  }
0xae: {  	[spmem:s1] =	stream.indirect.scatter.add.f32 [tilespmem:s22], [sflag:$0x4], $0x80, s7, s20, $0xb8;
	[tilespmem:$0x1DC00] =	vst v63  }
0xaf: {  	_ =	swait.ge [sflag:s18], $0x3E80  }
0xb0: {  	[sflag:s18] =	ssyncset.done $0x0  }
0xb1: {  	s8 =	simm.s32 $0x580;
	[sflag:s18] =	ssyncadd.s32 $0xFFFFC180  }
0xb2: {  	[tilespmem:s22], [sflag:$0x3] =	stream.indirect.gather [hbm4b:s12+s20], $0x80, s8, s20, $0xb8;
	[tilespmem:$0x1DC00] =	vst v63  }
0xb3: {  	_ =	swait.ge [sflag:s25], $0x3E80  }
0xb4: {  	[sflag:s25] =	ssyncset.done $0x0  }
0xb5: {  	s7 =	simm.s32 $0x1500;
	[sflag:s25] =	ssyncadd.s32 $0xFFFFC180  }
0xb6: {  	[spmem:s1] =	stream.indirect.scatter.add.f32 [tilespmem:s17], [sflag:$0x4], $0x80, s7, s20, $0xb8;
	[tilespmem:$0x1DC00] =	vst v63  }
0xb7: {  	_ =	swait.ge [sflag:s18], $0x3E80  }
0xb8: {  	[sflag:s18] =	ssyncset.done $0x0  }
0xb9: {  	s8 =	simm.s32 $0x600;
	[sflag:s18] =	ssyncadd.s32 $0xFFFFC180  }
0xba: {  	[tilespmem:s17], [sflag:$0x2] =	stream.indirect.gather [hbm4b:s12+s20], $0x80, s8, s20, $0xb8;
	[tilespmem:$0x1DC00] =	vst v63  }
0xbb: {  	_ =	swait.ge [sflag:s28], $0x3E80  }
0xbc: {  	[sflag:s28] =	ssyncset.done $0x0  }
0xbd: {  	s7 =	simm.s32 $0x1580;
	[sflag:s28] =	ssyncadd.s32 $0xFFFFC180  }
0xbe: {  	[spmem:s1] =	stream.indirect.scatter.add.f32 [tilespmem:s22], [sflag:$0x4], $0x80, s7, s20, $0xb8;
	[tilespmem:$0x1DC00] =	vst v63  }
0xbf: {  	_ =	swait.ge [sflag:s18], $0x3E80  }
0xc0: {  	[sflag:s18] =	ssyncset.done $0x0  }
0xc1: {  	s8 =	simm.s32 $0x680;
	[sflag:s18] =	ssyncadd.s32 $0xFFFFC180  }
0xc2: {  	[tilespmem:s22], [sflag:$0x3] =	stream.indirect.gather [hbm4b:s12+s20], $0x80, s8, s20, $0xb8;
	[tilespmem:$0x1DC00] =	vst v63  }
0xc3: {  	_ =	swait.ge [sflag:s25], $0x3E80  }
0xc4: {  	[sflag:s25] =	ssyncset.done $0x0  }
0xc5: {  	s7 =	simm.s32 $0x1600;
	[sflag:s25] =	ssyncadd.s32 $0xFFFFC180  }
0xc6: {  	[spmem:s1] =	stream.indirect.scatter.add.f32 [tilespmem:s17], [sflag:$0x4], $0x80, s7, s20, $0xb8;
	[tilespmem:$0x1DC00] =	vst v63  }
0xc7: {  	_ =	swait.ge [sflag:s18], $0x3E80  }
0xc8: {  	[sflag:s18] =	ssyncset.done $0x0  }
0xc9: {  	s8 =	simm.s32 $0x700;
	[sflag:s18] =	ssyncadd.s32 $0xFFFFC180  }
0xca: {  	[tilespmem:s17], [sflag:$0x2] =	stream.indirect.gather [hbm4b:s12+s20], $0x80, s8, s20, $0xb8;
	[tilespmem:$0x1DC00] =	vst v63  }
0xcb: {  	_ =	swait.ge [sflag:s28], $0x3E80  }
0xcc: {  	[sflag:s28] =	ssyncset.done $0x0  }
0xcd: {  	s7 =	simm.s32 $0x1680;
	[sflag:s28] =	ssyncadd.s32 $0xFFFFC180  }
0xce: {  	[spmem:s1] =	stream.indirect.scatter.add.f32 [tilespmem:s22], [sflag:$0x4], $0x80, s7, s20, $0xb8;
	[tilespmem:$0x1DC00] =	vst v63  }
0xcf: {  	_ =	swait.ge [sflag:s18], $0x3E80  }
0xd0: {  	[sflag:s18] =	ssyncset.done $0x0  }
0xd1: {  	s8 =	simm.s32 $0x780;
	[sflag:s18] =	ssyncadd.s32 $0xFFFFC180  }
0xd2: {  	[tilespmem:s22], [sflag:$0x3] =	stream.indirect.gather [hbm4b:s12+s20], $0x80, s8, s20, $0xb8;
	[tilespmem:$0x1DC00] =	vst v63  }
0xd3: {  	_ =	swait.ge [sflag:s25], $0x3E80  }
0xd4: {  	[sflag:s25] =	ssyncset.done $0x0  }
0xd5: {  	s7 =	simm.s32 $0x1700;
	[sflag:s25] =	ssyncadd.s32 $0xFFFFC180  }
0xd6: {  	[spmem:s1] =	stream.indirect.scatter.add.f32 [tilespmem:s17], [sflag:$0x4], $0x80, s7, s20, $0xb8;
	[tilespmem:$0x1DC00] =	vst v63  }
0xd7: {  	_ =	swait.ge [sflag:s18], $0x3E80  }
0xd8: {  	[sflag:s18] =	ssyncset.done $0x0  }
0xd9: {  	[sflag:s18] =	ssyncadd.s32 $0xFFFFC180  }
0xda: {  	_ =	swait.ge [sflag:s28], $0x3E80  }
0xdb: {  	[sflag:s28] =	ssyncset.done $0x0  }
0xdc: {  	s8 =	simm.s32 $0x1780;
	[sflag:s28] =	ssyncadd.s32 $0xFFFFC180  }
0xdd: {  	[spmem:s1] =	stream.indirect.scatter.add.f32 [tilespmem:s22], [sflag:$0x4], $0x80, s8, s20, $0xb8;
	[tilespmem:$0x1DC00] =	vst v63  }
0xde: {  	_ =	swait.ge [sflag:s18], $0x3E80  }
0xdf: {  	[sflag:s18] =	ssyncset.done $0x0  }
0xe0: {  	[sflag:s18] =	ssyncadd.s32 $0xFFFFC180  }
0xe1: {  	_ =	swait.ge [sflag:s19], $0x800  }
0xe2: {  	[sflag:s19] =	ssyncset.done $0x0  }
0xe3: {  	[sflag:s19] =	ssyncadd.s32 $0xFFFFF800  }
0xe4: {  	_ =	swait.ge [sflag:s19], $0x800  }
0xe5: {  	[sflag:s19] =	ssyncset.done $0x0  }
0xe6: {  	p0 =	seq.s32 s2, $0x0;
	[sflag:s19] =	ssyncadd.s32 $0xFFFFF800  }
0xe7: {  	[tilespmem:s17], [sflag:$0x2] =	stream.indirect.gather [hbm4b:s12+s20], $0x80, s23, s20, $0xb8;
	[tilespmem:$0x1DC00] =	vst v63  }
0xe8: {  	s5 =	sadd.s32 @!p0 s2, s15;
	s7 =	simm.s32 $0x880  }
0xe9: {  	[tilespmem:s22], [sflag:$0x3] =	stream.indirect.gather [hbm4b:s12+s20], $0x80, s7, s20, $0xb8;
	[tilespmem:$0x1DC00] =	vst v63  }
0xea: {  	s8 =	simm.s32 @!p0 $0x0;
	s7 =	sadd.s32 @!p0 $0xA00, s5  }
0xeb: {  	[tilespmem:s8], [sflag:$0x1] =	stream.linear.gather @!p0 [hbm4b:s7+s8], $0x800, $0x38;
	[tilespmem:$0x1DC00] =	vst v63  }
0xec: {  	s5 =	sadd.s32 @!p0 $0xAA00, s5;
	s7 =	simm.s32 @!p0 $0x1000  }
0xed: {  	[tilespmem:s7], [sflag:$0x1] =	stream.linear.gather @!p0 [hbm4b:s5+s8], $0x800, $0x38;
	[tilespmem:$0x1DC00] =	vst v63  }
0xee: {  	_ =	swait.ge [sflag:s25], $0x3E80  }
0xef: {  	[sflag:s25] =	ssyncset.done $0x0  }
0xf0: {  	[sflag:s25] =	ssyncadd.s32 $0xFFFFC180  }
0xf1: {  	[spmem:s1] =	stream.indirect.scatter.add.f32 [tilespmem:s17], [sflag:$0x4], $0x80, s24, s20, $0xb8;
	[tilespmem:$0x1DC00] =	vst v63  }
0xf2: {  	_ =	swait.ge [sflag:s18], $0x3E80  }
0xf3: {  	[sflag:s18] =	ssyncset.done $0x0  }
0xf4: {  	s8 =	simm.s32 $0x900;
	[sflag:s18] =	ssyncadd.s32 $0xFFFFC180  }
0xf5: {  	[tilespmem:s17], [sflag:$0x2] =	stream.indirect.gather [hbm4b:s12+s20], $0x80, s8, s20, $0xb8;
	[tilespmem:$0x1DC00] =	vst v63  }
0xf6: {  	_ =	swait.ge [sflag:s28], $0x3E80  }
0xf7: {  	[sflag:s28] =	ssyncset.done $0x0  }
0xf8: {  	s7 =	simm.s32 $0x1880;
	[sflag:s28] =	ssyncadd.s32 $0xFFFFC180  }
0xf9: {  	[spmem:s1] =	stream.indirect.scatter.add.f32 [tilespmem:s22], [sflag:$0x4], $0x80, s7, s20, $0xb8;
	[tilespmem:$0x1DC00] =	vst v63  }
0xfa: {  	_ =	swait.ge [sflag:s18], $0x3E80  }
0xfb: {  	[sflag:s18] =	ssyncset.done $0x0  }
0xfc: {  	s8 =	simm.s32 $0x980;
	[sflag:s18] =	ssyncadd.s32 $0xFFFFC180  }
0xfd: {  	[tilespmem:s22], [sflag:$0x3] =	stream.indirect.gather [hbm4b:s12+s20], $0x80, s8, s20, $0xb8;
	[tilespmem:$0x1DC00] =	vst v63  }
0xfe: {  	_ =	swait.ge [sflag:s25], $0x3E80  }
0xff: {  	[sflag:s25] =	ssyncset.done $0x0  }
0x100: {  	s7 =	simm.s32 $0x1900;
	[sflag:s25] =	ssyncadd.s32 $0xFFFFC180  }
0x101: {  	[spmem:s1] =	stream.indirect.scatter.add.f32 [tilespmem:s17], [sflag:$0x4], $0x80, s7, s20, $0xb8;
	[tilespmem:$0x1DC00] =	vst v63  }
0x102: {  	_ =	swait.ge [sflag:s18], $0x3E80  }
0x103: {  	[sflag:s18] =	ssyncset.done $0x0  }
0x104: {  	s8 =	simm.s32 $0xA00;
	[sflag:s18] =	ssyncadd.s32 $0xFFFFC180  }
0x105: {  	[tilespmem:s17], [sflag:$0x2] =	stream.indirect.gather [hbm4b:s12+s20], $0x80, s8, s20, $0xb8;
	[tilespmem:$0x1DC00] =	vst v63  }
0x106: {  	_ =	swait.ge [sflag:s28], $0x3E80  }
0x107: {  	[sflag:s28] =	ssyncset.done $0x0  }
0x108: {  	s7 =	simm.s32 $0x1980;
	[sflag:s28] =	ssyncadd.s32 $0xFFFFC180  }
0x109: {  	[spmem:s1] =	stream.indirect.scatter.add.f32 [tilespmem:s22], [sflag:$0x4], $0x80, s7, s20, $0xb8;
	[tilespmem:$0x1DC00] =	vst v63  }
0x10a: {  	_ =	swait.ge [sflag:s18], $0x3E80  }
0x10b: {  	[sflag:s18] =	ssyncset.done $0x0  }
0x10c: {  	s8 =	simm.s32 $0xA80;
	[sflag:s18] =	ssyncadd.s32 $0xFFFFC180  }
0x10d: {  	[tilespmem:s22], [sflag:$0x3] =	stream.indirect.gather [hbm4b:s12+s20], $0x80, s8, s20, $0xb8;
	[tilespmem:$0x1DC00] =	vst v63  }
0x10e: {  	_ =	swait.ge [sflag:s25], $0x3E80  }
0x10f: {  	[sflag:s25] =	ssyncset.done $0x0  }
0x110: {  	s7 =	simm.s32 $0x1A00;
	[sflag:s25] =	ssyncadd.s32 $0xFFFFC180  }
0x111: {  	[spmem:s1] =	stream.indirect.scatter.add.f32 [tilespmem:s17], [sflag:$0x4], $0x80, s7, s20, $0xb8;
	[tilespmem:$0x1DC00] =	vst v63  }
0x112: {  	_ =	swait.ge [sflag:s18], $0x3E80  }
0x113: {  	[sflag:s18] =	ssyncset.done $0x0  }
0x114: {  	s8 =	simm.s32 $0xB00;
	[sflag:s18] =	ssyncadd.s32 $0xFFFFC180  }
0x115: {  	[tilespmem:s17], [sflag:$0x2] =	stream.indirect.gather [hbm4b:s12+s20], $0x80, s8, s20, $0xb8;
	[tilespmem:$0x1DC00] =	vst v63  }
0x116: {  	_ =	swait.ge [sflag:s28], $0x3E80  }
0x117: {  	[sflag:s28] =	ssyncset.done $0x0  }
0x118: {  	s7 =	simm.s32 $0x1A80;
	[sflag:s28] =	ssyncadd.s32 $0xFFFFC180  }
0x119: {  	[spmem:s1] =	stream.indirect.scatter.add.f32 [tilespmem:s22], [sflag:$0x4], $0x80, s7, s20, $0xb8;
	[tilespmem:$0x1DC00] =	vst v63  }
0x11a: {  	_ =	swait.ge [sflag:s18], $0x3E80  }
0x11b: {  	[sflag:s18] =	ssyncset.done $0x0  }
0x11c: {  	s8 =	simm.s32 $0xB80;
	[sflag:s18] =	ssyncadd.s32 $0xFFFFC180  }
0x11d: {  	[tilespmem:s22], [sflag:$0x3] =	stream.indirect.gather [hbm4b:s12+s20], $0x80, s8, s20, $0xb8;
	[tilespmem:$0x1DC00] =	vst v63  }
0x11e: {  	_ =	swait.ge [sflag:s25], $0x3E80  }
0x11f: {  	[sflag:s25] =	ssyncset.done $0x0  }
0x120: {  	s7 =	simm.s32 $0x1B00;
	[sflag:s25] =	ssyncadd.s32 $0xFFFFC180  }
0x121: {  	[spmem:s1] =	stream.indirect.scatter.add.f32 [tilespmem:s17], [sflag:$0x4], $0x80, s7, s20, $0xb8;
	[tilespmem:$0x1DC00] =	vst v63  }
0x122: {  	_ =	swait.ge [sflag:s18], $0x3E80  }
0x123: {  	[sflag:s18] =	ssyncset.done $0x0  }
0x124: {  	s8 =	simm.s32 $0xC00;
	[sflag:s18] =	ssyncadd.s32 $0xFFFFC180  }
0x125: {  	[tilespmem:s17], [sflag:$0x2] =	stream.indirect.gather [hbm4b:s12+s20], $0x80, s8, s20, $0xb8;
	[tilespmem:$0x1DC00] =	vst v63  }
0x126: {  	_ =	swait.ge [sflag:s28], $0x3E80  }
0x127: {  	[sflag:s28] =	ssyncset.done $0x0  }
0x128: {  	s7 =	simm.s32 $0x1B80;
	[sflag:s28] =	ssyncadd.s32 $0xFFFFC180  }
0x129: {  	[spmem:s1] =	stream.indirect.scatter.add.f32 [tilespmem:s22], [sflag:$0x4], $0x80, s7, s20, $0xb8;
	[tilespmem:$0x1DC00] =	vst v63  }
0x12a: {  	_ =	swait.ge [sflag:s18], $0x3E80  }
0x12b: {  	[sflag:s18] =	ssyncset.done $0x0  }
0x12c: {  	s8 =	simm.s32 $0xC80;
	[sflag:s18] =	ssyncadd.s32 $0xFFFFC180  }
0x12d: {  	[tilespmem:s22], [sflag:$0x3] =	stream.indirect.gather [hbm4b:s12+s20], $0x80, s8, s20, $0xb8;
	[tilespmem:$0x1DC00] =	vst v63  }
0x12e: {  	_ =	swait.ge [sflag:s25], $0x3E80  }
0x12f: {  	[sflag:s25] =	ssyncset.done $0x0  }
0x130: {  	[sflag:s25] =	ssyncadd.s32 $0xFFFFC180  }
0x131: {  	[spmem:s1] =	stream.indirect.scatter.add.f32 [tilespmem:s17], [sflag:$0x4], $0x80, s9, s20, $0xb8;
	[tilespmem:$0x1DC00] =	vst v63  }
0x132: {  	_ =	swait.ge [sflag:s18], $0x3E80  }
0x133: {  	[sflag:s18] =	ssyncset.done $0x0  }
0x134: {  	[sflag:s18] =	ssyncadd.s32 $0xFFFFC180  }
0x135: {  	[tilespmem:s17], [sflag:$0x2] =	stream.indirect.gather [hbm4b:s12+s20], $0x80, s10, s20, $0xb8;
	[tilespmem:$0x1DC00] =	vst v63  }
0x136: {  	_ =	swait.ge [sflag:s28], $0x3E80  }
0x137: {  	[sflag:s28] =	ssyncset.done $0x0  }
0x138: {  	[sflag:s28] =	ssyncadd.s32 $0xFFFFC180  }
0x139: {  	[spmem:s1] =	stream.indirect.scatter.add.f32 [tilespmem:s22], [sflag:$0x4], $0x80, s11, s20, $0xb8;
	[tilespmem:$0x1DC00] =	vst v63  }
0x13a: {  	_ =	swait.ge [sflag:s18], $0x3E80  }
0x13b: {  	[sflag:s18] =	ssyncset.done $0x0  }
0x13c: {  	[sflag:s18] =	ssyncadd.s32 $0xFFFFC180  }
0x13d: {  	[tilespmem:s22], [sflag:$0x3] =	stream.indirect.gather [hbm4b:s12+s20], $0x80, s13, s20, $0xb8;
	[tilespmem:$0x1DC00] =	vst v63  }
0x13e: {  	_ =	swait.ge [sflag:s25], $0x3E80  }
0x13f: {  	[sflag:s25] =	ssyncset.done $0x0  }
0x140: {  	[sflag:s25] =	ssyncadd.s32 $0xFFFFC180  }
0x141: {  	[spmem:s1] =	stream.indirect.scatter.add.f32 [tilespmem:s17], [sflag:$0x4], $0x80, s14, s20, $0xb8;
	[tilespmem:$0x1DC00] =	vst v63  }
0x142: {  	_ =	swait.ge [sflag:s18], $0x3E80  }
0x143: {  	[sflag:s18] =	ssyncset.done $0x0  }
0x144: {  	[sflag:s18] =	ssyncadd.s32 $0xFFFFC180  }
0x145: {  	[tilespmem:s17], [sflag:$0x2] =	stream.indirect.gather [hbm4b:s12+s20], $0x80, s4, s20, $0xb8;
	[tilespmem:$0x1DC00] =	vst v63  }
0x146: {  	_ =	swait.ge [sflag:s28], $0x3E80  }
0x147: {  	[sflag:s28] =	ssyncset.done $0x0  }
0x148: {  	[sflag:s28] =	ssyncadd.s32 $0xFFFFC180  }
0x149: {  	[spmem:s1] =	stream.indirect.scatter.add.f32 [tilespmem:s22], [sflag:$0x4], $0x80, s6, s20, $0xb8;
	[tilespmem:$0x1DC00] =	vst v63  }
0x14a: {  	_ =	swait.ge [sflag:s18], $0x3E80  }
0x14b: {  	[sflag:s18] =	ssyncset.done $0x0  }
0x14c: {  	[sflag:s18] =	ssyncadd.s32 $0xFFFFC180  }
0x14d: {  	[tilespmem:s22], [sflag:$0x3] =	stream.indirect.gather [hbm4b:s12+s20], $0x80, s21, s20, $0xb8;
	[tilespmem:$0x1DC00] =	vst v63  }
0x14e: {  	_ =	swait.ge [sflag:s25], $0x3E80  }
0x14f: {  	[sflag:s25] =	ssyncset.done $0x0  }
0x150: {  	[sflag:s25] =	ssyncadd.s32 $0xFFFFC180  }
0x151: {  	[spmem:s1] =	stream.indirect.scatter.add.f32 [tilespmem:s17], [sflag:$0x4], $0x80, s26, s20, $0xb8;
	[tilespmem:$0x1DC00] =	vst v63  }
0x152: {  	_ =	swait.ge [sflag:s18], $0x3E80  }
0x153: {  	[sflag:s18] =	ssyncset.done $0x0  }
0x154: {  	[sflag:s18] =	ssyncadd.s32 $0xFFFFC180  }
0x155: {  	[tilespmem:s17], [sflag:$0x2] =	stream.indirect.gather [hbm4b:s12+s20], $0x80, s29, s20, $0xb8;
	[tilespmem:$0x1DC00] =	vst v63  }
0x156: {  	_ =	swait.ge [sflag:s28], $0x3E80  }
0x157: {  	[sflag:s28] =	ssyncset.done $0x0  }
0x158: {  	[sflag:s28] =	ssyncadd.s32 $0xFFFFC180  }
0x159: {  	[spmem:s1] =	stream.indirect.scatter.add.f32 [tilespmem:s22], [sflag:$0x4], $0x80, s30, s20, $0xb8;
	[tilespmem:$0x1DC00] =	vst v63  }
0x15a: {  	_ =	swait.ge [sflag:s18], $0x3E80  }
0x15b: {  	[sflag:s18] =	ssyncset.done $0x0  }
0x15c: {  	[sflag:s18] =	ssyncadd.s32 $0xFFFFC180  }
0x15d: {  	[tilespmem:s22], [sflag:$0x3] =	stream.indirect.gather [hbm4b:s12+s20], $0x80, s31, s20, $0xb8;
	[tilespmem:$0x1DC00] =	vst v63  }
0x15e: {  	_ =	swait.ge [sflag:s25], $0x3E80  }
0x15f: {  	[sflag:s25] =	ssyncset.done $0x0  }
0x160: {  	[sflag:s25] =	ssyncadd.s32 $0xFFFFC180  }
0x161: {  	[spmem:s1] =	stream.indirect.scatter.add.f32 [tilespmem:s17], [sflag:$0x4], $0x80, s16, s20, $0xb8;
	[tilespmem:$0x1DC00] =	vst v63  }
0x162: {  	_ =	swait.ge [sflag:s18], $0x3E80  }
0x163: {  	[sflag:s18] =	ssyncset.done $0x0  }
0x164: {  	[sflag:s18] =	ssyncadd.s32 $0xFFFFC180  }
0x165: {  	_ =	swait.ge [sflag:s28], $0x3E80  }
0x166: {  	[sflag:s28] =	ssyncset.done $0x0  }
.Ltmp3:
0x167: {  	[sflag:s28] =	ssyncadd.s32 $0xFFFFC180;
	(pc) =	sbr.rel @p0 .LBB2_6-.Ltmp3, $4  }
0x168: {  	[spmem:s1] =	stream.indirect.scatter.add.f32 [tilespmem:s22], [sflag:$0x4], $0x80, s0, s20, $0xb8;
	[tilespmem:$0x1DC00] =	vst v63  }
0x169: {  	_ =	swait.ge [sflag:s18], $0x3E80  }
0x16a: {  	[sflag:s18] =	ssyncset.done $0x0  }
0x16b: {  	[sflag:s18] =	ssyncadd.s32 $0xFFFFC180  }
0x16c: {  	_ =	swait.ge [sflag:s19], $0x800  }
0x16d: {  	[sflag:s19] =	ssyncset.done $0x0  }
0x16e: {  	[sflag:s19] =	ssyncadd.s32 $0xFFFFF800  }
0x16f: {  	_ =	swait.ge [sflag:s19], $0x800  }
.Ltmp4:
0x170: {  	[sflag:s19] =	ssyncset.done $0x0;
	(pc) =	sbr.rel .LBB2_4-.Ltmp4, $4  }
0x171: {  	[sflag:s19] =	ssyncadd.s32 $0xFFFFF800  }
0x172: {  	[tilespmem:s17], [sflag:$0x2] =	stream.indirect.gather [hbm4b:s12+s20], $0x80, s3, s20, $0xb8;
	[tilespmem:$0x1DC00] =	vst v63  }
0x173: {  	s5 =	simm.s32 $0x80;
	s2 =	sadd.s32 $0x200, s2  }
0x174: {  	[tilespmem:s22], [sflag:$0x3] =	stream.indirect.gather [hbm4b:s12+s20], $0x80, s5, s20, $0xb8;
	[tilespmem:$0x1DC00] =	vst v63  }
.LBB2_7:
0x175: {  	_ =	sfence.sel $0x180000  }
0x176: {  	[bflag:$0x0] =	sbarrier.arrive $0xFFFF  }
0x177: {  	_ =	strace $0x90000047  }
0x178: {  	s0 =	stileid.u32;
	[bflag:$0x2] =	sbarrier.arrive $0xFFFF  }
0x179: {  	p0 =	sne.s32 s0, $0x0;
	s0 =	rddreg [dreg:$0x2]  }
0x17a: {  	s0 =	sadd.s32 @!p0 $0x100000, s0  }
0x17b: {  	[sflag:s0] =	ssyncadd.tile.s32 @!p0 $0x1;
	_ =	shalt  }
.Lfunc_end2:
_tile_overlayer_lowered:
.L_overlay_start_2:
0x17c: {  	(tag) =	ssettag $0x2  }
0x17d: {  	s0 =	rddreg [dreg:$0x0];
	s2 =	stileid.u32  }
0x17e: {  	s1 =	rddreg [dreg:$0x1];
	p0 =	sne.s32 s2, $0x0  }
0x17f: {  	s3 =	rddreg [dreg:$0x2];
	[bflag:$0x3] =	sbarrier.arrive $0xFFFF;
	s2 =	simm.s32 @!p0 $0x1C04  }
0x180: {  	[timem:s3], [sflag:s2] =	dma.local @!p0 [hbm:s0], s1  }
0x181: {  	s0 =	simm.s32 @!p0 $0x4  }
0x182: {  	_ =	swait.ge @!p0 [sflag:s0], s1  }
0x183: {  	s1 =	ssub.s32 @!p0 $0x0, s1;
	[sflag:s0] =	ssyncset.done @!p0 $0x0  }
0x184: {  	[sflag:s0] =	ssyncadd.s32 @!p0 s1  }
0x185: {  	[bflag:$0x3] =	sbarrier.arrive $0xFFFF  }
0x186: {  	_ =	shalt  }

</sc_bundles>
